<compile_context>
chip_gen: v7x
topology: tpu7x:2x2x1
jax: 0.10.2.dev20260603
libtpu: 0.0.44.dev20260713+nightly
codegen_flags: <defaults>
</compile_context>

<pallas_src>
import jax
import jax.numpy as jnp
from jax import lax
from jax.experimental import pallas as pl
from jax.experimental.pallas import tpu as pltpu
from jax.experimental.pallas import tpu_sc as plsc

N = 10000
E = 320000
D = 128
C = 64
CP = 128

NC = 2
NS = 16
LANES = 16
NW = NC * NS
EDGES_PER_TILE = E // NW
CHUNK = 80
NCHUNK = EDGES_PER_TILE // CHUNK
PCH = 25
NPIECE = NCHUNK // PCH
ROWS_PER_ZTILE = 1000
STG_ROWS = 40
CW = C + LANES
BLK = 1000


def _dense_body(x_ref, w_ref, asv_ref, adv_ref, h_ref, as_ref, ad_ref):
    h = jnp.dot(x_ref[...], w_ref[...], preferred_element_type=jnp.float32)
    h_ref[...] = h
    as_ref[...] = jnp.sum(h * asv_ref[...], axis=1).reshape(1, 1, -1)
    ad_ref[...] = jnp.sum(h * adv_ref[...], axis=1).reshape(1, 1, -1)


def _dense_stage(x, W, asv, adv):
    blk = BLK
    grid = N // blk
    return pl.pallas_call(
        _dense_body,
        grid=(grid,),
        in_specs=[
            pl.BlockSpec((blk, D), lambda i: (i, 0)),
            pl.BlockSpec((D, C), lambda i: (0, 0)),
            pl.BlockSpec((1, C), lambda i: (0, 0)),
            pl.BlockSpec((1, C), lambda i: (0, 0)),
        ],
        out_specs=[
            pl.BlockSpec((blk, C), lambda i: (i, 0)),
            pl.BlockSpec((1, 1, blk), lambda i: (i, 0, 0)),
            pl.BlockSpec((1, 1, blk), lambda i: (i, 0, 0)),
        ],
        out_shape=[
            jax.ShapeDtypeStruct((N, C), jnp.float32),
            jax.ShapeDtypeStruct((grid, 1, blk), jnp.float32),
            jax.ShapeDtypeStruct((grid, 1, blk), jnp.float32),
        ],
    )(x, W, asv, adv)


def _edge_body(h_hbm, asrc_hbm, adst_hbm, src_hbm, dst_hbm,
               outp_hbm,
               asrc_v, adst_v, src_v, dst_v, ex_v, mg2_v, mg_v, msg_v,
               msg2_v, stg_v, out_sh, sem_g, sem_s):
    c = lax.axis_index("c")
    s = lax.axis_index("s")
    wid = c * NS + s

    pltpu.sync_copy(asrc_hbm, asrc_v)
    pltpu.sync_copy(adst_hbm, adst_v)

    @pl.when(s < N // ROWS_PER_ZTILE)
    def _():
        zv = jnp.zeros((LANES,), jnp.float32)

        def zrow(j, carry):
            for q in range(CW // LANES):
                stg_v[j, pl.ds(q * LANES, LANES)] = zv
            return carry

        lax.fori_loop(0, STG_ROWS, zrow, 0)

        base = s * ROWS_PER_ZTILE
        for k in range(ROWS_PER_ZTILE // STG_ROWS):
            pltpu.sync_copy(stg_v, out_sh.at[pl.ds(base + k * STG_ROWS, STG_ROWS)])

    plsc.subcore_barrier()

    def piece(g, carry):
        pltpu.sync_copy(src_hbm.at[wid * NPIECE + g], src_v)
        pltpu.sync_copy(dst_hbm.at[wid * NPIECE + g], dst_v)

        def ex_chunk(j, inner):
            for k in range(CHUNK // LANES):
                sl = pl.ds(k * LANES, LANES)
                sv = src_v[j, sl]
                dv = dst_v[j, sl]
                a = plsc.load_gather(asrc_v, [sv]) + plsc.load_gather(adst_v, [dv])
                a = jnp.where(a >= 0.0, a, 0.2 * a)
                ex_v[j, sl] = jnp.exp(a)
            return inner

        lax.fori_loop(0, PCH, ex_chunk, 0)

        oh0 = (lax.iota(jnp.int32, LANES) == 0).astype(jnp.float32)
        one_v = jnp.ones((LANES,), jnp.float32)

        def scale(j, mgb, msgb):
            def scale16(k, inner2):
                ev = ex_v[j, pl.ds(k * LANES, LANES)]
                b0 = k * LANES
                for t in range(LANES):
                    sc = ev[t]
                    for q in range(C // LANES):
                        sl = pl.ds(q * LANES, LANES)
                        msgb[b0 + t, sl] = mgb[b0 + t, sl] * sc
                    msgb[b0 + t, pl.ds(C, LANES)] = sc * oh0
                return inner2

            lax.fori_loop(0, CHUNK // LANES, scale16, 0)

        def wait_scatter(msgb):
            pltpu.make_async_copy(msgb, out_sh.at[dst_v.at[0]], sem_s).wait()

        pltpu.async_copy(h_hbm.at[src_v.at[0]], mg_v, sem_g)

        def pair(jj, inner):
            j0 = jj * 2
            j1 = j0 + 1
            pltpu.make_async_copy(h_hbm.at[src_v.at[j0]], mg_v, sem_g).wait()
            pltpu.async_copy(h_hbm.at[src_v.at[j1]], mg2_v, sem_g)

            @pl.when(jj > 0)
            def _():
                wait_scatter(msg_v)

            scale(j0, mg_v, msg_v)
            pltpu.async_copy(msg_v, out_sh.at[dst_v.at[j0]], sem_s, add=True)

            pltpu.make_async_copy(h_hbm.at[src_v.at[j1]], mg2_v, sem_g).wait()
            pltpu.async_copy(h_hbm.at[src_v.at[j1 + 1]], mg_v, sem_g)

            @pl.when(jj > 0)
            def _():
                wait_scatter(msg2_v)

            scale(j1, mg2_v, msg2_v)
            pltpu.async_copy(msg2_v, out_sh.at[dst_v.at[j1]], sem_s, add=True)
            return inner

        lax.fori_loop(0, PCH // 2, pair, 0)
        pltpu.make_async_copy(h_hbm.at[src_v.at[PCH - 1]], mg_v, sem_g).wait()
        wait_scatter(msg_v)
        scale(PCH - 1, mg_v, msg_v)
        pltpu.sync_copy(msg_v, out_sh.at[dst_v.at[PCH - 1]], add=True)
        wait_scatter(msg2_v)
        return carry

    lax.fori_loop(0, NPIECE, piece, 0)

    plsc.subcore_barrier()

    @pl.when(s < N // ROWS_PER_ZTILE)
    def _():
        base = s * ROWS_PER_ZTILE
        for k in range(ROWS_PER_ZTILE // STG_ROWS):
            off = base + k * STG_ROWS
            pltpu.sync_copy(out_sh.at[pl.ds(off, STG_ROWS)], stg_v)
            pltpu.sync_copy(stg_v, outp_hbm.at[c, pl.ds(off, STG_ROWS)])


def _make_edge_stage():
    mesh = plsc.VectorSubcoreMesh(core_axis_name="c", subcore_axis_name="s")
    return pl.kernel(
        _edge_body,
        out_type=jax.ShapeDtypeStruct((NC, N, CW), jnp.float32),
        mesh=mesh,
        compiler_params=pltpu.CompilerParams(needs_layout_passes=False, use_tc_tiling_on_sc=False),
        scratch_types=[
            pltpu.VMEM((N,), jnp.float32),
            pltpu.VMEM((N,), jnp.float32),
            pltpu.VMEM((PCH, CHUNK), jnp.int32),
            pltpu.VMEM((PCH, CHUNK), jnp.int32),
            pltpu.VMEM((PCH, CHUNK), jnp.float32),
            pltpu.VMEM((CHUNK, C), jnp.float32),
            pltpu.VMEM((CHUNK, C), jnp.float32),
            pltpu.VMEM((CHUNK, CW), jnp.float32),
            pltpu.VMEM((CHUNK, CW), jnp.float32),
            pltpu.VMEM((STG_ROWS, CW), jnp.float32),
            pltpu.VMEM_SHARED((N, CW), jnp.float32),
            pltpu.SemaphoreType.DMA,
            pltpu.SemaphoreType.DMA,
        ],
    )


def _combine_body(p_ref, b_ref, o_ref):
    p = p_ref[...]
    num = p[0, :, :C] + p[1, :, :C]
    den = p[0, :, C:C + 1] + p[1, :, C:C + 1]
    o_ref[...] = num / (den + 1e-16) + b_ref[...]


def _combine_stage(outp, bias2):
    blk = BLK
    grid = N // blk
    return pl.pallas_call(
        _combine_body,
        grid=(grid,),
        in_specs=[
            pl.BlockSpec((NC, blk, CW), lambda i: (0, i, 0)),
            pl.BlockSpec((1, C), lambda i: (0, 0)),
        ],
        out_specs=pl.BlockSpec((blk, C), lambda i: (i, 0)),
        out_shape=jax.ShapeDtypeStruct((N, C), jnp.float32),
    )(outp, bias2)


def kernel(x, edge_index, W, att_src, att_dst, bias):
    h, a_src, a_dst = _dense_stage(x, W, att_src.reshape(1, C),
                                   att_dst.reshape(1, C))
    a_src = a_src.reshape(N)
    a_dst = a_dst.reshape(N)

    src2d = edge_index[0].reshape(NW * NPIECE, PCH, CHUNK)
    dst2d = edge_index[1].reshape(NW * NPIECE, PCH, CHUNK)

    outp = _make_edge_stage()(h, a_src, a_dst, src2d, dst2d)

    return _combine_stage(outp, bias.reshape(1, C))

# --- scband reference (transcript-rebuilt; emitter-appended) ---
"""Pipeline reference for scband-gat2-9483287789785 (READ-ONLY COPY).

The authoritative reference and input builder live on the scoring server;
editing this copy changes nothing except your own understanding.
"""

import jax, jax.numpy as jnp
import numpy as np

N = 10000
E = 320000
D = 128
H = 1
C = 64


def setup_inputs(seed: int = 0) -> dict:
    key = jax.random.key(seed)
    k1, k2, k3, k4, k5 = jax.random.split(key, 5)
    x = jax.random.normal(k1, (N, D), dtype=jnp.float32)
    edge_index = jax.random.randint(k2, (2, E), 0, N, dtype=jnp.int32)
    # GATConv(num_feat=128, hidden_dimension=64, heads=1, concat=False) parameters
    W = jax.random.normal(k3, (D, H * C), dtype=jnp.float32) * (1.0 / np.sqrt(D))
    att_src = jax.random.normal(k4, (1, H, C), dtype=jnp.float32) * 0.1
    att_dst = jax.random.normal(k5, (1, H, C), dtype=jnp.float32) * 0.1
    bias = jnp.zeros((C,), dtype=jnp.float32)
    return {"x": x, "edge_index": edge_index, "W": W, "att_src": att_src, "att_dst": att_dst, "bias": bias}


def reference(x, edge_index, W, att_src, att_dst, bias):
    # GAT2 with num_layers=1, eval mode: dropout is identity, single PYGGATConv,
    # no BN / no ELU on the last (only) layer.
    n = x.shape[0]
    h = (x @ W).reshape(n, H, C)                      # [N, H, C]
    a_src = jnp.sum(h * att_src, axis=-1)             # [N, H]
    a_dst = jnp.sum(h * att_dst, axis=-1)             # [N, H]
    src = edge_index[0]
    dst = edge_index[1]
    alpha = a_src[src] + a_dst[dst]                   # [E, H]
    alpha = jax.nn.leaky_relu(alpha, negative_slope=0.2)
    # softmax over incoming edges per destination node
    amax = jax.ops.segment_max(alpha, dst, num_segments=n)
    amax = jnp.where(jnp.isfinite(amax), amax, 0.0)
    ex = jnp.exp(alpha - amax[dst])
    denom = jax.ops.segment_sum(ex, dst, num_segments=n)
    attn = ex / (denom[dst] + 1e-16)                  # [E, H]
    msg = h[src] * attn[:, :, None]                   # [E, H, C]
    out = jax.ops.segment_sum(msg, dst, num_segments=n)  # [N, H, C]
    out = jnp.mean(out, axis=1) + bias                # concat=False -> mean over heads
    return out

if __name__ == "__main__":
    import jax
    _d = setup_inputs()
    print(jax.jit(kernel)(*tuple(_d.values())))

</pallas_src>

<mosaic_0001>
#map = affine_map<(d0, d1) -> (0, 0)>
#map1 = affine_map<(d0, d1) -> (0)>
#map2 = affine_map<(d0, d1) -> (0, 0, 0)>
module attributes {stable_mosaic.version = 14 : i64} {
  func.func @_edge_body(%arg0: i32, %arg1: i32, %arg2: memref<10000x64xf32, #tpu.memory_space<hbm>>, %arg3: memref<10000xf32, #tpu.memory_space<hbm>>, %arg4: memref<10000xf32, #tpu.memory_space<hbm>>, %arg5: memref<160x25x80xi32, #tpu.memory_space<hbm>>, %arg6: memref<160x25x80xi32, #tpu.memory_space<hbm>>, %arg7: memref<2x10000x80xf32, #tpu.memory_space<hbm>>, %arg8: memref<10000xf32, #tpu.memory_space<vmem>>, %arg9: memref<10000xf32, #tpu.memory_space<vmem>>, %arg10: memref<25x80xi32, #tpu.memory_space<vmem>>, %arg11: memref<25x80xi32, #tpu.memory_space<vmem>>, %arg12: memref<25x80xf32, #tpu.memory_space<vmem>>, %arg13: memref<80x64xf32, #tpu.memory_space<vmem>>, %arg14: memref<80x64xf32, #tpu.memory_space<vmem>>, %arg15: memref<80x80xf32, #tpu.memory_space<vmem>>, %arg16: memref<80x80xf32, #tpu.memory_space<vmem>>, %arg17: memref<40x80xf32, #tpu.memory_space<vmem>>, %arg18: memref<10000x80xf32, #tpu.memory_space<vmem_shared>>, %arg19: memref<!tpu.dma_semaphore, #tpu.memory_space<semaphore_mem>>, %arg20: memref<!tpu.dma_semaphore, #tpu.memory_space<semaphore_mem>>) attributes {dimension_semantics = [#tpu.dimension_semantics<core_parallel>, #tpu.dimension_semantics<subcore_parallel>], iteration_bounds = array<i64: 2, 16>, scalar_prefetch = 0 : i64, scratch_operands = 13 : i64, tpu.core_type = #tpu.core_type<sc_vector_subcore>, window_params = [{transform_indices = #map}, {transform_indices = #map1}, {transform_indices = #map1}, {transform_indices = #map2}, {transform_indices = #map2}, {transform_indices = #map2}]} {
    %mul3A = arith.constant 16 : i32
    %mul3A_0 = arith.muli %arg0, %mul3A : i32
    %add3A = arith.addi %mul3A_0, %arg1 : i32
    "tpu.region"() ({
      %run_scoped3A = tpu.sem_alloc : memref<!tpu.dma_semaphore, #tpu.memory_space<semaphore_mem>>
      tpu.enqueue_dma source(%arg3 : memref<10000xf32, #tpu.memory_space<hbm>>) target(%arg8 : memref<10000xf32, #tpu.memory_space<vmem>>) target_semaphore(%run_scoped3A : memref<!tpu.dma_semaphore, #tpu.memory_space<semaphore_mem>>)
      tpu.wait_dma2 semaphore(%run_scoped3A : memref<!tpu.dma_semaphore, #tpu.memory_space<semaphore_mem>>) src(%arg3 : memref<10000xf32, #tpu.memory_space<hbm>>) dst(%arg8 : memref<10000xf32, #tpu.memory_space<vmem>>)
      tpu.yield
    }) : () -> ()
    "tpu.region"() ({
      %run_scoped3A = tpu.sem_alloc : memref<!tpu.dma_semaphore, #tpu.memory_space<semaphore_mem>>
      tpu.enqueue_dma source(%arg4 : memref<10000xf32, #tpu.memory_space<hbm>>) target(%arg9 : memref<10000xf32, #tpu.memory_space<vmem>>) target_semaphore(%run_scoped3A : memref<!tpu.dma_semaphore, #tpu.memory_space<semaphore_mem>>)
      tpu.wait_dma2 semaphore(%run_scoped3A : memref<!tpu.dma_semaphore, #tpu.memory_space<semaphore_mem>>) src(%arg4 : memref<10000xf32, #tpu.memory_space<hbm>>) dst(%arg9 : memref<10000xf32, #tpu.memory_space<vmem>>)
      tpu.yield
    }) : () -> ()
    %lt3A = arith.constant 10 : i32
    %lt3A_1 = arith.cmpi slt, %arg1, %lt3A : i32
    %convert_element_type3A = arith.extui %lt3A_1 : i1 to i32
    %cond3A = arith.constant 0 : i32
    %cond3A_2 = arith.cmpi ne, %convert_element_type3A, %cond3A : i32
    scf.if %cond3A_2 {
      %broadcast_in_dim3A = arith.constant 0.000000e+00 : f32
      %broadcast_in_dim3A_14 = vector.broadcast %broadcast_in_dim3A : f32 to vector<16xf32>
      %scan3A_15 = arith.constant 0 : i32
      %scan3A_16 = arith.constant 0 : i32
      %scan3A_17 = arith.constant 40 : i32
      %scan3A_18 = arith.addi %scan3A_16, %scan3A_17 : i32
      %scan3A_19 = arith.constant 1 : i32
      scf.for %scan3A_73 = %scan3A_16 to %scan3A_18 step %scan3A_19  : i32 {
        %swap3A = arith.index_cast %scan3A_73 : i32 to index
        %swap3A_74 = arith.constant 0 : index
        %swap3A_75 = tpu.vector_load %arg17[%swap3A, %swap3A_74] {strides = array<i32>} : memref<40x80xf32, #tpu.memory_space<vmem>>, vector<16xf32>,
        tpu.vector_store %arg17[%swap3A, %swap3A_74], %broadcast_in_dim3A_14 {strides = array<i32>} : memref<40x80xf32, #tpu.memory_space<vmem>>, vector<16xf32>,
        %swap3A_76 = arith.index_cast %scan3A_73 : i32 to index
        %swap3A_77 = arith.constant 16 : index
        %swap3A_78 = tpu.vector_load %arg17[%swap3A_76, %swap3A_77] {strides = array<i32>} : memref<40x80xf32, #tpu.memory_space<vmem>>, vector<16xf32>,
        tpu.vector_store %arg17[%swap3A_76, %swap3A_77], %broadcast_in_dim3A_14 {strides = array<i32>} : memref<40x80xf32, #tpu.memory_space<vmem>>, vector<16xf32>,
        %swap3A_79 = arith.index_cast %scan3A_73 : i32 to index
        %swap3A_80 = arith.constant 32 : index
        %swap3A_81 = tpu.vector_load %arg17[%swap3A_79, %swap3A_80] {strides = array<i32>} : memref<40x80xf32, #tpu.memory_space<vmem>>, vector<16xf32>,
        tpu.vector_store %arg17[%swap3A_79, %swap3A_80], %broadcast_in_dim3A_14 {strides = array<i32>} : memref<40x80xf32, #tpu.memory_space<vmem>>, vector<16xf32>,
        %swap3A_82 = arith.index_cast %scan3A_73 : i32 to index
        %swap3A_83 = arith.constant 48 : index
        %swap3A_84 = tpu.vector_load %arg17[%swap3A_82, %swap3A_83] {strides = array<i32>} : memref<40x80xf32, #tpu.memory_space<vmem>>, vector<16xf32>,
        tpu.vector_store %arg17[%swap3A_82, %swap3A_83], %broadcast_in_dim3A_14 {strides = array<i32>} : memref<40x80xf32, #tpu.memory_space<vmem>>, vector<16xf32>,
        %swap3A_85 = arith.index_cast %scan3A_73 : i32 to index
        %swap3A_86 = arith.constant 64 : index
        %swap3A_87 = tpu.vector_load %arg17[%swap3A_85, %swap3A_86] {strides = array<i32>} : memref<40x80xf32, #tpu.memory_space<vmem>>, vector<16xf32>,
        tpu.vector_store %arg17[%swap3A_85, %swap3A_86], %broadcast_in_dim3A_14 {strides = array<i32>} : memref<40x80xf32, #tpu.memory_space<vmem>>, vector<16xf32>,
      }
      %scan3A_20 = arith.constant 40 : i32
      %mul3A_21 = arith.constant 1000 : i32
      %mul3A_22 = arith.muli %arg1, %mul3A_21 : i32
      %add3A_23 = arith.constant 0 : i32
      %add3A_24 = arith.addi %mul3A_22, %add3A_23 : i32
      "tpu.region"() ({
        %run_scoped3A = tpu.sem_alloc : memref<!tpu.dma_semaphore, #tpu.memory_space<semaphore_mem>>
        %dma_start3A = arith.constant 0 : i32
        %dma_start3A_73 = tpu.memref_slice %arg18[%add3A_24, %dma_start3A] : memref<10000x80xf32, #tpu.memory_space<vmem_shared>> -> memref<40x80xf32, #tpu.memory_space<vmem_shared>>
        %dma_start3A_74 = arith.constant 0 : i32
        %dma_start3A_75 = tpu.memref_slice %arg18[%add3A_24, %dma_start3A_74] : memref<10000x80xf32, #tpu.memory_space<vmem_shared>> -> memref<40x80xf32, #tpu.memory_space<vmem_shared>>
        tpu.enqueue_dma source(%arg17 : memref<40x80xf32, #tpu.memory_space<vmem>>) target(%dma_start3A_75 : memref<40x80xf32, #tpu.memory_space<vmem_shared>>) target_semaphore(%run_scoped3A : memref<!tpu.dma_semaphore, #tpu.memory_space<semaphore_mem>>)
        %dma_wait3A = arith.constant 0 : i32
        %dma_wait3A_76 = tpu.memref_slice %arg18[%add3A_24, %dma_wait3A] : memref<10000x80xf32, #tpu.memory_space<vmem_shared>> -> memref<40x80xf32, #tpu.memory_space<vmem_shared>>
        %dma_wait3A_77 = arith.constant 0 : i32
        %dma_wait3A_78 = tpu.memref_slice %arg18[%add3A_24, %dma_wait3A_77] : memref<10000x80xf32, #tpu.memory_space<vmem_shared>> -> memref<40x80xf32, #tpu.memory_space<vmem_shared>>
        tpu.wait_dma2 semaphore(%run_scoped3A : memref<!tpu.dma_semaphore, #tpu.memory_space<semaphore_mem>>) src(%arg17 : memref<40x80xf32, #tpu.memory_space<vmem>>) dst(%dma_wait3A_78 : memref<40x80xf32, #tpu.memory_space<vmem_shared>>)
        tpu.yield
      }) : () -> ()
      %add3A_25 = arith.constant 40 : i32
      %add3A_26 = arith.addi %mul3A_22, %add3A_25 : i32
      "tpu.region"() ({
        %run_scoped3A = tpu.sem_alloc : memref<!tpu.dma_semaphore, #tpu.memory_space<semaphore_mem>>
        %dma_start3A = arith.constant 0 : i32
        %dma_start3A_73 = tpu.memref_slice %arg18[%add3A_26, %dma_start3A] : memref<10000x80xf32, #tpu.memory_space<vmem_shared>> -> memref<40x80xf32, #tpu.memory_space<vmem_shared>>
        %dma_start3A_74 = arith.constant 0 : i32
        %dma_start3A_75 = tpu.memref_slice %arg18[%add3A_26, %dma_start3A_74] : memref<10000x80xf32, #tpu.memory_space<vmem_shared>> -> memref<40x80xf32, #tpu.memory_space<vmem_shared>>
        tpu.enqueue_dma source(%arg17 : memref<40x80xf32, #tpu.memory_space<vmem>>) target(%dma_start3A_75 : memref<40x80xf32, #tpu.memory_space<vmem_shared>>) target_semaphore(%run_scoped3A : memref<!tpu.dma_semaphore, #tpu.memory_space<semaphore_mem>>)
        %dma_wait3A = arith.constant 0 : i32
        %dma_wait3A_76 = tpu.memref_slice %arg18[%add3A_26, %dma_wait3A] : memref<10000x80xf32, #tpu.memory_space<vmem_shared>> -> memref<40x80xf32, #tpu.memory_space<vmem_shared>>
        %dma_wait3A_77 = arith.constant 0 : i32
        %dma_wait3A_78 = tpu.memref_slice %arg18[%add3A_26, %dma_wait3A_77] : memref<10000x80xf32, #tpu.memory_space<vmem_shared>> -> memref<40x80xf32, #tpu.memory_space<vmem_shared>>
        tpu.wait_dma2 semaphore(%run_scoped3A : memref<!tpu.dma_semaphore, #tpu.memory_space<semaphore_mem>>) src(%arg17 : memref<40x80xf32, #tpu.memory_space<vmem>>) dst(%dma_wait3A_78 : memref<40x80xf32, #tpu.memory_space<vmem_shared>>)
        tpu.yield
      }) : () -> ()
      %add3A_27 = arith.constant 80 : i32
      %add3A_28 = arith.addi %mul3A_22, %add3A_27 : i32
      "tpu.region"() ({
        %run_scoped3A = tpu.sem_alloc : memref<!tpu.dma_semaphore, #tpu.memory_space<semaphore_mem>>
        %dma_start3A = arith.constant 0 : i32
        %dma_start3A_73 = tpu.memref_slice %arg18[%add3A_28, %dma_start3A] : memref<10000x80xf32, #tpu.memory_space<vmem_shared>> -> memref<40x80xf32, #tpu.memory_space<vmem_shared>>
        %dma_start3A_74 = arith.constant 0 : i32
        %dma_start3A_75 = tpu.memref_slice %arg18[%add3A_28, %dma_start3A_74] : memref<10000x80xf32, #tpu.memory_space<vmem_shared>> -> memref<40x80xf32, #tpu.memory_space<vmem_shared>>
        tpu.enqueue_dma source(%arg17 : memref<40x80xf32, #tpu.memory_space<vmem>>) target(%dma_start3A_75 : memref<40x80xf32, #tpu.memory_space<vmem_shared>>) target_semaphore(%run_scoped3A : memref<!tpu.dma_semaphore, #tpu.memory_space<semaphore_mem>>)
        %dma_wait3A = arith.constant 0 : i32
        %dma_wait3A_76 = tpu.memref_slice %arg18[%add3A_28, %dma_wait3A] : memref<10000x80xf32, #tpu.memory_space<vmem_shared>> -> memref<40x80xf32, #tpu.memory_space<vmem_shared>>
        %dma_wait3A_77 = arith.constant 0 : i32
        %dma_wait3A_78 = tpu.memref_slice %arg18[%add3A_28, %dma_wait3A_77] : memref<10000x80xf32, #tpu.memory_space<vmem_shared>> -> memref<40x80xf32, #tpu.memory_space<vmem_shared>>
        tpu.wait_dma2 semaphore(%run_scoped3A : memref<!tpu.dma_semaphore, #tpu.memory_space<semaphore_mem>>) src(%arg17 : memref<40x80xf32, #tpu.memory_space<vmem>>) dst(%dma_wait3A_78 : memref<40x80xf32, #tpu.memory_space<vmem_shared>>)
        tpu.yield
      }) : () -> ()
      %add3A_29 = arith.constant 120 : i32
      %add3A_30 = arith.addi %mul3A_22, %add3A_29 : i32
      "tpu.region"() ({
        %run_scoped3A = tpu.sem_alloc : memref<!tpu.dma_semaphore, #tpu.memory_space<semaphore_mem>>
        %dma_start3A = arith.constant 0 : i32
        %dma_start3A_73 = tpu.memref_slice %arg18[%add3A_30, %dma_start3A] : memref<10000x80xf32, #tpu.memory_space<vmem_shared>> -> memref<40x80xf32, #tpu.memory_space<vmem_shared>>
        %dma_start3A_74 = arith.constant 0 : i32
        %dma_start3A_75 = tpu.memref_slice %arg18[%add3A_30, %dma_start3A_74] : memref<10000x80xf32, #tpu.memory_space<vmem_shared>> -> memref<40x80xf32, #tpu.memory_space<vmem_shared>>
        tpu.enqueue_dma source(%arg17 : memref<40x80xf32, #tpu.memory_space<vmem>>) target(%dma_start3A_75 : memref<40x80xf32, #tpu.memory_space<vmem_shared>>) target_semaphore(%run_scoped3A : memref<!tpu.dma_semaphore, #tpu.memory_space<semaphore_mem>>)
        %dma_wait3A = arith.constant 0 : i32
        %dma_wait3A_76 = tpu.memref_slice %arg18[%add3A_30, %dma_wait3A] : memref<10000x80xf32, #tpu.memory_space<vmem_shared>> -> memref<40x80xf32, #tpu.memory_space<vmem_shared>>
        %dma_wait3A_77 = arith.constant 0 : i32
        %dma_wait3A_78 = tpu.memref_slice %arg18[%add3A_30, %dma_wait3A_77] : memref<10000x80xf32, #tpu.memory_space<vmem_shared>> -> memref<40x80xf32, #tpu.memory_space<vmem_shared>>
        tpu.wait_dma2 semaphore(%run_scoped3A : memref<!tpu.dma_semaphore, #tpu.memory_space<semaphore_mem>>) src(%arg17 : memref<40x80xf32, #tpu.memory_space<vmem>>) dst(%dma_wait3A_78 : memref<40x80xf32, #tpu.memory_space<vmem_shared>>)
        tpu.yield
      }) : () -> ()
      %add3A_31 = arith.constant 160 : i32
      %add3A_32 = arith.addi %mul3A_22, %add3A_31 : i32
      "tpu.region"() ({
        %run_scoped3A = tpu.sem_alloc : memref<!tpu.dma_semaphore, #tpu.memory_space<semaphore_mem>>
        %dma_start3A = arith.constant 0 : i32
        %dma_start3A_73 = tpu.memref_slice %arg18[%add3A_32, %dma_start3A] : memref<10000x80xf32, #tpu.memory_space<vmem_shared>> -> memref<40x80xf32, #tpu.memory_space<vmem_shared>>
        %dma_start3A_74 = arith.constant 0 : i32
        %dma_start3A_75 = tpu.memref_slice %arg18[%add3A_32, %dma_start3A_74] : memref<10000x80xf32, #tpu.memory_space<vmem_shared>> -> memref<40x80xf32, #tpu.memory_space<vmem_shared>>
        tpu.enqueue_dma source(%arg17 : memref<40x80xf32, #tpu.memory_space<vmem>>) target(%dma_start3A_75 : memref<40x80xf32, #tpu.memory_space<vmem_shared>>) target_semaphore(%run_scoped3A : memref<!tpu.dma_semaphore, #tpu.memory_space<semaphore_mem>>)
        %dma_wait3A = arith.constant 0 : i32
        %dma_wait3A_76 = tpu.memref_slice %arg18[%add3A_32, %dma_wait3A] : memref<10000x80xf32, #tpu.memory_space<vmem_shared>> -> memref<40x80xf32, #tpu.memory_space<vmem_shared>>
        %dma_wait3A_77 = arith.constant 0 : i32
        %dma_wait3A_78 = tpu.memref_slice %arg18[%add3A_32, %dma_wait3A_77] : memref<10000x80xf32, #tpu.memory_space<vmem_shared>> -> memref<40x80xf32, #tpu.memory_space<vmem_shared>>
        tpu.wait_dma2 semaphore(%run_scoped3A : memref<!tpu.dma_semaphore, #tpu.memory_space<semaphore_mem>>) src(%arg17 : memref<40x80xf32, #tpu.memory_space<vmem>>) dst(%dma_wait3A_78 : memref<40x80xf32, #tpu.memory_space<vmem_shared>>)
        tpu.yield
      }) : () -> ()
      %add3A_33 = arith.constant 200 : i32
      %add3A_34 = arith.addi %mul3A_22, %add3A_33 : i32
      "tpu.region"() ({
        %run_scoped3A = tpu.sem_alloc : memref<!tpu.dma_semaphore, #tpu.memory_space<semaphore_mem>>
        %dma_start3A = arith.constant 0 : i32
        %dma_start3A_73 = tpu.memref_slice %arg18[%add3A_34, %dma_start3A] : memref<10000x80xf32, #tpu.memory_space<vmem_shared>> -> memref<40x80xf32, #tpu.memory_space<vmem_shared>>
        %dma_start3A_74 = arith.constant 0 : i32
        %dma_start3A_75 = tpu.memref_slice %arg18[%add3A_34, %dma_start3A_74] : memref<10000x80xf32, #tpu.memory_space<vmem_shared>> -> memref<40x80xf32, #tpu.memory_space<vmem_shared>>
        tpu.enqueue_dma source(%arg17 : memref<40x80xf32, #tpu.memory_space<vmem>>) target(%dma_start3A_75 : memref<40x80xf32, #tpu.memory_space<vmem_shared>>) target_semaphore(%run_scoped3A : memref<!tpu.dma_semaphore, #tpu.memory_space<semaphore_mem>>)
        %dma_wait3A = arith.constant 0 : i32
        %dma_wait3A_76 = tpu.memref_slice %arg18[%add3A_34, %dma_wait3A] : memref<10000x80xf32, #tpu.memory_space<vmem_shared>> -> memref<40x80xf32, #tpu.memory_space<vmem_shared>>
        %dma_wait3A_77 = arith.constant 0 : i32
        %dma_wait3A_78 = tpu.memref_slice %arg18[%add3A_34, %dma_wait3A_77] : memref<10000x80xf32, #tpu.memory_space<vmem_shared>> -> memref<40x80xf32, #tpu.memory_space<vmem_shared>>
        tpu.wait_dma2 semaphore(%run_scoped3A : memref<!tpu.dma_semaphore, #tpu.memory_space<semaphore_mem>>) src(%arg17 : memref<40x80xf32, #tpu.memory_space<vmem>>) dst(%dma_wait3A_78 : memref<40x80xf32, #tpu.memory_space<vmem_shared>>)
        tpu.yield
      }) : () -> ()
      %add3A_35 = arith.constant 240 : i32
      %add3A_36 = arith.addi %mul3A_22, %add3A_35 : i32
      "tpu.region"() ({
        %run_scoped3A = tpu.sem_alloc : memref<!tpu.dma_semaphore, #tpu.memory_space<semaphore_mem>>
        %dma_start3A = arith.constant 0 : i32
        %dma_start3A_73 = tpu.memref_slice %arg18[%add3A_36, %dma_start3A] : memref<10000x80xf32, #tpu.memory_space<vmem_shared>> -> memref<40x80xf32, #tpu.memory_space<vmem_shared>>
        %dma_start3A_74 = arith.constant 0 : i32
        %dma_start3A_75 = tpu.memref_slice %arg18[%add3A_36, %dma_start3A_74] : memref<10000x80xf32, #tpu.memory_space<vmem_shared>> -> memref<40x80xf32, #tpu.memory_space<vmem_shared>>
        tpu.enqueue_dma source(%arg17 : memref<40x80xf32, #tpu.memory_space<vmem>>) target(%dma_start3A_75 : memref<40x80xf32, #tpu.memory_space<vmem_shared>>) target_semaphore(%run_scoped3A : memref<!tpu.dma_semaphore, #tpu.memory_space<semaphore_mem>>)
        %dma_wait3A = arith.constant 0 : i32
        %dma_wait3A_76 = tpu.memref_slice %arg18[%add3A_36, %dma_wait3A] : memref<10000x80xf32, #tpu.memory_space<vmem_shared>> -> memref<40x80xf32, #tpu.memory_space<vmem_shared>>
        %dma_wait3A_77 = arith.constant 0 : i32
        %dma_wait3A_78 = tpu.memref_slice %arg18[%add3A_36, %dma_wait3A_77] : memref<10000x80xf32, #tpu.memory_space<vmem_shared>> -> memref<40x80xf32, #tpu.memory_space<vmem_shared>>
        tpu.wait_dma2 semaphore(%run_scoped3A : memref<!tpu.dma_semaphore, #tpu.memory_space<semaphore_mem>>) src(%arg17 : memref<40x80xf32, #tpu.memory_space<vmem>>) dst(%dma_wait3A_78 : memref<40x80xf32, #tpu.memory_space<vmem_shared>>)
        tpu.yield
      }) : () -> ()
      %add3A_37 = arith.constant 280 : i32
      %add3A_38 = arith.addi %mul3A_22, %add3A_37 : i32
      "tpu.region"() ({
        %run_scoped3A = tpu.sem_alloc : memref<!tpu.dma_semaphore, #tpu.memory_space<semaphore_mem>>
        %dma_start3A = arith.constant 0 : i32
        %dma_start3A_73 = tpu.memref_slice %arg18[%add3A_38, %dma_start3A] : memref<10000x80xf32, #tpu.memory_space<vmem_shared>> -> memref<40x80xf32, #tpu.memory_space<vmem_shared>>
        %dma_start3A_74 = arith.constant 0 : i32
        %dma_start3A_75 = tpu.memref_slice %arg18[%add3A_38, %dma_start3A_74] : memref<10000x80xf32, #tpu.memory_space<vmem_shared>> -> memref<40x80xf32, #tpu.memory_space<vmem_shared>>
        tpu.enqueue_dma source(%arg17 : memref<40x80xf32, #tpu.memory_space<vmem>>) target(%dma_start3A_75 : memref<40x80xf32, #tpu.memory_space<vmem_shared>>) target_semaphore(%run_scoped3A : memref<!tpu.dma_semaphore, #tpu.memory_space<semaphore_mem>>)
        %dma_wait3A = arith.constant 0 : i32
        %dma_wait3A_76 = tpu.memref_slice %arg18[%add3A_38, %dma_wait3A] : memref<10000x80xf32, #tpu.memory_space<vmem_shared>> -> memref<40x80xf32, #tpu.memory_space<vmem_shared>>
        %dma_wait3A_77 = arith.constant 0 : i32
        %dma_wait3A_78 = tpu.memref_slice %arg18[%add3A_38, %dma_wait3A_77] : memref<10000x80xf32, #tpu.memory_space<vmem_shared>> -> memref<40x80xf32, #tpu.memory_space<vmem_shared>>
        tpu.wait_dma2 semaphore(%run_scoped3A : memref<!tpu.dma_semaphore, #tpu.memory_space<semaphore_mem>>) src(%arg17 : memref<40x80xf32, #tpu.memory_space<vmem>>) dst(%dma_wait3A_78 : memref<40x80xf32, #tpu.memory_space<vmem_shared>>)
        tpu.yield
      }) : () -> ()
      %add3A_39 = arith.constant 320 : i32
      %add3A_40 = arith.addi %mul3A_22, %add3A_39 : i32
      "tpu.region"() ({
        %run_scoped3A = tpu.sem_alloc : memref<!tpu.dma_semaphore, #tpu.memory_space<semaphore_mem>>
        %dma_start3A = arith.constant 0 : i32
        %dma_start3A_73 = tpu.memref_slice %arg18[%add3A_40, %dma_start3A] : memref<10000x80xf32, #tpu.memory_space<vmem_shared>> -> memref<40x80xf32, #tpu.memory_space<vmem_shared>>
        %dma_start3A_74 = arith.constant 0 : i32
        %dma_start3A_75 = tpu.memref_slice %arg18[%add3A_40, %dma_start3A_74] : memref<10000x80xf32, #tpu.memory_space<vmem_shared>> -> memref<40x80xf32, #tpu.memory_space<vmem_shared>>
        tpu.enqueue_dma source(%arg17 : memref<40x80xf32, #tpu.memory_space<vmem>>) target(%dma_start3A_75 : memref<40x80xf32, #tpu.memory_space<vmem_shared>>) target_semaphore(%run_scoped3A : memref<!tpu.dma_semaphore, #tpu.memory_space<semaphore_mem>>)
        %dma_wait3A = arith.constant 0 : i32
        %dma_wait3A_76 = tpu.memref_slice %arg18[%add3A_40, %dma_wait3A] : memref<10000x80xf32, #tpu.memory_space<vmem_shared>> -> memref<40x80xf32, #tpu.memory_space<vmem_shared>>
        %dma_wait3A_77 = arith.constant 0 : i32
        %dma_wait3A_78 = tpu.memref_slice %arg18[%add3A_40, %dma_wait3A_77] : memref<10000x80xf32, #tpu.memory_space<vmem_shared>> -> memref<40x80xf32, #tpu.memory_space<vmem_shared>>
        tpu.wait_dma2 semaphore(%run_scoped3A : memref<!tpu.dma_semaphore, #tpu.memory_space<semaphore_mem>>) src(%arg17 : memref<40x80xf32, #tpu.memory_space<vmem>>) dst(%dma_wait3A_78 : memref<40x80xf32, #tpu.memory_space<vmem_shared>>)
        tpu.yield
      }) : () -> ()
      %add3A_41 = arith.constant 360 : i32
      %add3A_42 = arith.addi %mul3A_22, %add3A_41 : i32
      "tpu.region"() ({
        %run_scoped3A = tpu.sem_alloc : memref<!tpu.dma_semaphore, #tpu.memory_space<semaphore_mem>>
        %dma_start3A = arith.constant 0 : i32
        %dma_start3A_73 = tpu.memref_slice %arg18[%add3A_42, %dma_start3A] : memref<10000x80xf32, #tpu.memory_space<vmem_shared>> -> memref<40x80xf32, #tpu.memory_space<vmem_shared>>
        %dma_start3A_74 = arith.constant 0 : i32
        %dma_start3A_75 = tpu.memref_slice %arg18[%add3A_42, %dma_start3A_74] : memref<10000x80xf32, #tpu.memory_space<vmem_shared>> -> memref<40x80xf32, #tpu.memory_space<vmem_shared>>
        tpu.enqueue_dma source(%arg17 : memref<40x80xf32, #tpu.memory_space<vmem>>) target(%dma_start3A_75 : memref<40x80xf32, #tpu.memory_space<vmem_shared>>) target_semaphore(%run_scoped3A : memref<!tpu.dma_semaphore, #tpu.memory_space<semaphore_mem>>)
        %dma_wait3A = arith.constant 0 : i32
        %dma_wait3A_76 = tpu.memref_slice %arg18[%add3A_42, %dma_wait3A] : memref<10000x80xf32, #tpu.memory_space<vmem_shared>> -> memref<40x80xf32, #tpu.memory_space<vmem_shared>>
        %dma_wait3A_77 = arith.constant 0 : i32
        %dma_wait3A_78 = tpu.memref_slice %arg18[%add3A_42, %dma_wait3A_77] : memref<10000x80xf32, #tpu.memory_space<vmem_shared>> -> memref<40x80xf32, #tpu.memory_space<vmem_shared>>
        tpu.wait_dma2 semaphore(%run_scoped3A : memref<!tpu.dma_semaphore, #tpu.memory_space<semaphore_mem>>) src(%arg17 : memref<40x80xf32, #tpu.memory_space<vmem>>) dst(%dma_wait3A_78 : memref<40x80xf32, #tpu.memory_space<vmem_shared>>)
        tpu.yield
      }) : () -> ()
      %add3A_43 = arith.constant 400 : i32
      %add3A_44 = arith.addi %mul3A_22, %add3A_43 : i32
      "tpu.region"() ({
        %run_scoped3A = tpu.sem_alloc : memref<!tpu.dma_semaphore, #tpu.memory_space<semaphore_mem>>
        %dma_start3A = arith.constant 0 : i32
        %dma_start3A_73 = tpu.memref_slice %arg18[%add3A_44, %dma_start3A] : memref<10000x80xf32, #tpu.memory_space<vmem_shared>> -> memref<40x80xf32, #tpu.memory_space<vmem_shared>>
        %dma_start3A_74 = arith.constant 0 : i32
        %dma_start3A_75 = tpu.memref_slice %arg18[%add3A_44, %dma_start3A_74] : memref<10000x80xf32, #tpu.memory_space<vmem_shared>> -> memref<40x80xf32, #tpu.memory_space<vmem_shared>>
        tpu.enqueue_dma source(%arg17 : memref<40x80xf32, #tpu.memory_space<vmem>>) target(%dma_start3A_75 : memref<40x80xf32, #tpu.memory_space<vmem_shared>>) target_semaphore(%run_scoped3A : memref<!tpu.dma_semaphore, #tpu.memory_space<semaphore_mem>>)
        %dma_wait3A = arith.constant 0 : i32
        %dma_wait3A_76 = tpu.memref_slice %arg18[%add3A_44, %dma_wait3A] : memref<10000x80xf32, #tpu.memory_space<vmem_shared>> -> memref<40x80xf32, #tpu.memory_space<vmem_shared>>
        %dma_wait3A_77 = arith.constant 0 : i32
        %dma_wait3A_78 = tpu.memref_slice %arg18[%add3A_44, %dma_wait3A_77] : memref<10000x80xf32, #tpu.memory_space<vmem_shared>> -> memref<40x80xf32, #tpu.memory_space<vmem_shared>>
        tpu.wait_dma2 semaphore(%run_scoped3A : memref<!tpu.dma_semaphore, #tpu.memory_space<semaphore_mem>>) src(%arg17 : memref<40x80xf32, #tpu.memory_space<vmem>>) dst(%dma_wait3A_78 : memref<40x80xf32, #tpu.memory_space<vmem_shared>>)
        tpu.yield
      }) : () -> ()
      %add3A_45 = arith.constant 440 : i32
      %add3A_46 = arith.addi %mul3A_22, %add3A_45 : i32
      "tpu.region"() ({
        %run_scoped3A = tpu.sem_alloc : memref<!tpu.dma_semaphore, #tpu.memory_space<semaphore_mem>>
        %dma_start3A = arith.constant 0 : i32
        %dma_start3A_73 = tpu.memref_slice %arg18[%add3A_46, %dma_start3A] : memref<10000x80xf32, #tpu.memory_space<vmem_shared>> -> memref<40x80xf32, #tpu.memory_space<vmem_shared>>
        %dma_start3A_74 = arith.constant 0 : i32
        %dma_start3A_75 = tpu.memref_slice %arg18[%add3A_46, %dma_start3A_74] : memref<10000x80xf32, #tpu.memory_space<vmem_shared>> -> memref<40x80xf32, #tpu.memory_space<vmem_shared>>
        tpu.enqueue_dma source(%arg17 : memref<40x80xf32, #tpu.memory_space<vmem>>) target(%dma_start3A_75 : memref<40x80xf32, #tpu.memory_space<vmem_shared>>) target_semaphore(%run_scoped3A : memref<!tpu.dma_semaphore, #tpu.memory_space<semaphore_mem>>)
        %dma_wait3A = arith.constant 0 : i32
        %dma_wait3A_76 = tpu.memref_slice %arg18[%add3A_46, %dma_wait3A] : memref<10000x80xf32, #tpu.memory_space<vmem_shared>> -> memref<40x80xf32, #tpu.memory_space<vmem_shared>>
        %dma_wait3A_77 = arith.constant 0 : i32
        %dma_wait3A_78 = tpu.memref_slice %arg18[%add3A_46, %dma_wait3A_77] : memref<10000x80xf32, #tpu.memory_space<vmem_shared>> -> memref<40x80xf32, #tpu.memory_space<vmem_shared>>
        tpu.wait_dma2 semaphore(%run_scoped3A : memref<!tpu.dma_semaphore, #tpu.memory_space<semaphore_mem>>) src(%arg17 : memref<40x80xf32, #tpu.memory_space<vmem>>) dst(%dma_wait3A_78 : memref<40x80xf32, #tpu.memory_space<vmem_shared>>)
        tpu.yield
      }) : () -> ()
      %add3A_47 = arith.constant 480 : i32
      %add3A_48 = arith.addi %mul3A_22, %add3A_47 : i32
      "tpu.region"() ({
        %run_scoped3A = tpu.sem_alloc : memref<!tpu.dma_semaphore, #tpu.memory_space<semaphore_mem>>
        %dma_start3A = arith.constant 0 : i32
        %dma_start3A_73 = tpu.memref_slice %arg18[%add3A_48, %dma_start3A] : memref<10000x80xf32, #tpu.memory_space<vmem_shared>> -> memref<40x80xf32, #tpu.memory_space<vmem_shared>>
        %dma_start3A_74 = arith.constant 0 : i32
        %dma_start3A_75 = tpu.memref_slice %arg18[%add3A_48, %dma_start3A_74] : memref<10000x80xf32, #tpu.memory_space<vmem_shared>> -> memref<40x80xf32, #tpu.memory_space<vmem_shared>>
        tpu.enqueue_dma source(%arg17 : memref<40x80xf32, #tpu.memory_space<vmem>>) target(%dma_start3A_75 : memref<40x80xf32, #tpu.memory_space<vmem_shared>>) target_semaphore(%run_scoped3A : memref<!tpu.dma_semaphore, #tpu.memory_space<semaphore_mem>>)
        %dma_wait3A = arith.constant 0 : i32
        %dma_wait3A_76 = tpu.memref_slice %arg18[%add3A_48, %dma_wait3A] : memref<10000x80xf32, #tpu.memory_space<vmem_shared>> -> memref<40x80xf32, #tpu.memory_space<vmem_shared>>
        %dma_wait3A_77 = arith.constant 0 : i32
        %dma_wait3A_78 = tpu.memref_slice %arg18[%add3A_48, %dma_wait3A_77] : memref<10000x80xf32, #tpu.memory_space<vmem_shared>> -> memref<40x80xf32, #tpu.memory_space<vmem_shared>>
        tpu.wait_dma2 semaphore(%run_scoped3A : memref<!tpu.dma_semaphore, #tpu.memory_space<semaphore_mem>>) src(%arg17 : memref<40x80xf32, #tpu.memory_space<vmem>>) dst(%dma_wait3A_78 : memref<40x80xf32, #tpu.memory_space<vmem_shared>>)
        tpu.yield
      }) : () -> ()
      %add3A_49 = arith.constant 520 : i32
      %add3A_50 = arith.addi %mul3A_22, %add3A_49 : i32
      "tpu.region"() ({
        %run_scoped3A = tpu.sem_alloc : memref<!tpu.dma_semaphore, #tpu.memory_space<semaphore_mem>>
        %dma_start3A = arith.constant 0 : i32
        %dma_start3A_73 = tpu.memref_slice %arg18[%add3A_50, %dma_start3A] : memref<10000x80xf32, #tpu.memory_space<vmem_shared>> -> memref<40x80xf32, #tpu.memory_space<vmem_shared>>
        %dma_start3A_74 = arith.constant 0 : i32
        %dma_start3A_75 = tpu.memref_slice %arg18[%add3A_50, %dma_start3A_74] : memref<10000x80xf32, #tpu.memory_space<vmem_shared>> -> memref<40x80xf32, #tpu.memory_space<vmem_shared>>
        tpu.enqueue_dma source(%arg17 : memref<40x80xf32, #tpu.memory_space<vmem>>) target(%dma_start3A_75 : memref<40x80xf32, #tpu.memory_space<vmem_shared>>) target_semaphore(%run_scoped3A : memref<!tpu.dma_semaphore, #tpu.memory_space<semaphore_mem>>)
        %dma_wait3A = arith.constant 0 : i32
        %dma_wait3A_76 = tpu.memref_slice %arg18[%add3A_50, %dma_wait3A] : memref<10000x80xf32, #tpu.memory_space<vmem_shared>> -> memref<40x80xf32, #tpu.memory_space<vmem_shared>>
        %dma_wait3A_77 = arith.constant 0 : i32
        %dma_wait3A_78 = tpu.memref_slice %arg18[%add3A_50, %dma_wait3A_77] : memref<10000x80xf32, #tpu.memory_space<vmem_shared>> -> memref<40x80xf32, #tpu.memory_space<vmem_shared>>
        tpu.wait_dma2 semaphore(%run_scoped3A : memref<!tpu.dma_semaphore, #tpu.memory_space<semaphore_mem>>) src(%arg17 : memref<40x80xf32, #tpu.memory_space<vmem>>) dst(%dma_wait3A_78 : memref<40x80xf32, #tpu.memory_space<vmem_shared>>)
        tpu.yield
      }) : () -> ()
      %add3A_51 = arith.constant 560 : i32
      %add3A_52 = arith.addi %mul3A_22, %add3A_51 : i32
      "tpu.region"() ({
        %run_scoped3A = tpu.sem_alloc : memref<!tpu.dma_semaphore, #tpu.memory_space<semaphore_mem>>
        %dma_start3A = arith.constant 0 : i32
        %dma_start3A_73 = tpu.memref_slice %arg18[%add3A_52, %dma_start3A] : memref<10000x80xf32, #tpu.memory_space<vmem_shared>> -> memref<40x80xf32, #tpu.memory_space<vmem_shared>>
        %dma_start3A_74 = arith.constant 0 : i32
        %dma_start3A_75 = tpu.memref_slice %arg18[%add3A_52, %dma_start3A_74] : memref<10000x80xf32, #tpu.memory_space<vmem_shared>> -> memref<40x80xf32, #tpu.memory_space<vmem_shared>>
        tpu.enqueue_dma source(%arg17 : memref<40x80xf32, #tpu.memory_space<vmem>>) target(%dma_start3A_75 : memref<40x80xf32, #tpu.memory_space<vmem_shared>>) target_semaphore(%run_scoped3A : memref<!tpu.dma_semaphore, #tpu.memory_space<semaphore_mem>>)
        %dma_wait3A = arith.constant 0 : i32
        %dma_wait3A_76 = tpu.memref_slice %arg18[%add3A_52, %dma_wait3A] : memref<10000x80xf32, #tpu.memory_space<vmem_shared>> -> memref<40x80xf32, #tpu.memory_space<vmem_shared>>
        %dma_wait3A_77 = arith.constant 0 : i32
        %dma_wait3A_78 = tpu.memref_slice %arg18[%add3A_52, %dma_wait3A_77] : memref<10000x80xf32, #tpu.memory_space<vmem_shared>> -> memref<40x80xf32, #tpu.memory_space<vmem_shared>>
        tpu.wait_dma2 semaphore(%run_scoped3A : memref<!tpu.dma_semaphore, #tpu.memory_space<semaphore_mem>>) src(%arg17 : memref<40x80xf32, #tpu.memory_space<vmem>>) dst(%dma_wait3A_78 : memref<40x80xf32, #tpu.memory_space<vmem_shared>>)
        tpu.yield
      }) : () -> ()
      %add3A_53 = arith.constant 600 : i32
      %add3A_54 = arith.addi %mul3A_22, %add3A_53 : i32
      "tpu.region"() ({
        %run_scoped3A = tpu.sem_alloc : memref<!tpu.dma_semaphore, #tpu.memory_space<semaphore_mem>>
        %dma_start3A = arith.constant 0 : i32
        %dma_start3A_73 = tpu.memref_slice %arg18[%add3A_54, %dma_start3A] : memref<10000x80xf32, #tpu.memory_space<vmem_shared>> -> memref<40x80xf32, #tpu.memory_space<vmem_shared>>
        %dma_start3A_74 = arith.constant 0 : i32
        %dma_start3A_75 = tpu.memref_slice %arg18[%add3A_54, %dma_start3A_74] : memref<10000x80xf32, #tpu.memory_space<vmem_shared>> -> memref<40x80xf32, #tpu.memory_space<vmem_shared>>
        tpu.enqueue_dma source(%arg17 : memref<40x80xf32, #tpu.memory_space<vmem>>) target(%dma_start3A_75 : memref<40x80xf32, #tpu.memory_space<vmem_shared>>) target_semaphore(%run_scoped3A : memref<!tpu.dma_semaphore, #tpu.memory_space<semaphore_mem>>)
        %dma_wait3A = arith.constant 0 : i32
        %dma_wait3A_76 = tpu.memref_slice %arg18[%add3A_54, %dma_wait3A] : memref<10000x80xf32, #tpu.memory_space<vmem_shared>> -> memref<40x80xf32, #tpu.memory_space<vmem_shared>>
        %dma_wait3A_77 = arith.constant 0 : i32
        %dma_wait3A_78 = tpu.memref_slice %arg18[%add3A_54, %dma_wait3A_77] : memref<10000x80xf32, #tpu.memory_space<vmem_shared>> -> memref<40x80xf32, #tpu.memory_space<vmem_shared>>
        tpu.wait_dma2 semaphore(%run_scoped3A : memref<!tpu.dma_semaphore, #tpu.memory_space<semaphore_mem>>) src(%arg17 : memref<40x80xf32, #tpu.memory_space<vmem>>) dst(%dma_wait3A_78 : memref<40x80xf32, #tpu.memory_space<vmem_shared>>)
        tpu.yield
      }) : () -> ()
      %add3A_55 = arith.constant 640 : i32
      %add3A_56 = arith.addi %mul3A_22, %add3A_55 : i32
      "tpu.region"() ({
        %run_scoped3A = tpu.sem_alloc : memref<!tpu.dma_semaphore, #tpu.memory_space<semaphore_mem>>
        %dma_start3A = arith.constant 0 : i32
        %dma_start3A_73 = tpu.memref_slice %arg18[%add3A_56, %dma_start3A] : memref<10000x80xf32, #tpu.memory_space<vmem_shared>> -> memref<40x80xf32, #tpu.memory_space<vmem_shared>>
        %dma_start3A_74 = arith.constant 0 : i32
        %dma_start3A_75 = tpu.memref_slice %arg18[%add3A_56, %dma_start3A_74] : memref<10000x80xf32, #tpu.memory_space<vmem_shared>> -> memref<40x80xf32, #tpu.memory_space<vmem_shared>>
        tpu.enqueue_dma source(%arg17 : memref<40x80xf32, #tpu.memory_space<vmem>>) target(%dma_start3A_75 : memref<40x80xf32, #tpu.memory_space<vmem_shared>>) target_semaphore(%run_scoped3A : memref<!tpu.dma_semaphore, #tpu.memory_space<semaphore_mem>>)
        %dma_wait3A = arith.constant 0 : i32
        %dma_wait3A_76 = tpu.memref_slice %arg18[%add3A_56, %dma_wait3A] : memref<10000x80xf32, #tpu.memory_space<vmem_shared>> -> memref<40x80xf32, #tpu.memory_space<vmem_shared>>
        %dma_wait3A_77 = arith.constant 0 : i32
        %dma_wait3A_78 = tpu.memref_slice %arg18[%add3A_56, %dma_wait3A_77] : memref<10000x80xf32, #tpu.memory_space<vmem_shared>> -> memref<40x80xf32, #tpu.memory_space<vmem_shared>>
        tpu.wait_dma2 semaphore(%run_scoped3A : memref<!tpu.dma_semaphore, #tpu.memory_space<semaphore_mem>>) src(%arg17 : memref<40x80xf32, #tpu.memory_space<vmem>>) dst(%dma_wait3A_78 : memref<40x80xf32, #tpu.memory_space<vmem_shared>>)
        tpu.yield
      }) : () -> ()
      %add3A_57 = arith.constant 680 : i32
      %add3A_58 = arith.addi %mul3A_22, %add3A_57 : i32
      "tpu.region"() ({
        %run_scoped3A = tpu.sem_alloc : memref<!tpu.dma_semaphore, #tpu.memory_space<semaphore_mem>>
        %dma_start3A = arith.constant 0 : i32
        %dma_start3A_73 = tpu.memref_slice %arg18[%add3A_58, %dma_start3A] : memref<10000x80xf32, #tpu.memory_space<vmem_shared>> -> memref<40x80xf32, #tpu.memory_space<vmem_shared>>
        %dma_start3A_74 = arith.constant 0 : i32
        %dma_start3A_75 = tpu.memref_slice %arg18[%add3A_58, %dma_start3A_74] : memref<10000x80xf32, #tpu.memory_space<vmem_shared>> -> memref<40x80xf32, #tpu.memory_space<vmem_shared>>
        tpu.enqueue_dma source(%arg17 : memref<40x80xf32, #tpu.memory_space<vmem>>) target(%dma_start3A_75 : memref<40x80xf32, #tpu.memory_space<vmem_shared>>) target_semaphore(%run_scoped3A : memref<!tpu.dma_semaphore, #tpu.memory_space<semaphore_mem>>)
        %dma_wait3A = arith.constant 0 : i32
        %dma_wait3A_76 = tpu.memref_slice %arg18[%add3A_58, %dma_wait3A] : memref<10000x80xf32, #tpu.memory_space<vmem_shared>> -> memref<40x80xf32, #tpu.memory_space<vmem_shared>>
        %dma_wait3A_77 = arith.constant 0 : i32
        %dma_wait3A_78 = tpu.memref_slice %arg18[%add3A_58, %dma_wait3A_77] : memref<10000x80xf32, #tpu.memory_space<vmem_shared>> -> memref<40x80xf32, #tpu.memory_space<vmem_shared>>
        tpu.wait_dma2 semaphore(%run_scoped3A : memref<!tpu.dma_semaphore, #tpu.memory_space<semaphore_mem>>) src(%arg17 : memref<40x80xf32, #tpu.memory_space<vmem>>) dst(%dma_wait3A_78 : memref<40x80xf32, #tpu.memory_space<vmem_shared>>)
        tpu.yield
      }) : () -> ()
      %add3A_59 = arith.constant 720 : i32
      %add3A_60 = arith.addi %mul3A_22, %add3A_59 : i32
      "tpu.region"() ({
        %run_scoped3A = tpu.sem_alloc : memref<!tpu.dma_semaphore, #tpu.memory_space<semaphore_mem>>
        %dma_start3A = arith.constant 0 : i32
        %dma_start3A_73 = tpu.memref_slice %arg18[%add3A_60, %dma_start3A] : memref<10000x80xf32, #tpu.memory_space<vmem_shared>> -> memref<40x80xf32, #tpu.memory_space<vmem_shared>>
        %dma_start3A_74 = arith.constant 0 : i32
        %dma_start3A_75 = tpu.memref_slice %arg18[%add3A_60, %dma_start3A_74] : memref<10000x80xf32, #tpu.memory_space<vmem_shared>> -> memref<40x80xf32, #tpu.memory_space<vmem_shared>>
        tpu.enqueue_dma source(%arg17 : memref<40x80xf32, #tpu.memory_space<vmem>>) target(%dma_start3A_75 : memref<40x80xf32, #tpu.memory_space<vmem_shared>>) target_semaphore(%run_scoped3A : memref<!tpu.dma_semaphore, #tpu.memory_space<semaphore_mem>>)
        %dma_wait3A = arith.constant 0 : i32
        %dma_wait3A_76 = tpu.memref_slice %arg18[%add3A_60, %dma_wait3A] : memref<10000x80xf32, #tpu.memory_space<vmem_shared>> -> memref<40x80xf32, #tpu.memory_space<vmem_shared>>
        %dma_wait3A_77 = arith.constant 0 : i32
        %dma_wait3A_78 = tpu.memref_slice %arg18[%add3A_60, %dma_wait3A_77] : memref<10000x80xf32, #tpu.memory_space<vmem_shared>> -> memref<40x80xf32, #tpu.memory_space<vmem_shared>>
        tpu.wait_dma2 semaphore(%run_scoped3A : memref<!tpu.dma_semaphore, #tpu.memory_space<semaphore_mem>>) src(%arg17 : memref<40x80xf32, #tpu.memory_space<vmem>>) dst(%dma_wait3A_78 : memref<40x80xf32, #tpu.memory_space<vmem_shared>>)
        tpu.yield
      }) : () -> ()
      %add3A_61 = arith.constant 760 : i32
      %add3A_62 = arith.addi %mul3A_22, %add3A_61 : i32
      "tpu.region"() ({
        %run_scoped3A = tpu.sem_alloc : memref<!tpu.dma_semaphore, #tpu.memory_space<semaphore_mem>>
        %dma_start3A = arith.constant 0 : i32
        %dma_start3A_73 = tpu.memref_slice %arg18[%add3A_62, %dma_start3A] : memref<10000x80xf32, #tpu.memory_space<vmem_shared>> -> memref<40x80xf32, #tpu.memory_space<vmem_shared>>
        %dma_start3A_74 = arith.constant 0 : i32
        %dma_start3A_75 = tpu.memref_slice %arg18[%add3A_62, %dma_start3A_74] : memref<10000x80xf32, #tpu.memory_space<vmem_shared>> -> memref<40x80xf32, #tpu.memory_space<vmem_shared>>
        tpu.enqueue_dma source(%arg17 : memref<40x80xf32, #tpu.memory_space<vmem>>) target(%dma_start3A_75 : memref<40x80xf32, #tpu.memory_space<vmem_shared>>) target_semaphore(%run_scoped3A : memref<!tpu.dma_semaphore, #tpu.memory_space<semaphore_mem>>)
        %dma_wait3A = arith.constant 0 : i32
        %dma_wait3A_76 = tpu.memref_slice %arg18[%add3A_62, %dma_wait3A] : memref<10000x80xf32, #tpu.memory_space<vmem_shared>> -> memref<40x80xf32, #tpu.memory_space<vmem_shared>>
        %dma_wait3A_77 = arith.constant 0 : i32
        %dma_wait3A_78 = tpu.memref_slice %arg18[%add3A_62, %dma_wait3A_77] : memref<10000x80xf32, #tpu.memory_space<vmem_shared>> -> memref<40x80xf32, #tpu.memory_space<vmem_shared>>
        tpu.wait_dma2 semaphore(%run_scoped3A : memref<!tpu.dma_semaphore, #tpu.memory_space<semaphore_mem>>) src(%arg17 : memref<40x80xf32, #tpu.memory_space<vmem>>) dst(%dma_wait3A_78 : memref<40x80xf32, #tpu.memory_space<vmem_shared>>)
        tpu.yield
      }) : () -> ()
      %add3A_63 = arith.constant 800 : i32
      %add3A_64 = arith.addi %mul3A_22, %add3A_63 : i32
      "tpu.region"() ({
        %run_scoped3A = tpu.sem_alloc : memref<!tpu.dma_semaphore, #tpu.memory_space<semaphore_mem>>
        %dma_start3A = arith.constant 0 : i32
        %dma_start3A_73 = tpu.memref_slice %arg18[%add3A_64, %dma_start3A] : memref<10000x80xf32, #tpu.memory_space<vmem_shared>> -> memref<40x80xf32, #tpu.memory_space<vmem_shared>>
        %dma_start3A_74 = arith.constant 0 : i32
        %dma_start3A_75 = tpu.memref_slice %arg18[%add3A_64, %dma_start3A_74] : memref<10000x80xf32, #tpu.memory_space<vmem_shared>> -> memref<40x80xf32, #tpu.memory_space<vmem_shared>>
        tpu.enqueue_dma source(%arg17 : memref<40x80xf32, #tpu.memory_space<vmem>>) target(%dma_start3A_75 : memref<40x80xf32, #tpu.memory_space<vmem_shared>>) target_semaphore(%run_scoped3A : memref<!tpu.dma_semaphore, #tpu.memory_space<semaphore_mem>>)
        %dma_wait3A = arith.constant 0 : i32
        %dma_wait3A_76 = tpu.memref_slice %arg18[%add3A_64, %dma_wait3A] : memref<10000x80xf32, #tpu.memory_space<vmem_shared>> -> memref<40x80xf32, #tpu.memory_space<vmem_shared>>
        %dma_wait3A_77 = arith.constant 0 : i32
        %dma_wait3A_78 = tpu.memref_slice %arg18[%add3A_64, %dma_wait3A_77] : memref<10000x80xf32, #tpu.memory_space<vmem_shared>> -> memref<40x80xf32, #tpu.memory_space<vmem_shared>>
        tpu.wait_dma2 semaphore(%run_scoped3A : memref<!tpu.dma_semaphore, #tpu.memory_space<semaphore_mem>>) src(%arg17 : memref<40x80xf32, #tpu.memory_space<vmem>>) dst(%dma_wait3A_78 : memref<40x80xf32, #tpu.memory_space<vmem_shared>>)
        tpu.yield
      }) : () -> ()
      %add3A_65 = arith.constant 840 : i32
      %add3A_66 = arith.addi %mul3A_22, %add3A_65 : i32
      "tpu.region"() ({
        %run_scoped3A = tpu.sem_alloc : memref<!tpu.dma_semaphore, #tpu.memory_space<semaphore_mem>>
        %dma_start3A = arith.constant 0 : i32
        %dma_start3A_73 = tpu.memref_slice %arg18[%add3A_66, %dma_start3A] : memref<10000x80xf32, #tpu.memory_space<vmem_shared>> -> memref<40x80xf32, #tpu.memory_space<vmem_shared>>
        %dma_start3A_74 = arith.constant 0 : i32
        %dma_start3A_75 = tpu.memref_slice %arg18[%add3A_66, %dma_start3A_74] : memref<10000x80xf32, #tpu.memory_space<vmem_shared>> -> memref<40x80xf32, #tpu.memory_space<vmem_shared>>
        tpu.enqueue_dma source(%arg17 : memref<40x80xf32, #tpu.memory_space<vmem>>) target(%dma_start3A_75 : memref<40x80xf32, #tpu.memory_space<vmem_shared>>) target_semaphore(%run_scoped3A : memref<!tpu.dma_semaphore, #tpu.memory_space<semaphore_mem>>)
        %dma_wait3A = arith.constant 0 : i32
        %dma_wait3A_76 = tpu.memref_slice %arg18[%add3A_66, %dma_wait3A] : memref<10000x80xf32, #tpu.memory_space<vmem_shared>> -> memref<40x80xf32, #tpu.memory_space<vmem_shared>>
        %dma_wait3A_77 = arith.constant 0 : i32
        %dma_wait3A_78 = tpu.memref_slice %arg18[%add3A_66, %dma_wait3A_77] : memref<10000x80xf32, #tpu.memory_space<vmem_shared>> -> memref<40x80xf32, #tpu.memory_space<vmem_shared>>
        tpu.wait_dma2 semaphore(%run_scoped3A : memref<!tpu.dma_semaphore, #tpu.memory_space<semaphore_mem>>) src(%arg17 : memref<40x80xf32, #tpu.memory_space<vmem>>) dst(%dma_wait3A_78 : memref<40x80xf32, #tpu.memory_space<vmem_shared>>)
        tpu.yield
      }) : () -> ()
      %add3A_67 = arith.constant 880 : i32
      %add3A_68 = arith.addi %mul3A_22, %add3A_67 : i32
      "tpu.region"() ({
        %run_scoped3A = tpu.sem_alloc : memref<!tpu.dma_semaphore, #tpu.memory_space<semaphore_mem>>
        %dma_start3A = arith.constant 0 : i32
        %dma_start3A_73 = tpu.memref_slice %arg18[%add3A_68, %dma_start3A] : memref<10000x80xf32, #tpu.memory_space<vmem_shared>> -> memref<40x80xf32, #tpu.memory_space<vmem_shared>>
        %dma_start3A_74 = arith.constant 0 : i32
        %dma_start3A_75 = tpu.memref_slice %arg18[%add3A_68, %dma_start3A_74] : memref<10000x80xf32, #tpu.memory_space<vmem_shared>> -> memref<40x80xf32, #tpu.memory_space<vmem_shared>>
        tpu.enqueue_dma source(%arg17 : memref<40x80xf32, #tpu.memory_space<vmem>>) target(%dma_start3A_75 : memref<40x80xf32, #tpu.memory_space<vmem_shared>>) target_semaphore(%run_scoped3A : memref<!tpu.dma_semaphore, #tpu.memory_space<semaphore_mem>>)
        %dma_wait3A = arith.constant 0 : i32
        %dma_wait3A_76 = tpu.memref_slice %arg18[%add3A_68, %dma_wait3A] : memref<10000x80xf32, #tpu.memory_space<vmem_shared>> -> memref<40x80xf32, #tpu.memory_space<vmem_shared>>
        %dma_wait3A_77 = arith.constant 0 : i32
        %dma_wait3A_78 = tpu.memref_slice %arg18[%add3A_68, %dma_wait3A_77] : memref<10000x80xf32, #tpu.memory_space<vmem_shared>> -> memref<40x80xf32, #tpu.memory_space<vmem_shared>>
        tpu.wait_dma2 semaphore(%run_scoped3A : memref<!tpu.dma_semaphore, #tpu.memory_space<semaphore_mem>>) src(%arg17 : memref<40x80xf32, #tpu.memory_space<vmem>>) dst(%dma_wait3A_78 : memref<40x80xf32, #tpu.memory_space<vmem_shared>>)
        tpu.yield
      }) : () -> ()
      %add3A_69 = arith.constant 920 : i32
      %add3A_70 = arith.addi %mul3A_22, %add3A_69 : i32
      "tpu.region"() ({
        %run_scoped3A = tpu.sem_alloc : memref<!tpu.dma_semaphore, #tpu.memory_space<semaphore_mem>>
        %dma_start3A = arith.constant 0 : i32
        %dma_start3A_73 = tpu.memref_slice %arg18[%add3A_70, %dma_start3A] : memref<10000x80xf32, #tpu.memory_space<vmem_shared>> -> memref<40x80xf32, #tpu.memory_space<vmem_shared>>
        %dma_start3A_74 = arith.constant 0 : i32
        %dma_start3A_75 = tpu.memref_slice %arg18[%add3A_70, %dma_start3A_74] : memref<10000x80xf32, #tpu.memory_space<vmem_shared>> -> memref<40x80xf32, #tpu.memory_space<vmem_shared>>
        tpu.enqueue_dma source(%arg17 : memref<40x80xf32, #tpu.memory_space<vmem>>) target(%dma_start3A_75 : memref<40x80xf32, #tpu.memory_space<vmem_shared>>) target_semaphore(%run_scoped3A : memref<!tpu.dma_semaphore, #tpu.memory_space<semaphore_mem>>)
        %dma_wait3A = arith.constant 0 : i32
        %dma_wait3A_76 = tpu.memref_slice %arg18[%add3A_70, %dma_wait3A] : memref<10000x80xf32, #tpu.memory_space<vmem_shared>> -> memref<40x80xf32, #tpu.memory_space<vmem_shared>>
        %dma_wait3A_77 = arith.constant 0 : i32
        %dma_wait3A_78 = tpu.memref_slice %arg18[%add3A_70, %dma_wait3A_77] : memref<10000x80xf32, #tpu.memory_space<vmem_shared>> -> memref<40x80xf32, #tpu.memory_space<vmem_shared>>
        tpu.wait_dma2 semaphore(%run_scoped3A : memref<!tpu.dma_semaphore, #tpu.memory_space<semaphore_mem>>) src(%arg17 : memref<40x80xf32, #tpu.memory_space<vmem>>) dst(%dma_wait3A_78 : memref<40x80xf32, #tpu.memory_space<vmem_shared>>)
        tpu.yield
      }) : () -> ()
      %add3A_71 = arith.constant 960 : i32
      %add3A_72 = arith.addi %mul3A_22, %add3A_71 : i32
      "tpu.region"() ({
        %run_scoped3A = tpu.sem_alloc : memref<!tpu.dma_semaphore, #tpu.memory_space<semaphore_mem>>
        %dma_start3A = arith.constant 0 : i32
        %dma_start3A_73 = tpu.memref_slice %arg18[%add3A_72, %dma_start3A] : memref<10000x80xf32, #tpu.memory_space<vmem_shared>> -> memref<40x80xf32, #tpu.memory_space<vmem_shared>>
        %dma_start3A_74 = arith.constant 0 : i32
        %dma_start3A_75 = tpu.memref_slice %arg18[%add3A_72, %dma_start3A_74] : memref<10000x80xf32, #tpu.memory_space<vmem_shared>> -> memref<40x80xf32, #tpu.memory_space<vmem_shared>>
        tpu.enqueue_dma source(%arg17 : memref<40x80xf32, #tpu.memory_space<vmem>>) target(%dma_start3A_75 : memref<40x80xf32, #tpu.memory_space<vmem_shared>>) target_semaphore(%run_scoped3A : memref<!tpu.dma_semaphore, #tpu.memory_space<semaphore_mem>>)
        %dma_wait3A = arith.constant 0 : i32
        %dma_wait3A_76 = tpu.memref_slice %arg18[%add3A_72, %dma_wait3A] : memref<10000x80xf32, #tpu.memory_space<vmem_shared>> -> memref<40x80xf32, #tpu.memory_space<vmem_shared>>
        %dma_wait3A_77 = arith.constant 0 : i32
        %dma_wait3A_78 = tpu.memref_slice %arg18[%add3A_72, %dma_wait3A_77] : memref<10000x80xf32, #tpu.memory_space<vmem_shared>> -> memref<40x80xf32, #tpu.memory_space<vmem_shared>>
        tpu.wait_dma2 semaphore(%run_scoped3A : memref<!tpu.dma_semaphore, #tpu.memory_space<semaphore_mem>>) src(%arg17 : memref<40x80xf32, #tpu.memory_space<vmem>>) dst(%dma_wait3A_78 : memref<40x80xf32, #tpu.memory_space<vmem_shared>>)
        tpu.yield
      }) : () -> ()
    } else {
    }
    %barrier3A = arith.constant 0 : index
    tpu.barrier barrier_id(%barrier3A)
    %scan3A = arith.constant 0 : i32
    %scan3A_3 = arith.constant 0 : i32
    %scan3A_4 = arith.constant 5 : i32
    %scan3A_5 = arith.addi %scan3A_3, %scan3A_4 : i32
    %scan3A_6 = arith.constant 1 : i32
    scf.for %scan3A_14 = %scan3A_3 to %scan3A_5 step %scan3A_6  : i32 {
      %mul3A_15 = arith.constant 5 : i32
      %mul3A_16 = arith.muli %add3A, %mul3A_15 : i32
      %add3A_17 = arith.addi %mul3A_16, %scan3A_14 : i32
      "tpu.region"() ({
        %run_scoped3A_70 = tpu.sem_alloc : memref<!tpu.dma_semaphore, #tpu.memory_space<semaphore_mem>>
        %dma_start3A_71 = arith.constant 0 : i32
        %dma_start3A_72 = arith.constant 0 : i32
        %dma_start3A_73 = tpu.memref_slice %arg5[%add3A_17, %dma_start3A_71, %dma_start3A_72] : memref<160x25x80xi32, #tpu.memory_space<hbm>> -> memref<1x25x80xi32, #tpu.memory_space<hbm>>
        %dma_start3A_74 = tpu.memref_squeeze %dma_start3A_73 : memref<1x25x80xi32, #tpu.memory_space<hbm>> -> memref<25x80xi32, #tpu.memory_space<hbm>>
        %dma_start3A_75 = arith.constant 0 : i32
        %dma_start3A_76 = arith.constant 0 : i32
        %dma_start3A_77 = tpu.memref_slice %arg5[%add3A_17, %dma_start3A_75, %dma_start3A_76] : memref<160x25x80xi32, #tpu.memory_space<hbm>> -> memref<1x25x80xi32, #tpu.memory_space<hbm>>
        %dma_start3A_78 = tpu.memref_squeeze %dma_start3A_77 : memref<1x25x80xi32, #tpu.memory_space<hbm>> -> memref<25x80xi32, #tpu.memory_space<hbm>>
        tpu.enqueue_dma source(%dma_start3A_78 : memref<25x80xi32, #tpu.memory_space<hbm>>) target(%arg10 : memref<25x80xi32, #tpu.memory_space<vmem>>) target_semaphore(%run_scoped3A_70 : memref<!tpu.dma_semaphore, #tpu.memory_space<semaphore_mem>>)
        %dma_wait3A_79 = arith.constant 0 : i32
        %dma_wait3A_80 = arith.constant 0 : i32
        %dma_wait3A_81 = tpu.memref_slice %arg5[%add3A_17, %dma_wait3A_79, %dma_wait3A_80] : memref<160x25x80xi32, #tpu.memory_space<hbm>> -> memref<1x25x80xi32, #tpu.memory_space<hbm>>
        %dma_wait3A_82 = tpu.memref_squeeze %dma_wait3A_81 : memref<1x25x80xi32, #tpu.memory_space<hbm>> -> memref<25x80xi32, #tpu.memory_space<hbm>>
        %dma_wait3A_83 = arith.constant 0 : i32
        %dma_wait3A_84 = arith.constant 0 : i32
        %dma_wait3A_85 = tpu.memref_slice %arg5[%add3A_17, %dma_wait3A_83, %dma_wait3A_84] : memref<160x25x80xi32, #tpu.memory_space<hbm>> -> memref<1x25x80xi32, #tpu.memory_space<hbm>>
        %dma_wait3A_86 = tpu.memref_squeeze %dma_wait3A_85 : memref<1x25x80xi32, #tpu.memory_space<hbm>> -> memref<25x80xi32, #tpu.memory_space<hbm>>
        tpu.wait_dma2 semaphore(%run_scoped3A_70 : memref<!tpu.dma_semaphore, #tpu.memory_space<semaphore_mem>>) src(%dma_wait3A_86 : memref<25x80xi32, #tpu.memory_space<hbm>>) dst(%arg10 : memref<25x80xi32, #tpu.memory_space<vmem>>)
        tpu.yield
      }) : () -> ()
      %mul3A_18 = arith.constant 5 : i32
      %mul3A_19 = arith.muli %add3A, %mul3A_18 : i32
      %add3A_20 = arith.addi %mul3A_19, %scan3A_14 : i32
      "tpu.region"() ({
        %run_scoped3A_70 = tpu.sem_alloc : memref<!tpu.dma_semaphore, #tpu.memory_space<semaphore_mem>>
        %dma_start3A_71 = arith.constant 0 : i32
        %dma_start3A_72 = arith.constant 0 : i32
        %dma_start3A_73 = tpu.memref_slice %arg6[%add3A_20, %dma_start3A_71, %dma_start3A_72] : memref<160x25x80xi32, #tpu.memory_space<hbm>> -> memref<1x25x80xi32, #tpu.memory_space<hbm>>
        %dma_start3A_74 = tpu.memref_squeeze %dma_start3A_73 : memref<1x25x80xi32, #tpu.memory_space<hbm>> -> memref<25x80xi32, #tpu.memory_space<hbm>>
        %dma_start3A_75 = arith.constant 0 : i32
        %dma_start3A_76 = arith.constant 0 : i32
        %dma_start3A_77 = tpu.memref_slice %arg6[%add3A_20, %dma_start3A_75, %dma_start3A_76] : memref<160x25x80xi32, #tpu.memory_space<hbm>> -> memref<1x25x80xi32, #tpu.memory_space<hbm>>
        %dma_start3A_78 = tpu.memref_squeeze %dma_start3A_77 : memref<1x25x80xi32, #tpu.memory_space<hbm>> -> memref<25x80xi32, #tpu.memory_space<hbm>>
        tpu.enqueue_dma source(%dma_start3A_78 : memref<25x80xi32, #tpu.memory_space<hbm>>) target(%arg11 : memref<25x80xi32, #tpu.memory_space<vmem>>) target_semaphore(%run_scoped3A_70 : memref<!tpu.dma_semaphore, #tpu.memory_space<semaphore_mem>>)
        %dma_wait3A_79 = arith.constant 0 : i32
        %dma_wait3A_80 = arith.constant 0 : i32
        %dma_wait3A_81 = tpu.memref_slice %arg6[%add3A_20, %dma_wait3A_79, %dma_wait3A_80] : memref<160x25x80xi32, #tpu.memory_space<hbm>> -> memref<1x25x80xi32, #tpu.memory_space<hbm>>
        %dma_wait3A_82 = tpu.memref_squeeze %dma_wait3A_81 : memref<1x25x80xi32, #tpu.memory_space<hbm>> -> memref<25x80xi32, #tpu.memory_space<hbm>>
        %dma_wait3A_83 = arith.constant 0 : i32
        %dma_wait3A_84 = arith.constant 0 : i32
        %dma_wait3A_85 = tpu.memref_slice %arg6[%add3A_20, %dma_wait3A_83, %dma_wait3A_84] : memref<160x25x80xi32, #tpu.memory_space<hbm>> -> memref<1x25x80xi32, #tpu.memory_space<hbm>>
        %dma_wait3A_86 = tpu.memref_squeeze %dma_wait3A_85 : memref<1x25x80xi32, #tpu.memory_space<hbm>> -> memref<25x80xi32, #tpu.memory_space<hbm>>
        tpu.wait_dma2 semaphore(%run_scoped3A_70 : memref<!tpu.dma_semaphore, #tpu.memory_space<semaphore_mem>>) src(%dma_wait3A_86 : memref<25x80xi32, #tpu.memory_space<hbm>>) dst(%arg11 : memref<25x80xi32, #tpu.memory_space<vmem>>)
        tpu.yield
      }) : () -> ()
      %scan3A_21 = arith.constant 0 : i32
      %scan3A_22 = arith.constant 0 : i32
      %scan3A_23 = arith.constant 25 : i32
      %scan3A_24 = arith.addi %scan3A_22, %scan3A_23 : i32
      %scan3A_25 = arith.constant 1 : i32
      scf.for %scan3A_70 = %scan3A_22 to %scan3A_24 step %scan3A_25  : i32 {
        %get3A = arith.index_cast %scan3A_70 : i32 to index
        %get3A_71 = arith.constant 0 : index
        %get3A_72 = tpu.vector_load %arg10[%get3A, %get3A_71] {strides = array<i32>} : memref<25x80xi32, #tpu.memory_space<vmem>>, vector<16xi32>,
        %get3A_73 = arith.index_cast %scan3A_70 : i32 to index
        %get3A_74 = arith.constant 0 : index
        %get3A_75 = tpu.vector_load %arg11[%get3A_73, %get3A_74] {strides = array<i32>} : memref<25x80xi32, #tpu.memory_space<vmem>>, vector<16xi32>,
        %gather3A = tpu.vector_load_idx %arg8[%get3A_72] : memref<10000xf32, #tpu.memory_space<vmem>>[vector<16xi32>], vector<16xf32>,
        %gather3A_76 = tpu.vector_load_idx %arg9[%get3A_75] : memref<10000xf32, #tpu.memory_space<vmem>>[vector<16xi32>], vector<16xf32>,
        %add3A_77 = arith.addf %gather3A, %gather3A_76 : vector<16xf32>
        %ge3A = arith.constant 0.000000e+00 : f32
        %ge3A_78 = vector.broadcast %ge3A : f32 to vector<16xf32>
        %ge3A_79 = arith.cmpf oge, %add3A_77, %ge3A_78 : vector<16xf32>
        %mul3A_80 = arith.constant 2.000000e-01 : f32
        %mul3A_81 = vector.broadcast %mul3A_80 : f32 to vector<16xf32>
        %mul3A_82 = arith.mulf %mul3A_81, %add3A_77 : vector<16xf32>
        %select_n3A = arith.select %ge3A_79, %add3A_77, %mul3A_82 : vector<16xi1>, vector<16xf32>
        %exp3A = math.exp %select_n3A : vector<16xf32>
        %swap3A = arith.index_cast %scan3A_70 : i32 to index
        %swap3A_83 = arith.constant 0 : index
        %swap3A_84 = tpu.vector_load %arg12[%swap3A, %swap3A_83] {strides = array<i32>} : memref<25x80xf32, #tpu.memory_space<vmem>>, vector<16xf32>,
        tpu.vector_store %arg12[%swap3A, %swap3A_83], %exp3A {strides = array<i32>} : memref<25x80xf32, #tpu.memory_space<vmem>>, vector<16xf32>,
        %get3A_85 = arith.index_cast %scan3A_70 : i32 to index
        %get3A_86 = arith.constant 16 : index
        %get3A_87 = tpu.vector_load %arg10[%get3A_85, %get3A_86] {strides = array<i32>} : memref<25x80xi32, #tpu.memory_space<vmem>>, vector<16xi32>,
        %get3A_88 = arith.index_cast %scan3A_70 : i32 to index
        %get3A_89 = arith.constant 16 : index
        %get3A_90 = tpu.vector_load %arg11[%get3A_88, %get3A_89] {strides = array<i32>} : memref<25x80xi32, #tpu.memory_space<vmem>>, vector<16xi32>,
        %gather3A_91 = tpu.vector_load_idx %arg8[%get3A_87] : memref<10000xf32, #tpu.memory_space<vmem>>[vector<16xi32>], vector<16xf32>,
        %gather3A_92 = tpu.vector_load_idx %arg9[%get3A_90] : memref<10000xf32, #tpu.memory_space<vmem>>[vector<16xi32>], vector<16xf32>,
        %add3A_93 = arith.addf %gather3A_91, %gather3A_92 : vector<16xf32>
        %ge3A_94 = arith.constant 0.000000e+00 : f32
        %ge3A_95 = vector.broadcast %ge3A_94 : f32 to vector<16xf32>
        %ge3A_96 = arith.cmpf oge, %add3A_93, %ge3A_95 : vector<16xf32>
        %mul3A_97 = arith.constant 2.000000e-01 : f32
        %mul3A_98 = vector.broadcast %mul3A_97 : f32 to vector<16xf32>
        %mul3A_99 = arith.mulf %mul3A_98, %add3A_93 : vector<16xf32>
        %select_n3A_100 = arith.select %ge3A_96, %add3A_93, %mul3A_99 : vector<16xi1>, vector<16xf32>
        %exp3A_101 = math.exp %select_n3A_100 : vector<16xf32>
        %swap3A_102 = arith.index_cast %scan3A_70 : i32 to index
        %swap3A_103 = arith.constant 16 : index
        %swap3A_104 = tpu.vector_load %arg12[%swap3A_102, %swap3A_103] {strides = array<i32>} : memref<25x80xf32, #tpu.memory_space<vmem>>, vector<16xf32>,
        tpu.vector_store %arg12[%swap3A_102, %swap3A_103], %exp3A_101 {strides = array<i32>} : memref<25x80xf32, #tpu.memory_space<vmem>>, vector<16xf32>,
        %get3A_105 = arith.index_cast %scan3A_70 : i32 to index
        %get3A_106 = arith.constant 32 : index
        %get3A_107 = tpu.vector_load %arg10[%get3A_105, %get3A_106] {strides = array<i32>} : memref<25x80xi32, #tpu.memory_space<vmem>>, vector<16xi32>,
        %get3A_108 = arith.index_cast %scan3A_70 : i32 to index
        %get3A_109 = arith.constant 32 : index
        %get3A_110 = tpu.vector_load %arg11[%get3A_108, %get3A_109] {strides = array<i32>} : memref<25x80xi32, #tpu.memory_space<vmem>>, vector<16xi32>,
        %gather3A_111 = tpu.vector_load_idx %arg8[%get3A_107] : memref<10000xf32, #tpu.memory_space<vmem>>[vector<16xi32>], vector<16xf32>,
        %gather3A_112 = tpu.vector_load_idx %arg9[%get3A_110] : memref<10000xf32, #tpu.memory_space<vmem>>[vector<16xi32>], vector<16xf32>,
        %add3A_113 = arith.addf %gather3A_111, %gather3A_112 : vector<16xf32>
        %ge3A_114 = arith.constant 0.000000e+00 : f32
        %ge3A_115 = vector.broadcast %ge3A_114 : f32 to vector<16xf32>
        %ge3A_116 = arith.cmpf oge, %add3A_113, %ge3A_115 : vector<16xf32>
        %mul3A_117 = arith.constant 2.000000e-01 : f32
        %mul3A_118 = vector.broadcast %mul3A_117 : f32 to vector<16xf32>
        %mul3A_119 = arith.mulf %mul3A_118, %add3A_113 : vector<16xf32>
        %select_n3A_120 = arith.select %ge3A_116, %add3A_113, %mul3A_119 : vector<16xi1>, vector<16xf32>
        %exp3A_121 = math.exp %select_n3A_120 : vector<16xf32>
        %swap3A_122 = arith.index_cast %scan3A_70 : i32 to index
        %swap3A_123 = arith.constant 32 : index
        %swap3A_124 = tpu.vector_load %arg12[%swap3A_122, %swap3A_123] {strides = array<i32>} : memref<25x80xf32, #tpu.memory_space<vmem>>, vector<16xf32>,
        tpu.vector_store %arg12[%swap3A_122, %swap3A_123], %exp3A_121 {strides = array<i32>} : memref<25x80xf32, #tpu.memory_space<vmem>>, vector<16xf32>,
        %get3A_125 = arith.index_cast %scan3A_70 : i32 to index
        %get3A_126 = arith.constant 48 : index
        %get3A_127 = tpu.vector_load %arg10[%get3A_125, %get3A_126] {strides = array<i32>} : memref<25x80xi32, #tpu.memory_space<vmem>>, vector<16xi32>,
        %get3A_128 = arith.index_cast %scan3A_70 : i32 to index
        %get3A_129 = arith.constant 48 : index
        %get3A_130 = tpu.vector_load %arg11[%get3A_128, %get3A_129] {strides = array<i32>} : memref<25x80xi32, #tpu.memory_space<vmem>>, vector<16xi32>,
        %gather3A_131 = tpu.vector_load_idx %arg8[%get3A_127] : memref<10000xf32, #tpu.memory_space<vmem>>[vector<16xi32>], vector<16xf32>,
        %gather3A_132 = tpu.vector_load_idx %arg9[%get3A_130] : memref<10000xf32, #tpu.memory_space<vmem>>[vector<16xi32>], vector<16xf32>,
        %add3A_133 = arith.addf %gather3A_131, %gather3A_132 : vector<16xf32>
        %ge3A_134 = arith.constant 0.000000e+00 : f32
        %ge3A_135 = vector.broadcast %ge3A_134 : f32 to vector<16xf32>
        %ge3A_136 = arith.cmpf oge, %add3A_133, %ge3A_135 : vector<16xf32>
        %mul3A_137 = arith.constant 2.000000e-01 : f32
        %mul3A_138 = vector.broadcast %mul3A_137 : f32 to vector<16xf32>
        %mul3A_139 = arith.mulf %mul3A_138, %add3A_133 : vector<16xf32>
        %select_n3A_140 = arith.select %ge3A_136, %add3A_133, %mul3A_139 : vector<16xi1>, vector<16xf32>
        %exp3A_141 = math.exp %select_n3A_140 : vector<16xf32>
        %swap3A_142 = arith.index_cast %scan3A_70 : i32 to index
        %swap3A_143 = arith.constant 48 : index
        %swap3A_144 = tpu.vector_load %arg12[%swap3A_142, %swap3A_143] {strides = array<i32>} : memref<25x80xf32, #tpu.memory_space<vmem>>, vector<16xf32>,
        tpu.vector_store %arg12[%swap3A_142, %swap3A_143], %exp3A_141 {strides = array<i32>} : memref<25x80xf32, #tpu.memory_space<vmem>>, vector<16xf32>,
        %get3A_145 = arith.index_cast %scan3A_70 : i32 to index
        %get3A_146 = arith.constant 64 : index
        %get3A_147 = tpu.vector_load %arg10[%get3A_145, %get3A_146] {strides = array<i32>} : memref<25x80xi32, #tpu.memory_space<vmem>>, vector<16xi32>,
        %get3A_148 = arith.index_cast %scan3A_70 : i32 to index
        %get3A_149 = arith.constant 64 : index
        %get3A_150 = tpu.vector_load %arg11[%get3A_148, %get3A_149] {strides = array<i32>} : memref<25x80xi32, #tpu.memory_space<vmem>>, vector<16xi32>,
        %gather3A_151 = tpu.vector_load_idx %arg8[%get3A_147] : memref<10000xf32, #tpu.memory_space<vmem>>[vector<16xi32>], vector<16xf32>,
        %gather3A_152 = tpu.vector_load_idx %arg9[%get3A_150] : memref<10000xf32, #tpu.memory_space<vmem>>[vector<16xi32>], vector<16xf32>,
        %add3A_153 = arith.addf %gather3A_151, %gather3A_152 : vector<16xf32>
        %ge3A_154 = arith.constant 0.000000e+00 : f32
        %ge3A_155 = vector.broadcast %ge3A_154 : f32 to vector<16xf32>
        %ge3A_156 = arith.cmpf oge, %add3A_153, %ge3A_155 : vector<16xf32>
        %mul3A_157 = arith.constant 2.000000e-01 : f32
        %mul3A_158 = vector.broadcast %mul3A_157 : f32 to vector<16xf32>
        %mul3A_159 = arith.mulf %mul3A_158, %add3A_153 : vector<16xf32>
        %select_n3A_160 = arith.select %ge3A_156, %add3A_153, %mul3A_159 : vector<16xi1>, vector<16xf32>
        %exp3A_161 = math.exp %select_n3A_160 : vector<16xf32>
        %swap3A_162 = arith.index_cast %scan3A_70 : i32 to index
        %swap3A_163 = arith.constant 64 : index
        %swap3A_164 = tpu.vector_load %arg12[%swap3A_162, %swap3A_163] {strides = array<i32>} : memref<25x80xf32, #tpu.memory_space<vmem>>, vector<16xf32>,
        tpu.vector_store %arg12[%swap3A_162, %swap3A_163], %exp3A_161 {strides = array<i32>} : memref<25x80xf32, #tpu.memory_space<vmem>>, vector<16xf32>,
      }
      %scan3A_26 = arith.constant 25 : i32
      %iota3A = tpu.iota {dimensions = array<i32: 0>} : vector<16xi32>
      %eq3A = arith.constant 0 : i32
      %eq3A_27 = vector.broadcast %eq3A : i32 to vector<16xi32>
      %eq3A_28 = arith.cmpi eq, %iota3A, %eq3A_27 : vector<16xi32>
      %convert_element_type3A_29 = arith.extui %eq3A_28 : vector<16xi1> to vector<16xi32>
      %convert_element_type3A_30 = arith.sitofp %convert_element_type3A_29 : vector<16xi32> to vector<16xf32>
      %broadcast_in_dim3A = arith.constant 1.000000e+00 : f32
      %broadcast_in_dim3A_31 = vector.broadcast %broadcast_in_dim3A : f32 to vector<16xf32>
      %dma_start3A = arith.constant 0 : i32
      %dma_start3A_32 = arith.constant 0 : i32
      %dma_start3A_33 = tpu.memref_slice %arg10[%dma_start3A, %dma_start3A_32] : memref<25x80xi32, #tpu.memory_space<vmem>> -> memref<1x80xi32, #tpu.memory_space<vmem>>
      %dma_start3A_34 = tpu.memref_squeeze %dma_start3A_33 : memref<1x80xi32, #tpu.memory_space<vmem>> -> memref<80xi32, #tpu.memory_space<vmem>>
      %dma_start3A_35 = arith.constant 0 : i32
      %dma_start3A_36 = arith.constant 0 : i32
      %dma_start3A_37 = tpu.memref_slice %arg2[%dma_start3A_35, %dma_start3A_36] : memref<10000x64xf32, #tpu.memory_space<hbm>> -> memref<10000x64xf32, #tpu.memory_space<hbm>>
      tpu.enqueue_indirect_dma source(%dma_start3A_37 : memref<10000x64xf32, #tpu.memory_space<hbm>>) target(%arg14 : memref<80x64xf32, #tpu.memory_space<vmem>>) offsets(%dma_start3A_34 : memref<80xi32, #tpu.memory_space<vmem>>) semaphore(%arg19 : memref<!tpu.dma_semaphore, #tpu.memory_space<semaphore_mem>>)
      %scan3A_38 = arith.constant 0 : i32
      %scan3A_39 = arith.constant 0 : i32
      %scan3A_40 = arith.constant 12 : i32
      %scan3A_41 = arith.addi %scan3A_39, %scan3A_40 : i32
      %scan3A_42 = arith.constant 1 : i32
      scf.for %scan3A_70 = %scan3A_39 to %scan3A_41 step %scan3A_42  : i32 {
        %mul3A_71 = arith.constant 2 : i32
        %mul3A_72 = arith.muli %scan3A_70, %mul3A_71 : i32
        %add3A_73 = arith.constant 1 : i32
        %add3A_74 = arith.addi %mul3A_72, %add3A_73 : i32
        %dma_wait3A_75 = arith.constant 0 : i32
        %dma_wait3A_76 = tpu.memref_slice %arg10[%mul3A_72, %dma_wait3A_75] : memref<25x80xi32, #tpu.memory_space<vmem>> -> memref<1x80xi32, #tpu.memory_space<vmem>>
        %dma_wait3A_77 = tpu.memref_squeeze %dma_wait3A_76 : memref<1x80xi32, #tpu.memory_space<vmem>> -> memref<80xi32, #tpu.memory_space<vmem>>
        %dma_wait3A_78 = arith.constant 0 : i32
        %dma_wait3A_79 = arith.constant 0 : i32
        %dma_wait3A_80 = tpu.memref_slice %arg2[%dma_wait3A_78, %dma_wait3A_79] : memref<10000x64xf32, #tpu.memory_space<hbm>> -> memref<10000x64xf32, #tpu.memory_space<hbm>>
        tpu.wait_indirect_dma semaphore(%arg19 : memref<!tpu.dma_semaphore, #tpu.memory_space<semaphore_mem>>) src(%dma_wait3A_80 : memref<10000x64xf32, #tpu.memory_space<hbm>>) dst(%arg14 : memref<80x64xf32, #tpu.memory_space<vmem>>)
        %dma_start3A_81 = arith.constant 0 : i32
        %dma_start3A_82 = tpu.memref_slice %arg10[%add3A_74, %dma_start3A_81] : memref<25x80xi32, #tpu.memory_space<vmem>> -> memref<1x80xi32, #tpu.memory_space<vmem>>
        %dma_start3A_83 = tpu.memref_squeeze %dma_start3A_82 : memref<1x80xi32, #tpu.memory_space<vmem>> -> memref<80xi32, #tpu.memory_space<vmem>>
        %dma_start3A_84 = arith.constant 0 : i32
        %dma_start3A_85 = arith.constant 0 : i32
        %dma_start3A_86 = tpu.memref_slice %arg2[%dma_start3A_84, %dma_start3A_85] : memref<10000x64xf32, #tpu.memory_space<hbm>> -> memref<10000x64xf32, #tpu.memory_space<hbm>>
        tpu.enqueue_indirect_dma source(%dma_start3A_86 : memref<10000x64xf32, #tpu.memory_space<hbm>>) target(%arg13 : memref<80x64xf32, #tpu.memory_space<vmem>>) offsets(%dma_start3A_83 : memref<80xi32, #tpu.memory_space<vmem>>) semaphore(%arg19 : memref<!tpu.dma_semaphore, #tpu.memory_space<semaphore_mem>>)
        %gt3A = arith.constant 0 : i32
        %gt3A_87 = arith.cmpi sgt, %scan3A_70, %gt3A : i32
        %convert_element_type3A_88 = arith.extui %gt3A_87 : i1 to i32
        %cond3A_89 = arith.constant 0 : i32
        %cond3A_90 = arith.cmpi ne, %convert_element_type3A_88, %cond3A_89 : i32
        scf.if %cond3A_90 {
          %dma_wait3A_134 = arith.constant 0 : i32
          %dma_wait3A_135 = arith.constant 0 : i32
          %dma_wait3A_136 = tpu.memref_slice %arg11[%dma_wait3A_134, %dma_wait3A_135] : memref<25x80xi32, #tpu.memory_space<vmem>> -> memref<1x80xi32, #tpu.memory_space<vmem>>
          %dma_wait3A_137 = tpu.memref_squeeze %dma_wait3A_136 : memref<1x80xi32, #tpu.memory_space<vmem>> -> memref<80xi32, #tpu.memory_space<vmem>>
          %dma_wait3A_138 = arith.constant 0 : i32
          %dma_wait3A_139 = arith.constant 0 : i32
          %dma_wait3A_140 = tpu.memref_slice %arg18[%dma_wait3A_138, %dma_wait3A_139] : memref<10000x80xf32, #tpu.memory_space<vmem_shared>> -> memref<10000x80xf32, #tpu.memory_space<vmem_shared>>
          tpu.wait_indirect_dma semaphore(%arg20 : memref<!tpu.dma_semaphore, #tpu.memory_space<semaphore_mem>>) src(%arg15 : memref<80x80xf32, #tpu.memory_space<vmem>>) dst(%dma_wait3A_140 : memref<10000x80xf32, #tpu.memory_space<vmem_shared>>)
        } else {
        }
        %scan3A_91 = arith.constant 0 : i32
        %scan3A_92 = arith.constant 0 : i32
        %scan3A_93 = arith.constant 5 : i32
        %scan3A_94 = arith.addi %scan3A_92, %scan3A_93 : i32
        %scan3A_95 = arith.constant 1 : i32
        scf.for %scan3A_134 = %scan3A_92 to %scan3A_94 step %scan3A_95  : i32 {
          %mul3A_135 = arith.constant 16 : i32
          %mul3A_136 = arith.muli %scan3A_134, %mul3A_135 : i32
          %get3A = arith.index_cast %mul3A_72 : i32 to index
          %get3A_137 = arith.index_cast %mul3A_136 : i32 to index
          %get3A_138 = tpu.vector_load %arg12[%get3A, %get3A_137] {strides = array<i32>} : memref<25x80xf32, #tpu.memory_space<vmem>>, vector<16xf32>,
          %mul3A_139 = arith.constant 16 : i32
          %mul3A_140 = arith.muli %scan3A_134, %mul3A_139 : i32
          %slice3A = vector.extract_strided_slice %get3A_138 {offsets = [0], sizes = [1], strides = [1]} : vector<16xf32> to vector<1xf32>
          %squeeze3A = vector.extract %slice3A[0] : f32 from vector<1xf32>
          %add3A_141 = arith.constant 0 : i32
          %add3A_142 = arith.addi %mul3A_140, %add3A_141 : i32
          %get3A_143 = arith.index_cast %add3A_142 : i32 to index
          %get3A_144 = arith.constant 0 : index
          %get3A_145 = tpu.vector_load %arg14[%get3A_143, %get3A_144] {strides = array<i32>} : memref<80x64xf32, #tpu.memory_space<vmem>>, vector<16xf32>,
          %mul3A_146 = vector.broadcast %squeeze3A : f32 to vector<16xf32>
          %mul3A_147 = arith.mulf %get3A_145, %mul3A_146 : vector<16xf32>
          %add3A_148 = arith.constant 0 : i32
          %add3A_149 = arith.addi %mul3A_140, %add3A_148 : i32
          %swap3A = arith.index_cast %add3A_149 : i32 to index
          %swap3A_150 = arith.constant 0 : index
          %swap3A_151 = tpu.vector_load %arg15[%swap3A, %swap3A_150] {strides = array<i32>} : memref<80x80xf32, #tpu.memory_space<vmem>>, vector<16xf32>,
          tpu.vector_store %arg15[%swap3A, %swap3A_150], %mul3A_147 {strides = array<i32>} : memref<80x80xf32, #tpu.memory_space<vmem>>, vector<16xf32>,
          %add3A_152 = arith.constant 0 : i32
          %add3A_153 = arith.addi %mul3A_140, %add3A_152 : i32
          %get3A_154 = arith.index_cast %add3A_153 : i32 to index
          %get3A_155 = arith.constant 16 : index
          %get3A_156 = tpu.vector_load %arg14[%get3A_154, %get3A_155] {strides = array<i32>} : memref<80x64xf32, #tpu.memory_space<vmem>>, vector<16xf32>,
          %mul3A_157 = vector.broadcast %squeeze3A : f32 to vector<16xf32>
          %mul3A_158 = arith.mulf %get3A_156, %mul3A_157 : vector<16xf32>
          %add3A_159 = arith.constant 0 : i32
          %add3A_160 = arith.addi %mul3A_140, %add3A_159 : i32
          %swap3A_161 = arith.index_cast %add3A_160 : i32 to index
          %swap3A_162 = arith.constant 16 : index
          %swap3A_163 = tpu.vector_load %arg15[%swap3A_161, %swap3A_162] {strides = array<i32>} : memref<80x80xf32, #tpu.memory_space<vmem>>, vector<16xf32>,
          tpu.vector_store %arg15[%swap3A_161, %swap3A_162], %mul3A_158 {strides = array<i32>} : memref<80x80xf32, #tpu.memory_space<vmem>>, vector<16xf32>,
          %add3A_164 = arith.constant 0 : i32
          %add3A_165 = arith.addi %mul3A_140, %add3A_164 : i32
          %get3A_166 = arith.index_cast %add3A_165 : i32 to index
          %get3A_167 = arith.constant 32 : index
          %get3A_168 = tpu.vector_load %arg14[%get3A_166, %get3A_167] {strides = array<i32>} : memref<80x64xf32, #tpu.memory_space<vmem>>, vector<16xf32>,
          %mul3A_169 = vector.broadcast %squeeze3A : f32 to vector<16xf32>
          %mul3A_170 = arith.mulf %get3A_168, %mul3A_169 : vector<16xf32>
          %add3A_171 = arith.constant 0 : i32
          %add3A_172 = arith.addi %mul3A_140, %add3A_171 : i32
          %swap3A_173 = arith.index_cast %add3A_172 : i32 to index
          %swap3A_174 = arith.constant 32 : index
          %swap3A_175 = tpu.vector_load %arg15[%swap3A_173, %swap3A_174] {strides = array<i32>} : memref<80x80xf32, #tpu.memory_space<vmem>>, vector<16xf32>,
          tpu.vector_store %arg15[%swap3A_173, %swap3A_174], %mul3A_170 {strides = array<i32>} : memref<80x80xf32, #tpu.memory_space<vmem>>, vector<16xf32>,
          %add3A_176 = arith.constant 0 : i32
          %add3A_177 = arith.addi %mul3A_140, %add3A_176 : i32
          %get3A_178 = arith.index_cast %add3A_177 : i32 to index
          %get3A_179 = arith.constant 48 : index
          %get3A_180 = tpu.vector_load %arg14[%get3A_178, %get3A_179] {strides = array<i32>} : memref<80x64xf32, #tpu.memory_space<vmem>>, vector<16xf32>,
          %mul3A_181 = vector.broadcast %squeeze3A : f32 to vector<16xf32>
          %mul3A_182 = arith.mulf %get3A_180, %mul3A_181 : vector<16xf32>
          %add3A_183 = arith.constant 0 : i32
          %add3A_184 = arith.addi %mul3A_140, %add3A_183 : i32
          %swap3A_185 = arith.index_cast %add3A_184 : i32 to index
          %swap3A_186 = arith.constant 48 : index
          %swap3A_187 = tpu.vector_load %arg15[%swap3A_185, %swap3A_186] {strides = array<i32>} : memref<80x80xf32, #tpu.memory_space<vmem>>, vector<16xf32>,
          tpu.vector_store %arg15[%swap3A_185, %swap3A_186], %mul3A_182 {strides = array<i32>} : memref<80x80xf32, #tpu.memory_space<vmem>>, vector<16xf32>,
          %mul3A_188 = vector.broadcast %squeeze3A : f32 to vector<16xf32>
          %mul3A_189 = arith.mulf %mul3A_188, %convert_element_type3A_30 : vector<16xf32>
          %add3A_190 = arith.constant 0 : i32
          %add3A_191 = arith.addi %mul3A_140, %add3A_190 : i32
          %swap3A_192 = arith.index_cast %add3A_191 : i32 to index
          %swap3A_193 = arith.constant 64 : index
          %swap3A_194 = tpu.vector_load %arg15[%swap3A_192, %swap3A_193] {strides = array<i32>} : memref<80x80xf32, #tpu.memory_space<vmem>>, vector<16xf32>,
          tpu.vector_store %arg15[%swap3A_192, %swap3A_193], %mul3A_189 {strides = array<i32>} : memref<80x80xf32, #tpu.memory_space<vmem>>, vector<16xf32>,
          %slice3A_195 = vector.extract_strided_slice %get3A_138 {offsets = [1], sizes = [1], strides = [1]} : vector<16xf32> to vector<1xf32>
          %squeeze3A_196 = vector.extract %slice3A_195[0] : f32 from vector<1xf32>
          %add3A_197 = arith.constant 1 : i32
          %add3A_198 = arith.addi %mul3A_140, %add3A_197 : i32
          %get3A_199 = arith.index_cast %add3A_198 : i32 to index
          %get3A_200 = arith.constant 0 : index
          %get3A_201 = tpu.vector_load %arg14[%get3A_199, %get3A_200] {strides = array<i32>} : memref<80x64xf32, #tpu.memory_space<vmem>>, vector<16xf32>,
          %mul3A_202 = vector.broadcast %squeeze3A_196 : f32 to vector<16xf32>
          %mul3A_203 = arith.mulf %get3A_201, %mul3A_202 : vector<16xf32>
          %add3A_204 = arith.constant 1 : i32
          %add3A_205 = arith.addi %mul3A_140, %add3A_204 : i32
          %swap3A_206 = arith.index_cast %add3A_205 : i32 to index
          %swap3A_207 = arith.constant 0 : index
          %swap3A_208 = tpu.vector_load %arg15[%swap3A_206, %swap3A_207] {strides = array<i32>} : memref<80x80xf32, #tpu.memory_space<vmem>>, vector<16xf32>,
          tpu.vector_store %arg15[%swap3A_206, %swap3A_207], %mul3A_203 {strides = array<i32>} : memref<80x80xf32, #tpu.memory_space<vmem>>, vector<16xf32>,
          %add3A_209 = arith.constant 1 : i32
          %add3A_210 = arith.addi %mul3A_140, %add3A_209 : i32
          %get3A_211 = arith.index_cast %add3A_210 : i32 to index
          %get3A_212 = arith.constant 16 : index
          %get3A_213 = tpu.vector_load %arg14[%get3A_211, %get3A_212] {strides = array<i32>} : memref<80x64xf32, #tpu.memory_space<vmem>>, vector<16xf32>,
          %mul3A_214 = vector.broadcast %squeeze3A_196 : f32 to vector<16xf32>
          %mul3A_215 = arith.mulf %get3A_213, %mul3A_214 : vector<16xf32>
          %add3A_216 = arith.constant 1 : i32
          %add3A_217 = arith.addi %mul3A_140, %add3A_216 : i32
          %swap3A_218 = arith.index_cast %add3A_217 : i32 to index
          %swap3A_219 = arith.constant 16 : index
          %swap3A_220 = tpu.vector_load %arg15[%swap3A_218, %swap3A_219] {strides = array<i32>} : memref<80x80xf32, #tpu.memory_space<vmem>>, vector<16xf32>,
          tpu.vector_store %arg15[%swap3A_218, %swap3A_219], %mul3A_215 {strides = array<i32>} : memref<80x80xf32, #tpu.memory_space<vmem>>, vector<16xf32>,
          %add3A_221 = arith.constant 1 : i32
          %add3A_222 = arith.addi %mul3A_140, %add3A_221 : i32
          %get3A_223 = arith.index_cast %add3A_222 : i32 to index
          %get3A_224 = arith.constant 32 : index
          %get3A_225 = tpu.vector_load %arg14[%get3A_223, %get3A_224] {strides = array<i32>} : memref<80x64xf32, #tpu.memory_space<vmem>>, vector<16xf32>,
          %mul3A_226 = vector.broadcast %squeeze3A_196 : f32 to vector<16xf32>
          %mul3A_227 = arith.mulf %get3A_225, %mul3A_226 : vector<16xf32>
          %add3A_228 = arith.constant 1 : i32
          %add3A_229 = arith.addi %mul3A_140, %add3A_228 : i32
          %swap3A_230 = arith.index_cast %add3A_229 : i32 to index
          %swap3A_231 = arith.constant 32 : index
          %swap3A_232 = tpu.vector_load %arg15[%swap3A_230, %swap3A_231] {strides = array<i32>} : memref<80x80xf32, #tpu.memory_space<vmem>>, vector<16xf32>,
          tpu.vector_store %arg15[%swap3A_230, %swap3A_231], %mul3A_227 {strides = array<i32>} : memref<80x80xf32, #tpu.memory_space<vmem>>, vector<16xf32>,
          %add3A_233 = arith.constant 1 : i32
          %add3A_234 = arith.addi %mul3A_140, %add3A_233 : i32
          %get3A_235 = arith.index_cast %add3A_234 : i32 to index
          %get3A_236 = arith.constant 48 : index
          %get3A_237 = tpu.vector_load %arg14[%get3A_235, %get3A_236] {strides = array<i32>} : memref<80x64xf32, #tpu.memory_space<vmem>>, vector<16xf32>,
          %mul3A_238 = vector.broadcast %squeeze3A_196 : f32 to vector<16xf32>
          %mul3A_239 = arith.mulf %get3A_237, %mul3A_238 : vector<16xf32>
          %add3A_240 = arith.constant 1 : i32
          %add3A_241 = arith.addi %mul3A_140, %add3A_240 : i32
          %swap3A_242 = arith.index_cast %add3A_241 : i32 to index
          %swap3A_243 = arith.constant 48 : index
          %swap3A_244 = tpu.vector_load %arg15[%swap3A_242, %swap3A_243] {strides = array<i32>} : memref<80x80xf32, #tpu.memory_space<vmem>>, vector<16xf32>,
          tpu.vector_store %arg15[%swap3A_242, %swap3A_243], %mul3A_239 {strides = array<i32>} : memref<80x80xf32, #tpu.memory_space<vmem>>, vector<16xf32>,
          %mul3A_245 = vector.broadcast %squeeze3A_196 : f32 to vector<16xf32>
          %mul3A_246 = arith.mulf %mul3A_245, %convert_element_type3A_30 : vector<16xf32>
          %add3A_247 = arith.constant 1 : i32
          %add3A_248 = arith.addi %mul3A_140, %add3A_247 : i32
          %swap3A_249 = arith.index_cast %add3A_248 : i32 to index
          %swap3A_250 = arith.constant 64 : index
          %swap3A_251 = tpu.vector_load %arg15[%swap3A_249, %swap3A_250] {strides = array<i32>} : memref<80x80xf32, #tpu.memory_space<vmem>>, vector<16xf32>,
          tpu.vector_store %arg15[%swap3A_249, %swap3A_250], %mul3A_246 {strides = array<i32>} : memref<80x80xf32, #tpu.memory_space<vmem>>, vector<16xf32>,
          %slice3A_252 = vector.extract_strided_slice %get3A_138 {offsets = [2], sizes = [1], strides = [1]} : vector<16xf32> to vector<1xf32>
          %squeeze3A_253 = vector.extract %slice3A_252[0] : f32 from vector<1xf32>
          %add3A_254 = arith.constant 2 : i32
          %add3A_255 = arith.addi %mul3A_140, %add3A_254 : i32
          %get3A_256 = arith.index_cast %add3A_255 : i32 to index
          %get3A_257 = arith.constant 0 : index
          %get3A_258 = tpu.vector_load %arg14[%get3A_256, %get3A_257] {strides = array<i32>} : memref<80x64xf32, #tpu.memory_space<vmem>>, vector<16xf32>,
          %mul3A_259 = vector.broadcast %squeeze3A_253 : f32 to vector<16xf32>
          %mul3A_260 = arith.mulf %get3A_258, %mul3A_259 : vector<16xf32>
          %add3A_261 = arith.constant 2 : i32
          %add3A_262 = arith.addi %mul3A_140, %add3A_261 : i32
          %swap3A_263 = arith.index_cast %add3A_262 : i32 to index
          %swap3A_264 = arith.constant 0 : index
          %swap3A_265 = tpu.vector_load %arg15[%swap3A_263, %swap3A_264] {strides = array<i32>} : memref<80x80xf32, #tpu.memory_space<vmem>>, vector<16xf32>,
          tpu.vector_store %arg15[%swap3A_263, %swap3A_264], %mul3A_260 {strides = array<i32>} : memref<80x80xf32, #tpu.memory_space<vmem>>, vector<16xf32>,
          %add3A_266 = arith.constant 2 : i32
          %add3A_267 = arith.addi %mul3A_140, %add3A_266 : i32
          %get3A_268 = arith.index_cast %add3A_267 : i32 to index
          %get3A_269 = arith.constant 16 : index
          %get3A_270 = tpu.vector_load %arg14[%get3A_268, %get3A_269] {strides = array<i32>} : memref<80x64xf32, #tpu.memory_space<vmem>>, vector<16xf32>,
          %mul3A_271 = vector.broadcast %squeeze3A_253 : f32 to vector<16xf32>
          %mul3A_272 = arith.mulf %get3A_270, %mul3A_271 : vector<16xf32>
          %add3A_273 = arith.constant 2 : i32
          %add3A_274 = arith.addi %mul3A_140, %add3A_273 : i32
          %swap3A_275 = arith.index_cast %add3A_274 : i32 to index
          %swap3A_276 = arith.constant 16 : index
          %swap3A_277 = tpu.vector_load %arg15[%swap3A_275, %swap3A_276] {strides = array<i32>} : memref<80x80xf32, #tpu.memory_space<vmem>>, vector<16xf32>,
          tpu.vector_store %arg15[%swap3A_275, %swap3A_276], %mul3A_272 {strides = array<i32>} : memref<80x80xf32, #tpu.memory_space<vmem>>, vector<16xf32>,
          %add3A_278 = arith.constant 2 : i32
          %add3A_279 = arith.addi %mul3A_140, %add3A_278 : i32
          %get3A_280 = arith.index_cast %add3A_279 : i32 to index
          %get3A_281 = arith.constant 32 : index
          %get3A_282 = tpu.vector_load %arg14[%get3A_280, %get3A_281] {strides = array<i32>} : memref<80x64xf32, #tpu.memory_space<vmem>>, vector<16xf32>,
          %mul3A_283 = vector.broadcast %squeeze3A_253 : f32 to vector<16xf32>
          %mul3A_284 = arith.mulf %get3A_282, %mul3A_283 : vector<16xf32>
          %add3A_285 = arith.constant 2 : i32
          %add3A_286 = arith.addi %mul3A_140, %add3A_285 : i32
          %swap3A_287 = arith.index_cast %add3A_286 : i32 to index
          %swap3A_288 = arith.constant 32 : index
          %swap3A_289 = tpu.vector_load %arg15[%swap3A_287, %swap3A_288] {strides = array<i32>} : memref<80x80xf32, #tpu.memory_space<vmem>>, vector<16xf32>,
          tpu.vector_store %arg15[%swap3A_287, %swap3A_288], %mul3A_284 {strides = array<i32>} : memref<80x80xf32, #tpu.memory_space<vmem>>, vector<16xf32>,
          %add3A_290 = arith.constant 2 : i32
          %add3A_291 = arith.addi %mul3A_140, %add3A_290 : i32
          %get3A_292 = arith.index_cast %add3A_291 : i32 to index
          %get3A_293 = arith.constant 48 : index
          %get3A_294 = tpu.vector_load %arg14[%get3A_292, %get3A_293] {strides = array<i32>} : memref<80x64xf32, #tpu.memory_space<vmem>>, vector<16xf32>,
          %mul3A_295 = vector.broadcast %squeeze3A_253 : f32 to vector<16xf32>
          %mul3A_296 = arith.mulf %get3A_294, %mul3A_295 : vector<16xf32>
          %add3A_297 = arith.constant 2 : i32
          %add3A_298 = arith.addi %mul3A_140, %add3A_297 : i32
          %swap3A_299 = arith.index_cast %add3A_298 : i32 to index
          %swap3A_300 = arith.constant 48 : index
          %swap3A_301 = tpu.vector_load %arg15[%swap3A_299, %swap3A_300] {strides = array<i32>} : memref<80x80xf32, #tpu.memory_space<vmem>>, vector<16xf32>,
          tpu.vector_store %arg15[%swap3A_299, %swap3A_300], %mul3A_296 {strides = array<i32>} : memref<80x80xf32, #tpu.memory_space<vmem>>, vector<16xf32>,
          %mul3A_302 = vector.broadcast %squeeze3A_253 : f32 to vector<16xf32>
          %mul3A_303 = arith.mulf %mul3A_302, %convert_element_type3A_30 : vector<16xf32>
          %add3A_304 = arith.constant 2 : i32
          %add3A_305 = arith.addi %mul3A_140, %add3A_304 : i32
          %swap3A_306 = arith.index_cast %add3A_305 : i32 to index
          %swap3A_307 = arith.constant 64 : index
          %swap3A_308 = tpu.vector_load %arg15[%swap3A_306, %swap3A_307] {strides = array<i32>} : memref<80x80xf32, #tpu.memory_space<vmem>>, vector<16xf32>,
          tpu.vector_store %arg15[%swap3A_306, %swap3A_307], %mul3A_303 {strides = array<i32>} : memref<80x80xf32, #tpu.memory_space<vmem>>, vector<16xf32>,
          %slice3A_309 = vector.extract_strided_slice %get3A_138 {offsets = [3], sizes = [1], strides = [1]} : vector<16xf32> to vector<1xf32>
          %squeeze3A_310 = vector.extract %slice3A_309[0] : f32 from vector<1xf32>
          %add3A_311 = arith.constant 3 : i32
          %add3A_312 = arith.addi %mul3A_140, %add3A_311 : i32
          %get3A_313 = arith.index_cast %add3A_312 : i32 to index
          %get3A_314 = arith.constant 0 : index
          %get3A_315 = tpu.vector_load %arg14[%get3A_313, %get3A_314] {strides = array<i32>} : memref<80x64xf32, #tpu.memory_space<vmem>>, vector<16xf32>,
          %mul3A_316 = vector.broadcast %squeeze3A_310 : f32 to vector<16xf32>
          %mul3A_317 = arith.mulf %get3A_315, %mul3A_316 : vector<16xf32>
          %add3A_318 = arith.constant 3 : i32
          %add3A_319 = arith.addi %mul3A_140, %add3A_318 : i32
          %swap3A_320 = arith.index_cast %add3A_319 : i32 to index
          %swap3A_321 = arith.constant 0 : index
          %swap3A_322 = tpu.vector_load %arg15[%swap3A_320, %swap3A_321] {strides = array<i32>} : memref<80x80xf32, #tpu.memory_space<vmem>>, vector<16xf32>,
          tpu.vector_store %arg15[%swap3A_320, %swap3A_321], %mul3A_317 {strides = array<i32>} : memref<80x80xf32, #tpu.memory_space<vmem>>, vector<16xf32>,
          %add3A_323 = arith.constant 3 : i32
          %add3A_324 = arith.addi %mul3A_140, %add3A_323 : i32
          %get3A_325 = arith.index_cast %add3A_324 : i32 to index
          %get3A_326 = arith.constant 16 : index
          %get3A_327 = tpu.vector_load %arg14[%get3A_325, %get3A_326] {strides = array<i32>} : memref<80x64xf32, #tpu.memory_space<vmem>>, vector<16xf32>,
          %mul3A_328 = vector.broadcast %squeeze3A_310 : f32 to vector<16xf32>
          %mul3A_329 = arith.mulf %get3A_327, %mul3A_328 : vector<16xf32>
          %add3A_330 = arith.constant 3 : i32
          %add3A_331 = arith.addi %mul3A_140, %add3A_330 : i32
          %swap3A_332 = arith.index_cast %add3A_331 : i32 to index
          %swap3A_333 = arith.constant 16 : index
          %swap3A_334 = tpu.vector_load %arg15[%swap3A_332, %swap3A_333] {strides = array<i32>} : memref<80x80xf32, #tpu.memory_space<vmem>>, vector<16xf32>,
          tpu.vector_store %arg15[%swap3A_332, %swap3A_333], %mul3A_329 {strides = array<i32>} : memref<80x80xf32, #tpu.memory_space<vmem>>, vector<16xf32>,
          %add3A_335 = arith.constant 3 : i32
          %add3A_336 = arith.addi %mul3A_140, %add3A_335 : i32
          %get3A_337 = arith.index_cast %add3A_336 : i32 to index
          %get3A_338 = arith.constant 32 : index
          %get3A_339 = tpu.vector_load %arg14[%get3A_337, %get3A_338] {strides = array<i32>} : memref<80x64xf32, #tpu.memory_space<vmem>>, vector<16xf32>,
          %mul3A_340 = vector.broadcast %squeeze3A_310 : f32 to vector<16xf32>
          %mul3A_341 = arith.mulf %get3A_339, %mul3A_340 : vector<16xf32>
          %add3A_342 = arith.constant 3 : i32
          %add3A_343 = arith.addi %mul3A_140, %add3A_342 : i32
          %swap3A_344 = arith.index_cast %add3A_343 : i32 to index
          %swap3A_345 = arith.constant 32 : index
          %swap3A_346 = tpu.vector_load %arg15[%swap3A_344, %swap3A_345] {strides = array<i32>} : memref<80x80xf32, #tpu.memory_space<vmem>>, vector<16xf32>,
          tpu.vector_store %arg15[%swap3A_344, %swap3A_345], %mul3A_341 {strides = array<i32>} : memref<80x80xf32, #tpu.memory_space<vmem>>, vector<16xf32>,
          %add3A_347 = arith.constant 3 : i32
          %add3A_348 = arith.addi %mul3A_140, %add3A_347 : i32
          %get3A_349 = arith.index_cast %add3A_348 : i32 to index
          %get3A_350 = arith.constant 48 : index
          %get3A_351 = tpu.vector_load %arg14[%get3A_349, %get3A_350] {strides = array<i32>} : memref<80x64xf32, #tpu.memory_space<vmem>>, vector<16xf32>,
          %mul3A_352 = vector.broadcast %squeeze3A_310 : f32 to vector<16xf32>
          %mul3A_353 = arith.mulf %get3A_351, %mul3A_352 : vector<16xf32>
          %add3A_354 = arith.constant 3 : i32
          %add3A_355 = arith.addi %mul3A_140, %add3A_354 : i32
          %swap3A_356 = arith.index_cast %add3A_355 : i32 to index
          %swap3A_357 = arith.constant 48 : index
          %swap3A_358 = tpu.vector_load %arg15[%swap3A_356, %swap3A_357] {strides = array<i32>} : memref<80x80xf32, #tpu.memory_space<vmem>>, vector<16xf32>,
          tpu.vector_store %arg15[%swap3A_356, %swap3A_357], %mul3A_353 {strides = array<i32>} : memref<80x80xf32, #tpu.memory_space<vmem>>, vector<16xf32>,
          %mul3A_359 = vector.broadcast %squeeze3A_310 : f32 to vector<16xf32>
          %mul3A_360 = arith.mulf %mul3A_359, %convert_element_type3A_30 : vector<16xf32>
          %add3A_361 = arith.constant 3 : i32
          %add3A_362 = arith.addi %mul3A_140, %add3A_361 : i32
          %swap3A_363 = arith.index_cast %add3A_362 : i32 to index
          %swap3A_364 = arith.constant 64 : index
          %swap3A_365 = tpu.vector_load %arg15[%swap3A_363, %swap3A_364] {strides = array<i32>} : memref<80x80xf32, #tpu.memory_space<vmem>>, vector<16xf32>,
          tpu.vector_store %arg15[%swap3A_363, %swap3A_364], %mul3A_360 {strides = array<i32>} : memref<80x80xf32, #tpu.memory_space<vmem>>, vector<16xf32>,
          %slice3A_366 = vector.extract_strided_slice %get3A_138 {offsets = [4], sizes = [1], strides = [1]} : vector<16xf32> to vector<1xf32>
          %squeeze3A_367 = vector.extract %slice3A_366[0] : f32 from vector<1xf32>
          %add3A_368 = arith.constant 4 : i32
          %add3A_369 = arith.addi %mul3A_140, %add3A_368 : i32
          %get3A_370 = arith.index_cast %add3A_369 : i32 to index
          %get3A_371 = arith.constant 0 : index
          %get3A_372 = tpu.vector_load %arg14[%get3A_370, %get3A_371] {strides = array<i32>} : memref<80x64xf32, #tpu.memory_space<vmem>>, vector<16xf32>,
          %mul3A_373 = vector.broadcast %squeeze3A_367 : f32 to vector<16xf32>
          %mul3A_374 = arith.mulf %get3A_372, %mul3A_373 : vector<16xf32>
          %add3A_375 = arith.constant 4 : i32
          %add3A_376 = arith.addi %mul3A_140, %add3A_375 : i32
          %swap3A_377 = arith.index_cast %add3A_376 : i32 to index
          %swap3A_378 = arith.constant 0 : index
          %swap3A_379 = tpu.vector_load %arg15[%swap3A_377, %swap3A_378] {strides = array<i32>} : memref<80x80xf32, #tpu.memory_space<vmem>>, vector<16xf32>,
          tpu.vector_store %arg15[%swap3A_377, %swap3A_378], %mul3A_374 {strides = array<i32>} : memref<80x80xf32, #tpu.memory_space<vmem>>, vector<16xf32>,
          %add3A_380 = arith.constant 4 : i32
          %add3A_381 = arith.addi %mul3A_140, %add3A_380 : i32
          %get3A_382 = arith.index_cast %add3A_381 : i32 to index
          %get3A_383 = arith.constant 16 : index
          %get3A_384 = tpu.vector_load %arg14[%get3A_382, %get3A_383] {strides = array<i32>} : memref<80x64xf32, #tpu.memory_space<vmem>>, vector<16xf32>,
          %mul3A_385 = vector.broadcast %squeeze3A_367 : f32 to vector<16xf32>
          %mul3A_386 = arith.mulf %get3A_384, %mul3A_385 : vector<16xf32>
          %add3A_387 = arith.constant 4 : i32
          %add3A_388 = arith.addi %mul3A_140, %add3A_387 : i32
          %swap3A_389 = arith.index_cast %add3A_388 : i32 to index
          %swap3A_390 = arith.constant 16 : index
          %swap3A_391 = tpu.vector_load %arg15[%swap3A_389, %swap3A_390] {strides = array<i32>} : memref<80x80xf32, #tpu.memory_space<vmem>>, vector<16xf32>,
          tpu.vector_store %arg15[%swap3A_389, %swap3A_390], %mul3A_386 {strides = array<i32>} : memref<80x80xf32, #tpu.memory_space<vmem>>, vector<16xf32>,
          %add3A_392 = arith.constant 4 : i32
          %add3A_393 = arith.addi %mul3A_140, %add3A_392 : i32
          %get3A_394 = arith.index_cast %add3A_393 : i32 to index
          %get3A_395 = arith.constant 32 : index
          %get3A_396 = tpu.vector_load %arg14[%get3A_394, %get3A_395] {strides = array<i32>} : memref<80x64xf32, #tpu.memory_space<vmem>>, vector<16xf32>,
          %mul3A_397 = vector.broadcast %squeeze3A_367 : f32 to vector<16xf32>
          %mul3A_398 = arith.mulf %get3A_396, %mul3A_397 : vector<16xf32>
          %add3A_399 = arith.constant 4 : i32
          %add3A_400 = arith.addi %mul3A_140, %add3A_399 : i32
          %swap3A_401 = arith.index_cast %add3A_400 : i32 to index
          %swap3A_402 = arith.constant 32 : index
          %swap3A_403 = tpu.vector_load %arg15[%swap3A_401, %swap3A_402] {strides = array<i32>} : memref<80x80xf32, #tpu.memory_space<vmem>>, vector<16xf32>,
          tpu.vector_store %arg15[%swap3A_401, %swap3A_402], %mul3A_398 {strides = array<i32>} : memref<80x80xf32, #tpu.memory_space<vmem>>, vector<16xf32>,
          %add3A_404 = arith.constant 4 : i32
          %add3A_405 = arith.addi %mul3A_140, %add3A_404 : i32
          %get3A_406 = arith.index_cast %add3A_405 : i32 to index
          %get3A_407 = arith.constant 48 : index
          %get3A_408 = tpu.vector_load %arg14[%get3A_406, %get3A_407] {strides = array<i32>} : memref<80x64xf32, #tpu.memory_space<vmem>>, vector<16xf32>,
          %mul3A_409 = vector.broadcast %squeeze3A_367 : f32 to vector<16xf32>
          %mul3A_410 = arith.mulf %get3A_408, %mul3A_409 : vector<16xf32>
          %add3A_411 = arith.constant 4 : i32
          %add3A_412 = arith.addi %mul3A_140, %add3A_411 : i32
          %swap3A_413 = arith.index_cast %add3A_412 : i32 to index
          %swap3A_414 = arith.constant 48 : index
          %swap3A_415 = tpu.vector_load %arg15[%swap3A_413, %swap3A_414] {strides = array<i32>} : memref<80x80xf32, #tpu.memory_space<vmem>>, vector<16xf32>,
          tpu.vector_store %arg15[%swap3A_413, %swap3A_414], %mul3A_410 {strides = array<i32>} : memref<80x80xf32, #tpu.memory_space<vmem>>, vector<16xf32>,
          %mul3A_416 = vector.broadcast %squeeze3A_367 : f32 to vector<16xf32>
          %mul3A_417 = arith.mulf %mul3A_416, %convert_element_type3A_30 : vector<16xf32>
          %add3A_418 = arith.constant 4 : i32
          %add3A_419 = arith.addi %mul3A_140, %add3A_418 : i32
          %swap3A_420 = arith.index_cast %add3A_419 : i32 to index
          %swap3A_421 = arith.constant 64 : index
          %swap3A_422 = tpu.vector_load %arg15[%swap3A_420, %swap3A_421] {strides = array<i32>} : memref<80x80xf32, #tpu.memory_space<vmem>>, vector<16xf32>,
          tpu.vector_store %arg15[%swap3A_420, %swap3A_421], %mul3A_417 {strides = array<i32>} : memref<80x80xf32, #tpu.memory_space<vmem>>, vector<16xf32>,
          %slice3A_423 = vector.extract_strided_slice %get3A_138 {offsets = [5], sizes = [1], strides = [1]} : vector<16xf32> to vector<1xf32>
          %squeeze3A_424 = vector.extract %slice3A_423[0] : f32 from vector<1xf32>
          %add3A_425 = arith.constant 5 : i32
          %add3A_426 = arith.addi %mul3A_140, %add3A_425 : i32
          %get3A_427 = arith.index_cast %add3A_426 : i32 to index
          %get3A_428 = arith.constant 0 : index
          %get3A_429 = tpu.vector_load %arg14[%get3A_427, %get3A_428] {strides = array<i32>} : memref<80x64xf32, #tpu.memory_space<vmem>>, vector<16xf32>,
          %mul3A_430 = vector.broadcast %squeeze3A_424 : f32 to vector<16xf32>
          %mul3A_431 = arith.mulf %get3A_429, %mul3A_430 : vector<16xf32>
          %add3A_432 = arith.constant 5 : i32
          %add3A_433 = arith.addi %mul3A_140, %add3A_432 : i32
          %swap3A_434 = arith.index_cast %add3A_433 : i32 to index
          %swap3A_435 = arith.constant 0 : index
          %swap3A_436 = tpu.vector_load %arg15[%swap3A_434, %swap3A_435] {strides = array<i32>} : memref<80x80xf32, #tpu.memory_space<vmem>>, vector<16xf32>,
          tpu.vector_store %arg15[%swap3A_434, %swap3A_435], %mul3A_431 {strides = array<i32>} : memref<80x80xf32, #tpu.memory_space<vmem>>, vector<16xf32>,
          %add3A_437 = arith.constant 5 : i32
          %add3A_438 = arith.addi %mul3A_140, %add3A_437 : i32
          %get3A_439 = arith.index_cast %add3A_438 : i32 to index
          %get3A_440 = arith.constant 16 : index
          %get3A_441 = tpu.vector_load %arg14[%get3A_439, %get3A_440] {strides = array<i32>} : memref<80x64xf32, #tpu.memory_space<vmem>>, vector<16xf32>,
          %mul3A_442 = vector.broadcast %squeeze3A_424 : f32 to vector<16xf32>
          %mul3A_443 = arith.mulf %get3A_441, %mul3A_442 : vector<16xf32>
          %add3A_444 = arith.constant 5 : i32
          %add3A_445 = arith.addi %mul3A_140, %add3A_444 : i32
          %swap3A_446 = arith.index_cast %add3A_445 : i32 to index
          %swap3A_447 = arith.constant 16 : index
          %swap3A_448 = tpu.vector_load %arg15[%swap3A_446, %swap3A_447] {strides = array<i32>} : memref<80x80xf32, #tpu.memory_space<vmem>>, vector<16xf32>,
          tpu.vector_store %arg15[%swap3A_446, %swap3A_447], %mul3A_443 {strides = array<i32>} : memref<80x80xf32, #tpu.memory_space<vmem>>, vector<16xf32>,
          %add3A_449 = arith.constant 5 : i32
          %add3A_450 = arith.addi %mul3A_140, %add3A_449 : i32
          %get3A_451 = arith.index_cast %add3A_450 : i32 to index
          %get3A_452 = arith.constant 32 : index
          %get3A_453 = tpu.vector_load %arg14[%get3A_451, %get3A_452] {strides = array<i32>} : memref<80x64xf32, #tpu.memory_space<vmem>>, vector<16xf32>,
          %mul3A_454 = vector.broadcast %squeeze3A_424 : f32 to vector<16xf32>
          %mul3A_455 = arith.mulf %get3A_453, %mul3A_454 : vector<16xf32>
          %add3A_456 = arith.constant 5 : i32
          %add3A_457 = arith.addi %mul3A_140, %add3A_456 : i32
          %swap3A_458 = arith.index_cast %add3A_457 : i32 to index
          %swap3A_459 = arith.constant 32 : index
          %swap3A_460 = tpu.vector_load %arg15[%swap3A_458, %swap3A_459] {strides = array<i32>} : memref<80x80xf32, #tpu.memory_space<vmem>>, vector<16xf32>,
          tpu.vector_store %arg15[%swap3A_458, %swap3A_459], %mul3A_455 {strides = array<i32>} : memref<80x80xf32, #tpu.memory_space<vmem>>, vector<16xf32>,
          %add3A_461 = arith.constant 5 : i32
          %add3A_462 = arith.addi %mul3A_140, %add3A_461 : i32
          %get3A_463 = arith.index_cast %add3A_462 : i32 to index
          %get3A_464 = arith.constant 48 : index
          %get3A_465 = tpu.vector_load %arg14[%get3A_463, %get3A_464] {strides = array<i32>} : memref<80x64xf32, #tpu.memory_space<vmem>>, vector<16xf32>,
          %mul3A_466 = vector.broadcast %squeeze3A_424 : f32 to vector<16xf32>
          %mul3A_467 = arith.mulf %get3A_465, %mul3A_466 : vector<16xf32>
          %add3A_468 = arith.constant 5 : i32
          %add3A_469 = arith.addi %mul3A_140, %add3A_468 : i32
          %swap3A_470 = arith.index_cast %add3A_469 : i32 to index
          %swap3A_471 = arith.constant 48 : index
          %swap3A_472 = tpu.vector_load %arg15[%swap3A_470, %swap3A_471] {strides = array<i32>} : memref<80x80xf32, #tpu.memory_space<vmem>>, vector<16xf32>,
          tpu.vector_store %arg15[%swap3A_470, %swap3A_471], %mul3A_467 {strides = array<i32>} : memref<80x80xf32, #tpu.memory_space<vmem>>, vector<16xf32>,
          %mul3A_473 = vector.broadcast %squeeze3A_424 : f32 to vector<16xf32>
          %mul3A_474 = arith.mulf %mul3A_473, %convert_element_type3A_30 : vector<16xf32>
          %add3A_475 = arith.constant 5 : i32
          %add3A_476 = arith.addi %mul3A_140, %add3A_475 : i32
          %swap3A_477 = arith.index_cast %add3A_476 : i32 to index
          %swap3A_478 = arith.constant 64 : index
          %swap3A_479 = tpu.vector_load %arg15[%swap3A_477, %swap3A_478] {strides = array<i32>} : memref<80x80xf32, #tpu.memory_space<vmem>>, vector<16xf32>,
          tpu.vector_store %arg15[%swap3A_477, %swap3A_478], %mul3A_474 {strides = array<i32>} : memref<80x80xf32, #tpu.memory_space<vmem>>, vector<16xf32>,
          %slice3A_480 = vector.extract_strided_slice %get3A_138 {offsets = [6], sizes = [1], strides = [1]} : vector<16xf32> to vector<1xf32>
          %squeeze3A_481 = vector.extract %slice3A_480[0] : f32 from vector<1xf32>
          %add3A_482 = arith.constant 6 : i32
          %add3A_483 = arith.addi %mul3A_140, %add3A_482 : i32
          %get3A_484 = arith.index_cast %add3A_483 : i32 to index
          %get3A_485 = arith.constant 0 : index
          %get3A_486 = tpu.vector_load %arg14[%get3A_484, %get3A_485] {strides = array<i32>} : memref<80x64xf32, #tpu.memory_space<vmem>>, vector<16xf32>,
          %mul3A_487 = vector.broadcast %squeeze3A_481 : f32 to vector<16xf32>
          %mul3A_488 = arith.mulf %get3A_486, %mul3A_487 : vector<16xf32>
          %add3A_489 = arith.constant 6 : i32
          %add3A_490 = arith.addi %mul3A_140, %add3A_489 : i32
          %swap3A_491 = arith.index_cast %add3A_490 : i32 to index
          %swap3A_492 = arith.constant 0 : index
          %swap3A_493 = tpu.vector_load %arg15[%swap3A_491, %swap3A_492] {strides = array<i32>} : memref<80x80xf32, #tpu.memory_space<vmem>>, vector<16xf32>,
          tpu.vector_store %arg15[%swap3A_491, %swap3A_492], %mul3A_488 {strides = array<i32>} : memref<80x80xf32, #tpu.memory_space<vmem>>, vector<16xf32>,
          %add3A_494 = arith.constant 6 : i32
          %add3A_495 = arith.addi %mul3A_140, %add3A_494 : i32
          %get3A_496 = arith.index_cast %add3A_495 : i32 to index
          %get3A_497 = arith.constant 16 : index
          %get3A_498 = tpu.vector_load %arg14[%get3A_496, %get3A_497] {strides = array<i32>} : memref<80x64xf32, #tpu.memory_space<vmem>>, vector<16xf32>,
          %mul3A_499 = vector.broadcast %squeeze3A_481 : f32 to vector<16xf32>
          %mul3A_500 = arith.mulf %get3A_498, %mul3A_499 : vector<16xf32>
          %add3A_501 = arith.constant 6 : i32
          %add3A_502 = arith.addi %mul3A_140, %add3A_501 : i32
          %swap3A_503 = arith.index_cast %add3A_502 : i32 to index
          %swap3A_504 = arith.constant 16 : index
          %swap3A_505 = tpu.vector_load %arg15[%swap3A_503, %swap3A_504] {strides = array<i32>} : memref<80x80xf32, #tpu.memory_space<vmem>>, vector<16xf32>,
          tpu.vector_store %arg15[%swap3A_503, %swap3A_504], %mul3A_500 {strides = array<i32>} : memref<80x80xf32, #tpu.memory_space<vmem>>, vector<16xf32>,
          %add3A_506 = arith.constant 6 : i32
          %add3A_507 = arith.addi %mul3A_140, %add3A_506 : i32
          %get3A_508 = arith.index_cast %add3A_507 : i32 to index
          %get3A_509 = arith.constant 32 : index
          %get3A_510 = tpu.vector_load %arg14[%get3A_508, %get3A_509] {strides = array<i32>} : memref<80x64xf32, #tpu.memory_space<vmem>>, vector<16xf32>,
          %mul3A_511 = vector.broadcast %squeeze3A_481 : f32 to vector<16xf32>
          %mul3A_512 = arith.mulf %get3A_510, %mul3A_511 : vector<16xf32>
          %add3A_513 = arith.constant 6 : i32
          %add3A_514 = arith.addi %mul3A_140, %add3A_513 : i32
          %swap3A_515 = arith.index_cast %add3A_514 : i32 to index
          %swap3A_516 = arith.constant 32 : index
          %swap3A_517 = tpu.vector_load %arg15[%swap3A_515, %swap3A_516] {strides = array<i32>} : memref<80x80xf32, #tpu.memory_space<vmem>>, vector<16xf32>,
          tpu.vector_store %arg15[%swap3A_515, %swap3A_516], %mul3A_512 {strides = array<i32>} : memref<80x80xf32, #tpu.memory_space<vmem>>, vector<16xf32>,
          %add3A_518 = arith.constant 6 : i32
          %add3A_519 = arith.addi %mul3A_140, %add3A_518 : i32
          %get3A_520 = arith.index_cast %add3A_519 : i32 to index
          %get3A_521 = arith.constant 48 : index
          %get3A_522 = tpu.vector_load %arg14[%get3A_520, %get3A_521] {strides = array<i32>} : memref<80x64xf32, #tpu.memory_space<vmem>>, vector<16xf32>,
          %mul3A_523 = vector.broadcast %squeeze3A_481 : f32 to vector<16xf32>
          %mul3A_524 = arith.mulf %get3A_522, %mul3A_523 : vector<16xf32>
          %add3A_525 = arith.constant 6 : i32
          %add3A_526 = arith.addi %mul3A_140, %add3A_525 : i32
          %swap3A_527 = arith.index_cast %add3A_526 : i32 to index
          %swap3A_528 = arith.constant 48 : index
          %swap3A_529 = tpu.vector_load %arg15[%swap3A_527, %swap3A_528] {strides = array<i32>} : memref<80x80xf32, #tpu.memory_space<vmem>>, vector<16xf32>,
          tpu.vector_store %arg15[%swap3A_527, %swap3A_528], %mul3A_524 {strides = array<i32>} : memref<80x80xf32, #tpu.memory_space<vmem>>, vector<16xf32>,
          %mul3A_530 = vector.broadcast %squeeze3A_481 : f32 to vector<16xf32>
          %mul3A_531 = arith.mulf %mul3A_530, %convert_element_type3A_30 : vector<16xf32>
          %add3A_532 = arith.constant 6 : i32
          %add3A_533 = arith.addi %mul3A_140, %add3A_532 : i32
          %swap3A_534 = arith.index_cast %add3A_533 : i32 to index
          %swap3A_535 = arith.constant 64 : index
          %swap3A_536 = tpu.vector_load %arg15[%swap3A_534, %swap3A_535] {strides = array<i32>} : memref<80x80xf32, #tpu.memory_space<vmem>>, vector<16xf32>,
          tpu.vector_store %arg15[%swap3A_534, %swap3A_535], %mul3A_531 {strides = array<i32>} : memref<80x80xf32, #tpu.memory_space<vmem>>, vector<16xf32>,
          %slice3A_537 = vector.extract_strided_slice %get3A_138 {offsets = [7], sizes = [1], strides = [1]} : vector<16xf32> to vector<1xf32>
          %squeeze3A_538 = vector.extract %slice3A_537[0] : f32 from vector<1xf32>
          %add3A_539 = arith.constant 7 : i32
          %add3A_540 = arith.addi %mul3A_140, %add3A_539 : i32
          %get3A_541 = arith.index_cast %add3A_540 : i32 to index
          %get3A_542 = arith.constant 0 : index
          %get3A_543 = tpu.vector_load %arg14[%get3A_541, %get3A_542] {strides = array<i32>} : memref<80x64xf32, #tpu.memory_space<vmem>>, vector<16xf32>,
          %mul3A_544 = vector.broadcast %squeeze3A_538 : f32 to vector<16xf32>
          %mul3A_545 = arith.mulf %get3A_543, %mul3A_544 : vector<16xf32>
          %add3A_546 = arith.constant 7 : i32
          %add3A_547 = arith.addi %mul3A_140, %add3A_546 : i32
          %swap3A_548 = arith.index_cast %add3A_547 : i32 to index
          %swap3A_549 = arith.constant 0 : index
          %swap3A_550 = tpu.vector_load %arg15[%swap3A_548, %swap3A_549] {strides = array<i32>} : memref<80x80xf32, #tpu.memory_space<vmem>>, vector<16xf32>,
          tpu.vector_store %arg15[%swap3A_548, %swap3A_549], %mul3A_545 {strides = array<i32>} : memref<80x80xf32, #tpu.memory_space<vmem>>, vector<16xf32>,
          %add3A_551 = arith.constant 7 : i32
          %add3A_552 = arith.addi %mul3A_140, %add3A_551 : i32
          %get3A_553 = arith.index_cast %add3A_552 : i32 to index
          %get3A_554 = arith.constant 16 : index
          %get3A_555 = tpu.vector_load %arg14[%get3A_553, %get3A_554] {strides = array<i32>} : memref<80x64xf32, #tpu.memory_space<vmem>>, vector<16xf32>,
          %mul3A_556 = vector.broadcast %squeeze3A_538 : f32 to vector<16xf32>
          %mul3A_557 = arith.mulf %get3A_555, %mul3A_556 : vector<16xf32>
          %add3A_558 = arith.constant 7 : i32
          %add3A_559 = arith.addi %mul3A_140, %add3A_558 : i32
          %swap3A_560 = arith.index_cast %add3A_559 : i32 to index
          %swap3A_561 = arith.constant 16 : index
          %swap3A_562 = tpu.vector_load %arg15[%swap3A_560, %swap3A_561] {strides = array<i32>} : memref<80x80xf32, #tpu.memory_space<vmem>>, vector<16xf32>,
          tpu.vector_store %arg15[%swap3A_560, %swap3A_561], %mul3A_557 {strides = array<i32>} : memref<80x80xf32, #tpu.memory_space<vmem>>, vector<16xf32>,
          %add3A_563 = arith.constant 7 : i32
          %add3A_564 = arith.addi %mul3A_140, %add3A_563 : i32
          %get3A_565 = arith.index_cast %add3A_564 : i32 to index
          %get3A_566 = arith.constant 32 : index
          %get3A_567 = tpu.vector_load %arg14[%get3A_565, %get3A_566] {strides = array<i32>} : memref<80x64xf32, #tpu.memory_space<vmem>>, vector<16xf32>,
          %mul3A_568 = vector.broadcast %squeeze3A_538 : f32 to vector<16xf32>
          %mul3A_569 = arith.mulf %get3A_567, %mul3A_568 : vector<16xf32>
          %add3A_570 = arith.constant 7 : i32
          %add3A_571 = arith.addi %mul3A_140, %add3A_570 : i32
          %swap3A_572 = arith.index_cast %add3A_571 : i32 to index
          %swap3A_573 = arith.constant 32 : index
          %swap3A_574 = tpu.vector_load %arg15[%swap3A_572, %swap3A_573] {strides = array<i32>} : memref<80x80xf32, #tpu.memory_space<vmem>>, vector<16xf32>,
          tpu.vector_store %arg15[%swap3A_572, %swap3A_573], %mul3A_569 {strides = array<i32>} : memref<80x80xf32, #tpu.memory_space<vmem>>, vector<16xf32>,
          %add3A_575 = arith.constant 7 : i32
          %add3A_576 = arith.addi %mul3A_140, %add3A_575 : i32
          %get3A_577 = arith.index_cast %add3A_576 : i32 to index
          %get3A_578 = arith.constant 48 : index
          %get3A_579 = tpu.vector_load %arg14[%get3A_577, %get3A_578] {strides = array<i32>} : memref<80x64xf32, #tpu.memory_space<vmem>>, vector<16xf32>,
          %mul3A_580 = vector.broadcast %squeeze3A_538 : f32 to vector<16xf32>
          %mul3A_581 = arith.mulf %get3A_579, %mul3A_580 : vector<16xf32>
          %add3A_582 = arith.constant 7 : i32
          %add3A_583 = arith.addi %mul3A_140, %add3A_582 : i32
          %swap3A_584 = arith.index_cast %add3A_583 : i32 to index
          %swap3A_585 = arith.constant 48 : index
          %swap3A_586 = tpu.vector_load %arg15[%swap3A_584, %swap3A_585] {strides = array<i32>} : memref<80x80xf32, #tpu.memory_space<vmem>>, vector<16xf32>,
          tpu.vector_store %arg15[%swap3A_584, %swap3A_585], %mul3A_581 {strides = array<i32>} : memref<80x80xf32, #tpu.memory_space<vmem>>, vector<16xf32>,
          %mul3A_587 = vector.broadcast %squeeze3A_538 : f32 to vector<16xf32>
          %mul3A_588 = arith.mulf %mul3A_587, %convert_element_type3A_30 : vector<16xf32>
          %add3A_589 = arith.constant 7 : i32
          %add3A_590 = arith.addi %mul3A_140, %add3A_589 : i32
          %swap3A_591 = arith.index_cast %add3A_590 : i32 to index
          %swap3A_592 = arith.constant 64 : index
          %swap3A_593 = tpu.vector_load %arg15[%swap3A_591, %swap3A_592] {strides = array<i32>} : memref<80x80xf32, #tpu.memory_space<vmem>>, vector<16xf32>,
          tpu.vector_store %arg15[%swap3A_591, %swap3A_592], %mul3A_588 {strides = array<i32>} : memref<80x80xf32, #tpu.memory_space<vmem>>, vector<16xf32>,
          %slice3A_594 = vector.extract_strided_slice %get3A_138 {offsets = [8], sizes = [1], strides = [1]} : vector<16xf32> to vector<1xf32>
          %squeeze3A_595 = vector.extract %slice3A_594[0] : f32 from vector<1xf32>
          %add3A_596 = arith.constant 8 : i32
          %add3A_597 = arith.addi %mul3A_140, %add3A_596 : i32
          %get3A_598 = arith.index_cast %add3A_597 : i32 to index
          %get3A_599 = arith.constant 0 : index
          %get3A_600 = tpu.vector_load %arg14[%get3A_598, %get3A_599] {strides = array<i32>} : memref<80x64xf32, #tpu.memory_space<vmem>>, vector<16xf32>,
          %mul3A_601 = vector.broadcast %squeeze3A_595 : f32 to vector<16xf32>
          %mul3A_602 = arith.mulf %get3A_600, %mul3A_601 : vector<16xf32>
          %add3A_603 = arith.constant 8 : i32
          %add3A_604 = arith.addi %mul3A_140, %add3A_603 : i32
          %swap3A_605 = arith.index_cast %add3A_604 : i32 to index
          %swap3A_606 = arith.constant 0 : index
          %swap3A_607 = tpu.vector_load %arg15[%swap3A_605, %swap3A_606] {strides = array<i32>} : memref<80x80xf32, #tpu.memory_space<vmem>>, vector<16xf32>,
          tpu.vector_store %arg15[%swap3A_605, %swap3A_606], %mul3A_602 {strides = array<i32>} : memref<80x80xf32, #tpu.memory_space<vmem>>, vector<16xf32>,
          %add3A_608 = arith.constant 8 : i32
          %add3A_609 = arith.addi %mul3A_140, %add3A_608 : i32
          %get3A_610 = arith.index_cast %add3A_609 : i32 to index
          %get3A_611 = arith.constant 16 : index
          %get3A_612 = tpu.vector_load %arg14[%get3A_610, %get3A_611] {strides = array<i32>} : memref<80x64xf32, #tpu.memory_space<vmem>>, vector<16xf32>,
          %mul3A_613 = vector.broadcast %squeeze3A_595 : f32 to vector<16xf32>
          %mul3A_614 = arith.mulf %get3A_612, %mul3A_613 : vector<16xf32>
          %add3A_615 = arith.constant 8 : i32
          %add3A_616 = arith.addi %mul3A_140, %add3A_615 : i32
          %swap3A_617 = arith.index_cast %add3A_616 : i32 to index
          %swap3A_618 = arith.constant 16 : index
          %swap3A_619 = tpu.vector_load %arg15[%swap3A_617, %swap3A_618] {strides = array<i32>} : memref<80x80xf32, #tpu.memory_space<vmem>>, vector<16xf32>,
          tpu.vector_store %arg15[%swap3A_617, %swap3A_618], %mul3A_614 {strides = array<i32>} : memref<80x80xf32, #tpu.memory_space<vmem>>, vector<16xf32>,
          %add3A_620 = arith.constant 8 : i32
          %add3A_621 = arith.addi %mul3A_140, %add3A_620 : i32
          %get3A_622 = arith.index_cast %add3A_621 : i32 to index
          %get3A_623 = arith.constant 32 : index
          %get3A_624 = tpu.vector_load %arg14[%get3A_622, %get3A_623] {strides = array<i32>} : memref<80x64xf32, #tpu.memory_space<vmem>>, vector<16xf32>,
          %mul3A_625 = vector.broadcast %squeeze3A_595 : f32 to vector<16xf32>
          %mul3A_626 = arith.mulf %get3A_624, %mul3A_625 : vector<16xf32>
          %add3A_627 = arith.constant 8 : i32
          %add3A_628 = arith.addi %mul3A_140, %add3A_627 : i32
          %swap3A_629 = arith.index_cast %add3A_628 : i32 to index
          %swap3A_630 = arith.constant 32 : index
          %swap3A_631 = tpu.vector_load %arg15[%swap3A_629, %swap3A_630] {strides = array<i32>} : memref<80x80xf32, #tpu.memory_space<vmem>>, vector<16xf32>,
          tpu.vector_store %arg15[%swap3A_629, %swap3A_630], %mul3A_626 {strides = array<i32>} : memref<80x80xf32, #tpu.memory_space<vmem>>, vector<16xf32>,
          %add3A_632 = arith.constant 8 : i32
          %add3A_633 = arith.addi %mul3A_140, %add3A_632 : i32
          %get3A_634 = arith.index_cast %add3A_633 : i32 to index
          %get3A_635 = arith.constant 48 : index
          %get3A_636 = tpu.vector_load %arg14[%get3A_634, %get3A_635] {strides = array<i32>} : memref<80x64xf32, #tpu.memory_space<vmem>>, vector<16xf32>,
          %mul3A_637 = vector.broadcast %squeeze3A_595 : f32 to vector<16xf32>
          %mul3A_638 = arith.mulf %get3A_636, %mul3A_637 : vector<16xf32>
          %add3A_639 = arith.constant 8 : i32
          %add3A_640 = arith.addi %mul3A_140, %add3A_639 : i32
          %swap3A_641 = arith.index_cast %add3A_640 : i32 to index
          %swap3A_642 = arith.constant 48 : index
          %swap3A_643 = tpu.vector_load %arg15[%swap3A_641, %swap3A_642] {strides = array<i32>} : memref<80x80xf32, #tpu.memory_space<vmem>>, vector<16xf32>,
          tpu.vector_store %arg15[%swap3A_641, %swap3A_642], %mul3A_638 {strides = array<i32>} : memref<80x80xf32, #tpu.memory_space<vmem>>, vector<16xf32>,
          %mul3A_644 = vector.broadcast %squeeze3A_595 : f32 to vector<16xf32>
          %mul3A_645 = arith.mulf %mul3A_644, %convert_element_type3A_30 : vector<16xf32>
          %add3A_646 = arith.constant 8 : i32
          %add3A_647 = arith.addi %mul3A_140, %add3A_646 : i32
          %swap3A_648 = arith.index_cast %add3A_647 : i32 to index
          %swap3A_649 = arith.constant 64 : index
          %swap3A_650 = tpu.vector_load %arg15[%swap3A_648, %swap3A_649] {strides = array<i32>} : memref<80x80xf32, #tpu.memory_space<vmem>>, vector<16xf32>,
          tpu.vector_store %arg15[%swap3A_648, %swap3A_649], %mul3A_645 {strides = array<i32>} : memref<80x80xf32, #tpu.memory_space<vmem>>, vector<16xf32>,
          %slice3A_651 = vector.extract_strided_slice %get3A_138 {offsets = [9], sizes = [1], strides = [1]} : vector<16xf32> to vector<1xf32>
          %squeeze3A_652 = vector.extract %slice3A_651[0] : f32 from vector<1xf32>
          %add3A_653 = arith.constant 9 : i32
          %add3A_654 = arith.addi %mul3A_140, %add3A_653 : i32
          %get3A_655 = arith.index_cast %add3A_654 : i32 to index
          %get3A_656 = arith.constant 0 : index
          %get3A_657 = tpu.vector_load %arg14[%get3A_655, %get3A_656] {strides = array<i32>} : memref<80x64xf32, #tpu.memory_space<vmem>>, vector<16xf32>,
          %mul3A_658 = vector.broadcast %squeeze3A_652 : f32 to vector<16xf32>
          %mul3A_659 = arith.mulf %get3A_657, %mul3A_658 : vector<16xf32>
          %add3A_660 = arith.constant 9 : i32
          %add3A_661 = arith.addi %mul3A_140, %add3A_660 : i32
          %swap3A_662 = arith.index_cast %add3A_661 : i32 to index
          %swap3A_663 = arith.constant 0 : index
          %swap3A_664 = tpu.vector_load %arg15[%swap3A_662, %swap3A_663] {strides = array<i32>} : memref<80x80xf32, #tpu.memory_space<vmem>>, vector<16xf32>,
          tpu.vector_store %arg15[%swap3A_662, %swap3A_663], %mul3A_659 {strides = array<i32>} : memref<80x80xf32, #tpu.memory_space<vmem>>, vector<16xf32>,
          %add3A_665 = arith.constant 9 : i32
          %add3A_666 = arith.addi %mul3A_140, %add3A_665 : i32
          %get3A_667 = arith.index_cast %add3A_666 : i32 to index
          %get3A_668 = arith.constant 16 : index
          %get3A_669 = tpu.vector_load %arg14[%get3A_667, %get3A_668] {strides = array<i32>} : memref<80x64xf32, #tpu.memory_space<vmem>>, vector<16xf32>,
          %mul3A_670 = vector.broadcast %squeeze3A_652 : f32 to vector<16xf32>
          %mul3A_671 = arith.mulf %get3A_669, %mul3A_670 : vector<16xf32>
          %add3A_672 = arith.constant 9 : i32
          %add3A_673 = arith.addi %mul3A_140, %add3A_672 : i32
          %swap3A_674 = arith.index_cast %add3A_673 : i32 to index
          %swap3A_675 = arith.constant 16 : index
          %swap3A_676 = tpu.vector_load %arg15[%swap3A_674, %swap3A_675] {strides = array<i32>} : memref<80x80xf32, #tpu.memory_space<vmem>>, vector<16xf32>,
          tpu.vector_store %arg15[%swap3A_674, %swap3A_675], %mul3A_671 {strides = array<i32>} : memref<80x80xf32, #tpu.memory_space<vmem>>, vector<16xf32>,
          %add3A_677 = arith.constant 9 : i32
          %add3A_678 = arith.addi %mul3A_140, %add3A_677 : i32
          %get3A_679 = arith.index_cast %add3A_678 : i32 to index
          %get3A_680 = arith.constant 32 : index
          %get3A_681 = tpu.vector_load %arg14[%get3A_679, %get3A_680] {strides = array<i32>} : memref<80x64xf32, #tpu.memory_space<vmem>>, vector<16xf32>,
          %mul3A_682 = vector.broadcast %squeeze3A_652 : f32 to vector<16xf32>
          %mul3A_683 = arith.mulf %get3A_681, %mul3A_682 : vector<16xf32>
          %add3A_684 = arith.constant 9 : i32
          %add3A_685 = arith.addi %mul3A_140, %add3A_684 : i32
          %swap3A_686 = arith.index_cast %add3A_685 : i32 to index
          %swap3A_687 = arith.constant 32 : index
          %swap3A_688 = tpu.vector_load %arg15[%swap3A_686, %swap3A_687] {strides = array<i32>} : memref<80x80xf32, #tpu.memory_space<vmem>>, vector<16xf32>,
          tpu.vector_store %arg15[%swap3A_686, %swap3A_687], %mul3A_683 {strides = array<i32>} : memref<80x80xf32, #tpu.memory_space<vmem>>, vector<16xf32>,
          %add3A_689 = arith.constant 9 : i32
          %add3A_690 = arith.addi %mul3A_140, %add3A_689 : i32
          %get3A_691 = arith.index_cast %add3A_690 : i32 to index
          %get3A_692 = arith.constant 48 : index
          %get3A_693 = tpu.vector_load %arg14[%get3A_691, %get3A_692] {strides = array<i32>} : memref<80x64xf32, #tpu.memory_space<vmem>>, vector<16xf32>,
          %mul3A_694 = vector.broadcast %squeeze3A_652 : f32 to vector<16xf32>
          %mul3A_695 = arith.mulf %get3A_693, %mul3A_694 : vector<16xf32>
          %add3A_696 = arith.constant 9 : i32
          %add3A_697 = arith.addi %mul3A_140, %add3A_696 : i32
          %swap3A_698 = arith.index_cast %add3A_697 : i32 to index
          %swap3A_699 = arith.constant 48 : index
          %swap3A_700 = tpu.vector_load %arg15[%swap3A_698, %swap3A_699] {strides = array<i32>} : memref<80x80xf32, #tpu.memory_space<vmem>>, vector<16xf32>,
          tpu.vector_store %arg15[%swap3A_698, %swap3A_699], %mul3A_695 {strides = array<i32>} : memref<80x80xf32, #tpu.memory_space<vmem>>, vector<16xf32>,
          %mul3A_701 = vector.broadcast %squeeze3A_652 : f32 to vector<16xf32>
          %mul3A_702 = arith.mulf %mul3A_701, %convert_element_type3A_30 : vector<16xf32>
          %add3A_703 = arith.constant 9 : i32
          %add3A_704 = arith.addi %mul3A_140, %add3A_703 : i32
          %swap3A_705 = arith.index_cast %add3A_704 : i32 to index
          %swap3A_706 = arith.constant 64 : index
          %swap3A_707 = tpu.vector_load %arg15[%swap3A_705, %swap3A_706] {strides = array<i32>} : memref<80x80xf32, #tpu.memory_space<vmem>>, vector<16xf32>,
          tpu.vector_store %arg15[%swap3A_705, %swap3A_706], %mul3A_702 {strides = array<i32>} : memref<80x80xf32, #tpu.memory_space<vmem>>, vector<16xf32>,
          %slice3A_708 = vector.extract_strided_slice %get3A_138 {offsets = [10], sizes = [1], strides = [1]} : vector<16xf32> to vector<1xf32>
          %squeeze3A_709 = vector.extract %slice3A_708[0] : f32 from vector<1xf32>
          %add3A_710 = arith.constant 10 : i32
          %add3A_711 = arith.addi %mul3A_140, %add3A_710 : i32
          %get3A_712 = arith.index_cast %add3A_711 : i32 to index
          %get3A_713 = arith.constant 0 : index
          %get3A_714 = tpu.vector_load %arg14[%get3A_712, %get3A_713] {strides = array<i32>} : memref<80x64xf32, #tpu.memory_space<vmem>>, vector<16xf32>,
          %mul3A_715 = vector.broadcast %squeeze3A_709 : f32 to vector<16xf32>
          %mul3A_716 = arith.mulf %get3A_714, %mul3A_715 : vector<16xf32>
          %add3A_717 = arith.constant 10 : i32
          %add3A_718 = arith.addi %mul3A_140, %add3A_717 : i32
          %swap3A_719 = arith.index_cast %add3A_718 : i32 to index
          %swap3A_720 = arith.constant 0 : index
          %swap3A_721 = tpu.vector_load %arg15[%swap3A_719, %swap3A_720] {strides = array<i32>} : memref<80x80xf32, #tpu.memory_space<vmem>>, vector<16xf32>,
          tpu.vector_store %arg15[%swap3A_719, %swap3A_720], %mul3A_716 {strides = array<i32>} : memref<80x80xf32, #tpu.memory_space<vmem>>, vector<16xf32>,
          %add3A_722 = arith.constant 10 : i32
          %add3A_723 = arith.addi %mul3A_140, %add3A_722 : i32
          %get3A_724 = arith.index_cast %add3A_723 : i32 to index
          %get3A_725 = arith.constant 16 : index
          %get3A_726 = tpu.vector_load %arg14[%get3A_724, %get3A_725] {strides = array<i32>} : memref<80x64xf32, #tpu.memory_space<vmem>>, vector<16xf32>,
          %mul3A_727 = vector.broadcast %squeeze3A_709 : f32 to vector<16xf32>
          %mul3A_728 = arith.mulf %get3A_726, %mul3A_727 : vector<16xf32>
          %add3A_729 = arith.constant 10 : i32
          %add3A_730 = arith.addi %mul3A_140, %add3A_729 : i32
          %swap3A_731 = arith.index_cast %add3A_730 : i32 to index
          %swap3A_732 = arith.constant 16 : index
          %swap3A_733 = tpu.vector_load %arg15[%swap3A_731, %swap3A_732] {strides = array<i32>} : memref<80x80xf32, #tpu.memory_space<vmem>>, vector<16xf32>,
          tpu.vector_store %arg15[%swap3A_731, %swap3A_732], %mul3A_728 {strides = array<i32>} : memref<80x80xf32, #tpu.memory_space<vmem>>, vector<16xf32>,
          %add3A_734 = arith.constant 10 : i32
          %add3A_735 = arith.addi %mul3A_140, %add3A_734 : i32
          %get3A_736 = arith.index_cast %add3A_735 : i32 to index
          %get3A_737 = arith.constant 32 : index
          %get3A_738 = tpu.vector_load %arg14[%get3A_736, %get3A_737] {strides = array<i32>} : memref<80x64xf32, #tpu.memory_space<vmem>>, vector<16xf32>,
          %mul3A_739 = vector.broadcast %squeeze3A_709 : f32 to vector<16xf32>
          %mul3A_740 = arith.mulf %get3A_738, %mul3A_739 : vector<16xf32>
          %add3A_741 = arith.constant 10 : i32
          %add3A_742 = arith.addi %mul3A_140, %add3A_741 : i32
          %swap3A_743 = arith.index_cast %add3A_742 : i32 to index
          %swap3A_744 = arith.constant 32 : index
          %swap3A_745 = tpu.vector_load %arg15[%swap3A_743, %swap3A_744] {strides = array<i32>} : memref<80x80xf32, #tpu.memory_space<vmem>>, vector<16xf32>,
          tpu.vector_store %arg15[%swap3A_743, %swap3A_744], %mul3A_740 {strides = array<i32>} : memref<80x80xf32, #tpu.memory_space<vmem>>, vector<16xf32>,
          %add3A_746 = arith.constant 10 : i32
          %add3A_747 = arith.addi %mul3A_140, %add3A_746 : i32
          %get3A_748 = arith.index_cast %add3A_747 : i32 to index
          %get3A_749 = arith.constant 48 : index
          %get3A_750 = tpu.vector_load %arg14[%get3A_748, %get3A_749] {strides = array<i32>} : memref<80x64xf32, #tpu.memory_space<vmem>>, vector<16xf32>,
          %mul3A_751 = vector.broadcast %squeeze3A_709 : f32 to vector<16xf32>
          %mul3A_752 = arith.mulf %get3A_750, %mul3A_751 : vector<16xf32>
          %add3A_753 = arith.constant 10 : i32
          %add3A_754 = arith.addi %mul3A_140, %add3A_753 : i32
          %swap3A_755 = arith.index_cast %add3A_754 : i32 to index
          %swap3A_756 = arith.constant 48 : index
          %swap3A_757 = tpu.vector_load %arg15[%swap3A_755, %swap3A_756] {strides = array<i32>} : memref<80x80xf32, #tpu.memory_space<vmem>>, vector<16xf32>,
          tpu.vector_store %arg15[%swap3A_755, %swap3A_756], %mul3A_752 {strides = array<i32>} : memref<80x80xf32, #tpu.memory_space<vmem>>, vector<16xf32>,
          %mul3A_758 = vector.broadcast %squeeze3A_709 : f32 to vector<16xf32>
          %mul3A_759 = arith.mulf %mul3A_758, %convert_element_type3A_30 : vector<16xf32>
          %add3A_760 = arith.constant 10 : i32
          %add3A_761 = arith.addi %mul3A_140, %add3A_760 : i32
          %swap3A_762 = arith.index_cast %add3A_761 : i32 to index
          %swap3A_763 = arith.constant 64 : index
          %swap3A_764 = tpu.vector_load %arg15[%swap3A_762, %swap3A_763] {strides = array<i32>} : memref<80x80xf32, #tpu.memory_space<vmem>>, vector<16xf32>,
          tpu.vector_store %arg15[%swap3A_762, %swap3A_763], %mul3A_759 {strides = array<i32>} : memref<80x80xf32, #tpu.memory_space<vmem>>, vector<16xf32>,
          %slice3A_765 = vector.extract_strided_slice %get3A_138 {offsets = [11], sizes = [1], strides = [1]} : vector<16xf32> to vector<1xf32>
          %squeeze3A_766 = vector.extract %slice3A_765[0] : f32 from vector<1xf32>
          %add3A_767 = arith.constant 11 : i32
          %add3A_768 = arith.addi %mul3A_140, %add3A_767 : i32
          %get3A_769 = arith.index_cast %add3A_768 : i32 to index
          %get3A_770 = arith.constant 0 : index
          %get3A_771 = tpu.vector_load %arg14[%get3A_769, %get3A_770] {strides = array<i32>} : memref<80x64xf32, #tpu.memory_space<vmem>>, vector<16xf32>,
          %mul3A_772 = vector.broadcast %squeeze3A_766 : f32 to vector<16xf32>
          %mul3A_773 = arith.mulf %get3A_771, %mul3A_772 : vector<16xf32>
          %add3A_774 = arith.constant 11 : i32
          %add3A_775 = arith.addi %mul3A_140, %add3A_774 : i32
          %swap3A_776 = arith.index_cast %add3A_775 : i32 to index
          %swap3A_777 = arith.constant 0 : index
          %swap3A_778 = tpu.vector_load %arg15[%swap3A_776, %swap3A_777] {strides = array<i32>} : memref<80x80xf32, #tpu.memory_space<vmem>>, vector<16xf32>,
          tpu.vector_store %arg15[%swap3A_776, %swap3A_777], %mul3A_773 {strides = array<i32>} : memref<80x80xf32, #tpu.memory_space<vmem>>, vector<16xf32>,
          %add3A_779 = arith.constant 11 : i32
          %add3A_780 = arith.addi %mul3A_140, %add3A_779 : i32
          %get3A_781 = arith.index_cast %add3A_780 : i32 to index
          %get3A_782 = arith.constant 16 : index
          %get3A_783 = tpu.vector_load %arg14[%get3A_781, %get3A_782] {strides = array<i32>} : memref<80x64xf32, #tpu.memory_space<vmem>>, vector<16xf32>,
          %mul3A_784 = vector.broadcast %squeeze3A_766 : f32 to vector<16xf32>
          %mul3A_785 = arith.mulf %get3A_783, %mul3A_784 : vector<16xf32>
          %add3A_786 = arith.constant 11 : i32
          %add3A_787 = arith.addi %mul3A_140, %add3A_786 : i32
          %swap3A_788 = arith.index_cast %add3A_787 : i32 to index
          %swap3A_789 = arith.constant 16 : index
          %swap3A_790 = tpu.vector_load %arg15[%swap3A_788, %swap3A_789] {strides = array<i32>} : memref<80x80xf32, #tpu.memory_space<vmem>>, vector<16xf32>,
          tpu.vector_store %arg15[%swap3A_788, %swap3A_789], %mul3A_785 {strides = array<i32>} : memref<80x80xf32, #tpu.memory_space<vmem>>, vector<16xf32>,
          %add3A_791 = arith.constant 11 : i32
          %add3A_792 = arith.addi %mul3A_140, %add3A_791 : i32
          %get3A_793 = arith.index_cast %add3A_792 : i32 to index
          %get3A_794 = arith.constant 32 : index
          %get3A_795 = tpu.vector_load %arg14[%get3A_793, %get3A_794] {strides = array<i32>} : memref<80x64xf32, #tpu.memory_space<vmem>>, vector<16xf32>,
          %mul3A_796 = vector.broadcast %squeeze3A_766 : f32 to vector<16xf32>
          %mul3A_797 = arith.mulf %get3A_795, %mul3A_796 : vector<16xf32>
          %add3A_798 = arith.constant 11 : i32
          %add3A_799 = arith.addi %mul3A_140, %add3A_798 : i32
          %swap3A_800 = arith.index_cast %add3A_799 : i32 to index
          %swap3A_801 = arith.constant 32 : index
          %swap3A_802 = tpu.vector_load %arg15[%swap3A_800, %swap3A_801] {strides = array<i32>} : memref<80x80xf32, #tpu.memory_space<vmem>>, vector<16xf32>,
          tpu.vector_store %arg15[%swap3A_800, %swap3A_801], %mul3A_797 {strides = array<i32>} : memref<80x80xf32, #tpu.memory_space<vmem>>, vector<16xf32>,
          %add3A_803 = arith.constant 11 : i32
          %add3A_804 = arith.addi %mul3A_140, %add3A_803 : i32
          %get3A_805 = arith.index_cast %add3A_804 : i32 to index
          %get3A_806 = arith.constant 48 : index
          %get3A_807 = tpu.vector_load %arg14[%get3A_805, %get3A_806] {strides = array<i32>} : memref<80x64xf32, #tpu.memory_space<vmem>>, vector<16xf32>,
          %mul3A_808 = vector.broadcast %squeeze3A_766 : f32 to vector<16xf32>
          %mul3A_809 = arith.mulf %get3A_807, %mul3A_808 : vector<16xf32>
          %add3A_810 = arith.constant 11 : i32
          %add3A_811 = arith.addi %mul3A_140, %add3A_810 : i32
          %swap3A_812 = arith.index_cast %add3A_811 : i32 to index
          %swap3A_813 = arith.constant 48 : index
          %swap3A_814 = tpu.vector_load %arg15[%swap3A_812, %swap3A_813] {strides = array<i32>} : memref<80x80xf32, #tpu.memory_space<vmem>>, vector<16xf32>,
          tpu.vector_store %arg15[%swap3A_812, %swap3A_813], %mul3A_809 {strides = array<i32>} : memref<80x80xf32, #tpu.memory_space<vmem>>, vector<16xf32>,
          %mul3A_815 = vector.broadcast %squeeze3A_766 : f32 to vector<16xf32>
          %mul3A_816 = arith.mulf %mul3A_815, %convert_element_type3A_30 : vector<16xf32>
          %add3A_817 = arith.constant 11 : i32
          %add3A_818 = arith.addi %mul3A_140, %add3A_817 : i32
          %swap3A_819 = arith.index_cast %add3A_818 : i32 to index
          %swap3A_820 = arith.constant 64 : index
          %swap3A_821 = tpu.vector_load %arg15[%swap3A_819, %swap3A_820] {strides = array<i32>} : memref<80x80xf32, #tpu.memory_space<vmem>>, vector<16xf32>,
          tpu.vector_store %arg15[%swap3A_819, %swap3A_820], %mul3A_816 {strides = array<i32>} : memref<80x80xf32, #tpu.memory_space<vmem>>, vector<16xf32>,
          %slice3A_822 = vector.extract_strided_slice %get3A_138 {offsets = [12], sizes = [1], strides = [1]} : vector<16xf32> to vector<1xf32>
          %squeeze3A_823 = vector.extract %slice3A_822[0] : f32 from vector<1xf32>
          %add3A_824 = arith.constant 12 : i32
          %add3A_825 = arith.addi %mul3A_140, %add3A_824 : i32
          %get3A_826 = arith.index_cast %add3A_825 : i32 to index
          %get3A_827 = arith.constant 0 : index
          %get3A_828 = tpu.vector_load %arg14[%get3A_826, %get3A_827] {strides = array<i32>} : memref<80x64xf32, #tpu.memory_space<vmem>>, vector<16xf32>,
          %mul3A_829 = vector.broadcast %squeeze3A_823 : f32 to vector<16xf32>
          %mul3A_830 = arith.mulf %get3A_828, %mul3A_829 : vector<16xf32>
          %add3A_831 = arith.constant 12 : i32
          %add3A_832 = arith.addi %mul3A_140, %add3A_831 : i32
          %swap3A_833 = arith.index_cast %add3A_832 : i32 to index
          %swap3A_834 = arith.constant 0 : index
          %swap3A_835 = tpu.vector_load %arg15[%swap3A_833, %swap3A_834] {strides = array<i32>} : memref<80x80xf32, #tpu.memory_space<vmem>>, vector<16xf32>,
          tpu.vector_store %arg15[%swap3A_833, %swap3A_834], %mul3A_830 {strides = array<i32>} : memref<80x80xf32, #tpu.memory_space<vmem>>, vector<16xf32>,
          %add3A_836 = arith.constant 12 : i32
          %add3A_837 = arith.addi %mul3A_140, %add3A_836 : i32
          %get3A_838 = arith.index_cast %add3A_837 : i32 to index
          %get3A_839 = arith.constant 16 : index
          %get3A_840 = tpu.vector_load %arg14[%get3A_838, %get3A_839] {strides = array<i32>} : memref<80x64xf32, #tpu.memory_space<vmem>>, vector<16xf32>,
          %mul3A_841 = vector.broadcast %squeeze3A_823 : f32 to vector<16xf32>
          %mul3A_842 = arith.mulf %get3A_840, %mul3A_841 : vector<16xf32>
          %add3A_843 = arith.constant 12 : i32
          %add3A_844 = arith.addi %mul3A_140, %add3A_843 : i32
          %swap3A_845 = arith.index_cast %add3A_844 : i32 to index
          %swap3A_846 = arith.constant 16 : index
          %swap3A_847 = tpu.vector_load %arg15[%swap3A_845, %swap3A_846] {strides = array<i32>} : memref<80x80xf32, #tpu.memory_space<vmem>>, vector<16xf32>,
          tpu.vector_store %arg15[%swap3A_845, %swap3A_846], %mul3A_842 {strides = array<i32>} : memref<80x80xf32, #tpu.memory_space<vmem>>, vector<16xf32>,
          %add3A_848 = arith.constant 12 : i32
          %add3A_849 = arith.addi %mul3A_140, %add3A_848 : i32
          %get3A_850 = arith.index_cast %add3A_849 : i32 to index
          %get3A_851 = arith.constant 32 : index
          %get3A_852 = tpu.vector_load %arg14[%get3A_850, %get3A_851] {strides = array<i32>} : memref<80x64xf32, #tpu.memory_space<vmem>>, vector<16xf32>,
          %mul3A_853 = vector.broadcast %squeeze3A_823 : f32 to vector<16xf32>
          %mul3A_854 = arith.mulf %get3A_852, %mul3A_853 : vector<16xf32>
          %add3A_855 = arith.constant 12 : i32
          %add3A_856 = arith.addi %mul3A_140, %add3A_855 : i32
          %swap3A_857 = arith.index_cast %add3A_856 : i32 to index
          %swap3A_858 = arith.constant 32 : index
          %swap3A_859 = tpu.vector_load %arg15[%swap3A_857, %swap3A_858] {strides = array<i32>} : memref<80x80xf32, #tpu.memory_space<vmem>>, vector<16xf32>,
          tpu.vector_store %arg15[%swap3A_857, %swap3A_858], %mul3A_854 {strides = array<i32>} : memref<80x80xf32, #tpu.memory_space<vmem>>, vector<16xf32>,
          %add3A_860 = arith.constant 12 : i32
          %add3A_861 = arith.addi %mul3A_140, %add3A_860 : i32
          %get3A_862 = arith.index_cast %add3A_861 : i32 to index
          %get3A_863 = arith.constant 48 : index
          %get3A_864 = tpu.vector_load %arg14[%get3A_862, %get3A_863] {strides = array<i32>} : memref<80x64xf32, #tpu.memory_space<vmem>>, vector<16xf32>,
          %mul3A_865 = vector.broadcast %squeeze3A_823 : f32 to vector<16xf32>
          %mul3A_866 = arith.mulf %get3A_864, %mul3A_865 : vector<16xf32>
          %add3A_867 = arith.constant 12 : i32
          %add3A_868 = arith.addi %mul3A_140, %add3A_867 : i32
          %swap3A_869 = arith.index_cast %add3A_868 : i32 to index
          %swap3A_870 = arith.constant 48 : index
          %swap3A_871 = tpu.vector_load %arg15[%swap3A_869, %swap3A_870] {strides = array<i32>} : memref<80x80xf32, #tpu.memory_space<vmem>>, vector<16xf32>,
          tpu.vector_store %arg15[%swap3A_869, %swap3A_870], %mul3A_866 {strides = array<i32>} : memref<80x80xf32, #tpu.memory_space<vmem>>, vector<16xf32>,
          %mul3A_872 = vector.broadcast %squeeze3A_823 : f32 to vector<16xf32>
          %mul3A_873 = arith.mulf %mul3A_872, %convert_element_type3A_30 : vector<16xf32>
          %add3A_874 = arith.constant 12 : i32
          %add3A_875 = arith.addi %mul3A_140, %add3A_874 : i32
          %swap3A_876 = arith.index_cast %add3A_875 : i32 to index
          %swap3A_877 = arith.constant 64 : index
          %swap3A_878 = tpu.vector_load %arg15[%swap3A_876, %swap3A_877] {strides = array<i32>} : memref<80x80xf32, #tpu.memory_space<vmem>>, vector<16xf32>,
          tpu.vector_store %arg15[%swap3A_876, %swap3A_877], %mul3A_873 {strides = array<i32>} : memref<80x80xf32, #tpu.memory_space<vmem>>, vector<16xf32>,
          %slice3A_879 = vector.extract_strided_slice %get3A_138 {offsets = [13], sizes = [1], strides = [1]} : vector<16xf32> to vector<1xf32>
          %squeeze3A_880 = vector.extract %slice3A_879[0] : f32 from vector<1xf32>
          %add3A_881 = arith.constant 13 : i32
          %add3A_882 = arith.addi %mul3A_140, %add3A_881 : i32
          %get3A_883 = arith.index_cast %add3A_882 : i32 to index
          %get3A_884 = arith.constant 0 : index
          %get3A_885 = tpu.vector_load %arg14[%get3A_883, %get3A_884] {strides = array<i32>} : memref<80x64xf32, #tpu.memory_space<vmem>>, vector<16xf32>,
          %mul3A_886 = vector.broadcast %squeeze3A_880 : f32 to vector<16xf32>
          %mul3A_887 = arith.mulf %get3A_885, %mul3A_886 : vector<16xf32>
          %add3A_888 = arith.constant 13 : i32
          %add3A_889 = arith.addi %mul3A_140, %add3A_888 : i32
          %swap3A_890 = arith.index_cast %add3A_889 : i32 to index
          %swap3A_891 = arith.constant 0 : index
          %swap3A_892 = tpu.vector_load %arg15[%swap3A_890, %swap3A_891] {strides = array<i32>} : memref<80x80xf32, #tpu.memory_space<vmem>>, vector<16xf32>,
          tpu.vector_store %arg15[%swap3A_890, %swap3A_891], %mul3A_887 {strides = array<i32>} : memref<80x80xf32, #tpu.memory_space<vmem>>, vector<16xf32>,
          %add3A_893 = arith.constant 13 : i32
          %add3A_894 = arith.addi %mul3A_140, %add3A_893 : i32
          %get3A_895 = arith.index_cast %add3A_894 : i32 to index
          %get3A_896 = arith.constant 16 : index
          %get3A_897 = tpu.vector_load %arg14[%get3A_895, %get3A_896] {strides = array<i32>} : memref<80x64xf32, #tpu.memory_space<vmem>>, vector<16xf32>,
          %mul3A_898 = vector.broadcast %squeeze3A_880 : f32 to vector<16xf32>
          %mul3A_899 = arith.mulf %get3A_897, %mul3A_898 : vector<16xf32>
          %add3A_900 = arith.constant 13 : i32
          %add3A_901 = arith.addi %mul3A_140, %add3A_900 : i32
          %swap3A_902 = arith.index_cast %add3A_901 : i32 to index
          %swap3A_903 = arith.constant 16 : index
          %swap3A_904 = tpu.vector_load %arg15[%swap3A_902, %swap3A_903] {strides = array<i32>} : memref<80x80xf32, #tpu.memory_space<vmem>>, vector<16xf32>,
          tpu.vector_store %arg15[%swap3A_902, %swap3A_903], %mul3A_899 {strides = array<i32>} : memref<80x80xf32, #tpu.memory_space<vmem>>, vector<16xf32>,
          %add3A_905 = arith.constant 13 : i32
          %add3A_906 = arith.addi %mul3A_140, %add3A_905 : i32
          %get3A_907 = arith.index_cast %add3A_906 : i32 to index
          %get3A_908 = arith.constant 32 : index
          %get3A_909 = tpu.vector_load %arg14[%get3A_907, %get3A_908] {strides = array<i32>} : memref<80x64xf32, #tpu.memory_space<vmem>>, vector<16xf32>,
          %mul3A_910 = vector.broadcast %squeeze3A_880 : f32 to vector<16xf32>
          %mul3A_911 = arith.mulf %get3A_909, %mul3A_910 : vector<16xf32>
          %add3A_912 = arith.constant 13 : i32
          %add3A_913 = arith.addi %mul3A_140, %add3A_912 : i32
          %swap3A_914 = arith.index_cast %add3A_913 : i32 to index
          %swap3A_915 = arith.constant 32 : index
          %swap3A_916 = tpu.vector_load %arg15[%swap3A_914, %swap3A_915] {strides = array<i32>} : memref<80x80xf32, #tpu.memory_space<vmem>>, vector<16xf32>,
          tpu.vector_store %arg15[%swap3A_914, %swap3A_915], %mul3A_911 {strides = array<i32>} : memref<80x80xf32, #tpu.memory_space<vmem>>, vector<16xf32>,
          %add3A_917 = arith.constant 13 : i32
          %add3A_918 = arith.addi %mul3A_140, %add3A_917 : i32
          %get3A_919 = arith.index_cast %add3A_918 : i32 to index
          %get3A_920 = arith.constant 48 : index
          %get3A_921 = tpu.vector_load %arg14[%get3A_919, %get3A_920] {strides = array<i32>} : memref<80x64xf32, #tpu.memory_space<vmem>>, vector<16xf32>,
          %mul3A_922 = vector.broadcast %squeeze3A_880 : f32 to vector<16xf32>
          %mul3A_923 = arith.mulf %get3A_921, %mul3A_922 : vector<16xf32>
          %add3A_924 = arith.constant 13 : i32
          %add3A_925 = arith.addi %mul3A_140, %add3A_924 : i32
          %swap3A_926 = arith.index_cast %add3A_925 : i32 to index
          %swap3A_927 = arith.constant 48 : index
          %swap3A_928 = tpu.vector_load %arg15[%swap3A_926, %swap3A_927] {strides = array<i32>} : memref<80x80xf32, #tpu.memory_space<vmem>>, vector<16xf32>,
          tpu.vector_store %arg15[%swap3A_926, %swap3A_927], %mul3A_923 {strides = array<i32>} : memref<80x80xf32, #tpu.memory_space<vmem>>, vector<16xf32>,
          %mul3A_929 = vector.broadcast %squeeze3A_880 : f32 to vector<16xf32>
          %mul3A_930 = arith.mulf %mul3A_929, %convert_element_type3A_30 : vector<16xf32>
          %add3A_931 = arith.constant 13 : i32
          %add3A_932 = arith.addi %mul3A_140, %add3A_931 : i32
          %swap3A_933 = arith.index_cast %add3A_932 : i32 to index
          %swap3A_934 = arith.constant 64 : index
          %swap3A_935 = tpu.vector_load %arg15[%swap3A_933, %swap3A_934] {strides = array<i32>} : memref<80x80xf32, #tpu.memory_space<vmem>>, vector<16xf32>,
          tpu.vector_store %arg15[%swap3A_933, %swap3A_934], %mul3A_930 {strides = array<i32>} : memref<80x80xf32, #tpu.memory_space<vmem>>, vector<16xf32>,
          %slice3A_936 = vector.extract_strided_slice %get3A_138 {offsets = [14], sizes = [1], strides = [1]} : vector<16xf32> to vector<1xf32>
          %squeeze3A_937 = vector.extract %slice3A_936[0] : f32 from vector<1xf32>
          %add3A_938 = arith.constant 14 : i32
          %add3A_939 = arith.addi %mul3A_140, %add3A_938 : i32
          %get3A_940 = arith.index_cast %add3A_939 : i32 to index
          %get3A_941 = arith.constant 0 : index
          %get3A_942 = tpu.vector_load %arg14[%get3A_940, %get3A_941] {strides = array<i32>} : memref<80x64xf32, #tpu.memory_space<vmem>>, vector<16xf32>,
          %mul3A_943 = vector.broadcast %squeeze3A_937 : f32 to vector<16xf32>
          %mul3A_944 = arith.mulf %get3A_942, %mul3A_943 : vector<16xf32>
          %add3A_945 = arith.constant 14 : i32
          %add3A_946 = arith.addi %mul3A_140, %add3A_945 : i32
          %swap3A_947 = arith.index_cast %add3A_946 : i32 to index
          %swap3A_948 = arith.constant 0 : index
          %swap3A_949 = tpu.vector_load %arg15[%swap3A_947, %swap3A_948] {strides = array<i32>} : memref<80x80xf32, #tpu.memory_space<vmem>>, vector<16xf32>,
          tpu.vector_store %arg15[%swap3A_947, %swap3A_948], %mul3A_944 {strides = array<i32>} : memref<80x80xf32, #tpu.memory_space<vmem>>, vector<16xf32>,
          %add3A_950 = arith.constant 14 : i32
          %add3A_951 = arith.addi %mul3A_140, %add3A_950 : i32
          %get3A_952 = arith.index_cast %add3A_951 : i32 to index
          %get3A_953 = arith.constant 16 : index
          %get3A_954 = tpu.vector_load %arg14[%get3A_952, %get3A_953] {strides = array<i32>} : memref<80x64xf32, #tpu.memory_space<vmem>>, vector<16xf32>,
          %mul3A_955 = vector.broadcast %squeeze3A_937 : f32 to vector<16xf32>
          %mul3A_956 = arith.mulf %get3A_954, %mul3A_955 : vector<16xf32>
          %add3A_957 = arith.constant 14 : i32
          %add3A_958 = arith.addi %mul3A_140, %add3A_957 : i32
          %swap3A_959 = arith.index_cast %add3A_958 : i32 to index
          %swap3A_960 = arith.constant 16 : index
          %swap3A_961 = tpu.vector_load %arg15[%swap3A_959, %swap3A_960] {strides = array<i32>} : memref<80x80xf32, #tpu.memory_space<vmem>>, vector<16xf32>,
          tpu.vector_store %arg15[%swap3A_959, %swap3A_960], %mul3A_956 {strides = array<i32>} : memref<80x80xf32, #tpu.memory_space<vmem>>, vector<16xf32>,
          %add3A_962 = arith.constant 14 : i32
          %add3A_963 = arith.addi %mul3A_140, %add3A_962 : i32
          %get3A_964 = arith.index_cast %add3A_963 : i32 to index
          %get3A_965 = arith.constant 32 : index
          %get3A_966 = tpu.vector_load %arg14[%get3A_964, %get3A_965] {strides = array<i32>} : memref<80x64xf32, #tpu.memory_space<vmem>>, vector<16xf32>,
          %mul3A_967 = vector.broadcast %squeeze3A_937 : f32 to vector<16xf32>
          %mul3A_968 = arith.mulf %get3A_966, %mul3A_967 : vector<16xf32>
          %add3A_969 = arith.constant 14 : i32
          %add3A_970 = arith.addi %mul3A_140, %add3A_969 : i32
          %swap3A_971 = arith.index_cast %add3A_970 : i32 to index
          %swap3A_972 = arith.constant 32 : index
          %swap3A_973 = tpu.vector_load %arg15[%swap3A_971, %swap3A_972] {strides = array<i32>} : memref<80x80xf32, #tpu.memory_space<vmem>>, vector<16xf32>,
          tpu.vector_store %arg15[%swap3A_971, %swap3A_972], %mul3A_968 {strides = array<i32>} : memref<80x80xf32, #tpu.memory_space<vmem>>, vector<16xf32>,
          %add3A_974 = arith.constant 14 : i32
          %add3A_975 = arith.addi %mul3A_140, %add3A_974 : i32
          %get3A_976 = arith.index_cast %add3A_975 : i32 to index
          %get3A_977 = arith.constant 48 : index
          %get3A_978 = tpu.vector_load %arg14[%get3A_976, %get3A_977] {strides = array<i32>} : memref<80x64xf32, #tpu.memory_space<vmem>>, vector<16xf32>,
          %mul3A_979 = vector.broadcast %squeeze3A_937 : f32 to vector<16xf32>
          %mul3A_980 = arith.mulf %get3A_978, %mul3A_979 : vector<16xf32>
          %add3A_981 = arith.constant 14 : i32
          %add3A_982 = arith.addi %mul3A_140, %add3A_981 : i32
          %swap3A_983 = arith.index_cast %add3A_982 : i32 to index
          %swap3A_984 = arith.constant 48 : index
          %swap3A_985 = tpu.vector_load %arg15[%swap3A_983, %swap3A_984] {strides = array<i32>} : memref<80x80xf32, #tpu.memory_space<vmem>>, vector<16xf32>,
          tpu.vector_store %arg15[%swap3A_983, %swap3A_984], %mul3A_980 {strides = array<i32>} : memref<80x80xf32, #tpu.memory_space<vmem>>, vector<16xf32>,
          %mul3A_986 = vector.broadcast %squeeze3A_937 : f32 to vector<16xf32>
          %mul3A_987 = arith.mulf %mul3A_986, %convert_element_type3A_30 : vector<16xf32>
          %add3A_988 = arith.constant 14 : i32
          %add3A_989 = arith.addi %mul3A_140, %add3A_988 : i32
          %swap3A_990 = arith.index_cast %add3A_989 : i32 to index
          %swap3A_991 = arith.constant 64 : index
          %swap3A_992 = tpu.vector_load %arg15[%swap3A_990, %swap3A_991] {strides = array<i32>} : memref<80x80xf32, #tpu.memory_space<vmem>>, vector<16xf32>,
          tpu.vector_store %arg15[%swap3A_990, %swap3A_991], %mul3A_987 {strides = array<i32>} : memref<80x80xf32, #tpu.memory_space<vmem>>, vector<16xf32>,
          %slice3A_993 = vector.extract_strided_slice %get3A_138 {offsets = [15], sizes = [1], strides = [1]} : vector<16xf32> to vector<1xf32>
          %squeeze3A_994 = vector.extract %slice3A_993[0] : f32 from vector<1xf32>
          %add3A_995 = arith.constant 15 : i32
          %add3A_996 = arith.addi %mul3A_140, %add3A_995 : i32
          %get3A_997 = arith.index_cast %add3A_996 : i32 to index
          %get3A_998 = arith.constant 0 : index
          %get3A_999 = tpu.vector_load %arg14[%get3A_997, %get3A_998] {strides = array<i32>} : memref<80x64xf32, #tpu.memory_space<vmem>>, vector<16xf32>,
          %mul3A_1000 = vector.broadcast %squeeze3A_994 : f32 to vector<16xf32>
          %mul3A_1001 = arith.mulf %get3A_999, %mul3A_1000 : vector<16xf32>
          %add3A_1002 = arith.constant 15 : i32
          %add3A_1003 = arith.addi %mul3A_140, %add3A_1002 : i32
          %swap3A_1004 = arith.index_cast %add3A_1003 : i32 to index
          %swap3A_1005 = arith.constant 0 : index
          %swap3A_1006 = tpu.vector_load %arg15[%swap3A_1004, %swap3A_1005] {strides = array<i32>} : memref<80x80xf32, #tpu.memory_space<vmem>>, vector<16xf32>,
          tpu.vector_store %arg15[%swap3A_1004, %swap3A_1005], %mul3A_1001 {strides = array<i32>} : memref<80x80xf32, #tpu.memory_space<vmem>>, vector<16xf32>,
          %add3A_1007 = arith.constant 15 : i32
          %add3A_1008 = arith.addi %mul3A_140, %add3A_1007 : i32
          %get3A_1009 = arith.index_cast %add3A_1008 : i32 to index
          %get3A_1010 = arith.constant 16 : index
          %get3A_1011 = tpu.vector_load %arg14[%get3A_1009, %get3A_1010] {strides = array<i32>} : memref<80x64xf32, #tpu.memory_space<vmem>>, vector<16xf32>,
          %mul3A_1012 = vector.broadcast %squeeze3A_994 : f32 to vector<16xf32>
          %mul3A_1013 = arith.mulf %get3A_1011, %mul3A_1012 : vector<16xf32>
          %add3A_1014 = arith.constant 15 : i32
          %add3A_1015 = arith.addi %mul3A_140, %add3A_1014 : i32
          %swap3A_1016 = arith.index_cast %add3A_1015 : i32 to index
          %swap3A_1017 = arith.constant 16 : index
          %swap3A_1018 = tpu.vector_load %arg15[%swap3A_1016, %swap3A_1017] {strides = array<i32>} : memref<80x80xf32, #tpu.memory_space<vmem>>, vector<16xf32>,
          tpu.vector_store %arg15[%swap3A_1016, %swap3A_1017], %mul3A_1013 {strides = array<i32>} : memref<80x80xf32, #tpu.memory_space<vmem>>, vector<16xf32>,
          %add3A_1019 = arith.constant 15 : i32
          %add3A_1020 = arith.addi %mul3A_140, %add3A_1019 : i32
          %get3A_1021 = arith.index_cast %add3A_1020 : i32 to index
          %get3A_1022 = arith.constant 32 : index
          %get3A_1023 = tpu.vector_load %arg14[%get3A_1021, %get3A_1022] {strides = array<i32>} : memref<80x64xf32, #tpu.memory_space<vmem>>, vector<16xf32>,
          %mul3A_1024 = vector.broadcast %squeeze3A_994 : f32 to vector<16xf32>
          %mul3A_1025 = arith.mulf %get3A_1023, %mul3A_1024 : vector<16xf32>
          %add3A_1026 = arith.constant 15 : i32
          %add3A_1027 = arith.addi %mul3A_140, %add3A_1026 : i32
          %swap3A_1028 = arith.index_cast %add3A_1027 : i32 to index
          %swap3A_1029 = arith.constant 32 : index
          %swap3A_1030 = tpu.vector_load %arg15[%swap3A_1028, %swap3A_1029] {strides = array<i32>} : memref<80x80xf32, #tpu.memory_space<vmem>>, vector<16xf32>,
          tpu.vector_store %arg15[%swap3A_1028, %swap3A_1029], %mul3A_1025 {strides = array<i32>} : memref<80x80xf32, #tpu.memory_space<vmem>>, vector<16xf32>,
          %add3A_1031 = arith.constant 15 : i32
          %add3A_1032 = arith.addi %mul3A_140, %add3A_1031 : i32
          %get3A_1033 = arith.index_cast %add3A_1032 : i32 to index
          %get3A_1034 = arith.constant 48 : index
          %get3A_1035 = tpu.vector_load %arg14[%get3A_1033, %get3A_1034] {strides = array<i32>} : memref<80x64xf32, #tpu.memory_space<vmem>>, vector<16xf32>,
          %mul3A_1036 = vector.broadcast %squeeze3A_994 : f32 to vector<16xf32>
          %mul3A_1037 = arith.mulf %get3A_1035, %mul3A_1036 : vector<16xf32>
          %add3A_1038 = arith.constant 15 : i32
          %add3A_1039 = arith.addi %mul3A_140, %add3A_1038 : i32
          %swap3A_1040 = arith.index_cast %add3A_1039 : i32 to index
          %swap3A_1041 = arith.constant 48 : index
          %swap3A_1042 = tpu.vector_load %arg15[%swap3A_1040, %swap3A_1041] {strides = array<i32>} : memref<80x80xf32, #tpu.memory_space<vmem>>, vector<16xf32>,
          tpu.vector_store %arg15[%swap3A_1040, %swap3A_1041], %mul3A_1037 {strides = array<i32>} : memref<80x80xf32, #tpu.memory_space<vmem>>, vector<16xf32>,
          %mul3A_1043 = vector.broadcast %squeeze3A_994 : f32 to vector<16xf32>
          %mul3A_1044 = arith.mulf %mul3A_1043, %convert_element_type3A_30 : vector<16xf32>
          %add3A_1045 = arith.constant 15 : i32
          %add3A_1046 = arith.addi %mul3A_140, %add3A_1045 : i32
          %swap3A_1047 = arith.index_cast %add3A_1046 : i32 to index
          %swap3A_1048 = arith.constant 64 : index
          %swap3A_1049 = tpu.vector_load %arg15[%swap3A_1047, %swap3A_1048] {strides = array<i32>} : memref<80x80xf32, #tpu.memory_space<vmem>>, vector<16xf32>,
          tpu.vector_store %arg15[%swap3A_1047, %swap3A_1048], %mul3A_1044 {strides = array<i32>} : memref<80x80xf32, #tpu.memory_space<vmem>>, vector<16xf32>,
        }
        %scan3A_96 = arith.constant 5 : i32
        %dma_start3A_97 = arith.constant 0 : i32
        %dma_start3A_98 = tpu.memref_slice %arg11[%mul3A_72, %dma_start3A_97] : memref<25x80xi32, #tpu.memory_space<vmem>> -> memref<1x80xi32, #tpu.memory_space<vmem>>
        %dma_start3A_99 = tpu.memref_squeeze %dma_start3A_98 : memref<1x80xi32, #tpu.memory_space<vmem>> -> memref<80xi32, #tpu.memory_space<vmem>>
        %dma_start3A_100 = arith.constant 0 : i32
        %dma_start3A_101 = arith.constant 0 : i32
        %dma_start3A_102 = tpu.memref_slice %arg18[%dma_start3A_100, %dma_start3A_101] : memref<10000x80xf32, #tpu.memory_space<vmem_shared>> -> memref<10000x80xf32, #tpu.memory_space<vmem_shared>>
        tpu.enqueue_indirect_dma source(%arg15 : memref<80x80xf32, #tpu.memory_space<vmem>>) target(%dma_start3A_102 : memref<10000x80xf32, #tpu.memory_space<vmem_shared>>) offsets(%dma_start3A_99 : memref<80xi32, #tpu.memory_space<vmem>>) semaphore(%arg20 : memref<!tpu.dma_semaphore, #tpu.memory_space<semaphore_mem>>) {add = true}
        %dma_wait3A_103 = arith.constant 0 : i32
        %dma_wait3A_104 = tpu.memref_slice %arg10[%add3A_74, %dma_wait3A_103] : memref<25x80xi32, #tpu.memory_space<vmem>> -> memref<1x80xi32, #tpu.memory_space<vmem>>
        %dma_wait3A_105 = tpu.memref_squeeze %dma_wait3A_104 : memref<1x80xi32, #tpu.memory_space<vmem>> -> memref<80xi32, #tpu.memory_space<vmem>>
        %dma_wait3A_106 = arith.constant 0 : i32
        %dma_wait3A_107 = arith.constant 0 : i32
        %dma_wait3A_108 = tpu.memref_slice %arg2[%dma_wait3A_106, %dma_wait3A_107] : memref<10000x64xf32, #tpu.memory_space<hbm>> -> memref<10000x64xf32, #tpu.memory_space<hbm>>
        tpu.wait_indirect_dma semaphore(%arg19 : memref<!tpu.dma_semaphore, #tpu.memory_space<semaphore_mem>>) src(%dma_wait3A_108 : memref<10000x64xf32, #tpu.memory_space<hbm>>) dst(%arg13 : memref<80x64xf32, #tpu.memory_space<vmem>>)
        %add3A_109 = arith.constant 1 : i32
        %add3A_110 = arith.addi %add3A_74, %add3A_109 : i32
        %dma_start3A_111 = arith.constant 0 : i32
        %dma_start3A_112 = tpu.memref_slice %arg10[%add3A_110, %dma_start3A_111] : memref<25x80xi32, #tpu.memory_space<vmem>> -> memref<1x80xi32, #tpu.memory_space<vmem>>
        %dma_start3A_113 = tpu.memref_squeeze %dma_start3A_112 : memref<1x80xi32, #tpu.memory_space<vmem>> -> memref<80xi32, #tpu.memory_space<vmem>>
        %dma_start3A_114 = arith.constant 0 : i32
        %dma_start3A_115 = arith.constant 0 : i32
        %dma_start3A_116 = tpu.memref_slice %arg2[%dma_start3A_114, %dma_start3A_115] : memref<10000x64xf32, #tpu.memory_space<hbm>> -> memref<10000x64xf32, #tpu.memory_space<hbm>>
        tpu.enqueue_indirect_dma source(%dma_start3A_116 : memref<10000x64xf32, #tpu.memory_space<hbm>>) target(%arg14 : memref<80x64xf32, #tpu.memory_space<vmem>>) offsets(%dma_start3A_113 : memref<80xi32, #tpu.memory_space<vmem>>) semaphore(%arg19 : memref<!tpu.dma_semaphore, #tpu.memory_space<semaphore_mem>>)
        %gt3A_117 = arith.constant 0 : i32
        %gt3A_118 = arith.cmpi sgt, %scan3A_70, %gt3A_117 : i32
        %convert_element_type3A_119 = arith.extui %gt3A_118 : i1 to i32
        %cond3A_120 = arith.constant 0 : i32
        %cond3A_121 = arith.cmpi ne, %convert_element_type3A_119, %cond3A_120 : i32
        scf.if %cond3A_121 {
          %dma_wait3A_134 = arith.constant 0 : i32
          %dma_wait3A_135 = arith.constant 0 : i32
          %dma_wait3A_136 = tpu.memref_slice %arg11[%dma_wait3A_134, %dma_wait3A_135] : memref<25x80xi32, #tpu.memory_space<vmem>> -> memref<1x80xi32, #tpu.memory_space<vmem>>
          %dma_wait3A_137 = tpu.memref_squeeze %dma_wait3A_136 : memref<1x80xi32, #tpu.memory_space<vmem>> -> memref<80xi32, #tpu.memory_space<vmem>>
          %dma_wait3A_138 = arith.constant 0 : i32
          %dma_wait3A_139 = arith.constant 0 : i32
          %dma_wait3A_140 = tpu.memref_slice %arg18[%dma_wait3A_138, %dma_wait3A_139] : memref<10000x80xf32, #tpu.memory_space<vmem_shared>> -> memref<10000x80xf32, #tpu.memory_space<vmem_shared>>
          tpu.wait_indirect_dma semaphore(%arg20 : memref<!tpu.dma_semaphore, #tpu.memory_space<semaphore_mem>>) src(%arg16 : memref<80x80xf32, #tpu.memory_space<vmem>>) dst(%dma_wait3A_140 : memref<10000x80xf32, #tpu.memory_space<vmem_shared>>)
        } else {
        }
        %scan3A_122 = arith.constant 0 : i32
        %scan3A_123 = arith.constant 0 : i32
        %scan3A_124 = arith.constant 5 : i32
        %scan3A_125 = arith.addi %scan3A_123, %scan3A_124 : i32
        %scan3A_126 = arith.constant 1 : i32
        scf.for %scan3A_134 = %scan3A_123 to %scan3A_125 step %scan3A_126  : i32 {
          %mul3A_135 = arith.constant 16 : i32
          %mul3A_136 = arith.muli %scan3A_134, %mul3A_135 : i32
          %get3A = arith.index_cast %add3A_74 : i32 to index
          %get3A_137 = arith.index_cast %mul3A_136 : i32 to index
          %get3A_138 = tpu.vector_load %arg12[%get3A, %get3A_137] {strides = array<i32>} : memref<25x80xf32, #tpu.memory_space<vmem>>, vector<16xf32>,
          %mul3A_139 = arith.constant 16 : i32
          %mul3A_140 = arith.muli %scan3A_134, %mul3A_139 : i32
          %slice3A = vector.extract_strided_slice %get3A_138 {offsets = [0], sizes = [1], strides = [1]} : vector<16xf32> to vector<1xf32>
          %squeeze3A = vector.extract %slice3A[0] : f32 from vector<1xf32>
          %add3A_141 = arith.constant 0 : i32
          %add3A_142 = arith.addi %mul3A_140, %add3A_141 : i32
          %get3A_143 = arith.index_cast %add3A_142 : i32 to index
          %get3A_144 = arith.constant 0 : index
          %get3A_145 = tpu.vector_load %arg13[%get3A_143, %get3A_144] {strides = array<i32>} : memref<80x64xf32, #tpu.memory_space<vmem>>, vector<16xf32>,
          %mul3A_146 = vector.broadcast %squeeze3A : f32 to vector<16xf32>
          %mul3A_147 = arith.mulf %get3A_145, %mul3A_146 : vector<16xf32>
          %add3A_148 = arith.constant 0 : i32
          %add3A_149 = arith.addi %mul3A_140, %add3A_148 : i32
          %swap3A = arith.index_cast %add3A_149 : i32 to index
          %swap3A_150 = arith.constant 0 : index
          %swap3A_151 = tpu.vector_load %arg16[%swap3A, %swap3A_150] {strides = array<i32>} : memref<80x80xf32, #tpu.memory_space<vmem>>, vector<16xf32>,
          tpu.vector_store %arg16[%swap3A, %swap3A_150], %mul3A_147 {strides = array<i32>} : memref<80x80xf32, #tpu.memory_space<vmem>>, vector<16xf32>,
          %add3A_152 = arith.constant 0 : i32
          %add3A_153 = arith.addi %mul3A_140, %add3A_152 : i32
          %get3A_154 = arith.index_cast %add3A_153 : i32 to index
          %get3A_155 = arith.constant 16 : index
          %get3A_156 = tpu.vector_load %arg13[%get3A_154, %get3A_155] {strides = array<i32>} : memref<80x64xf32, #tpu.memory_space<vmem>>, vector<16xf32>,
          %mul3A_157 = vector.broadcast %squeeze3A : f32 to vector<16xf32>
          %mul3A_158 = arith.mulf %get3A_156, %mul3A_157 : vector<16xf32>
          %add3A_159 = arith.constant 0 : i32
          %add3A_160 = arith.addi %mul3A_140, %add3A_159 : i32
          %swap3A_161 = arith.index_cast %add3A_160 : i32 to index
          %swap3A_162 = arith.constant 16 : index
          %swap3A_163 = tpu.vector_load %arg16[%swap3A_161, %swap3A_162] {strides = array<i32>} : memref<80x80xf32, #tpu.memory_space<vmem>>, vector<16xf32>,
          tpu.vector_store %arg16[%swap3A_161, %swap3A_162], %mul3A_158 {strides = array<i32>} : memref<80x80xf32, #tpu.memory_space<vmem>>, vector<16xf32>,
          %add3A_164 = arith.constant 0 : i32
          %add3A_165 = arith.addi %mul3A_140, %add3A_164 : i32
          %get3A_166 = arith.index_cast %add3A_165 : i32 to index
          %get3A_167 = arith.constant 32 : index
          %get3A_168 = tpu.vector_load %arg13[%get3A_166, %get3A_167] {strides = array<i32>} : memref<80x64xf32, #tpu.memory_space<vmem>>, vector<16xf32>,
          %mul3A_169 = vector.broadcast %squeeze3A : f32 to vector<16xf32>
          %mul3A_170 = arith.mulf %get3A_168, %mul3A_169 : vector<16xf32>
          %add3A_171 = arith.constant 0 : i32
          %add3A_172 = arith.addi %mul3A_140, %add3A_171 : i32
          %swap3A_173 = arith.index_cast %add3A_172 : i32 to index
          %swap3A_174 = arith.constant 32 : index
          %swap3A_175 = tpu.vector_load %arg16[%swap3A_173, %swap3A_174] {strides = array<i32>} : memref<80x80xf32, #tpu.memory_space<vmem>>, vector<16xf32>,
          tpu.vector_store %arg16[%swap3A_173, %swap3A_174], %mul3A_170 {strides = array<i32>} : memref<80x80xf32, #tpu.memory_space<vmem>>, vector<16xf32>,
          %add3A_176 = arith.constant 0 : i32
          %add3A_177 = arith.addi %mul3A_140, %add3A_176 : i32
          %get3A_178 = arith.index_cast %add3A_177 : i32 to index
          %get3A_179 = arith.constant 48 : index
          %get3A_180 = tpu.vector_load %arg13[%get3A_178, %get3A_179] {strides = array<i32>} : memref<80x64xf32, #tpu.memory_space<vmem>>, vector<16xf32>,
          %mul3A_181 = vector.broadcast %squeeze3A : f32 to vector<16xf32>
          %mul3A_182 = arith.mulf %get3A_180, %mul3A_181 : vector<16xf32>
          %add3A_183 = arith.constant 0 : i32
          %add3A_184 = arith.addi %mul3A_140, %add3A_183 : i32
          %swap3A_185 = arith.index_cast %add3A_184 : i32 to index
          %swap3A_186 = arith.constant 48 : index
          %swap3A_187 = tpu.vector_load %arg16[%swap3A_185, %swap3A_186] {strides = array<i32>} : memref<80x80xf32, #tpu.memory_space<vmem>>, vector<16xf32>,
          tpu.vector_store %arg16[%swap3A_185, %swap3A_186], %mul3A_182 {strides = array<i32>} : memref<80x80xf32, #tpu.memory_space<vmem>>, vector<16xf32>,
          %mul3A_188 = vector.broadcast %squeeze3A : f32 to vector<16xf32>
          %mul3A_189 = arith.mulf %mul3A_188, %convert_element_type3A_30 : vector<16xf32>
          %add3A_190 = arith.constant 0 : i32
          %add3A_191 = arith.addi %mul3A_140, %add3A_190 : i32
          %swap3A_192 = arith.index_cast %add3A_191 : i32 to index
          %swap3A_193 = arith.constant 64 : index
          %swap3A_194 = tpu.vector_load %arg16[%swap3A_192, %swap3A_193] {strides = array<i32>} : memref<80x80xf32, #tpu.memory_space<vmem>>, vector<16xf32>,
          tpu.vector_store %arg16[%swap3A_192, %swap3A_193], %mul3A_189 {strides = array<i32>} : memref<80x80xf32, #tpu.memory_space<vmem>>, vector<16xf32>,
          %slice3A_195 = vector.extract_strided_slice %get3A_138 {offsets = [1], sizes = [1], strides = [1]} : vector<16xf32> to vector<1xf32>
          %squeeze3A_196 = vector.extract %slice3A_195[0] : f32 from vector<1xf32>
          %add3A_197 = arith.constant 1 : i32
          %add3A_198 = arith.addi %mul3A_140, %add3A_197 : i32
          %get3A_199 = arith.index_cast %add3A_198 : i32 to index
          %get3A_200 = arith.constant 0 : index
          %get3A_201 = tpu.vector_load %arg13[%get3A_199, %get3A_200] {strides = array<i32>} : memref<80x64xf32, #tpu.memory_space<vmem>>, vector<16xf32>,
          %mul3A_202 = vector.broadcast %squeeze3A_196 : f32 to vector<16xf32>
          %mul3A_203 = arith.mulf %get3A_201, %mul3A_202 : vector<16xf32>
          %add3A_204 = arith.constant 1 : i32
          %add3A_205 = arith.addi %mul3A_140, %add3A_204 : i32
          %swap3A_206 = arith.index_cast %add3A_205 : i32 to index
          %swap3A_207 = arith.constant 0 : index
          %swap3A_208 = tpu.vector_load %arg16[%swap3A_206, %swap3A_207] {strides = array<i32>} : memref<80x80xf32, #tpu.memory_space<vmem>>, vector<16xf32>,
          tpu.vector_store %arg16[%swap3A_206, %swap3A_207], %mul3A_203 {strides = array<i32>} : memref<80x80xf32, #tpu.memory_space<vmem>>, vector<16xf32>,
          %add3A_209 = arith.constant 1 : i32
          %add3A_210 = arith.addi %mul3A_140, %add3A_209 : i32
          %get3A_211 = arith.index_cast %add3A_210 : i32 to index
          %get3A_212 = arith.constant 16 : index
          %get3A_213 = tpu.vector_load %arg13[%get3A_211, %get3A_212] {strides = array<i32>} : memref<80x64xf32, #tpu.memory_space<vmem>>, vector<16xf32>,
          %mul3A_214 = vector.broadcast %squeeze3A_196 : f32 to vector<16xf32>
          %mul3A_215 = arith.mulf %get3A_213, %mul3A_214 : vector<16xf32>
          %add3A_216 = arith.constant 1 : i32
          %add3A_217 = arith.addi %mul3A_140, %add3A_216 : i32
          %swap3A_218 = arith.index_cast %add3A_217 : i32 to index
          %swap3A_219 = arith.constant 16 : index
          %swap3A_220 = tpu.vector_load %arg16[%swap3A_218, %swap3A_219] {strides = array<i32>} : memref<80x80xf32, #tpu.memory_space<vmem>>, vector<16xf32>,
          tpu.vector_store %arg16[%swap3A_218, %swap3A_219], %mul3A_215 {strides = array<i32>} : memref<80x80xf32, #tpu.memory_space<vmem>>, vector<16xf32>,
          %add3A_221 = arith.constant 1 : i32
          %add3A_222 = arith.addi %mul3A_140, %add3A_221 : i32
          %get3A_223 = arith.index_cast %add3A_222 : i32 to index
          %get3A_224 = arith.constant 32 : index
          %get3A_225 = tpu.vector_load %arg13[%get3A_223, %get3A_224] {strides = array<i32>} : memref<80x64xf32, #tpu.memory_space<vmem>>, vector<16xf32>,
          %mul3A_226 = vector.broadcast %squeeze3A_196 : f32 to vector<16xf32>
          %mul3A_227 = arith.mulf %get3A_225, %mul3A_226 : vector<16xf32>
          %add3A_228 = arith.constant 1 : i32
          %add3A_229 = arith.addi %mul3A_140, %add3A_228 : i32
          %swap3A_230 = arith.index_cast %add3A_229 : i32 to index
          %swap3A_231 = arith.constant 32 : index
          %swap3A_232 = tpu.vector_load %arg16[%swap3A_230, %swap3A_231] {strides = array<i32>} : memref<80x80xf32, #tpu.memory_space<vmem>>, vector<16xf32>,
          tpu.vector_store %arg16[%swap3A_230, %swap3A_231], %mul3A_227 {strides = array<i32>} : memref<80x80xf32, #tpu.memory_space<vmem>>, vector<16xf32>,
          %add3A_233 = arith.constant 1 : i32
          %add3A_234 = arith.addi %mul3A_140, %add3A_233 : i32
          %get3A_235 = arith.index_cast %add3A_234 : i32 to index
          %get3A_236 = arith.constant 48 : index
          %get3A_237 = tpu.vector_load %arg13[%get3A_235, %get3A_236] {strides = array<i32>} : memref<80x64xf32, #tpu.memory_space<vmem>>, vector<16xf32>,
          %mul3A_238 = vector.broadcast %squeeze3A_196 : f32 to vector<16xf32>
          %mul3A_239 = arith.mulf %get3A_237, %mul3A_238 : vector<16xf32>
          %add3A_240 = arith.constant 1 : i32
          %add3A_241 = arith.addi %mul3A_140, %add3A_240 : i32
          %swap3A_242 = arith.index_cast %add3A_241 : i32 to index
          %swap3A_243 = arith.constant 48 : index
          %swap3A_244 = tpu.vector_load %arg16[%swap3A_242, %swap3A_243] {strides = array<i32>} : memref<80x80xf32, #tpu.memory_space<vmem>>, vector<16xf32>,
          tpu.vector_store %arg16[%swap3A_242, %swap3A_243], %mul3A_239 {strides = array<i32>} : memref<80x80xf32, #tpu.memory_space<vmem>>, vector<16xf32>,
          %mul3A_245 = vector.broadcast %squeeze3A_196 : f32 to vector<16xf32>
          %mul3A_246 = arith.mulf %mul3A_245, %convert_element_type3A_30 : vector<16xf32>
          %add3A_247 = arith.constant 1 : i32
          %add3A_248 = arith.addi %mul3A_140, %add3A_247 : i32
          %swap3A_249 = arith.index_cast %add3A_248 : i32 to index
          %swap3A_250 = arith.constant 64 : index
          %swap3A_251 = tpu.vector_load %arg16[%swap3A_249, %swap3A_250] {strides = array<i32>} : memref<80x80xf32, #tpu.memory_space<vmem>>, vector<16xf32>,
          tpu.vector_store %arg16[%swap3A_249, %swap3A_250], %mul3A_246 {strides = array<i32>} : memref<80x80xf32, #tpu.memory_space<vmem>>, vector<16xf32>,
          %slice3A_252 = vector.extract_strided_slice %get3A_138 {offsets = [2], sizes = [1], strides = [1]} : vector<16xf32> to vector<1xf32>
          %squeeze3A_253 = vector.extract %slice3A_252[0] : f32 from vector<1xf32>
          %add3A_254 = arith.constant 2 : i32
          %add3A_255 = arith.addi %mul3A_140, %add3A_254 : i32
          %get3A_256 = arith.index_cast %add3A_255 : i32 to index
          %get3A_257 = arith.constant 0 : index
          %get3A_258 = tpu.vector_load %arg13[%get3A_256, %get3A_257] {strides = array<i32>} : memref<80x64xf32, #tpu.memory_space<vmem>>, vector<16xf32>,
          %mul3A_259 = vector.broadcast %squeeze3A_253 : f32 to vector<16xf32>
          %mul3A_260 = arith.mulf %get3A_258, %mul3A_259 : vector<16xf32>
          %add3A_261 = arith.constant 2 : i32
          %add3A_262 = arith.addi %mul3A_140, %add3A_261 : i32
          %swap3A_263 = arith.index_cast %add3A_262 : i32 to index
          %swap3A_264 = arith.constant 0 : index
          %swap3A_265 = tpu.vector_load %arg16[%swap3A_263, %swap3A_264] {strides = array<i32>} : memref<80x80xf32, #tpu.memory_space<vmem>>, vector<16xf32>,
          tpu.vector_store %arg16[%swap3A_263, %swap3A_264], %mul3A_260 {strides = array<i32>} : memref<80x80xf32, #tpu.memory_space<vmem>>, vector<16xf32>,
          %add3A_266 = arith.constant 2 : i32
          %add3A_267 = arith.addi %mul3A_140, %add3A_266 : i32
          %get3A_268 = arith.index_cast %add3A_267 : i32 to index
          %get3A_269 = arith.constant 16 : index
          %get3A_270 = tpu.vector_load %arg13[%get3A_268, %get3A_269] {strides = array<i32>} : memref<80x64xf32, #tpu.memory_space<vmem>>, vector<16xf32>,
          %mul3A_271 = vector.broadcast %squeeze3A_253 : f32 to vector<16xf32>
          %mul3A_272 = arith.mulf %get3A_270, %mul3A_271 : vector<16xf32>
          %add3A_273 = arith.constant 2 : i32
          %add3A_274 = arith.addi %mul3A_140, %add3A_273 : i32
          %swap3A_275 = arith.index_cast %add3A_274 : i32 to index
          %swap3A_276 = arith.constant 16 : index
          %swap3A_277 = tpu.vector_load %arg16[%swap3A_275, %swap3A_276] {strides = array<i32>} : memref<80x80xf32, #tpu.memory_space<vmem>>, vector<16xf32>,
          tpu.vector_store %arg16[%swap3A_275, %swap3A_276], %mul3A_272 {strides = array<i32>} : memref<80x80xf32, #tpu.memory_space<vmem>>, vector<16xf32>,
          %add3A_278 = arith.constant 2 : i32
          %add3A_279 = arith.addi %mul3A_140, %add3A_278 : i32
          %get3A_280 = arith.index_cast %add3A_279 : i32 to index
          %get3A_281 = arith.constant 32 : index
          %get3A_282 = tpu.vector_load %arg13[%get3A_280, %get3A_281] {strides = array<i32>} : memref<80x64xf32, #tpu.memory_space<vmem>>, vector<16xf32>,
          %mul3A_283 = vector.broadcast %squeeze3A_253 : f32 to vector<16xf32>
          %mul3A_284 = arith.mulf %get3A_282, %mul3A_283 : vector<16xf32>
          %add3A_285 = arith.constant 2 : i32
          %add3A_286 = arith.addi %mul3A_140, %add3A_285 : i32
          %swap3A_287 = arith.index_cast %add3A_286 : i32 to index
          %swap3A_288 = arith.constant 32 : index
          %swap3A_289 = tpu.vector_load %arg16[%swap3A_287, %swap3A_288] {strides = array<i32>} : memref<80x80xf32, #tpu.memory_space<vmem>>, vector<16xf32>,
          tpu.vector_store %arg16[%swap3A_287, %swap3A_288], %mul3A_284 {strides = array<i32>} : memref<80x80xf32, #tpu.memory_space<vmem>>, vector<16xf32>,
          %add3A_290 = arith.constant 2 : i32
          %add3A_291 = arith.addi %mul3A_140, %add3A_290 : i32
          %get3A_292 = arith.index_cast %add3A_291 : i32 to index
          %get3A_293 = arith.constant 48 : index
          %get3A_294 = tpu.vector_load %arg13[%get3A_292, %get3A_293] {strides = array<i32>} : memref<80x64xf32, #tpu.memory_space<vmem>>, vector<16xf32>,
          %mul3A_295 = vector.broadcast %squeeze3A_253 : f32 to vector<16xf32>
          %mul3A_296 = arith.mulf %get3A_294, %mul3A_295 : vector<16xf32>
          %add3A_297 = arith.constant 2 : i32
          %add3A_298 = arith.addi %mul3A_140, %add3A_297 : i32
          %swap3A_299 = arith.index_cast %add3A_298 : i32 to index
          %swap3A_300 = arith.constant 48 : index
          %swap3A_301 = tpu.vector_load %arg16[%swap3A_299, %swap3A_300] {strides = array<i32>} : memref<80x80xf32, #tpu.memory_space<vmem>>, vector<16xf32>,
          tpu.vector_store %arg16[%swap3A_299, %swap3A_300], %mul3A_296 {strides = array<i32>} : memref<80x80xf32, #tpu.memory_space<vmem>>, vector<16xf32>,
          %mul3A_302 = vector.broadcast %squeeze3A_253 : f32 to vector<16xf32>
          %mul3A_303 = arith.mulf %mul3A_302, %convert_element_type3A_30 : vector<16xf32>
          %add3A_304 = arith.constant 2 : i32
          %add3A_305 = arith.addi %mul3A_140, %add3A_304 : i32
          %swap3A_306 = arith.index_cast %add3A_305 : i32 to index
          %swap3A_307 = arith.constant 64 : index
          %swap3A_308 = tpu.vector_load %arg16[%swap3A_306, %swap3A_307] {strides = array<i32>} : memref<80x80xf32, #tpu.memory_space<vmem>>, vector<16xf32>,
          tpu.vector_store %arg16[%swap3A_306, %swap3A_307], %mul3A_303 {strides = array<i32>} : memref<80x80xf32, #tpu.memory_space<vmem>>, vector<16xf32>,
          %slice3A_309 = vector.extract_strided_slice %get3A_138 {offsets = [3], sizes = [1], strides = [1]} : vector<16xf32> to vector<1xf32>
          %squeeze3A_310 = vector.extract %slice3A_309[0] : f32 from vector<1xf32>
          %add3A_311 = arith.constant 3 : i32
          %add3A_312 = arith.addi %mul3A_140, %add3A_311 : i32
          %get3A_313 = arith.index_cast %add3A_312 : i32 to index
          %get3A_314 = arith.constant 0 : index
          %get3A_315 = tpu.vector_load %arg13[%get3A_313, %get3A_314] {strides = array<i32>} : memref<80x64xf32, #tpu.memory_space<vmem>>, vector<16xf32>,
          %mul3A_316 = vector.broadcast %squeeze3A_310 : f32 to vector<16xf32>
          %mul3A_317 = arith.mulf %get3A_315, %mul3A_316 : vector<16xf32>
          %add3A_318 = arith.constant 3 : i32
          %add3A_319 = arith.addi %mul3A_140, %add3A_318 : i32
          %swap3A_320 = arith.index_cast %add3A_319 : i32 to index
          %swap3A_321 = arith.constant 0 : index
          %swap3A_322 = tpu.vector_load %arg16[%swap3A_320, %swap3A_321] {strides = array<i32>} : memref<80x80xf32, #tpu.memory_space<vmem>>, vector<16xf32>,
          tpu.vector_store %arg16[%swap3A_320, %swap3A_321], %mul3A_317 {strides = array<i32>} : memref<80x80xf32, #tpu.memory_space<vmem>>, vector<16xf32>,
          %add3A_323 = arith.constant 3 : i32
          %add3A_324 = arith.addi %mul3A_140, %add3A_323 : i32
          %get3A_325 = arith.index_cast %add3A_324 : i32 to index
          %get3A_326 = arith.constant 16 : index
          %get3A_327 = tpu.vector_load %arg13[%get3A_325, %get3A_326] {strides = array<i32>} : memref<80x64xf32, #tpu.memory_space<vmem>>, vector<16xf32>,
          %mul3A_328 = vector.broadcast %squeeze3A_310 : f32 to vector<16xf32>
          %mul3A_329 = arith.mulf %get3A_327, %mul3A_328 : vector<16xf32>
          %add3A_330 = arith.constant 3 : i32
          %add3A_331 = arith.addi %mul3A_140, %add3A_330 : i32
          %swap3A_332 = arith.index_cast %add3A_331 : i32 to index
          %swap3A_333 = arith.constant 16 : index
          %swap3A_334 = tpu.vector_load %arg16[%swap3A_332, %swap3A_333] {strides = array<i32>} : memref<80x80xf32, #tpu.memory_space<vmem>>, vector<16xf32>,
          tpu.vector_store %arg16[%swap3A_332, %swap3A_333], %mul3A_329 {strides = array<i32>} : memref<80x80xf32, #tpu.memory_space<vmem>>, vector<16xf32>,
          %add3A_335 = arith.constant 3 : i32
          %add3A_336 = arith.addi %mul3A_140, %add3A_335 : i32
          %get3A_337 = arith.index_cast %add3A_336 : i32 to index
          %get3A_338 = arith.constant 32 : index
          %get3A_339 = tpu.vector_load %arg13[%get3A_337, %get3A_338] {strides = array<i32>} : memref<80x64xf32, #tpu.memory_space<vmem>>, vector<16xf32>,
          %mul3A_340 = vector.broadcast %squeeze3A_310 : f32 to vector<16xf32>
          %mul3A_341 = arith.mulf %get3A_339, %mul3A_340 : vector<16xf32>
          %add3A_342 = arith.constant 3 : i32
          %add3A_343 = arith.addi %mul3A_140, %add3A_342 : i32
          %swap3A_344 = arith.index_cast %add3A_343 : i32 to index
          %swap3A_345 = arith.constant 32 : index
          %swap3A_346 = tpu.vector_load %arg16[%swap3A_344, %swap3A_345] {strides = array<i32>} : memref<80x80xf32, #tpu.memory_space<vmem>>, vector<16xf32>,
          tpu.vector_store %arg16[%swap3A_344, %swap3A_345], %mul3A_341 {strides = array<i32>} : memref<80x80xf32, #tpu.memory_space<vmem>>, vector<16xf32>,
          %add3A_347 = arith.constant 3 : i32
          %add3A_348 = arith.addi %mul3A_140, %add3A_347 : i32
          %get3A_349 = arith.index_cast %add3A_348 : i32 to index
          %get3A_350 = arith.constant 48 : index
          %get3A_351 = tpu.vector_load %arg13[%get3A_349, %get3A_350] {strides = array<i32>} : memref<80x64xf32, #tpu.memory_space<vmem>>, vector<16xf32>,
          %mul3A_352 = vector.broadcast %squeeze3A_310 : f32 to vector<16xf32>
          %mul3A_353 = arith.mulf %get3A_351, %mul3A_352 : vector<16xf32>
          %add3A_354 = arith.constant 3 : i32
          %add3A_355 = arith.addi %mul3A_140, %add3A_354 : i32
          %swap3A_356 = arith.index_cast %add3A_355 : i32 to index
          %swap3A_357 = arith.constant 48 : index
          %swap3A_358 = tpu.vector_load %arg16[%swap3A_356, %swap3A_357] {strides = array<i32>} : memref<80x80xf32, #tpu.memory_space<vmem>>, vector<16xf32>,
          tpu.vector_store %arg16[%swap3A_356, %swap3A_357], %mul3A_353 {strides = array<i32>} : memref<80x80xf32, #tpu.memory_space<vmem>>, vector<16xf32>,
          %mul3A_359 = vector.broadcast %squeeze3A_310 : f32 to vector<16xf32>
          %mul3A_360 = arith.mulf %mul3A_359, %convert_element_type3A_30 : vector<16xf32>
          %add3A_361 = arith.constant 3 : i32
          %add3A_362 = arith.addi %mul3A_140, %add3A_361 : i32
          %swap3A_363 = arith.index_cast %add3A_362 : i32 to index
          %swap3A_364 = arith.constant 64 : index
          %swap3A_365 = tpu.vector_load %arg16[%swap3A_363, %swap3A_364] {strides = array<i32>} : memref<80x80xf32, #tpu.memory_space<vmem>>, vector<16xf32>,
          tpu.vector_store %arg16[%swap3A_363, %swap3A_364], %mul3A_360 {strides = array<i32>} : memref<80x80xf32, #tpu.memory_space<vmem>>, vector<16xf32>,
          %slice3A_366 = vector.extract_strided_slice %get3A_138 {offsets = [4], sizes = [1], strides = [1]} : vector<16xf32> to vector<1xf32>
          %squeeze3A_367 = vector.extract %slice3A_366[0] : f32 from vector<1xf32>
          %add3A_368 = arith.constant 4 : i32
          %add3A_369 = arith.addi %mul3A_140, %add3A_368 : i32
          %get3A_370 = arith.index_cast %add3A_369 : i32 to index
          %get3A_371 = arith.constant 0 : index
          %get3A_372 = tpu.vector_load %arg13[%get3A_370, %get3A_371] {strides = array<i32>} : memref<80x64xf32, #tpu.memory_space<vmem>>, vector<16xf32>,
          %mul3A_373 = vector.broadcast %squeeze3A_367 : f32 to vector<16xf32>
          %mul3A_374 = arith.mulf %get3A_372, %mul3A_373 : vector<16xf32>
          %add3A_375 = arith.constant 4 : i32
          %add3A_376 = arith.addi %mul3A_140, %add3A_375 : i32
          %swap3A_377 = arith.index_cast %add3A_376 : i32 to index
          %swap3A_378 = arith.constant 0 : index
          %swap3A_379 = tpu.vector_load %arg16[%swap3A_377, %swap3A_378] {strides = array<i32>} : memref<80x80xf32, #tpu.memory_space<vmem>>, vector<16xf32>,
          tpu.vector_store %arg16[%swap3A_377, %swap3A_378], %mul3A_374 {strides = array<i32>} : memref<80x80xf32, #tpu.memory_space<vmem>>, vector<16xf32>,
          %add3A_380 = arith.constant 4 : i32
          %add3A_381 = arith.addi %mul3A_140, %add3A_380 : i32
          %get3A_382 = arith.index_cast %add3A_381 : i32 to index
          %get3A_383 = arith.constant 16 : index
          %get3A_384 = tpu.vector_load %arg13[%get3A_382, %get3A_383] {strides = array<i32>} : memref<80x64xf32, #tpu.memory_space<vmem>>, vector<16xf32>,
          %mul3A_385 = vector.broadcast %squeeze3A_367 : f32 to vector<16xf32>
          %mul3A_386 = arith.mulf %get3A_384, %mul3A_385 : vector<16xf32>
          %add3A_387 = arith.constant 4 : i32
          %add3A_388 = arith.addi %mul3A_140, %add3A_387 : i32
          %swap3A_389 = arith.index_cast %add3A_388 : i32 to index
          %swap3A_390 = arith.constant 16 : index
          %swap3A_391 = tpu.vector_load %arg16[%swap3A_389, %swap3A_390] {strides = array<i32>} : memref<80x80xf32, #tpu.memory_space<vmem>>, vector<16xf32>,
          tpu.vector_store %arg16[%swap3A_389, %swap3A_390], %mul3A_386 {strides = array<i32>} : memref<80x80xf32, #tpu.memory_space<vmem>>, vector<16xf32>,
          %add3A_392 = arith.constant 4 : i32
          %add3A_393 = arith.addi %mul3A_140, %add3A_392 : i32
          %get3A_394 = arith.index_cast %add3A_393 : i32 to index
          %get3A_395 = arith.constant 32 : index
          %get3A_396 = tpu.vector_load %arg13[%get3A_394, %get3A_395] {strides = array<i32>} : memref<80x64xf32, #tpu.memory_space<vmem>>, vector<16xf32>,
          %mul3A_397 = vector.broadcast %squeeze3A_367 : f32 to vector<16xf32>
          %mul3A_398 = arith.mulf %get3A_396, %mul3A_397 : vector<16xf32>
          %add3A_399 = arith.constant 4 : i32
          %add3A_400 = arith.addi %mul3A_140, %add3A_399 : i32
          %swap3A_401 = arith.index_cast %add3A_400 : i32 to index
          %swap3A_402 = arith.constant 32 : index
          %swap3A_403 = tpu.vector_load %arg16[%swap3A_401, %swap3A_402] {strides = array<i32>} : memref<80x80xf32, #tpu.memory_space<vmem>>, vector<16xf32>,
          tpu.vector_store %arg16[%swap3A_401, %swap3A_402], %mul3A_398 {strides = array<i32>} : memref<80x80xf32, #tpu.memory_space<vmem>>, vector<16xf32>,
          %add3A_404 = arith.constant 4 : i32
          %add3A_405 = arith.addi %mul3A_140, %add3A_404 : i32
          %get3A_406 = arith.index_cast %add3A_405 : i32 to index
          %get3A_407 = arith.constant 48 : index
          %get3A_408 = tpu.vector_load %arg13[%get3A_406, %get3A_407] {strides = array<i32>} : memref<80x64xf32, #tpu.memory_space<vmem>>, vector<16xf32>,
          %mul3A_409 = vector.broadcast %squeeze3A_367 : f32 to vector<16xf32>
          %mul3A_410 = arith.mulf %get3A_408, %mul3A_409 : vector<16xf32>
          %add3A_411 = arith.constant 4 : i32
          %add3A_412 = arith.addi %mul3A_140, %add3A_411 : i32
          %swap3A_413 = arith.index_cast %add3A_412 : i32 to index
          %swap3A_414 = arith.constant 48 : index
          %swap3A_415 = tpu.vector_load %arg16[%swap3A_413, %swap3A_414] {strides = array<i32>} : memref<80x80xf32, #tpu.memory_space<vmem>>, vector<16xf32>,
          tpu.vector_store %arg16[%swap3A_413, %swap3A_414], %mul3A_410 {strides = array<i32>} : memref<80x80xf32, #tpu.memory_space<vmem>>, vector<16xf32>,
          %mul3A_416 = vector.broadcast %squeeze3A_367 : f32 to vector<16xf32>
          %mul3A_417 = arith.mulf %mul3A_416, %convert_element_type3A_30 : vector<16xf32>
          %add3A_418 = arith.constant 4 : i32
          %add3A_419 = arith.addi %mul3A_140, %add3A_418 : i32
          %swap3A_420 = arith.index_cast %add3A_419 : i32 to index
          %swap3A_421 = arith.constant 64 : index
          %swap3A_422 = tpu.vector_load %arg16[%swap3A_420, %swap3A_421] {strides = array<i32>} : memref<80x80xf32, #tpu.memory_space<vmem>>, vector<16xf32>,
          tpu.vector_store %arg16[%swap3A_420, %swap3A_421], %mul3A_417 {strides = array<i32>} : memref<80x80xf32, #tpu.memory_space<vmem>>, vector<16xf32>,
          %slice3A_423 = vector.extract_strided_slice %get3A_138 {offsets = [5], sizes = [1], strides = [1]} : vector<16xf32> to vector<1xf32>
          %squeeze3A_424 = vector.extract %slice3A_423[0] : f32 from vector<1xf32>
          %add3A_425 = arith.constant 5 : i32
          %add3A_426 = arith.addi %mul3A_140, %add3A_425 : i32
          %get3A_427 = arith.index_cast %add3A_426 : i32 to index
          %get3A_428 = arith.constant 0 : index
          %get3A_429 = tpu.vector_load %arg13[%get3A_427, %get3A_428] {strides = array<i32>} : memref<80x64xf32, #tpu.memory_space<vmem>>, vector<16xf32>,
          %mul3A_430 = vector.broadcast %squeeze3A_424 : f32 to vector<16xf32>
          %mul3A_431 = arith.mulf %get3A_429, %mul3A_430 : vector<16xf32>
          %add3A_432 = arith.constant 5 : i32
          %add3A_433 = arith.addi %mul3A_140, %add3A_432 : i32
          %swap3A_434 = arith.index_cast %add3A_433 : i32 to index
          %swap3A_435 = arith.constant 0 : index
          %swap3A_436 = tpu.vector_load %arg16[%swap3A_434, %swap3A_435] {strides = array<i32>} : memref<80x80xf32, #tpu.memory_space<vmem>>, vector<16xf32>,
          tpu.vector_store %arg16[%swap3A_434, %swap3A_435], %mul3A_431 {strides = array<i32>} : memref<80x80xf32, #tpu.memory_space<vmem>>, vector<16xf32>,
          %add3A_437 = arith.constant 5 : i32
          %add3A_438 = arith.addi %mul3A_140, %add3A_437 : i32
          %get3A_439 = arith.index_cast %add3A_438 : i32 to index
          %get3A_440 = arith.constant 16 : index
          %get3A_441 = tpu.vector_load %arg13[%get3A_439, %get3A_440] {strides = array<i32>} : memref<80x64xf32, #tpu.memory_space<vmem>>, vector<16xf32>,
          %mul3A_442 = vector.broadcast %squeeze3A_424 : f32 to vector<16xf32>
          %mul3A_443 = arith.mulf %get3A_441, %mul3A_442 : vector<16xf32>
          %add3A_444 = arith.constant 5 : i32
          %add3A_445 = arith.addi %mul3A_140, %add3A_444 : i32
          %swap3A_446 = arith.index_cast %add3A_445 : i32 to index
          %swap3A_447 = arith.constant 16 : index
          %swap3A_448 = tpu.vector_load %arg16[%swap3A_446, %swap3A_447] {strides = array<i32>} : memref<80x80xf32, #tpu.memory_space<vmem>>, vector<16xf32>,
          tpu.vector_store %arg16[%swap3A_446, %swap3A_447], %mul3A_443 {strides = array<i32>} : memref<80x80xf32, #tpu.memory_space<vmem>>, vector<16xf32>,
          %add3A_449 = arith.constant 5 : i32
          %add3A_450 = arith.addi %mul3A_140, %add3A_449 : i32
          %get3A_451 = arith.index_cast %add3A_450 : i32 to index
          %get3A_452 = arith.constant 32 : index
          %get3A_453 = tpu.vector_load %arg13[%get3A_451, %get3A_452] {strides = array<i32>} : memref<80x64xf32, #tpu.memory_space<vmem>>, vector<16xf32>,
          %mul3A_454 = vector.broadcast %squeeze3A_424 : f32 to vector<16xf32>
          %mul3A_455 = arith.mulf %get3A_453, %mul3A_454 : vector<16xf32>
          %add3A_456 = arith.constant 5 : i32
          %add3A_457 = arith.addi %mul3A_140, %add3A_456 : i32
          %swap3A_458 = arith.index_cast %add3A_457 : i32 to index
          %swap3A_459 = arith.constant 32 : index
          %swap3A_460 = tpu.vector_load %arg16[%swap3A_458, %swap3A_459] {strides = array<i32>} : memref<80x80xf32, #tpu.memory_space<vmem>>, vector<16xf32>,
          tpu.vector_store %arg16[%swap3A_458, %swap3A_459], %mul3A_455 {strides = array<i32>} : memref<80x80xf32, #tpu.memory_space<vmem>>, vector<16xf32>,
          %add3A_461 = arith.constant 5 : i32
          %add3A_462 = arith.addi %mul3A_140, %add3A_461 : i32
          %get3A_463 = arith.index_cast %add3A_462 : i32 to index
          %get3A_464 = arith.constant 48 : index
          %get3A_465 = tpu.vector_load %arg13[%get3A_463, %get3A_464] {strides = array<i32>} : memref<80x64xf32, #tpu.memory_space<vmem>>, vector<16xf32>,
          %mul3A_466 = vector.broadcast %squeeze3A_424 : f32 to vector<16xf32>
          %mul3A_467 = arith.mulf %get3A_465, %mul3A_466 : vector<16xf32>
          %add3A_468 = arith.constant 5 : i32
          %add3A_469 = arith.addi %mul3A_140, %add3A_468 : i32
          %swap3A_470 = arith.index_cast %add3A_469 : i32 to index
          %swap3A_471 = arith.constant 48 : index
          %swap3A_472 = tpu.vector_load %arg16[%swap3A_470, %swap3A_471] {strides = array<i32>} : memref<80x80xf32, #tpu.memory_space<vmem>>, vector<16xf32>,
          tpu.vector_store %arg16[%swap3A_470, %swap3A_471], %mul3A_467 {strides = array<i32>} : memref<80x80xf32, #tpu.memory_space<vmem>>, vector<16xf32>,
          %mul3A_473 = vector.broadcast %squeeze3A_424 : f32 to vector<16xf32>
          %mul3A_474 = arith.mulf %mul3A_473, %convert_element_type3A_30 : vector<16xf32>
          %add3A_475 = arith.constant 5 : i32
          %add3A_476 = arith.addi %mul3A_140, %add3A_475 : i32
          %swap3A_477 = arith.index_cast %add3A_476 : i32 to index
          %swap3A_478 = arith.constant 64 : index
          %swap3A_479 = tpu.vector_load %arg16[%swap3A_477, %swap3A_478] {strides = array<i32>} : memref<80x80xf32, #tpu.memory_space<vmem>>, vector<16xf32>,
          tpu.vector_store %arg16[%swap3A_477, %swap3A_478], %mul3A_474 {strides = array<i32>} : memref<80x80xf32, #tpu.memory_space<vmem>>, vector<16xf32>,
          %slice3A_480 = vector.extract_strided_slice %get3A_138 {offsets = [6], sizes = [1], strides = [1]} : vector<16xf32> to vector<1xf32>
          %squeeze3A_481 = vector.extract %slice3A_480[0] : f32 from vector<1xf32>
          %add3A_482 = arith.constant 6 : i32
          %add3A_483 = arith.addi %mul3A_140, %add3A_482 : i32
          %get3A_484 = arith.index_cast %add3A_483 : i32 to index
          %get3A_485 = arith.constant 0 : index
          %get3A_486 = tpu.vector_load %arg13[%get3A_484, %get3A_485] {strides = array<i32>} : memref<80x64xf32, #tpu.memory_space<vmem>>, vector<16xf32>,
          %mul3A_487 = vector.broadcast %squeeze3A_481 : f32 to vector<16xf32>
          %mul3A_488 = arith.mulf %get3A_486, %mul3A_487 : vector<16xf32>
          %add3A_489 = arith.constant 6 : i32
          %add3A_490 = arith.addi %mul3A_140, %add3A_489 : i32
          %swap3A_491 = arith.index_cast %add3A_490 : i32 to index
          %swap3A_492 = arith.constant 0 : index
          %swap3A_493 = tpu.vector_load %arg16[%swap3A_491, %swap3A_492] {strides = array<i32>} : memref<80x80xf32, #tpu.memory_space<vmem>>, vector<16xf32>,
          tpu.vector_store %arg16[%swap3A_491, %swap3A_492], %mul3A_488 {strides = array<i32>} : memref<80x80xf32, #tpu.memory_space<vmem>>, vector<16xf32>,
          %add3A_494 = arith.constant 6 : i32
          %add3A_495 = arith.addi %mul3A_140, %add3A_494 : i32
          %get3A_496 = arith.index_cast %add3A_495 : i32 to index
          %get3A_497 = arith.constant 16 : index
          %get3A_498 = tpu.vector_load %arg13[%get3A_496, %get3A_497] {strides = array<i32>} : memref<80x64xf32, #tpu.memory_space<vmem>>, vector<16xf32>,
          %mul3A_499 = vector.broadcast %squeeze3A_481 : f32 to vector<16xf32>
          %mul3A_500 = arith.mulf %get3A_498, %mul3A_499 : vector<16xf32>
          %add3A_501 = arith.constant 6 : i32
          %add3A_502 = arith.addi %mul3A_140, %add3A_501 : i32
          %swap3A_503 = arith.index_cast %add3A_502 : i32 to index
          %swap3A_504 = arith.constant 16 : index
          %swap3A_505 = tpu.vector_load %arg16[%swap3A_503, %swap3A_504] {strides = array<i32>} : memref<80x80xf32, #tpu.memory_space<vmem>>, vector<16xf32>,
          tpu.vector_store %arg16[%swap3A_503, %swap3A_504], %mul3A_500 {strides = array<i32>} : memref<80x80xf32, #tpu.memory_space<vmem>>, vector<16xf32>,
          %add3A_506 = arith.constant 6 : i32
          %add3A_507 = arith.addi %mul3A_140, %add3A_506 : i32
          %get3A_508 = arith.index_cast %add3A_507 : i32 to index
          %get3A_509 = arith.constant 32 : index
          %get3A_510 = tpu.vector_load %arg13[%get3A_508, %get3A_509] {strides = array<i32>} : memref<80x64xf32, #tpu.memory_space<vmem>>, vector<16xf32>,
          %mul3A_511 = vector.broadcast %squeeze3A_481 : f32 to vector<16xf32>
          %mul3A_512 = arith.mulf %get3A_510, %mul3A_511 : vector<16xf32>
          %add3A_513 = arith.constant 6 : i32
          %add3A_514 = arith.addi %mul3A_140, %add3A_513 : i32
          %swap3A_515 = arith.index_cast %add3A_514 : i32 to index
          %swap3A_516 = arith.constant 32 : index
          %swap3A_517 = tpu.vector_load %arg16[%swap3A_515, %swap3A_516] {strides = array<i32>} : memref<80x80xf32, #tpu.memory_space<vmem>>, vector<16xf32>,
          tpu.vector_store %arg16[%swap3A_515, %swap3A_516], %mul3A_512 {strides = array<i32>} : memref<80x80xf32, #tpu.memory_space<vmem>>, vector<16xf32>,
          %add3A_518 = arith.constant 6 : i32
          %add3A_519 = arith.addi %mul3A_140, %add3A_518 : i32
          %get3A_520 = arith.index_cast %add3A_519 : i32 to index
          %get3A_521 = arith.constant 48 : index
          %get3A_522 = tpu.vector_load %arg13[%get3A_520, %get3A_521] {strides = array<i32>} : memref<80x64xf32, #tpu.memory_space<vmem>>, vector<16xf32>,
          %mul3A_523 = vector.broadcast %squeeze3A_481 : f32 to vector<16xf32>
          %mul3A_524 = arith.mulf %get3A_522, %mul3A_523 : vector<16xf32>
          %add3A_525 = arith.constant 6 : i32
          %add3A_526 = arith.addi %mul3A_140, %add3A_525 : i32
          %swap3A_527 = arith.index_cast %add3A_526 : i32 to index
          %swap3A_528 = arith.constant 48 : index
          %swap3A_529 = tpu.vector_load %arg16[%swap3A_527, %swap3A_528] {strides = array<i32>} : memref<80x80xf32, #tpu.memory_space<vmem>>, vector<16xf32>,
          tpu.vector_store %arg16[%swap3A_527, %swap3A_528], %mul3A_524 {strides = array<i32>} : memref<80x80xf32, #tpu.memory_space<vmem>>, vector<16xf32>,
          %mul3A_530 = vector.broadcast %squeeze3A_481 : f32 to vector<16xf32>
          %mul3A_531 = arith.mulf %mul3A_530, %convert_element_type3A_30 : vector<16xf32>
          %add3A_532 = arith.constant 6 : i32
          %add3A_533 = arith.addi %mul3A_140, %add3A_532 : i32
          %swap3A_534 = arith.index_cast %add3A_533 : i32 to index
          %swap3A_535 = arith.constant 64 : index
          %swap3A_536 = tpu.vector_load %arg16[%swap3A_534, %swap3A_535] {strides = array<i32>} : memref<80x80xf32, #tpu.memory_space<vmem>>, vector<16xf32>,
          tpu.vector_store %arg16[%swap3A_534, %swap3A_535], %mul3A_531 {strides = array<i32>} : memref<80x80xf32, #tpu.memory_space<vmem>>, vector<16xf32>,
          %slice3A_537 = vector.extract_strided_slice %get3A_138 {offsets = [7], sizes = [1], strides = [1]} : vector<16xf32> to vector<1xf32>
          %squeeze3A_538 = vector.extract %slice3A_537[0] : f32 from vector<1xf32>
          %add3A_539 = arith.constant 7 : i32
          %add3A_540 = arith.addi %mul3A_140, %add3A_539 : i32
          %get3A_541 = arith.index_cast %add3A_540 : i32 to index
          %get3A_542 = arith.constant 0 : index
          %get3A_543 = tpu.vector_load %arg13[%get3A_541, %get3A_542] {strides = array<i32>} : memref<80x64xf32, #tpu.memory_space<vmem>>, vector<16xf32>,
          %mul3A_544 = vector.broadcast %squeeze3A_538 : f32 to vector<16xf32>
          %mul3A_545 = arith.mulf %get3A_543, %mul3A_544 : vector<16xf32>
          %add3A_546 = arith.constant 7 : i32
          %add3A_547 = arith.addi %mul3A_140, %add3A_546 : i32
          %swap3A_548 = arith.index_cast %add3A_547 : i32 to index
          %swap3A_549 = arith.constant 0 : index
          %swap3A_550 = tpu.vector_load %arg16[%swap3A_548, %swap3A_549] {strides = array<i32>} : memref<80x80xf32, #tpu.memory_space<vmem>>, vector<16xf32>,
          tpu.vector_store %arg16[%swap3A_548, %swap3A_549], %mul3A_545 {strides = array<i32>} : memref<80x80xf32, #tpu.memory_space<vmem>>, vector<16xf32>,
          %add3A_551 = arith.constant 7 : i32
          %add3A_552 = arith.addi %mul3A_140, %add3A_551 : i32
          %get3A_553 = arith.index_cast %add3A_552 : i32 to index
          %get3A_554 = arith.constant 16 : index
          %get3A_555 = tpu.vector_load %arg13[%get3A_553, %get3A_554] {strides = array<i32>} : memref<80x64xf32, #tpu.memory_space<vmem>>, vector<16xf32>,
          %mul3A_556 = vector.broadcast %squeeze3A_538 : f32 to vector<16xf32>
          %mul3A_557 = arith.mulf %get3A_555, %mul3A_556 : vector<16xf32>
          %add3A_558 = arith.constant 7 : i32
          %add3A_559 = arith.addi %mul3A_140, %add3A_558 : i32
          %swap3A_560 = arith.index_cast %add3A_559 : i32 to index
          %swap3A_561 = arith.constant 16 : index
          %swap3A_562 = tpu.vector_load %arg16[%swap3A_560, %swap3A_561] {strides = array<i32>} : memref<80x80xf32, #tpu.memory_space<vmem>>, vector<16xf32>,
          tpu.vector_store %arg16[%swap3A_560, %swap3A_561], %mul3A_557 {strides = array<i32>} : memref<80x80xf32, #tpu.memory_space<vmem>>, vector<16xf32>,
          %add3A_563 = arith.constant 7 : i32
          %add3A_564 = arith.addi %mul3A_140, %add3A_563 : i32
          %get3A_565 = arith.index_cast %add3A_564 : i32 to index
          %get3A_566 = arith.constant 32 : index
          %get3A_567 = tpu.vector_load %arg13[%get3A_565, %get3A_566] {strides = array<i32>} : memref<80x64xf32, #tpu.memory_space<vmem>>, vector<16xf32>,
          %mul3A_568 = vector.broadcast %squeeze3A_538 : f32 to vector<16xf32>
          %mul3A_569 = arith.mulf %get3A_567, %mul3A_568 : vector<16xf32>
          %add3A_570 = arith.constant 7 : i32
          %add3A_571 = arith.addi %mul3A_140, %add3A_570 : i32
          %swap3A_572 = arith.index_cast %add3A_571 : i32 to index
          %swap3A_573 = arith.constant 32 : index
          %swap3A_574 = tpu.vector_load %arg16[%swap3A_572, %swap3A_573] {strides = array<i32>} : memref<80x80xf32, #tpu.memory_space<vmem>>, vector<16xf32>,
          tpu.vector_store %arg16[%swap3A_572, %swap3A_573], %mul3A_569 {strides = array<i32>} : memref<80x80xf32, #tpu.memory_space<vmem>>, vector<16xf32>,
          %add3A_575 = arith.constant 7 : i32
          %add3A_576 = arith.addi %mul3A_140, %add3A_575 : i32
          %get3A_577 = arith.index_cast %add3A_576 : i32 to index
          %get3A_578 = arith.constant 48 : index
          %get3A_579 = tpu.vector_load %arg13[%get3A_577, %get3A_578] {strides = array<i32>} : memref<80x64xf32, #tpu.memory_space<vmem>>, vector<16xf32>,
          %mul3A_580 = vector.broadcast %squeeze3A_538 : f32 to vector<16xf32>
          %mul3A_581 = arith.mulf %get3A_579, %mul3A_580 : vector<16xf32>
          %add3A_582 = arith.constant 7 : i32
          %add3A_583 = arith.addi %mul3A_140, %add3A_582 : i32
          %swap3A_584 = arith.index_cast %add3A_583 : i32 to index
          %swap3A_585 = arith.constant 48 : index
          %swap3A_586 = tpu.vector_load %arg16[%swap3A_584, %swap3A_585] {strides = array<i32>} : memref<80x80xf32, #tpu.memory_space<vmem>>, vector<16xf32>,
          tpu.vector_store %arg16[%swap3A_584, %swap3A_585], %mul3A_581 {strides = array<i32>} : memref<80x80xf32, #tpu.memory_space<vmem>>, vector<16xf32>,
          %mul3A_587 = vector.broadcast %squeeze3A_538 : f32 to vector<16xf32>
          %mul3A_588 = arith.mulf %mul3A_587, %convert_element_type3A_30 : vector<16xf32>
          %add3A_589 = arith.constant 7 : i32
          %add3A_590 = arith.addi %mul3A_140, %add3A_589 : i32
          %swap3A_591 = arith.index_cast %add3A_590 : i32 to index
          %swap3A_592 = arith.constant 64 : index
          %swap3A_593 = tpu.vector_load %arg16[%swap3A_591, %swap3A_592] {strides = array<i32>} : memref<80x80xf32, #tpu.memory_space<vmem>>, vector<16xf32>,
          tpu.vector_store %arg16[%swap3A_591, %swap3A_592], %mul3A_588 {strides = array<i32>} : memref<80x80xf32, #tpu.memory_space<vmem>>, vector<16xf32>,
          %slice3A_594 = vector.extract_strided_slice %get3A_138 {offsets = [8], sizes = [1], strides = [1]} : vector<16xf32> to vector<1xf32>
          %squeeze3A_595 = vector.extract %slice3A_594[0] : f32 from vector<1xf32>
          %add3A_596 = arith.constant 8 : i32
          %add3A_597 = arith.addi %mul3A_140, %add3A_596 : i32
          %get3A_598 = arith.index_cast %add3A_597 : i32 to index
          %get3A_599 = arith.constant 0 : index
          %get3A_600 = tpu.vector_load %arg13[%get3A_598, %get3A_599] {strides = array<i32>} : memref<80x64xf32, #tpu.memory_space<vmem>>, vector<16xf32>,
          %mul3A_601 = vector.broadcast %squeeze3A_595 : f32 to vector<16xf32>
          %mul3A_602 = arith.mulf %get3A_600, %mul3A_601 : vector<16xf32>
          %add3A_603 = arith.constant 8 : i32
          %add3A_604 = arith.addi %mul3A_140, %add3A_603 : i32
          %swap3A_605 = arith.index_cast %add3A_604 : i32 to index
          %swap3A_606 = arith.constant 0 : index
          %swap3A_607 = tpu.vector_load %arg16[%swap3A_605, %swap3A_606] {strides = array<i32>} : memref<80x80xf32, #tpu.memory_space<vmem>>, vector<16xf32>,
          tpu.vector_store %arg16[%swap3A_605, %swap3A_606], %mul3A_602 {strides = array<i32>} : memref<80x80xf32, #tpu.memory_space<vmem>>, vector<16xf32>,
          %add3A_608 = arith.constant 8 : i32
          %add3A_609 = arith.addi %mul3A_140, %add3A_608 : i32
          %get3A_610 = arith.index_cast %add3A_609 : i32 to index
          %get3A_611 = arith.constant 16 : index
          %get3A_612 = tpu.vector_load %arg13[%get3A_610, %get3A_611] {strides = array<i32>} : memref<80x64xf32, #tpu.memory_space<vmem>>, vector<16xf32>,
          %mul3A_613 = vector.broadcast %squeeze3A_595 : f32 to vector<16xf32>
          %mul3A_614 = arith.mulf %get3A_612, %mul3A_613 : vector<16xf32>
          %add3A_615 = arith.constant 8 : i32
          %add3A_616 = arith.addi %mul3A_140, %add3A_615 : i32
          %swap3A_617 = arith.index_cast %add3A_616 : i32 to index
          %swap3A_618 = arith.constant 16 : index
          %swap3A_619 = tpu.vector_load %arg16[%swap3A_617, %swap3A_618] {strides = array<i32>} : memref<80x80xf32, #tpu.memory_space<vmem>>, vector<16xf32>,
          tpu.vector_store %arg16[%swap3A_617, %swap3A_618], %mul3A_614 {strides = array<i32>} : memref<80x80xf32, #tpu.memory_space<vmem>>, vector<16xf32>,
          %add3A_620 = arith.constant 8 : i32
          %add3A_621 = arith.addi %mul3A_140, %add3A_620 : i32
          %get3A_622 = arith.index_cast %add3A_621 : i32 to index
          %get3A_623 = arith.constant 32 : index
          %get3A_624 = tpu.vector_load %arg13[%get3A_622, %get3A_623] {strides = array<i32>} : memref<80x64xf32, #tpu.memory_space<vmem>>, vector<16xf32>,
          %mul3A_625 = vector.broadcast %squeeze3A_595 : f32 to vector<16xf32>
          %mul3A_626 = arith.mulf %get3A_624, %mul3A_625 : vector<16xf32>
          %add3A_627 = arith.constant 8 : i32
          %add3A_628 = arith.addi %mul3A_140, %add3A_627 : i32
          %swap3A_629 = arith.index_cast %add3A_628 : i32 to index
          %swap3A_630 = arith.constant 32 : index
          %swap3A_631 = tpu.vector_load %arg16[%swap3A_629, %swap3A_630] {strides = array<i32>} : memref<80x80xf32, #tpu.memory_space<vmem>>, vector<16xf32>,
          tpu.vector_store %arg16[%swap3A_629, %swap3A_630], %mul3A_626 {strides = array<i32>} : memref<80x80xf32, #tpu.memory_space<vmem>>, vector<16xf32>,
          %add3A_632 = arith.constant 8 : i32
          %add3A_633 = arith.addi %mul3A_140, %add3A_632 : i32
          %get3A_634 = arith.index_cast %add3A_633 : i32 to index
          %get3A_635 = arith.constant 48 : index
          %get3A_636 = tpu.vector_load %arg13[%get3A_634, %get3A_635] {strides = array<i32>} : memref<80x64xf32, #tpu.memory_space<vmem>>, vector<16xf32>,
          %mul3A_637 = vector.broadcast %squeeze3A_595 : f32 to vector<16xf32>
          %mul3A_638 = arith.mulf %get3A_636, %mul3A_637 : vector<16xf32>
          %add3A_639 = arith.constant 8 : i32
          %add3A_640 = arith.addi %mul3A_140, %add3A_639 : i32
          %swap3A_641 = arith.index_cast %add3A_640 : i32 to index
          %swap3A_642 = arith.constant 48 : index
          %swap3A_643 = tpu.vector_load %arg16[%swap3A_641, %swap3A_642] {strides = array<i32>} : memref<80x80xf32, #tpu.memory_space<vmem>>, vector<16xf32>,
          tpu.vector_store %arg16[%swap3A_641, %swap3A_642], %mul3A_638 {strides = array<i32>} : memref<80x80xf32, #tpu.memory_space<vmem>>, vector<16xf32>,
          %mul3A_644 = vector.broadcast %squeeze3A_595 : f32 to vector<16xf32>
          %mul3A_645 = arith.mulf %mul3A_644, %convert_element_type3A_30 : vector<16xf32>
          %add3A_646 = arith.constant 8 : i32
          %add3A_647 = arith.addi %mul3A_140, %add3A_646 : i32
          %swap3A_648 = arith.index_cast %add3A_647 : i32 to index
          %swap3A_649 = arith.constant 64 : index
          %swap3A_650 = tpu.vector_load %arg16[%swap3A_648, %swap3A_649] {strides = array<i32>} : memref<80x80xf32, #tpu.memory_space<vmem>>, vector<16xf32>,
          tpu.vector_store %arg16[%swap3A_648, %swap3A_649], %mul3A_645 {strides = array<i32>} : memref<80x80xf32, #tpu.memory_space<vmem>>, vector<16xf32>,
          %slice3A_651 = vector.extract_strided_slice %get3A_138 {offsets = [9], sizes = [1], strides = [1]} : vector<16xf32> to vector<1xf32>
          %squeeze3A_652 = vector.extract %slice3A_651[0] : f32 from vector<1xf32>
          %add3A_653 = arith.constant 9 : i32
          %add3A_654 = arith.addi %mul3A_140, %add3A_653 : i32
          %get3A_655 = arith.index_cast %add3A_654 : i32 to index
          %get3A_656 = arith.constant 0 : index
          %get3A_657 = tpu.vector_load %arg13[%get3A_655, %get3A_656] {strides = array<i32>} : memref<80x64xf32, #tpu.memory_space<vmem>>, vector<16xf32>,
          %mul3A_658 = vector.broadcast %squeeze3A_652 : f32 to vector<16xf32>
          %mul3A_659 = arith.mulf %get3A_657, %mul3A_658 : vector<16xf32>
          %add3A_660 = arith.constant 9 : i32
          %add3A_661 = arith.addi %mul3A_140, %add3A_660 : i32
          %swap3A_662 = arith.index_cast %add3A_661 : i32 to index
          %swap3A_663 = arith.constant 0 : index
          %swap3A_664 = tpu.vector_load %arg16[%swap3A_662, %swap3A_663] {strides = array<i32>} : memref<80x80xf32, #tpu.memory_space<vmem>>, vector<16xf32>,
          tpu.vector_store %arg16[%swap3A_662, %swap3A_663], %mul3A_659 {strides = array<i32>} : memref<80x80xf32, #tpu.memory_space<vmem>>, vector<16xf32>,
          %add3A_665 = arith.constant 9 : i32
          %add3A_666 = arith.addi %mul3A_140, %add3A_665 : i32
          %get3A_667 = arith.index_cast %add3A_666 : i32 to index
          %get3A_668 = arith.constant 16 : index
          %get3A_669 = tpu.vector_load %arg13[%get3A_667, %get3A_668] {strides = array<i32>} : memref<80x64xf32, #tpu.memory_space<vmem>>, vector<16xf32>,
          %mul3A_670 = vector.broadcast %squeeze3A_652 : f32 to vector<16xf32>
          %mul3A_671 = arith.mulf %get3A_669, %mul3A_670 : vector<16xf32>
          %add3A_672 = arith.constant 9 : i32
          %add3A_673 = arith.addi %mul3A_140, %add3A_672 : i32
          %swap3A_674 = arith.index_cast %add3A_673 : i32 to index
          %swap3A_675 = arith.constant 16 : index
          %swap3A_676 = tpu.vector_load %arg16[%swap3A_674, %swap3A_675] {strides = array<i32>} : memref<80x80xf32, #tpu.memory_space<vmem>>, vector<16xf32>,
          tpu.vector_store %arg16[%swap3A_674, %swap3A_675], %mul3A_671 {strides = array<i32>} : memref<80x80xf32, #tpu.memory_space<vmem>>, vector<16xf32>,
          %add3A_677 = arith.constant 9 : i32
          %add3A_678 = arith.addi %mul3A_140, %add3A_677 : i32
          %get3A_679 = arith.index_cast %add3A_678 : i32 to index
          %get3A_680 = arith.constant 32 : index
          %get3A_681 = tpu.vector_load %arg13[%get3A_679, %get3A_680] {strides = array<i32>} : memref<80x64xf32, #tpu.memory_space<vmem>>, vector<16xf32>,
          %mul3A_682 = vector.broadcast %squeeze3A_652 : f32 to vector<16xf32>
          %mul3A_683 = arith.mulf %get3A_681, %mul3A_682 : vector<16xf32>
          %add3A_684 = arith.constant 9 : i32
          %add3A_685 = arith.addi %mul3A_140, %add3A_684 : i32
          %swap3A_686 = arith.index_cast %add3A_685 : i32 to index
          %swap3A_687 = arith.constant 32 : index
          %swap3A_688 = tpu.vector_load %arg16[%swap3A_686, %swap3A_687] {strides = array<i32>} : memref<80x80xf32, #tpu.memory_space<vmem>>, vector<16xf32>,
          tpu.vector_store %arg16[%swap3A_686, %swap3A_687], %mul3A_683 {strides = array<i32>} : memref<80x80xf32, #tpu.memory_space<vmem>>, vector<16xf32>,
          %add3A_689 = arith.constant 9 : i32
          %add3A_690 = arith.addi %mul3A_140, %add3A_689 : i32
          %get3A_691 = arith.index_cast %add3A_690 : i32 to index
          %get3A_692 = arith.constant 48 : index
          %get3A_693 = tpu.vector_load %arg13[%get3A_691, %get3A_692] {strides = array<i32>} : memref<80x64xf32, #tpu.memory_space<vmem>>, vector<16xf32>,
          %mul3A_694 = vector.broadcast %squeeze3A_652 : f32 to vector<16xf32>
          %mul3A_695 = arith.mulf %get3A_693, %mul3A_694 : vector<16xf32>
          %add3A_696 = arith.constant 9 : i32
          %add3A_697 = arith.addi %mul3A_140, %add3A_696 : i32
          %swap3A_698 = arith.index_cast %add3A_697 : i32 to index
          %swap3A_699 = arith.constant 48 : index
          %swap3A_700 = tpu.vector_load %arg16[%swap3A_698, %swap3A_699] {strides = array<i32>} : memref<80x80xf32, #tpu.memory_space<vmem>>, vector<16xf32>,
          tpu.vector_store %arg16[%swap3A_698, %swap3A_699], %mul3A_695 {strides = array<i32>} : memref<80x80xf32, #tpu.memory_space<vmem>>, vector<16xf32>,
          %mul3A_701 = vector.broadcast %squeeze3A_652 : f32 to vector<16xf32>
          %mul3A_702 = arith.mulf %mul3A_701, %convert_element_type3A_30 : vector<16xf32>
          %add3A_703 = arith.constant 9 : i32
          %add3A_704 = arith.addi %mul3A_140, %add3A_703 : i32
          %swap3A_705 = arith.index_cast %add3A_704 : i32 to index
          %swap3A_706 = arith.constant 64 : index
          %swap3A_707 = tpu.vector_load %arg16[%swap3A_705, %swap3A_706] {strides = array<i32>} : memref<80x80xf32, #tpu.memory_space<vmem>>, vector<16xf32>,
          tpu.vector_store %arg16[%swap3A_705, %swap3A_706], %mul3A_702 {strides = array<i32>} : memref<80x80xf32, #tpu.memory_space<vmem>>, vector<16xf32>,
          %slice3A_708 = vector.extract_strided_slice %get3A_138 {offsets = [10], sizes = [1], strides = [1]} : vector<16xf32> to vector<1xf32>
          %squeeze3A_709 = vector.extract %slice3A_708[0] : f32 from vector<1xf32>
          %add3A_710 = arith.constant 10 : i32
          %add3A_711 = arith.addi %mul3A_140, %add3A_710 : i32
          %get3A_712 = arith.index_cast %add3A_711 : i32 to index
          %get3A_713 = arith.constant 0 : index
          %get3A_714 = tpu.vector_load %arg13[%get3A_712, %get3A_713] {strides = array<i32>} : memref<80x64xf32, #tpu.memory_space<vmem>>, vector<16xf32>,
          %mul3A_715 = vector.broadcast %squeeze3A_709 : f32 to vector<16xf32>
          %mul3A_716 = arith.mulf %get3A_714, %mul3A_715 : vector<16xf32>
          %add3A_717 = arith.constant 10 : i32
          %add3A_718 = arith.addi %mul3A_140, %add3A_717 : i32
          %swap3A_719 = arith.index_cast %add3A_718 : i32 to index
          %swap3A_720 = arith.constant 0 : index
          %swap3A_721 = tpu.vector_load %arg16[%swap3A_719, %swap3A_720] {strides = array<i32>} : memref<80x80xf32, #tpu.memory_space<vmem>>, vector<16xf32>,
          tpu.vector_store %arg16[%swap3A_719, %swap3A_720], %mul3A_716 {strides = array<i32>} : memref<80x80xf32, #tpu.memory_space<vmem>>, vector<16xf32>,
          %add3A_722 = arith.constant 10 : i32
          %add3A_723 = arith.addi %mul3A_140, %add3A_722 : i32
          %get3A_724 = arith.index_cast %add3A_723 : i32 to index
          %get3A_725 = arith.constant 16 : index
          %get3A_726 = tpu.vector_load %arg13[%get3A_724, %get3A_725] {strides = array<i32>} : memref<80x64xf32, #tpu.memory_space<vmem>>, vector<16xf32>,
          %mul3A_727 = vector.broadcast %squeeze3A_709 : f32 to vector<16xf32>
          %mul3A_728 = arith.mulf %get3A_726, %mul3A_727 : vector<16xf32>
          %add3A_729 = arith.constant 10 : i32
          %add3A_730 = arith.addi %mul3A_140, %add3A_729 : i32
          %swap3A_731 = arith.index_cast %add3A_730 : i32 to index
          %swap3A_732 = arith.constant 16 : index
          %swap3A_733 = tpu.vector_load %arg16[%swap3A_731, %swap3A_732] {strides = array<i32>} : memref<80x80xf32, #tpu.memory_space<vmem>>, vector<16xf32>,
          tpu.vector_store %arg16[%swap3A_731, %swap3A_732], %mul3A_728 {strides = array<i32>} : memref<80x80xf32, #tpu.memory_space<vmem>>, vector<16xf32>,
          %add3A_734 = arith.constant 10 : i32
          %add3A_735 = arith.addi %mul3A_140, %add3A_734 : i32
          %get3A_736 = arith.index_cast %add3A_735 : i32 to index
          %get3A_737 = arith.constant 32 : index
          %get3A_738 = tpu.vector_load %arg13[%get3A_736, %get3A_737] {strides = array<i32>} : memref<80x64xf32, #tpu.memory_space<vmem>>, vector<16xf32>,
          %mul3A_739 = vector.broadcast %squeeze3A_709 : f32 to vector<16xf32>
          %mul3A_740 = arith.mulf %get3A_738, %mul3A_739 : vector<16xf32>
          %add3A_741 = arith.constant 10 : i32
          %add3A_742 = arith.addi %mul3A_140, %add3A_741 : i32
          %swap3A_743 = arith.index_cast %add3A_742 : i32 to index
          %swap3A_744 = arith.constant 32 : index
          %swap3A_745 = tpu.vector_load %arg16[%swap3A_743, %swap3A_744] {strides = array<i32>} : memref<80x80xf32, #tpu.memory_space<vmem>>, vector<16xf32>,
          tpu.vector_store %arg16[%swap3A_743, %swap3A_744], %mul3A_740 {strides = array<i32>} : memref<80x80xf32, #tpu.memory_space<vmem>>, vector<16xf32>,
          %add3A_746 = arith.constant 10 : i32
          %add3A_747 = arith.addi %mul3A_140, %add3A_746 : i32
          %get3A_748 = arith.index_cast %add3A_747 : i32 to index
          %get3A_749 = arith.constant 48 : index
          %get3A_750 = tpu.vector_load %arg13[%get3A_748, %get3A_749] {strides = array<i32>} : memref<80x64xf32, #tpu.memory_space<vmem>>, vector<16xf32>,
          %mul3A_751 = vector.broadcast %squeeze3A_709 : f32 to vector<16xf32>
          %mul3A_752 = arith.mulf %get3A_750, %mul3A_751 : vector<16xf32>
          %add3A_753 = arith.constant 10 : i32
          %add3A_754 = arith.addi %mul3A_140, %add3A_753 : i32
          %swap3A_755 = arith.index_cast %add3A_754 : i32 to index
          %swap3A_756 = arith.constant 48 : index
          %swap3A_757 = tpu.vector_load %arg16[%swap3A_755, %swap3A_756] {strides = array<i32>} : memref<80x80xf32, #tpu.memory_space<vmem>>, vector<16xf32>,
          tpu.vector_store %arg16[%swap3A_755, %swap3A_756], %mul3A_752 {strides = array<i32>} : memref<80x80xf32, #tpu.memory_space<vmem>>, vector<16xf32>,
          %mul3A_758 = vector.broadcast %squeeze3A_709 : f32 to vector<16xf32>
          %mul3A_759 = arith.mulf %mul3A_758, %convert_element_type3A_30 : vector<16xf32>
          %add3A_760 = arith.constant 10 : i32
          %add3A_761 = arith.addi %mul3A_140, %add3A_760 : i32
          %swap3A_762 = arith.index_cast %add3A_761 : i32 to index
          %swap3A_763 = arith.constant 64 : index
          %swap3A_764 = tpu.vector_load %arg16[%swap3A_762, %swap3A_763] {strides = array<i32>} : memref<80x80xf32, #tpu.memory_space<vmem>>, vector<16xf32>,
          tpu.vector_store %arg16[%swap3A_762, %swap3A_763], %mul3A_759 {strides = array<i32>} : memref<80x80xf32, #tpu.memory_space<vmem>>, vector<16xf32>,
          %slice3A_765 = vector.extract_strided_slice %get3A_138 {offsets = [11], sizes = [1], strides = [1]} : vector<16xf32> to vector<1xf32>
          %squeeze3A_766 = vector.extract %slice3A_765[0] : f32 from vector<1xf32>
          %add3A_767 = arith.constant 11 : i32
          %add3A_768 = arith.addi %mul3A_140, %add3A_767 : i32
          %get3A_769 = arith.index_cast %add3A_768 : i32 to index
          %get3A_770 = arith.constant 0 : index
          %get3A_771 = tpu.vector_load %arg13[%get3A_769, %get3A_770] {strides = array<i32>} : memref<80x64xf32, #tpu.memory_space<vmem>>, vector<16xf32>,
          %mul3A_772 = vector.broadcast %squeeze3A_766 : f32 to vector<16xf32>
          %mul3A_773 = arith.mulf %get3A_771, %mul3A_772 : vector<16xf32>
          %add3A_774 = arith.constant 11 : i32
          %add3A_775 = arith.addi %mul3A_140, %add3A_774 : i32
          %swap3A_776 = arith.index_cast %add3A_775 : i32 to index
          %swap3A_777 = arith.constant 0 : index
          %swap3A_778 = tpu.vector_load %arg16[%swap3A_776, %swap3A_777] {strides = array<i32>} : memref<80x80xf32, #tpu.memory_space<vmem>>, vector<16xf32>,
          tpu.vector_store %arg16[%swap3A_776, %swap3A_777], %mul3A_773 {strides = array<i32>} : memref<80x80xf32, #tpu.memory_space<vmem>>, vector<16xf32>,
          %add3A_779 = arith.constant 11 : i32
          %add3A_780 = arith.addi %mul3A_140, %add3A_779 : i32
          %get3A_781 = arith.index_cast %add3A_780 : i32 to index
          %get3A_782 = arith.constant 16 : index
          %get3A_783 = tpu.vector_load %arg13[%get3A_781, %get3A_782] {strides = array<i32>} : memref<80x64xf32, #tpu.memory_space<vmem>>, vector<16xf32>,
          %mul3A_784 = vector.broadcast %squeeze3A_766 : f32 to vector<16xf32>
          %mul3A_785 = arith.mulf %get3A_783, %mul3A_784 : vector<16xf32>
          %add3A_786 = arith.constant 11 : i32
          %add3A_787 = arith.addi %mul3A_140, %add3A_786 : i32
          %swap3A_788 = arith.index_cast %add3A_787 : i32 to index
          %swap3A_789 = arith.constant 16 : index
          %swap3A_790 = tpu.vector_load %arg16[%swap3A_788, %swap3A_789] {strides = array<i32>} : memref<80x80xf32, #tpu.memory_space<vmem>>, vector<16xf32>,
          tpu.vector_store %arg16[%swap3A_788, %swap3A_789], %mul3A_785 {strides = array<i32>} : memref<80x80xf32, #tpu.memory_space<vmem>>, vector<16xf32>,
          %add3A_791 = arith.constant 11 : i32
          %add3A_792 = arith.addi %mul3A_140, %add3A_791 : i32
          %get3A_793 = arith.index_cast %add3A_792 : i32 to index
          %get3A_794 = arith.constant 32 : index
          %get3A_795 = tpu.vector_load %arg13[%get3A_793, %get3A_794] {strides = array<i32>} : memref<80x64xf32, #tpu.memory_space<vmem>>, vector<16xf32>,
          %mul3A_796 = vector.broadcast %squeeze3A_766 : f32 to vector<16xf32>
          %mul3A_797 = arith.mulf %get3A_795, %mul3A_796 : vector<16xf32>
          %add3A_798 = arith.constant 11 : i32
          %add3A_799 = arith.addi %mul3A_140, %add3A_798 : i32
          %swap3A_800 = arith.index_cast %add3A_799 : i32 to index
          %swap3A_801 = arith.constant 32 : index
          %swap3A_802 = tpu.vector_load %arg16[%swap3A_800, %swap3A_801] {strides = array<i32>} : memref<80x80xf32, #tpu.memory_space<vmem>>, vector<16xf32>,
          tpu.vector_store %arg16[%swap3A_800, %swap3A_801], %mul3A_797 {strides = array<i32>} : memref<80x80xf32, #tpu.memory_space<vmem>>, vector<16xf32>,
          %add3A_803 = arith.constant 11 : i32
          %add3A_804 = arith.addi %mul3A_140, %add3A_803 : i32
          %get3A_805 = arith.index_cast %add3A_804 : i32 to index
          %get3A_806 = arith.constant 48 : index
          %get3A_807 = tpu.vector_load %arg13[%get3A_805, %get3A_806] {strides = array<i32>} : memref<80x64xf32, #tpu.memory_space<vmem>>, vector<16xf32>,
          %mul3A_808 = vector.broadcast %squeeze3A_766 : f32 to vector<16xf32>
          %mul3A_809 = arith.mulf %get3A_807, %mul3A_808 : vector<16xf32>
          %add3A_810 = arith.constant 11 : i32
          %add3A_811 = arith.addi %mul3A_140, %add3A_810 : i32
          %swap3A_812 = arith.index_cast %add3A_811 : i32 to index
          %swap3A_813 = arith.constant 48 : index
          %swap3A_814 = tpu.vector_load %arg16[%swap3A_812, %swap3A_813] {strides = array<i32>} : memref<80x80xf32, #tpu.memory_space<vmem>>, vector<16xf32>,
          tpu.vector_store %arg16[%swap3A_812, %swap3A_813], %mul3A_809 {strides = array<i32>} : memref<80x80xf32, #tpu.memory_space<vmem>>, vector<16xf32>,
          %mul3A_815 = vector.broadcast %squeeze3A_766 : f32 to vector<16xf32>
          %mul3A_816 = arith.mulf %mul3A_815, %convert_element_type3A_30 : vector<16xf32>
          %add3A_817 = arith.constant 11 : i32
          %add3A_818 = arith.addi %mul3A_140, %add3A_817 : i32
          %swap3A_819 = arith.index_cast %add3A_818 : i32 to index
          %swap3A_820 = arith.constant 64 : index
          %swap3A_821 = tpu.vector_load %arg16[%swap3A_819, %swap3A_820] {strides = array<i32>} : memref<80x80xf32, #tpu.memory_space<vmem>>, vector<16xf32>,
          tpu.vector_store %arg16[%swap3A_819, %swap3A_820], %mul3A_816 {strides = array<i32>} : memref<80x80xf32, #tpu.memory_space<vmem>>, vector<16xf32>,
          %slice3A_822 = vector.extract_strided_slice %get3A_138 {offsets = [12], sizes = [1], strides = [1]} : vector<16xf32> to vector<1xf32>
          %squeeze3A_823 = vector.extract %slice3A_822[0] : f32 from vector<1xf32>
          %add3A_824 = arith.constant 12 : i32
          %add3A_825 = arith.addi %mul3A_140, %add3A_824 : i32
          %get3A_826 = arith.index_cast %add3A_825 : i32 to index
          %get3A_827 = arith.constant 0 : index
          %get3A_828 = tpu.vector_load %arg13[%get3A_826, %get3A_827] {strides = array<i32>} : memref<80x64xf32, #tpu.memory_space<vmem>>, vector<16xf32>,
          %mul3A_829 = vector.broadcast %squeeze3A_823 : f32 to vector<16xf32>
          %mul3A_830 = arith.mulf %get3A_828, %mul3A_829 : vector<16xf32>
          %add3A_831 = arith.constant 12 : i32
          %add3A_832 = arith.addi %mul3A_140, %add3A_831 : i32
          %swap3A_833 = arith.index_cast %add3A_832 : i32 to index
          %swap3A_834 = arith.constant 0 : index
          %swap3A_835 = tpu.vector_load %arg16[%swap3A_833, %swap3A_834] {strides = array<i32>} : memref<80x80xf32, #tpu.memory_space<vmem>>, vector<16xf32>,
          tpu.vector_store %arg16[%swap3A_833, %swap3A_834], %mul3A_830 {strides = array<i32>} : memref<80x80xf32, #tpu.memory_space<vmem>>, vector<16xf32>,
          %add3A_836 = arith.constant 12 : i32
          %add3A_837 = arith.addi %mul3A_140, %add3A_836 : i32
          %get3A_838 = arith.index_cast %add3A_837 : i32 to index
          %get3A_839 = arith.constant 16 : index
          %get3A_840 = tpu.vector_load %arg13[%get3A_838, %get3A_839] {strides = array<i32>} : memref<80x64xf32, #tpu.memory_space<vmem>>, vector<16xf32>,
          %mul3A_841 = vector.broadcast %squeeze3A_823 : f32 to vector<16xf32>
          %mul3A_842 = arith.mulf %get3A_840, %mul3A_841 : vector<16xf32>
          %add3A_843 = arith.constant 12 : i32
          %add3A_844 = arith.addi %mul3A_140, %add3A_843 : i32
          %swap3A_845 = arith.index_cast %add3A_844 : i32 to index
          %swap3A_846 = arith.constant 16 : index
          %swap3A_847 = tpu.vector_load %arg16[%swap3A_845, %swap3A_846] {strides = array<i32>} : memref<80x80xf32, #tpu.memory_space<vmem>>, vector<16xf32>,
          tpu.vector_store %arg16[%swap3A_845, %swap3A_846], %mul3A_842 {strides = array<i32>} : memref<80x80xf32, #tpu.memory_space<vmem>>, vector<16xf32>,
          %add3A_848 = arith.constant 12 : i32
          %add3A_849 = arith.addi %mul3A_140, %add3A_848 : i32
          %get3A_850 = arith.index_cast %add3A_849 : i32 to index
          %get3A_851 = arith.constant 32 : index
          %get3A_852 = tpu.vector_load %arg13[%get3A_850, %get3A_851] {strides = array<i32>} : memref<80x64xf32, #tpu.memory_space<vmem>>, vector<16xf32>,
          %mul3A_853 = vector.broadcast %squeeze3A_823 : f32 to vector<16xf32>
          %mul3A_854 = arith.mulf %get3A_852, %mul3A_853 : vector<16xf32>
          %add3A_855 = arith.constant 12 : i32
          %add3A_856 = arith.addi %mul3A_140, %add3A_855 : i32
          %swap3A_857 = arith.index_cast %add3A_856 : i32 to index
          %swap3A_858 = arith.constant 32 : index
          %swap3A_859 = tpu.vector_load %arg16[%swap3A_857, %swap3A_858] {strides = array<i32>} : memref<80x80xf32, #tpu.memory_space<vmem>>, vector<16xf32>,
          tpu.vector_store %arg16[%swap3A_857, %swap3A_858], %mul3A_854 {strides = array<i32>} : memref<80x80xf32, #tpu.memory_space<vmem>>, vector<16xf32>,
          %add3A_860 = arith.constant 12 : i32
          %add3A_861 = arith.addi %mul3A_140, %add3A_860 : i32
          %get3A_862 = arith.index_cast %add3A_861 : i32 to index
          %get3A_863 = arith.constant 48 : index
          %get3A_864 = tpu.vector_load %arg13[%get3A_862, %get3A_863] {strides = array<i32>} : memref<80x64xf32, #tpu.memory_space<vmem>>, vector<16xf32>,
          %mul3A_865 = vector.broadcast %squeeze3A_823 : f32 to vector<16xf32>
          %mul3A_866 = arith.mulf %get3A_864, %mul3A_865 : vector<16xf32>
          %add3A_867 = arith.constant 12 : i32
          %add3A_868 = arith.addi %mul3A_140, %add3A_867 : i32
          %swap3A_869 = arith.index_cast %add3A_868 : i32 to index
          %swap3A_870 = arith.constant 48 : index
          %swap3A_871 = tpu.vector_load %arg16[%swap3A_869, %swap3A_870] {strides = array<i32>} : memref<80x80xf32, #tpu.memory_space<vmem>>, vector<16xf32>,
          tpu.vector_store %arg16[%swap3A_869, %swap3A_870], %mul3A_866 {strides = array<i32>} : memref<80x80xf32, #tpu.memory_space<vmem>>, vector<16xf32>,
          %mul3A_872 = vector.broadcast %squeeze3A_823 : f32 to vector<16xf32>
          %mul3A_873 = arith.mulf %mul3A_872, %convert_element_type3A_30 : vector<16xf32>
          %add3A_874 = arith.constant 12 : i32
          %add3A_875 = arith.addi %mul3A_140, %add3A_874 : i32
          %swap3A_876 = arith.index_cast %add3A_875 : i32 to index
          %swap3A_877 = arith.constant 64 : index
          %swap3A_878 = tpu.vector_load %arg16[%swap3A_876, %swap3A_877] {strides = array<i32>} : memref<80x80xf32, #tpu.memory_space<vmem>>, vector<16xf32>,
          tpu.vector_store %arg16[%swap3A_876, %swap3A_877], %mul3A_873 {strides = array<i32>} : memref<80x80xf32, #tpu.memory_space<vmem>>, vector<16xf32>,
          %slice3A_879 = vector.extract_strided_slice %get3A_138 {offsets = [13], sizes = [1], strides = [1]} : vector<16xf32> to vector<1xf32>
          %squeeze3A_880 = vector.extract %slice3A_879[0] : f32 from vector<1xf32>
          %add3A_881 = arith.constant 13 : i32
          %add3A_882 = arith.addi %mul3A_140, %add3A_881 : i32
          %get3A_883 = arith.index_cast %add3A_882 : i32 to index
          %get3A_884 = arith.constant 0 : index
          %get3A_885 = tpu.vector_load %arg13[%get3A_883, %get3A_884] {strides = array<i32>} : memref<80x64xf32, #tpu.memory_space<vmem>>, vector<16xf32>,
          %mul3A_886 = vector.broadcast %squeeze3A_880 : f32 to vector<16xf32>
          %mul3A_887 = arith.mulf %get3A_885, %mul3A_886 : vector<16xf32>
          %add3A_888 = arith.constant 13 : i32
          %add3A_889 = arith.addi %mul3A_140, %add3A_888 : i32
          %swap3A_890 = arith.index_cast %add3A_889 : i32 to index
          %swap3A_891 = arith.constant 0 : index
          %swap3A_892 = tpu.vector_load %arg16[%swap3A_890, %swap3A_891] {strides = array<i32>} : memref<80x80xf32, #tpu.memory_space<vmem>>, vector<16xf32>,
          tpu.vector_store %arg16[%swap3A_890, %swap3A_891], %mul3A_887 {strides = array<i32>} : memref<80x80xf32, #tpu.memory_space<vmem>>, vector<16xf32>,
          %add3A_893 = arith.constant 13 : i32
          %add3A_894 = arith.addi %mul3A_140, %add3A_893 : i32
          %get3A_895 = arith.index_cast %add3A_894 : i32 to index
          %get3A_896 = arith.constant 16 : index
          %get3A_897 = tpu.vector_load %arg13[%get3A_895, %get3A_896] {strides = array<i32>} : memref<80x64xf32, #tpu.memory_space<vmem>>, vector<16xf32>,
          %mul3A_898 = vector.broadcast %squeeze3A_880 : f32 to vector<16xf32>
          %mul3A_899 = arith.mulf %get3A_897, %mul3A_898 : vector<16xf32>
          %add3A_900 = arith.constant 13 : i32
          %add3A_901 = arith.addi %mul3A_140, %add3A_900 : i32
          %swap3A_902 = arith.index_cast %add3A_901 : i32 to index
          %swap3A_903 = arith.constant 16 : index
          %swap3A_904 = tpu.vector_load %arg16[%swap3A_902, %swap3A_903] {strides = array<i32>} : memref<80x80xf32, #tpu.memory_space<vmem>>, vector<16xf32>,
          tpu.vector_store %arg16[%swap3A_902, %swap3A_903], %mul3A_899 {strides = array<i32>} : memref<80x80xf32, #tpu.memory_space<vmem>>, vector<16xf32>,
          %add3A_905 = arith.constant 13 : i32
          %add3A_906 = arith.addi %mul3A_140, %add3A_905 : i32
          %get3A_907 = arith.index_cast %add3A_906 : i32 to index
          %get3A_908 = arith.constant 32 : index
          %get3A_909 = tpu.vector_load %arg13[%get3A_907, %get3A_908] {strides = array<i32>} : memref<80x64xf32, #tpu.memory_space<vmem>>, vector<16xf32>,
          %mul3A_910 = vector.broadcast %squeeze3A_880 : f32 to vector<16xf32>
          %mul3A_911 = arith.mulf %get3A_909, %mul3A_910 : vector<16xf32>
          %add3A_912 = arith.constant 13 : i32
          %add3A_913 = arith.addi %mul3A_140, %add3A_912 : i32
          %swap3A_914 = arith.index_cast %add3A_913 : i32 to index
          %swap3A_915 = arith.constant 32 : index
          %swap3A_916 = tpu.vector_load %arg16[%swap3A_914, %swap3A_915] {strides = array<i32>} : memref<80x80xf32, #tpu.memory_space<vmem>>, vector<16xf32>,
          tpu.vector_store %arg16[%swap3A_914, %swap3A_915], %mul3A_911 {strides = array<i32>} : memref<80x80xf32, #tpu.memory_space<vmem>>, vector<16xf32>,
          %add3A_917 = arith.constant 13 : i32
          %add3A_918 = arith.addi %mul3A_140, %add3A_917 : i32
          %get3A_919 = arith.index_cast %add3A_918 : i32 to index
          %get3A_920 = arith.constant 48 : index
          %get3A_921 = tpu.vector_load %arg13[%get3A_919, %get3A_920] {strides = array<i32>} : memref<80x64xf32, #tpu.memory_space<vmem>>, vector<16xf32>,
          %mul3A_922 = vector.broadcast %squeeze3A_880 : f32 to vector<16xf32>
          %mul3A_923 = arith.mulf %get3A_921, %mul3A_922 : vector<16xf32>
          %add3A_924 = arith.constant 13 : i32
          %add3A_925 = arith.addi %mul3A_140, %add3A_924 : i32
          %swap3A_926 = arith.index_cast %add3A_925 : i32 to index
          %swap3A_927 = arith.constant 48 : index
          %swap3A_928 = tpu.vector_load %arg16[%swap3A_926, %swap3A_927] {strides = array<i32>} : memref<80x80xf32, #tpu.memory_space<vmem>>, vector<16xf32>,
          tpu.vector_store %arg16[%swap3A_926, %swap3A_927], %mul3A_923 {strides = array<i32>} : memref<80x80xf32, #tpu.memory_space<vmem>>, vector<16xf32>,
          %mul3A_929 = vector.broadcast %squeeze3A_880 : f32 to vector<16xf32>
          %mul3A_930 = arith.mulf %mul3A_929, %convert_element_type3A_30 : vector<16xf32>
          %add3A_931 = arith.constant 13 : i32
          %add3A_932 = arith.addi %mul3A_140, %add3A_931 : i32
          %swap3A_933 = arith.index_cast %add3A_932 : i32 to index
          %swap3A_934 = arith.constant 64 : index
          %swap3A_935 = tpu.vector_load %arg16[%swap3A_933, %swap3A_934] {strides = array<i32>} : memref<80x80xf32, #tpu.memory_space<vmem>>, vector<16xf32>,
          tpu.vector_store %arg16[%swap3A_933, %swap3A_934], %mul3A_930 {strides = array<i32>} : memref<80x80xf32, #tpu.memory_space<vmem>>, vector<16xf32>,
          %slice3A_936 = vector.extract_strided_slice %get3A_138 {offsets = [14], sizes = [1], strides = [1]} : vector<16xf32> to vector<1xf32>
          %squeeze3A_937 = vector.extract %slice3A_936[0] : f32 from vector<1xf32>
          %add3A_938 = arith.constant 14 : i32
          %add3A_939 = arith.addi %mul3A_140, %add3A_938 : i32
          %get3A_940 = arith.index_cast %add3A_939 : i32 to index
          %get3A_941 = arith.constant 0 : index
          %get3A_942 = tpu.vector_load %arg13[%get3A_940, %get3A_941] {strides = array<i32>} : memref<80x64xf32, #tpu.memory_space<vmem>>, vector<16xf32>,
          %mul3A_943 = vector.broadcast %squeeze3A_937 : f32 to vector<16xf32>
          %mul3A_944 = arith.mulf %get3A_942, %mul3A_943 : vector<16xf32>
          %add3A_945 = arith.constant 14 : i32
          %add3A_946 = arith.addi %mul3A_140, %add3A_945 : i32
          %swap3A_947 = arith.index_cast %add3A_946 : i32 to index
          %swap3A_948 = arith.constant 0 : index
          %swap3A_949 = tpu.vector_load %arg16[%swap3A_947, %swap3A_948] {strides = array<i32>} : memref<80x80xf32, #tpu.memory_space<vmem>>, vector<16xf32>,
          tpu.vector_store %arg16[%swap3A_947, %swap3A_948], %mul3A_944 {strides = array<i32>} : memref<80x80xf32, #tpu.memory_space<vmem>>, vector<16xf32>,
          %add3A_950 = arith.constant 14 : i32
          %add3A_951 = arith.addi %mul3A_140, %add3A_950 : i32
          %get3A_952 = arith.index_cast %add3A_951 : i32 to index
          %get3A_953 = arith.constant 16 : index
          %get3A_954 = tpu.vector_load %arg13[%get3A_952, %get3A_953] {strides = array<i32>} : memref<80x64xf32, #tpu.memory_space<vmem>>, vector<16xf32>,
          %mul3A_955 = vector.broadcast %squeeze3A_937 : f32 to vector<16xf32>
          %mul3A_956 = arith.mulf %get3A_954, %mul3A_955 : vector<16xf32>
          %add3A_957 = arith.constant 14 : i32
          %add3A_958 = arith.addi %mul3A_140, %add3A_957 : i32
          %swap3A_959 = arith.index_cast %add3A_958 : i32 to index
          %swap3A_960 = arith.constant 16 : index
          %swap3A_961 = tpu.vector_load %arg16[%swap3A_959, %swap3A_960] {strides = array<i32>} : memref<80x80xf32, #tpu.memory_space<vmem>>, vector<16xf32>,
          tpu.vector_store %arg16[%swap3A_959, %swap3A_960], %mul3A_956 {strides = array<i32>} : memref<80x80xf32, #tpu.memory_space<vmem>>, vector<16xf32>,
          %add3A_962 = arith.constant 14 : i32
          %add3A_963 = arith.addi %mul3A_140, %add3A_962 : i32
          %get3A_964 = arith.index_cast %add3A_963 : i32 to index
          %get3A_965 = arith.constant 32 : index
          %get3A_966 = tpu.vector_load %arg13[%get3A_964, %get3A_965] {strides = array<i32>} : memref<80x64xf32, #tpu.memory_space<vmem>>, vector<16xf32>,
          %mul3A_967 = vector.broadcast %squeeze3A_937 : f32 to vector<16xf32>
          %mul3A_968 = arith.mulf %get3A_966, %mul3A_967 : vector<16xf32>
          %add3A_969 = arith.constant 14 : i32
          %add3A_970 = arith.addi %mul3A_140, %add3A_969 : i32
          %swap3A_971 = arith.index_cast %add3A_970 : i32 to index
          %swap3A_972 = arith.constant 32 : index
          %swap3A_973 = tpu.vector_load %arg16[%swap3A_971, %swap3A_972] {strides = array<i32>} : memref<80x80xf32, #tpu.memory_space<vmem>>, vector<16xf32>,
          tpu.vector_store %arg16[%swap3A_971, %swap3A_972], %mul3A_968 {strides = array<i32>} : memref<80x80xf32, #tpu.memory_space<vmem>>, vector<16xf32>,
          %add3A_974 = arith.constant 14 : i32
          %add3A_975 = arith.addi %mul3A_140, %add3A_974 : i32
          %get3A_976 = arith.index_cast %add3A_975 : i32 to index
          %get3A_977 = arith.constant 48 : index
          %get3A_978 = tpu.vector_load %arg13[%get3A_976, %get3A_977] {strides = array<i32>} : memref<80x64xf32, #tpu.memory_space<vmem>>, vector<16xf32>,
          %mul3A_979 = vector.broadcast %squeeze3A_937 : f32 to vector<16xf32>
          %mul3A_980 = arith.mulf %get3A_978, %mul3A_979 : vector<16xf32>
          %add3A_981 = arith.constant 14 : i32
          %add3A_982 = arith.addi %mul3A_140, %add3A_981 : i32
          %swap3A_983 = arith.index_cast %add3A_982 : i32 to index
          %swap3A_984 = arith.constant 48 : index
          %swap3A_985 = tpu.vector_load %arg16[%swap3A_983, %swap3A_984] {strides = array<i32>} : memref<80x80xf32, #tpu.memory_space<vmem>>, vector<16xf32>,
          tpu.vector_store %arg16[%swap3A_983, %swap3A_984], %mul3A_980 {strides = array<i32>} : memref<80x80xf32, #tpu.memory_space<vmem>>, vector<16xf32>,
          %mul3A_986 = vector.broadcast %squeeze3A_937 : f32 to vector<16xf32>
          %mul3A_987 = arith.mulf %mul3A_986, %convert_element_type3A_30 : vector<16xf32>
          %add3A_988 = arith.constant 14 : i32
          %add3A_989 = arith.addi %mul3A_140, %add3A_988 : i32
          %swap3A_990 = arith.index_cast %add3A_989 : i32 to index
          %swap3A_991 = arith.constant 64 : index
          %swap3A_992 = tpu.vector_load %arg16[%swap3A_990, %swap3A_991] {strides = array<i32>} : memref<80x80xf32, #tpu.memory_space<vmem>>, vector<16xf32>,
          tpu.vector_store %arg16[%swap3A_990, %swap3A_991], %mul3A_987 {strides = array<i32>} : memref<80x80xf32, #tpu.memory_space<vmem>>, vector<16xf32>,
          %slice3A_993 = vector.extract_strided_slice %get3A_138 {offsets = [15], sizes = [1], strides = [1]} : vector<16xf32> to vector<1xf32>
          %squeeze3A_994 = vector.extract %slice3A_993[0] : f32 from vector<1xf32>
          %add3A_995 = arith.constant 15 : i32
          %add3A_996 = arith.addi %mul3A_140, %add3A_995 : i32
          %get3A_997 = arith.index_cast %add3A_996 : i32 to index
          %get3A_998 = arith.constant 0 : index
          %get3A_999 = tpu.vector_load %arg13[%get3A_997, %get3A_998] {strides = array<i32>} : memref<80x64xf32, #tpu.memory_space<vmem>>, vector<16xf32>,
          %mul3A_1000 = vector.broadcast %squeeze3A_994 : f32 to vector<16xf32>
          %mul3A_1001 = arith.mulf %get3A_999, %mul3A_1000 : vector<16xf32>
          %add3A_1002 = arith.constant 15 : i32
          %add3A_1003 = arith.addi %mul3A_140, %add3A_1002 : i32
          %swap3A_1004 = arith.index_cast %add3A_1003 : i32 to index
          %swap3A_1005 = arith.constant 0 : index
          %swap3A_1006 = tpu.vector_load %arg16[%swap3A_1004, %swap3A_1005] {strides = array<i32>} : memref<80x80xf32, #tpu.memory_space<vmem>>, vector<16xf32>,
          tpu.vector_store %arg16[%swap3A_1004, %swap3A_1005], %mul3A_1001 {strides = array<i32>} : memref<80x80xf32, #tpu.memory_space<vmem>>, vector<16xf32>,
          %add3A_1007 = arith.constant 15 : i32
          %add3A_1008 = arith.addi %mul3A_140, %add3A_1007 : i32
          %get3A_1009 = arith.index_cast %add3A_1008 : i32 to index
          %get3A_1010 = arith.constant 16 : index
          %get3A_1011 = tpu.vector_load %arg13[%get3A_1009, %get3A_1010] {strides = array<i32>} : memref<80x64xf32, #tpu.memory_space<vmem>>, vector<16xf32>,
          %mul3A_1012 = vector.broadcast %squeeze3A_994 : f32 to vector<16xf32>
          %mul3A_1013 = arith.mulf %get3A_1011, %mul3A_1012 : vector<16xf32>
          %add3A_1014 = arith.constant 15 : i32
          %add3A_1015 = arith.addi %mul3A_140, %add3A_1014 : i32
          %swap3A_1016 = arith.index_cast %add3A_1015 : i32 to index
          %swap3A_1017 = arith.constant 16 : index
          %swap3A_1018 = tpu.vector_load %arg16[%swap3A_1016, %swap3A_1017] {strides = array<i32>} : memref<80x80xf32, #tpu.memory_space<vmem>>, vector<16xf32>,
          tpu.vector_store %arg16[%swap3A_1016, %swap3A_1017], %mul3A_1013 {strides = array<i32>} : memref<80x80xf32, #tpu.memory_space<vmem>>, vector<16xf32>,
          %add3A_1019 = arith.constant 15 : i32
          %add3A_1020 = arith.addi %mul3A_140, %add3A_1019 : i32
          %get3A_1021 = arith.index_cast %add3A_1020 : i32 to index
          %get3A_1022 = arith.constant 32 : index
          %get3A_1023 = tpu.vector_load %arg13[%get3A_1021, %get3A_1022] {strides = array<i32>} : memref<80x64xf32, #tpu.memory_space<vmem>>, vector<16xf32>,
          %mul3A_1024 = vector.broadcast %squeeze3A_994 : f32 to vector<16xf32>
          %mul3A_1025 = arith.mulf %get3A_1023, %mul3A_1024 : vector<16xf32>
          %add3A_1026 = arith.constant 15 : i32
          %add3A_1027 = arith.addi %mul3A_140, %add3A_1026 : i32
          %swap3A_1028 = arith.index_cast %add3A_1027 : i32 to index
          %swap3A_1029 = arith.constant 32 : index
          %swap3A_1030 = tpu.vector_load %arg16[%swap3A_1028, %swap3A_1029] {strides = array<i32>} : memref<80x80xf32, #tpu.memory_space<vmem>>, vector<16xf32>,
          tpu.vector_store %arg16[%swap3A_1028, %swap3A_1029], %mul3A_1025 {strides = array<i32>} : memref<80x80xf32, #tpu.memory_space<vmem>>, vector<16xf32>,
          %add3A_1031 = arith.constant 15 : i32
          %add3A_1032 = arith.addi %mul3A_140, %add3A_1031 : i32
          %get3A_1033 = arith.index_cast %add3A_1032 : i32 to index
          %get3A_1034 = arith.constant 48 : index
          %get3A_1035 = tpu.vector_load %arg13[%get3A_1033, %get3A_1034] {strides = array<i32>} : memref<80x64xf32, #tpu.memory_space<vmem>>, vector<16xf32>,
          %mul3A_1036 = vector.broadcast %squeeze3A_994 : f32 to vector<16xf32>
          %mul3A_1037 = arith.mulf %get3A_1035, %mul3A_1036 : vector<16xf32>
          %add3A_1038 = arith.constant 15 : i32
          %add3A_1039 = arith.addi %mul3A_140, %add3A_1038 : i32
          %swap3A_1040 = arith.index_cast %add3A_1039 : i32 to index
          %swap3A_1041 = arith.constant 48 : index
          %swap3A_1042 = tpu.vector_load %arg16[%swap3A_1040, %swap3A_1041] {strides = array<i32>} : memref<80x80xf32, #tpu.memory_space<vmem>>, vector<16xf32>,
          tpu.vector_store %arg16[%swap3A_1040, %swap3A_1041], %mul3A_1037 {strides = array<i32>} : memref<80x80xf32, #tpu.memory_space<vmem>>, vector<16xf32>,
          %mul3A_1043 = vector.broadcast %squeeze3A_994 : f32 to vector<16xf32>
          %mul3A_1044 = arith.mulf %mul3A_1043, %convert_element_type3A_30 : vector<16xf32>
          %add3A_1045 = arith.constant 15 : i32
          %add3A_1046 = arith.addi %mul3A_140, %add3A_1045 : i32
          %swap3A_1047 = arith.index_cast %add3A_1046 : i32 to index
          %swap3A_1048 = arith.constant 64 : index
          %swap3A_1049 = tpu.vector_load %arg16[%swap3A_1047, %swap3A_1048] {strides = array<i32>} : memref<80x80xf32, #tpu.memory_space<vmem>>, vector<16xf32>,
          tpu.vector_store %arg16[%swap3A_1047, %swap3A_1048], %mul3A_1044 {strides = array<i32>} : memref<80x80xf32, #tpu.memory_space<vmem>>, vector<16xf32>,
        }
        %scan3A_127 = arith.constant 5 : i32
        %dma_start3A_128 = arith.constant 0 : i32
        %dma_start3A_129 = tpu.memref_slice %arg11[%add3A_74, %dma_start3A_128] : memref<25x80xi32, #tpu.memory_space<vmem>> -> memref<1x80xi32, #tpu.memory_space<vmem>>
        %dma_start3A_130 = tpu.memref_squeeze %dma_start3A_129 : memref<1x80xi32, #tpu.memory_space<vmem>> -> memref<80xi32, #tpu.memory_space<vmem>>
        %dma_start3A_131 = arith.constant 0 : i32
        %dma_start3A_132 = arith.constant 0 : i32
        %dma_start3A_133 = tpu.memref_slice %arg18[%dma_start3A_131, %dma_start3A_132] : memref<10000x80xf32, #tpu.memory_space<vmem_shared>> -> memref<10000x80xf32, #tpu.memory_space<vmem_shared>>
        tpu.enqueue_indirect_dma source(%arg16 : memref<80x80xf32, #tpu.memory_space<vmem>>) target(%dma_start3A_133 : memref<10000x80xf32, #tpu.memory_space<vmem_shared>>) offsets(%dma_start3A_130 : memref<80xi32, #tpu.memory_space<vmem>>) semaphore(%arg20 : memref<!tpu.dma_semaphore, #tpu.memory_space<semaphore_mem>>) {add = true}
      }
      %scan3A_43 = arith.constant 12 : i32
      %dma_wait3A = arith.constant 24 : i32
      %dma_wait3A_44 = arith.constant 0 : i32
      %dma_wait3A_45 = tpu.memref_slice %arg10[%dma_wait3A, %dma_wait3A_44] : memref<25x80xi32, #tpu.memory_space<vmem>> -> memref<1x80xi32, #tpu.memory_space<vmem>>
      %dma_wait3A_46 = tpu.memref_squeeze %dma_wait3A_45 : memref<1x80xi32, #tpu.memory_space<vmem>> -> memref<80xi32, #tpu.memory_space<vmem>>
      %dma_wait3A_47 = arith.constant 0 : i32
      %dma_wait3A_48 = arith.constant 0 : i32
      %dma_wait3A_49 = tpu.memref_slice %arg2[%dma_wait3A_47, %dma_wait3A_48] : memref<10000x64xf32, #tpu.memory_space<hbm>> -> memref<10000x64xf32, #tpu.memory_space<hbm>>
      tpu.wait_indirect_dma semaphore(%arg19 : memref<!tpu.dma_semaphore, #tpu.memory_space<semaphore_mem>>) src(%dma_wait3A_49 : memref<10000x64xf32, #tpu.memory_space<hbm>>) dst(%arg14 : memref<80x64xf32, #tpu.memory_space<vmem>>)
      %dma_wait3A_50 = arith.constant 0 : i32
      %dma_wait3A_51 = arith.constant 0 : i32
      %dma_wait3A_52 = tpu.memref_slice %arg11[%dma_wait3A_50, %dma_wait3A_51] : memref<25x80xi32, #tpu.memory_space<vmem>> -> memref<1x80xi32, #tpu.memory_space<vmem>>
      %dma_wait3A_53 = tpu.memref_squeeze %dma_wait3A_52 : memref<1x80xi32, #tpu.memory_space<vmem>> -> memref<80xi32, #tpu.memory_space<vmem>>
      %dma_wait3A_54 = arith.constant 0 : i32
      %dma_wait3A_55 = arith.constant 0 : i32
      %dma_wait3A_56 = tpu.memref_slice %arg18[%dma_wait3A_54, %dma_wait3A_55] : memref<10000x80xf32, #tpu.memory_space<vmem_shared>> -> memref<10000x80xf32, #tpu.memory_space<vmem_shared>>
      tpu.wait_indirect_dma semaphore(%arg20 : memref<!tpu.dma_semaphore, #tpu.memory_space<semaphore_mem>>) src(%arg15 : memref<80x80xf32, #tpu.memory_space<vmem>>) dst(%dma_wait3A_56 : memref<10000x80xf32, #tpu.memory_space<vmem_shared>>)
      %scan3A_57 = arith.constant 0 : i32
      %scan3A_58 = arith.constant 0 : i32
      %scan3A_59 = arith.constant 5 : i32
      %scan3A_60 = arith.addi %scan3A_58, %scan3A_59 : i32
      %scan3A_61 = arith.constant 1 : i32
      scf.for %scan3A_70 = %scan3A_58 to %scan3A_60 step %scan3A_61  : i32 {
        %mul3A_71 = arith.constant 16 : i32
        %mul3A_72 = arith.muli %scan3A_70, %mul3A_71 : i32
        %get3A = arith.constant 24 : i32
        %get3A_73 = arith.index_cast %get3A : i32 to index
        %get3A_74 = arith.index_cast %mul3A_72 : i32 to index
        %get3A_75 = tpu.vector_load %arg12[%get3A_73, %get3A_74] {strides = array<i32>} : memref<25x80xf32, #tpu.memory_space<vmem>>, vector<16xf32>,
        %mul3A_76 = arith.constant 16 : i32
        %mul3A_77 = arith.muli %scan3A_70, %mul3A_76 : i32
        %slice3A = vector.extract_strided_slice %get3A_75 {offsets = [0], sizes = [1], strides = [1]} : vector<16xf32> to vector<1xf32>
        %squeeze3A = vector.extract %slice3A[0] : f32 from vector<1xf32>
        %add3A_78 = arith.constant 0 : i32
        %add3A_79 = arith.addi %mul3A_77, %add3A_78 : i32
        %get3A_80 = arith.index_cast %add3A_79 : i32 to index
        %get3A_81 = arith.constant 0 : index
        %get3A_82 = tpu.vector_load %arg14[%get3A_80, %get3A_81] {strides = array<i32>} : memref<80x64xf32, #tpu.memory_space<vmem>>, vector<16xf32>,
        %mul3A_83 = vector.broadcast %squeeze3A : f32 to vector<16xf32>
        %mul3A_84 = arith.mulf %get3A_82, %mul3A_83 : vector<16xf32>
        %add3A_85 = arith.constant 0 : i32
        %add3A_86 = arith.addi %mul3A_77, %add3A_85 : i32
        %swap3A = arith.index_cast %add3A_86 : i32 to index
        %swap3A_87 = arith.constant 0 : index
        %swap3A_88 = tpu.vector_load %arg15[%swap3A, %swap3A_87] {strides = array<i32>} : memref<80x80xf32, #tpu.memory_space<vmem>>, vector<16xf32>,
        tpu.vector_store %arg15[%swap3A, %swap3A_87], %mul3A_84 {strides = array<i32>} : memref<80x80xf32, #tpu.memory_space<vmem>>, vector<16xf32>,
        %add3A_89 = arith.constant 0 : i32
        %add3A_90 = arith.addi %mul3A_77, %add3A_89 : i32
        %get3A_91 = arith.index_cast %add3A_90 : i32 to index
        %get3A_92 = arith.constant 16 : index
        %get3A_93 = tpu.vector_load %arg14[%get3A_91, %get3A_92] {strides = array<i32>} : memref<80x64xf32, #tpu.memory_space<vmem>>, vector<16xf32>,
        %mul3A_94 = vector.broadcast %squeeze3A : f32 to vector<16xf32>
        %mul3A_95 = arith.mulf %get3A_93, %mul3A_94 : vector<16xf32>
        %add3A_96 = arith.constant 0 : i32
        %add3A_97 = arith.addi %mul3A_77, %add3A_96 : i32
        %swap3A_98 = arith.index_cast %add3A_97 : i32 to index
        %swap3A_99 = arith.constant 16 : index
        %swap3A_100 = tpu.vector_load %arg15[%swap3A_98, %swap3A_99] {strides = array<i32>} : memref<80x80xf32, #tpu.memory_space<vmem>>, vector<16xf32>,
        tpu.vector_store %arg15[%swap3A_98, %swap3A_99], %mul3A_95 {strides = array<i32>} : memref<80x80xf32, #tpu.memory_space<vmem>>, vector<16xf32>,
        %add3A_101 = arith.constant 0 : i32
        %add3A_102 = arith.addi %mul3A_77, %add3A_101 : i32
        %get3A_103 = arith.index_cast %add3A_102 : i32 to index
        %get3A_104 = arith.constant 32 : index
        %get3A_105 = tpu.vector_load %arg14[%get3A_103, %get3A_104] {strides = array<i32>} : memref<80x64xf32, #tpu.memory_space<vmem>>, vector<16xf32>,
        %mul3A_106 = vector.broadcast %squeeze3A : f32 to vector<16xf32>
        %mul3A_107 = arith.mulf %get3A_105, %mul3A_106 : vector<16xf32>
        %add3A_108 = arith.constant 0 : i32
        %add3A_109 = arith.addi %mul3A_77, %add3A_108 : i32
        %swap3A_110 = arith.index_cast %add3A_109 : i32 to index
        %swap3A_111 = arith.constant 32 : index
        %swap3A_112 = tpu.vector_load %arg15[%swap3A_110, %swap3A_111] {strides = array<i32>} : memref<80x80xf32, #tpu.memory_space<vmem>>, vector<16xf32>,
        tpu.vector_store %arg15[%swap3A_110, %swap3A_111], %mul3A_107 {strides = array<i32>} : memref<80x80xf32, #tpu.memory_space<vmem>>, vector<16xf32>,
        %add3A_113 = arith.constant 0 : i32
        %add3A_114 = arith.addi %mul3A_77, %add3A_113 : i32
        %get3A_115 = arith.index_cast %add3A_114 : i32 to index
        %get3A_116 = arith.constant 48 : index
        %get3A_117 = tpu.vector_load %arg14[%get3A_115, %get3A_116] {strides = array<i32>} : memref<80x64xf32, #tpu.memory_space<vmem>>, vector<16xf32>,
        %mul3A_118 = vector.broadcast %squeeze3A : f32 to vector<16xf32>
        %mul3A_119 = arith.mulf %get3A_117, %mul3A_118 : vector<16xf32>
        %add3A_120 = arith.constant 0 : i32
        %add3A_121 = arith.addi %mul3A_77, %add3A_120 : i32
        %swap3A_122 = arith.index_cast %add3A_121 : i32 to index
        %swap3A_123 = arith.constant 48 : index
        %swap3A_124 = tpu.vector_load %arg15[%swap3A_122, %swap3A_123] {strides = array<i32>} : memref<80x80xf32, #tpu.memory_space<vmem>>, vector<16xf32>,
        tpu.vector_store %arg15[%swap3A_122, %swap3A_123], %mul3A_119 {strides = array<i32>} : memref<80x80xf32, #tpu.memory_space<vmem>>, vector<16xf32>,
        %mul3A_125 = vector.broadcast %squeeze3A : f32 to vector<16xf32>
        %mul3A_126 = arith.mulf %mul3A_125, %convert_element_type3A_30 : vector<16xf32>
        %add3A_127 = arith.constant 0 : i32
        %add3A_128 = arith.addi %mul3A_77, %add3A_127 : i32
        %swap3A_129 = arith.index_cast %add3A_128 : i32 to index
        %swap3A_130 = arith.constant 64 : index
        %swap3A_131 = tpu.vector_load %arg15[%swap3A_129, %swap3A_130] {strides = array<i32>} : memref<80x80xf32, #tpu.memory_space<vmem>>, vector<16xf32>,
        tpu.vector_store %arg15[%swap3A_129, %swap3A_130], %mul3A_126 {strides = array<i32>} : memref<80x80xf32, #tpu.memory_space<vmem>>, vector<16xf32>,
        %slice3A_132 = vector.extract_strided_slice %get3A_75 {offsets = [1], sizes = [1], strides = [1]} : vector<16xf32> to vector<1xf32>
        %squeeze3A_133 = vector.extract %slice3A_132[0] : f32 from vector<1xf32>
        %add3A_134 = arith.constant 1 : i32
        %add3A_135 = arith.addi %mul3A_77, %add3A_134 : i32
        %get3A_136 = arith.index_cast %add3A_135 : i32 to index
        %get3A_137 = arith.constant 0 : index
        %get3A_138 = tpu.vector_load %arg14[%get3A_136, %get3A_137] {strides = array<i32>} : memref<80x64xf32, #tpu.memory_space<vmem>>, vector<16xf32>,
        %mul3A_139 = vector.broadcast %squeeze3A_133 : f32 to vector<16xf32>
        %mul3A_140 = arith.mulf %get3A_138, %mul3A_139 : vector<16xf32>
        %add3A_141 = arith.constant 1 : i32
        %add3A_142 = arith.addi %mul3A_77, %add3A_141 : i32
        %swap3A_143 = arith.index_cast %add3A_142 : i32 to index
        %swap3A_144 = arith.constant 0 : index
        %swap3A_145 = tpu.vector_load %arg15[%swap3A_143, %swap3A_144] {strides = array<i32>} : memref<80x80xf32, #tpu.memory_space<vmem>>, vector<16xf32>,
        tpu.vector_store %arg15[%swap3A_143, %swap3A_144], %mul3A_140 {strides = array<i32>} : memref<80x80xf32, #tpu.memory_space<vmem>>, vector<16xf32>,
        %add3A_146 = arith.constant 1 : i32
        %add3A_147 = arith.addi %mul3A_77, %add3A_146 : i32
        %get3A_148 = arith.index_cast %add3A_147 : i32 to index
        %get3A_149 = arith.constant 16 : index
        %get3A_150 = tpu.vector_load %arg14[%get3A_148, %get3A_149] {strides = array<i32>} : memref<80x64xf32, #tpu.memory_space<vmem>>, vector<16xf32>,
        %mul3A_151 = vector.broadcast %squeeze3A_133 : f32 to vector<16xf32>
        %mul3A_152 = arith.mulf %get3A_150, %mul3A_151 : vector<16xf32>
        %add3A_153 = arith.constant 1 : i32
        %add3A_154 = arith.addi %mul3A_77, %add3A_153 : i32
        %swap3A_155 = arith.index_cast %add3A_154 : i32 to index
        %swap3A_156 = arith.constant 16 : index
        %swap3A_157 = tpu.vector_load %arg15[%swap3A_155, %swap3A_156] {strides = array<i32>} : memref<80x80xf32, #tpu.memory_space<vmem>>, vector<16xf32>,
        tpu.vector_store %arg15[%swap3A_155, %swap3A_156], %mul3A_152 {strides = array<i32>} : memref<80x80xf32, #tpu.memory_space<vmem>>, vector<16xf32>,
        %add3A_158 = arith.constant 1 : i32
        %add3A_159 = arith.addi %mul3A_77, %add3A_158 : i32
        %get3A_160 = arith.index_cast %add3A_159 : i32 to index
        %get3A_161 = arith.constant 32 : index
        %get3A_162 = tpu.vector_load %arg14[%get3A_160, %get3A_161] {strides = array<i32>} : memref<80x64xf32, #tpu.memory_space<vmem>>, vector<16xf32>,
        %mul3A_163 = vector.broadcast %squeeze3A_133 : f32 to vector<16xf32>
        %mul3A_164 = arith.mulf %get3A_162, %mul3A_163 : vector<16xf32>
        %add3A_165 = arith.constant 1 : i32
        %add3A_166 = arith.addi %mul3A_77, %add3A_165 : i32
        %swap3A_167 = arith.index_cast %add3A_166 : i32 to index
        %swap3A_168 = arith.constant 32 : index
        %swap3A_169 = tpu.vector_load %arg15[%swap3A_167, %swap3A_168] {strides = array<i32>} : memref<80x80xf32, #tpu.memory_space<vmem>>, vector<16xf32>,
        tpu.vector_store %arg15[%swap3A_167, %swap3A_168], %mul3A_164 {strides = array<i32>} : memref<80x80xf32, #tpu.memory_space<vmem>>, vector<16xf32>,
        %add3A_170 = arith.constant 1 : i32
        %add3A_171 = arith.addi %mul3A_77, %add3A_170 : i32
        %get3A_172 = arith.index_cast %add3A_171 : i32 to index
        %get3A_173 = arith.constant 48 : index
        %get3A_174 = tpu.vector_load %arg14[%get3A_172, %get3A_173] {strides = array<i32>} : memref<80x64xf32, #tpu.memory_space<vmem>>, vector<16xf32>,
        %mul3A_175 = vector.broadcast %squeeze3A_133 : f32 to vector<16xf32>
        %mul3A_176 = arith.mulf %get3A_174, %mul3A_175 : vector<16xf32>
        %add3A_177 = arith.constant 1 : i32
        %add3A_178 = arith.addi %mul3A_77, %add3A_177 : i32
        %swap3A_179 = arith.index_cast %add3A_178 : i32 to index
        %swap3A_180 = arith.constant 48 : index
        %swap3A_181 = tpu.vector_load %arg15[%swap3A_179, %swap3A_180] {strides = array<i32>} : memref<80x80xf32, #tpu.memory_space<vmem>>, vector<16xf32>,
        tpu.vector_store %arg15[%swap3A_179, %swap3A_180], %mul3A_176 {strides = array<i32>} : memref<80x80xf32, #tpu.memory_space<vmem>>, vector<16xf32>,
        %mul3A_182 = vector.broadcast %squeeze3A_133 : f32 to vector<16xf32>
        %mul3A_183 = arith.mulf %mul3A_182, %convert_element_type3A_30 : vector<16xf32>
        %add3A_184 = arith.constant 1 : i32
        %add3A_185 = arith.addi %mul3A_77, %add3A_184 : i32
        %swap3A_186 = arith.index_cast %add3A_185 : i32 to index
        %swap3A_187 = arith.constant 64 : index
        %swap3A_188 = tpu.vector_load %arg15[%swap3A_186, %swap3A_187] {strides = array<i32>} : memref<80x80xf32, #tpu.memory_space<vmem>>, vector<16xf32>,
        tpu.vector_store %arg15[%swap3A_186, %swap3A_187], %mul3A_183 {strides = array<i32>} : memref<80x80xf32, #tpu.memory_space<vmem>>, vector<16xf32>,
        %slice3A_189 = vector.extract_strided_slice %get3A_75 {offsets = [2], sizes = [1], strides = [1]} : vector<16xf32> to vector<1xf32>
        %squeeze3A_190 = vector.extract %slice3A_189[0] : f32 from vector<1xf32>
        %add3A_191 = arith.constant 2 : i32
        %add3A_192 = arith.addi %mul3A_77, %add3A_191 : i32
        %get3A_193 = arith.index_cast %add3A_192 : i32 to index
        %get3A_194 = arith.constant 0 : index
        %get3A_195 = tpu.vector_load %arg14[%get3A_193, %get3A_194] {strides = array<i32>} : memref<80x64xf32, #tpu.memory_space<vmem>>, vector<16xf32>,
        %mul3A_196 = vector.broadcast %squeeze3A_190 : f32 to vector<16xf32>
        %mul3A_197 = arith.mulf %get3A_195, %mul3A_196 : vector<16xf32>
        %add3A_198 = arith.constant 2 : i32
        %add3A_199 = arith.addi %mul3A_77, %add3A_198 : i32
        %swap3A_200 = arith.index_cast %add3A_199 : i32 to index
        %swap3A_201 = arith.constant 0 : index
        %swap3A_202 = tpu.vector_load %arg15[%swap3A_200, %swap3A_201] {strides = array<i32>} : memref<80x80xf32, #tpu.memory_space<vmem>>, vector<16xf32>,
        tpu.vector_store %arg15[%swap3A_200, %swap3A_201], %mul3A_197 {strides = array<i32>} : memref<80x80xf32, #tpu.memory_space<vmem>>, vector<16xf32>,
        %add3A_203 = arith.constant 2 : i32
        %add3A_204 = arith.addi %mul3A_77, %add3A_203 : i32
        %get3A_205 = arith.index_cast %add3A_204 : i32 to index
        %get3A_206 = arith.constant 16 : index
        %get3A_207 = tpu.vector_load %arg14[%get3A_205, %get3A_206] {strides = array<i32>} : memref<80x64xf32, #tpu.memory_space<vmem>>, vector<16xf32>,
        %mul3A_208 = vector.broadcast %squeeze3A_190 : f32 to vector<16xf32>
        %mul3A_209 = arith.mulf %get3A_207, %mul3A_208 : vector<16xf32>
        %add3A_210 = arith.constant 2 : i32
        %add3A_211 = arith.addi %mul3A_77, %add3A_210 : i32
        %swap3A_212 = arith.index_cast %add3A_211 : i32 to index
        %swap3A_213 = arith.constant 16 : index
        %swap3A_214 = tpu.vector_load %arg15[%swap3A_212, %swap3A_213] {strides = array<i32>} : memref<80x80xf32, #tpu.memory_space<vmem>>, vector<16xf32>,
        tpu.vector_store %arg15[%swap3A_212, %swap3A_213], %mul3A_209 {strides = array<i32>} : memref<80x80xf32, #tpu.memory_space<vmem>>, vector<16xf32>,
        %add3A_215 = arith.constant 2 : i32
        %add3A_216 = arith.addi %mul3A_77, %add3A_215 : i32
        %get3A_217 = arith.index_cast %add3A_216 : i32 to index
        %get3A_218 = arith.constant 32 : index
        %get3A_219 = tpu.vector_load %arg14[%get3A_217, %get3A_218] {strides = array<i32>} : memref<80x64xf32, #tpu.memory_space<vmem>>, vector<16xf32>,
        %mul3A_220 = vector.broadcast %squeeze3A_190 : f32 to vector<16xf32>
        %mul3A_221 = arith.mulf %get3A_219, %mul3A_220 : vector<16xf32>
        %add3A_222 = arith.constant 2 : i32
        %add3A_223 = arith.addi %mul3A_77, %add3A_222 : i32
        %swap3A_224 = arith.index_cast %add3A_223 : i32 to index
        %swap3A_225 = arith.constant 32 : index
        %swap3A_226 = tpu.vector_load %arg15[%swap3A_224, %swap3A_225] {strides = array<i32>} : memref<80x80xf32, #tpu.memory_space<vmem>>, vector<16xf32>,
        tpu.vector_store %arg15[%swap3A_224, %swap3A_225], %mul3A_221 {strides = array<i32>} : memref<80x80xf32, #tpu.memory_space<vmem>>, vector<16xf32>,
        %add3A_227 = arith.constant 2 : i32
        %add3A_228 = arith.addi %mul3A_77, %add3A_227 : i32
        %get3A_229 = arith.index_cast %add3A_228 : i32 to index
        %get3A_230 = arith.constant 48 : index
        %get3A_231 = tpu.vector_load %arg14[%get3A_229, %get3A_230] {strides = array<i32>} : memref<80x64xf32, #tpu.memory_space<vmem>>, vector<16xf32>,
        %mul3A_232 = vector.broadcast %squeeze3A_190 : f32 to vector<16xf32>
        %mul3A_233 = arith.mulf %get3A_231, %mul3A_232 : vector<16xf32>
        %add3A_234 = arith.constant 2 : i32
        %add3A_235 = arith.addi %mul3A_77, %add3A_234 : i32
        %swap3A_236 = arith.index_cast %add3A_235 : i32 to index
        %swap3A_237 = arith.constant 48 : index
        %swap3A_238 = tpu.vector_load %arg15[%swap3A_236, %swap3A_237] {strides = array<i32>} : memref<80x80xf32, #tpu.memory_space<vmem>>, vector<16xf32>,
        tpu.vector_store %arg15[%swap3A_236, %swap3A_237], %mul3A_233 {strides = array<i32>} : memref<80x80xf32, #tpu.memory_space<vmem>>, vector<16xf32>,
        %mul3A_239 = vector.broadcast %squeeze3A_190 : f32 to vector<16xf32>
        %mul3A_240 = arith.mulf %mul3A_239, %convert_element_type3A_30 : vector<16xf32>
        %add3A_241 = arith.constant 2 : i32
        %add3A_242 = arith.addi %mul3A_77, %add3A_241 : i32
        %swap3A_243 = arith.index_cast %add3A_242 : i32 to index
        %swap3A_244 = arith.constant 64 : index
        %swap3A_245 = tpu.vector_load %arg15[%swap3A_243, %swap3A_244] {strides = array<i32>} : memref<80x80xf32, #tpu.memory_space<vmem>>, vector<16xf32>,
        tpu.vector_store %arg15[%swap3A_243, %swap3A_244], %mul3A_240 {strides = array<i32>} : memref<80x80xf32, #tpu.memory_space<vmem>>, vector<16xf32>,
        %slice3A_246 = vector.extract_strided_slice %get3A_75 {offsets = [3], sizes = [1], strides = [1]} : vector<16xf32> to vector<1xf32>
        %squeeze3A_247 = vector.extract %slice3A_246[0] : f32 from vector<1xf32>
        %add3A_248 = arith.constant 3 : i32
        %add3A_249 = arith.addi %mul3A_77, %add3A_248 : i32
        %get3A_250 = arith.index_cast %add3A_249 : i32 to index
        %get3A_251 = arith.constant 0 : index
        %get3A_252 = tpu.vector_load %arg14[%get3A_250, %get3A_251] {strides = array<i32>} : memref<80x64xf32, #tpu.memory_space<vmem>>, vector<16xf32>,
        %mul3A_253 = vector.broadcast %squeeze3A_247 : f32 to vector<16xf32>
        %mul3A_254 = arith.mulf %get3A_252, %mul3A_253 : vector<16xf32>
        %add3A_255 = arith.constant 3 : i32
        %add3A_256 = arith.addi %mul3A_77, %add3A_255 : i32
        %swap3A_257 = arith.index_cast %add3A_256 : i32 to index
        %swap3A_258 = arith.constant 0 : index
        %swap3A_259 = tpu.vector_load %arg15[%swap3A_257, %swap3A_258] {strides = array<i32>} : memref<80x80xf32, #tpu.memory_space<vmem>>, vector<16xf32>,
        tpu.vector_store %arg15[%swap3A_257, %swap3A_258], %mul3A_254 {strides = array<i32>} : memref<80x80xf32, #tpu.memory_space<vmem>>, vector<16xf32>,
        %add3A_260 = arith.constant 3 : i32
        %add3A_261 = arith.addi %mul3A_77, %add3A_260 : i32
        %get3A_262 = arith.index_cast %add3A_261 : i32 to index
        %get3A_263 = arith.constant 16 : index
        %get3A_264 = tpu.vector_load %arg14[%get3A_262, %get3A_263] {strides = array<i32>} : memref<80x64xf32, #tpu.memory_space<vmem>>, vector<16xf32>,
        %mul3A_265 = vector.broadcast %squeeze3A_247 : f32 to vector<16xf32>
        %mul3A_266 = arith.mulf %get3A_264, %mul3A_265 : vector<16xf32>
        %add3A_267 = arith.constant 3 : i32
        %add3A_268 = arith.addi %mul3A_77, %add3A_267 : i32
        %swap3A_269 = arith.index_cast %add3A_268 : i32 to index
        %swap3A_270 = arith.constant 16 : index
        %swap3A_271 = tpu.vector_load %arg15[%swap3A_269, %swap3A_270] {strides = array<i32>} : memref<80x80xf32, #tpu.memory_space<vmem>>, vector<16xf32>,
        tpu.vector_store %arg15[%swap3A_269, %swap3A_270], %mul3A_266 {strides = array<i32>} : memref<80x80xf32, #tpu.memory_space<vmem>>, vector<16xf32>,
        %add3A_272 = arith.constant 3 : i32
        %add3A_273 = arith.addi %mul3A_77, %add3A_272 : i32
        %get3A_274 = arith.index_cast %add3A_273 : i32 to index
        %get3A_275 = arith.constant 32 : index
        %get3A_276 = tpu.vector_load %arg14[%get3A_274, %get3A_275] {strides = array<i32>} : memref<80x64xf32, #tpu.memory_space<vmem>>, vector<16xf32>,
        %mul3A_277 = vector.broadcast %squeeze3A_247 : f32 to vector<16xf32>
        %mul3A_278 = arith.mulf %get3A_276, %mul3A_277 : vector<16xf32>
        %add3A_279 = arith.constant 3 : i32
        %add3A_280 = arith.addi %mul3A_77, %add3A_279 : i32
        %swap3A_281 = arith.index_cast %add3A_280 : i32 to index
        %swap3A_282 = arith.constant 32 : index
        %swap3A_283 = tpu.vector_load %arg15[%swap3A_281, %swap3A_282] {strides = array<i32>} : memref<80x80xf32, #tpu.memory_space<vmem>>, vector<16xf32>,
        tpu.vector_store %arg15[%swap3A_281, %swap3A_282], %mul3A_278 {strides = array<i32>} : memref<80x80xf32, #tpu.memory_space<vmem>>, vector<16xf32>,
        %add3A_284 = arith.constant 3 : i32
        %add3A_285 = arith.addi %mul3A_77, %add3A_284 : i32
        %get3A_286 = arith.index_cast %add3A_285 : i32 to index
        %get3A_287 = arith.constant 48 : index
        %get3A_288 = tpu.vector_load %arg14[%get3A_286, %get3A_287] {strides = array<i32>} : memref<80x64xf32, #tpu.memory_space<vmem>>, vector<16xf32>,
        %mul3A_289 = vector.broadcast %squeeze3A_247 : f32 to vector<16xf32>
        %mul3A_290 = arith.mulf %get3A_288, %mul3A_289 : vector<16xf32>
        %add3A_291 = arith.constant 3 : i32
        %add3A_292 = arith.addi %mul3A_77, %add3A_291 : i32
        %swap3A_293 = arith.index_cast %add3A_292 : i32 to index
        %swap3A_294 = arith.constant 48 : index
        %swap3A_295 = tpu.vector_load %arg15[%swap3A_293, %swap3A_294] {strides = array<i32>} : memref<80x80xf32, #tpu.memory_space<vmem>>, vector<16xf32>,
        tpu.vector_store %arg15[%swap3A_293, %swap3A_294], %mul3A_290 {strides = array<i32>} : memref<80x80xf32, #tpu.memory_space<vmem>>, vector<16xf32>,
        %mul3A_296 = vector.broadcast %squeeze3A_247 : f32 to vector<16xf32>
        %mul3A_297 = arith.mulf %mul3A_296, %convert_element_type3A_30 : vector<16xf32>
        %add3A_298 = arith.constant 3 : i32
        %add3A_299 = arith.addi %mul3A_77, %add3A_298 : i32
        %swap3A_300 = arith.index_cast %add3A_299 : i32 to index
        %swap3A_301 = arith.constant 64 : index
        %swap3A_302 = tpu.vector_load %arg15[%swap3A_300, %swap3A_301] {strides = array<i32>} : memref<80x80xf32, #tpu.memory_space<vmem>>, vector<16xf32>,
        tpu.vector_store %arg15[%swap3A_300, %swap3A_301], %mul3A_297 {strides = array<i32>} : memref<80x80xf32, #tpu.memory_space<vmem>>, vector<16xf32>,
        %slice3A_303 = vector.extract_strided_slice %get3A_75 {offsets = [4], sizes = [1], strides = [1]} : vector<16xf32> to vector<1xf32>
        %squeeze3A_304 = vector.extract %slice3A_303[0] : f32 from vector<1xf32>
        %add3A_305 = arith.constant 4 : i32
        %add3A_306 = arith.addi %mul3A_77, %add3A_305 : i32
        %get3A_307 = arith.index_cast %add3A_306 : i32 to index
        %get3A_308 = arith.constant 0 : index
        %get3A_309 = tpu.vector_load %arg14[%get3A_307, %get3A_308] {strides = array<i32>} : memref<80x64xf32, #tpu.memory_space<vmem>>, vector<16xf32>,
        %mul3A_310 = vector.broadcast %squeeze3A_304 : f32 to vector<16xf32>
        %mul3A_311 = arith.mulf %get3A_309, %mul3A_310 : vector<16xf32>
        %add3A_312 = arith.constant 4 : i32
        %add3A_313 = arith.addi %mul3A_77, %add3A_312 : i32
        %swap3A_314 = arith.index_cast %add3A_313 : i32 to index
        %swap3A_315 = arith.constant 0 : index
        %swap3A_316 = tpu.vector_load %arg15[%swap3A_314, %swap3A_315] {strides = array<i32>} : memref<80x80xf32, #tpu.memory_space<vmem>>, vector<16xf32>,
        tpu.vector_store %arg15[%swap3A_314, %swap3A_315], %mul3A_311 {strides = array<i32>} : memref<80x80xf32, #tpu.memory_space<vmem>>, vector<16xf32>,
        %add3A_317 = arith.constant 4 : i32
        %add3A_318 = arith.addi %mul3A_77, %add3A_317 : i32
        %get3A_319 = arith.index_cast %add3A_318 : i32 to index
        %get3A_320 = arith.constant 16 : index
        %get3A_321 = tpu.vector_load %arg14[%get3A_319, %get3A_320] {strides = array<i32>} : memref<80x64xf32, #tpu.memory_space<vmem>>, vector<16xf32>,
        %mul3A_322 = vector.broadcast %squeeze3A_304 : f32 to vector<16xf32>
        %mul3A_323 = arith.mulf %get3A_321, %mul3A_322 : vector<16xf32>
        %add3A_324 = arith.constant 4 : i32
        %add3A_325 = arith.addi %mul3A_77, %add3A_324 : i32
        %swap3A_326 = arith.index_cast %add3A_325 : i32 to index
        %swap3A_327 = arith.constant 16 : index
        %swap3A_328 = tpu.vector_load %arg15[%swap3A_326, %swap3A_327] {strides = array<i32>} : memref<80x80xf32, #tpu.memory_space<vmem>>, vector<16xf32>,
        tpu.vector_store %arg15[%swap3A_326, %swap3A_327], %mul3A_323 {strides = array<i32>} : memref<80x80xf32, #tpu.memory_space<vmem>>, vector<16xf32>,
        %add3A_329 = arith.constant 4 : i32
        %add3A_330 = arith.addi %mul3A_77, %add3A_329 : i32
        %get3A_331 = arith.index_cast %add3A_330 : i32 to index
        %get3A_332 = arith.constant 32 : index
        %get3A_333 = tpu.vector_load %arg14[%get3A_331, %get3A_332] {strides = array<i32>} : memref<80x64xf32, #tpu.memory_space<vmem>>, vector<16xf32>,
        %mul3A_334 = vector.broadcast %squeeze3A_304 : f32 to vector<16xf32>
        %mul3A_335 = arith.mulf %get3A_333, %mul3A_334 : vector<16xf32>
        %add3A_336 = arith.constant 4 : i32
        %add3A_337 = arith.addi %mul3A_77, %add3A_336 : i32
        %swap3A_338 = arith.index_cast %add3A_337 : i32 to index
        %swap3A_339 = arith.constant 32 : index
        %swap3A_340 = tpu.vector_load %arg15[%swap3A_338, %swap3A_339] {strides = array<i32>} : memref<80x80xf32, #tpu.memory_space<vmem>>, vector<16xf32>,
        tpu.vector_store %arg15[%swap3A_338, %swap3A_339], %mul3A_335 {strides = array<i32>} : memref<80x80xf32, #tpu.memory_space<vmem>>, vector<16xf32>,
        %add3A_341 = arith.constant 4 : i32
        %add3A_342 = arith.addi %mul3A_77, %add3A_341 : i32
        %get3A_343 = arith.index_cast %add3A_342 : i32 to index
        %get3A_344 = arith.constant 48 : index
        %get3A_345 = tpu.vector_load %arg14[%get3A_343, %get3A_344] {strides = array<i32>} : memref<80x64xf32, #tpu.memory_space<vmem>>, vector<16xf32>,
        %mul3A_346 = vector.broadcast %squeeze3A_304 : f32 to vector<16xf32>
        %mul3A_347 = arith.mulf %get3A_345, %mul3A_346 : vector<16xf32>
        %add3A_348 = arith.constant 4 : i32
        %add3A_349 = arith.addi %mul3A_77, %add3A_348 : i32
        %swap3A_350 = arith.index_cast %add3A_349 : i32 to index
        %swap3A_351 = arith.constant 48 : index
        %swap3A_352 = tpu.vector_load %arg15[%swap3A_350, %swap3A_351] {strides = array<i32>} : memref<80x80xf32, #tpu.memory_space<vmem>>, vector<16xf32>,
        tpu.vector_store %arg15[%swap3A_350, %swap3A_351], %mul3A_347 {strides = array<i32>} : memref<80x80xf32, #tpu.memory_space<vmem>>, vector<16xf32>,
        %mul3A_353 = vector.broadcast %squeeze3A_304 : f32 to vector<16xf32>
        %mul3A_354 = arith.mulf %mul3A_353, %convert_element_type3A_30 : vector<16xf32>
        %add3A_355 = arith.constant 4 : i32
        %add3A_356 = arith.addi %mul3A_77, %add3A_355 : i32
        %swap3A_357 = arith.index_cast %add3A_356 : i32 to index
        %swap3A_358 = arith.constant 64 : index
        %swap3A_359 = tpu.vector_load %arg15[%swap3A_357, %swap3A_358] {strides = array<i32>} : memref<80x80xf32, #tpu.memory_space<vmem>>, vector<16xf32>,
        tpu.vector_store %arg15[%swap3A_357, %swap3A_358], %mul3A_354 {strides = array<i32>} : memref<80x80xf32, #tpu.memory_space<vmem>>, vector<16xf32>,
        %slice3A_360 = vector.extract_strided_slice %get3A_75 {offsets = [5], sizes = [1], strides = [1]} : vector<16xf32> to vector<1xf32>
        %squeeze3A_361 = vector.extract %slice3A_360[0] : f32 from vector<1xf32>
        %add3A_362 = arith.constant 5 : i32
        %add3A_363 = arith.addi %mul3A_77, %add3A_362 : i32
        %get3A_364 = arith.index_cast %add3A_363 : i32 to index
        %get3A_365 = arith.constant 0 : index
        %get3A_366 = tpu.vector_load %arg14[%get3A_364, %get3A_365] {strides = array<i32>} : memref<80x64xf32, #tpu.memory_space<vmem>>, vector<16xf32>,
        %mul3A_367 = vector.broadcast %squeeze3A_361 : f32 to vector<16xf32>
        %mul3A_368 = arith.mulf %get3A_366, %mul3A_367 : vector<16xf32>
        %add3A_369 = arith.constant 5 : i32
        %add3A_370 = arith.addi %mul3A_77, %add3A_369 : i32
        %swap3A_371 = arith.index_cast %add3A_370 : i32 to index
        %swap3A_372 = arith.constant 0 : index
        %swap3A_373 = tpu.vector_load %arg15[%swap3A_371, %swap3A_372] {strides = array<i32>} : memref<80x80xf32, #tpu.memory_space<vmem>>, vector<16xf32>,
        tpu.vector_store %arg15[%swap3A_371, %swap3A_372], %mul3A_368 {strides = array<i32>} : memref<80x80xf32, #tpu.memory_space<vmem>>, vector<16xf32>,
        %add3A_374 = arith.constant 5 : i32
        %add3A_375 = arith.addi %mul3A_77, %add3A_374 : i32
        %get3A_376 = arith.index_cast %add3A_375 : i32 to index
        %get3A_377 = arith.constant 16 : index
        %get3A_378 = tpu.vector_load %arg14[%get3A_376, %get3A_377] {strides = array<i32>} : memref<80x64xf32, #tpu.memory_space<vmem>>, vector<16xf32>,
        %mul3A_379 = vector.broadcast %squeeze3A_361 : f32 to vector<16xf32>
        %mul3A_380 = arith.mulf %get3A_378, %mul3A_379 : vector<16xf32>
        %add3A_381 = arith.constant 5 : i32
        %add3A_382 = arith.addi %mul3A_77, %add3A_381 : i32
        %swap3A_383 = arith.index_cast %add3A_382 : i32 to index
        %swap3A_384 = arith.constant 16 : index
        %swap3A_385 = tpu.vector_load %arg15[%swap3A_383, %swap3A_384] {strides = array<i32>} : memref<80x80xf32, #tpu.memory_space<vmem>>, vector<16xf32>,
        tpu.vector_store %arg15[%swap3A_383, %swap3A_384], %mul3A_380 {strides = array<i32>} : memref<80x80xf32, #tpu.memory_space<vmem>>, vector<16xf32>,
        %add3A_386 = arith.constant 5 : i32
        %add3A_387 = arith.addi %mul3A_77, %add3A_386 : i32
        %get3A_388 = arith.index_cast %add3A_387 : i32 to index
        %get3A_389 = arith.constant 32 : index
        %get3A_390 = tpu.vector_load %arg14[%get3A_388, %get3A_389] {strides = array<i32>} : memref<80x64xf32, #tpu.memory_space<vmem>>, vector<16xf32>,
        %mul3A_391 = vector.broadcast %squeeze3A_361 : f32 to vector<16xf32>
        %mul3A_392 = arith.mulf %get3A_390, %mul3A_391 : vector<16xf32>
        %add3A_393 = arith.constant 5 : i32
        %add3A_394 = arith.addi %mul3A_77, %add3A_393 : i32
        %swap3A_395 = arith.index_cast %add3A_394 : i32 to index
        %swap3A_396 = arith.constant 32 : index
        %swap3A_397 = tpu.vector_load %arg15[%swap3A_395, %swap3A_396] {strides = array<i32>} : memref<80x80xf32, #tpu.memory_space<vmem>>, vector<16xf32>,
        tpu.vector_store %arg15[%swap3A_395, %swap3A_396], %mul3A_392 {strides = array<i32>} : memref<80x80xf32, #tpu.memory_space<vmem>>, vector<16xf32>,
        %add3A_398 = arith.constant 5 : i32
        %add3A_399 = arith.addi %mul3A_77, %add3A_398 : i32
        %get3A_400 = arith.index_cast %add3A_399 : i32 to index
        %get3A_401 = arith.constant 48 : index
        %get3A_402 = tpu.vector_load %arg14[%get3A_400, %get3A_401] {strides = array<i32>} : memref<80x64xf32, #tpu.memory_space<vmem>>, vector<16xf32>,
        %mul3A_403 = vector.broadcast %squeeze3A_361 : f32 to vector<16xf32>
        %mul3A_404 = arith.mulf %get3A_402, %mul3A_403 : vector<16xf32>
        %add3A_405 = arith.constant 5 : i32
        %add3A_406 = arith.addi %mul3A_77, %add3A_405 : i32
        %swap3A_407 = arith.index_cast %add3A_406 : i32 to index
        %swap3A_408 = arith.constant 48 : index
        %swap3A_409 = tpu.vector_load %arg15[%swap3A_407, %swap3A_408] {strides = array<i32>} : memref<80x80xf32, #tpu.memory_space<vmem>>, vector<16xf32>,
        tpu.vector_store %arg15[%swap3A_407, %swap3A_408], %mul3A_404 {strides = array<i32>} : memref<80x80xf32, #tpu.memory_space<vmem>>, vector<16xf32>,
        %mul3A_410 = vector.broadcast %squeeze3A_361 : f32 to vector<16xf32>
        %mul3A_411 = arith.mulf %mul3A_410, %convert_element_type3A_30 : vector<16xf32>
        %add3A_412 = arith.constant 5 : i32
        %add3A_413 = arith.addi %mul3A_77, %add3A_412 : i32
        %swap3A_414 = arith.index_cast %add3A_413 : i32 to index
        %swap3A_415 = arith.constant 64 : index
        %swap3A_416 = tpu.vector_load %arg15[%swap3A_414, %swap3A_415] {strides = array<i32>} : memref<80x80xf32, #tpu.memory_space<vmem>>, vector<16xf32>,
        tpu.vector_store %arg15[%swap3A_414, %swap3A_415], %mul3A_411 {strides = array<i32>} : memref<80x80xf32, #tpu.memory_space<vmem>>, vector<16xf32>,
        %slice3A_417 = vector.extract_strided_slice %get3A_75 {offsets = [6], sizes = [1], strides = [1]} : vector<16xf32> to vector<1xf32>
        %squeeze3A_418 = vector.extract %slice3A_417[0] : f32 from vector<1xf32>
        %add3A_419 = arith.constant 6 : i32
        %add3A_420 = arith.addi %mul3A_77, %add3A_419 : i32
        %get3A_421 = arith.index_cast %add3A_420 : i32 to index
        %get3A_422 = arith.constant 0 : index
        %get3A_423 = tpu.vector_load %arg14[%get3A_421, %get3A_422] {strides = array<i32>} : memref<80x64xf32, #tpu.memory_space<vmem>>, vector<16xf32>,
        %mul3A_424 = vector.broadcast %squeeze3A_418 : f32 to vector<16xf32>
        %mul3A_425 = arith.mulf %get3A_423, %mul3A_424 : vector<16xf32>
        %add3A_426 = arith.constant 6 : i32
        %add3A_427 = arith.addi %mul3A_77, %add3A_426 : i32
        %swap3A_428 = arith.index_cast %add3A_427 : i32 to index
        %swap3A_429 = arith.constant 0 : index
        %swap3A_430 = tpu.vector_load %arg15[%swap3A_428, %swap3A_429] {strides = array<i32>} : memref<80x80xf32, #tpu.memory_space<vmem>>, vector<16xf32>,
        tpu.vector_store %arg15[%swap3A_428, %swap3A_429], %mul3A_425 {strides = array<i32>} : memref<80x80xf32, #tpu.memory_space<vmem>>, vector<16xf32>,
        %add3A_431 = arith.constant 6 : i32
        %add3A_432 = arith.addi %mul3A_77, %add3A_431 : i32
        %get3A_433 = arith.index_cast %add3A_432 : i32 to index
        %get3A_434 = arith.constant 16 : index
        %get3A_435 = tpu.vector_load %arg14[%get3A_433, %get3A_434] {strides = array<i32>} : memref<80x64xf32, #tpu.memory_space<vmem>>, vector<16xf32>,
        %mul3A_436 = vector.broadcast %squeeze3A_418 : f32 to vector<16xf32>
        %mul3A_437 = arith.mulf %get3A_435, %mul3A_436 : vector<16xf32>
        %add3A_438 = arith.constant 6 : i32
        %add3A_439 = arith.addi %mul3A_77, %add3A_438 : i32
        %swap3A_440 = arith.index_cast %add3A_439 : i32 to index
        %swap3A_441 = arith.constant 16 : index
        %swap3A_442 = tpu.vector_load %arg15[%swap3A_440, %swap3A_441] {strides = array<i32>} : memref<80x80xf32, #tpu.memory_space<vmem>>, vector<16xf32>,
        tpu.vector_store %arg15[%swap3A_440, %swap3A_441], %mul3A_437 {strides = array<i32>} : memref<80x80xf32, #tpu.memory_space<vmem>>, vector<16xf32>,
        %add3A_443 = arith.constant 6 : i32
        %add3A_444 = arith.addi %mul3A_77, %add3A_443 : i32
        %get3A_445 = arith.index_cast %add3A_444 : i32 to index
        %get3A_446 = arith.constant 32 : index
        %get3A_447 = tpu.vector_load %arg14[%get3A_445, %get3A_446] {strides = array<i32>} : memref<80x64xf32, #tpu.memory_space<vmem>>, vector<16xf32>,
        %mul3A_448 = vector.broadcast %squeeze3A_418 : f32 to vector<16xf32>
        %mul3A_449 = arith.mulf %get3A_447, %mul3A_448 : vector<16xf32>
        %add3A_450 = arith.constant 6 : i32
        %add3A_451 = arith.addi %mul3A_77, %add3A_450 : i32
        %swap3A_452 = arith.index_cast %add3A_451 : i32 to index
        %swap3A_453 = arith.constant 32 : index
        %swap3A_454 = tpu.vector_load %arg15[%swap3A_452, %swap3A_453] {strides = array<i32>} : memref<80x80xf32, #tpu.memory_space<vmem>>, vector<16xf32>,
        tpu.vector_store %arg15[%swap3A_452, %swap3A_453], %mul3A_449 {strides = array<i32>} : memref<80x80xf32, #tpu.memory_space<vmem>>, vector<16xf32>,
        %add3A_455 = arith.constant 6 : i32
        %add3A_456 = arith.addi %mul3A_77, %add3A_455 : i32
        %get3A_457 = arith.index_cast %add3A_456 : i32 to index
        %get3A_458 = arith.constant 48 : index
        %get3A_459 = tpu.vector_load %arg14[%get3A_457, %get3A_458] {strides = array<i32>} : memref<80x64xf32, #tpu.memory_space<vmem>>, vector<16xf32>,
        %mul3A_460 = vector.broadcast %squeeze3A_418 : f32 to vector<16xf32>
        %mul3A_461 = arith.mulf %get3A_459, %mul3A_460 : vector<16xf32>
        %add3A_462 = arith.constant 6 : i32
        %add3A_463 = arith.addi %mul3A_77, %add3A_462 : i32
        %swap3A_464 = arith.index_cast %add3A_463 : i32 to index
        %swap3A_465 = arith.constant 48 : index
        %swap3A_466 = tpu.vector_load %arg15[%swap3A_464, %swap3A_465] {strides = array<i32>} : memref<80x80xf32, #tpu.memory_space<vmem>>, vector<16xf32>,
        tpu.vector_store %arg15[%swap3A_464, %swap3A_465], %mul3A_461 {strides = array<i32>} : memref<80x80xf32, #tpu.memory_space<vmem>>, vector<16xf32>,
        %mul3A_467 = vector.broadcast %squeeze3A_418 : f32 to vector<16xf32>
        %mul3A_468 = arith.mulf %mul3A_467, %convert_element_type3A_30 : vector<16xf32>
        %add3A_469 = arith.constant 6 : i32
        %add3A_470 = arith.addi %mul3A_77, %add3A_469 : i32
        %swap3A_471 = arith.index_cast %add3A_470 : i32 to index
        %swap3A_472 = arith.constant 64 : index
        %swap3A_473 = tpu.vector_load %arg15[%swap3A_471, %swap3A_472] {strides = array<i32>} : memref<80x80xf32, #tpu.memory_space<vmem>>, vector<16xf32>,
        tpu.vector_store %arg15[%swap3A_471, %swap3A_472], %mul3A_468 {strides = array<i32>} : memref<80x80xf32, #tpu.memory_space<vmem>>, vector<16xf32>,
        %slice3A_474 = vector.extract_strided_slice %get3A_75 {offsets = [7], sizes = [1], strides = [1]} : vector<16xf32> to vector<1xf32>
        %squeeze3A_475 = vector.extract %slice3A_474[0] : f32 from vector<1xf32>
        %add3A_476 = arith.constant 7 : i32
        %add3A_477 = arith.addi %mul3A_77, %add3A_476 : i32
        %get3A_478 = arith.index_cast %add3A_477 : i32 to index
        %get3A_479 = arith.constant 0 : index
        %get3A_480 = tpu.vector_load %arg14[%get3A_478, %get3A_479] {strides = array<i32>} : memref<80x64xf32, #tpu.memory_space<vmem>>, vector<16xf32>,
        %mul3A_481 = vector.broadcast %squeeze3A_475 : f32 to vector<16xf32>
        %mul3A_482 = arith.mulf %get3A_480, %mul3A_481 : vector<16xf32>
        %add3A_483 = arith.constant 7 : i32
        %add3A_484 = arith.addi %mul3A_77, %add3A_483 : i32
        %swap3A_485 = arith.index_cast %add3A_484 : i32 to index
        %swap3A_486 = arith.constant 0 : index
        %swap3A_487 = tpu.vector_load %arg15[%swap3A_485, %swap3A_486] {strides = array<i32>} : memref<80x80xf32, #tpu.memory_space<vmem>>, vector<16xf32>,
        tpu.vector_store %arg15[%swap3A_485, %swap3A_486], %mul3A_482 {strides = array<i32>} : memref<80x80xf32, #tpu.memory_space<vmem>>, vector<16xf32>,
        %add3A_488 = arith.constant 7 : i32
        %add3A_489 = arith.addi %mul3A_77, %add3A_488 : i32
        %get3A_490 = arith.index_cast %add3A_489 : i32 to index
        %get3A_491 = arith.constant 16 : index
        %get3A_492 = tpu.vector_load %arg14[%get3A_490, %get3A_491] {strides = array<i32>} : memref<80x64xf32, #tpu.memory_space<vmem>>, vector<16xf32>,
        %mul3A_493 = vector.broadcast %squeeze3A_475 : f32 to vector<16xf32>
        %mul3A_494 = arith.mulf %get3A_492, %mul3A_493 : vector<16xf32>
        %add3A_495 = arith.constant 7 : i32
        %add3A_496 = arith.addi %mul3A_77, %add3A_495 : i32
        %swap3A_497 = arith.index_cast %add3A_496 : i32 to index
        %swap3A_498 = arith.constant 16 : index
        %swap3A_499 = tpu.vector_load %arg15[%swap3A_497, %swap3A_498] {strides = array<i32>} : memref<80x80xf32, #tpu.memory_space<vmem>>, vector<16xf32>,
        tpu.vector_store %arg15[%swap3A_497, %swap3A_498], %mul3A_494 {strides = array<i32>} : memref<80x80xf32, #tpu.memory_space<vmem>>, vector<16xf32>,
        %add3A_500 = arith.constant 7 : i32
        %add3A_501 = arith.addi %mul3A_77, %add3A_500 : i32
        %get3A_502 = arith.index_cast %add3A_501 : i32 to index
        %get3A_503 = arith.constant 32 : index
        %get3A_504 = tpu.vector_load %arg14[%get3A_502, %get3A_503] {strides = array<i32>} : memref<80x64xf32, #tpu.memory_space<vmem>>, vector<16xf32>,
        %mul3A_505 = vector.broadcast %squeeze3A_475 : f32 to vector<16xf32>
        %mul3A_506 = arith.mulf %get3A_504, %mul3A_505 : vector<16xf32>
        %add3A_507 = arith.constant 7 : i32
        %add3A_508 = arith.addi %mul3A_77, %add3A_507 : i32
        %swap3A_509 = arith.index_cast %add3A_508 : i32 to index
        %swap3A_510 = arith.constant 32 : index
        %swap3A_511 = tpu.vector_load %arg15[%swap3A_509, %swap3A_510] {strides = array<i32>} : memref<80x80xf32, #tpu.memory_space<vmem>>, vector<16xf32>,
        tpu.vector_store %arg15[%swap3A_509, %swap3A_510], %mul3A_506 {strides = array<i32>} : memref<80x80xf32, #tpu.memory_space<vmem>>, vector<16xf32>,
        %add3A_512 = arith.constant 7 : i32
        %add3A_513 = arith.addi %mul3A_77, %add3A_512 : i32
        %get3A_514 = arith.index_cast %add3A_513 : i32 to index
        %get3A_515 = arith.constant 48 : index
        %get3A_516 = tpu.vector_load %arg14[%get3A_514, %get3A_515] {strides = array<i32>} : memref<80x64xf32, #tpu.memory_space<vmem>>, vector<16xf32>,
        %mul3A_517 = vector.broadcast %squeeze3A_475 : f32 to vector<16xf32>
        %mul3A_518 = arith.mulf %get3A_516, %mul3A_517 : vector<16xf32>
        %add3A_519 = arith.constant 7 : i32
        %add3A_520 = arith.addi %mul3A_77, %add3A_519 : i32
        %swap3A_521 = arith.index_cast %add3A_520 : i32 to index
        %swap3A_522 = arith.constant 48 : index
        %swap3A_523 = tpu.vector_load %arg15[%swap3A_521, %swap3A_522] {strides = array<i32>} : memref<80x80xf32, #tpu.memory_space<vmem>>, vector<16xf32>,
        tpu.vector_store %arg15[%swap3A_521, %swap3A_522], %mul3A_518 {strides = array<i32>} : memref<80x80xf32, #tpu.memory_space<vmem>>, vector<16xf32>,
        %mul3A_524 = vector.broadcast %squeeze3A_475 : f32 to vector<16xf32>
        %mul3A_525 = arith.mulf %mul3A_524, %convert_element_type3A_30 : vector<16xf32>
        %add3A_526 = arith.constant 7 : i32
        %add3A_527 = arith.addi %mul3A_77, %add3A_526 : i32
        %swap3A_528 = arith.index_cast %add3A_527 : i32 to index
        %swap3A_529 = arith.constant 64 : index
        %swap3A_530 = tpu.vector_load %arg15[%swap3A_528, %swap3A_529] {strides = array<i32>} : memref<80x80xf32, #tpu.memory_space<vmem>>, vector<16xf32>,
        tpu.vector_store %arg15[%swap3A_528, %swap3A_529], %mul3A_525 {strides = array<i32>} : memref<80x80xf32, #tpu.memory_space<vmem>>, vector<16xf32>,
        %slice3A_531 = vector.extract_strided_slice %get3A_75 {offsets = [8], sizes = [1], strides = [1]} : vector<16xf32> to vector<1xf32>
        %squeeze3A_532 = vector.extract %slice3A_531[0] : f32 from vector<1xf32>
        %add3A_533 = arith.constant 8 : i32
        %add3A_534 = arith.addi %mul3A_77, %add3A_533 : i32
        %get3A_535 = arith.index_cast %add3A_534 : i32 to index
        %get3A_536 = arith.constant 0 : index
        %get3A_537 = tpu.vector_load %arg14[%get3A_535, %get3A_536] {strides = array<i32>} : memref<80x64xf32, #tpu.memory_space<vmem>>, vector<16xf32>,
        %mul3A_538 = vector.broadcast %squeeze3A_532 : f32 to vector<16xf32>
        %mul3A_539 = arith.mulf %get3A_537, %mul3A_538 : vector<16xf32>
        %add3A_540 = arith.constant 8 : i32
        %add3A_541 = arith.addi %mul3A_77, %add3A_540 : i32
        %swap3A_542 = arith.index_cast %add3A_541 : i32 to index
        %swap3A_543 = arith.constant 0 : index
        %swap3A_544 = tpu.vector_load %arg15[%swap3A_542, %swap3A_543] {strides = array<i32>} : memref<80x80xf32, #tpu.memory_space<vmem>>, vector<16xf32>,
        tpu.vector_store %arg15[%swap3A_542, %swap3A_543], %mul3A_539 {strides = array<i32>} : memref<80x80xf32, #tpu.memory_space<vmem>>, vector<16xf32>,
        %add3A_545 = arith.constant 8 : i32
        %add3A_546 = arith.addi %mul3A_77, %add3A_545 : i32
        %get3A_547 = arith.index_cast %add3A_546 : i32 to index
        %get3A_548 = arith.constant 16 : index
        %get3A_549 = tpu.vector_load %arg14[%get3A_547, %get3A_548] {strides = array<i32>} : memref<80x64xf32, #tpu.memory_space<vmem>>, vector<16xf32>,
        %mul3A_550 = vector.broadcast %squeeze3A_532 : f32 to vector<16xf32>
        %mul3A_551 = arith.mulf %get3A_549, %mul3A_550 : vector<16xf32>
        %add3A_552 = arith.constant 8 : i32
        %add3A_553 = arith.addi %mul3A_77, %add3A_552 : i32
        %swap3A_554 = arith.index_cast %add3A_553 : i32 to index
        %swap3A_555 = arith.constant 16 : index
        %swap3A_556 = tpu.vector_load %arg15[%swap3A_554, %swap3A_555] {strides = array<i32>} : memref<80x80xf32, #tpu.memory_space<vmem>>, vector<16xf32>,
        tpu.vector_store %arg15[%swap3A_554, %swap3A_555], %mul3A_551 {strides = array<i32>} : memref<80x80xf32, #tpu.memory_space<vmem>>, vector<16xf32>,
        %add3A_557 = arith.constant 8 : i32
        %add3A_558 = arith.addi %mul3A_77, %add3A_557 : i32
        %get3A_559 = arith.index_cast %add3A_558 : i32 to index
        %get3A_560 = arith.constant 32 : index
        %get3A_561 = tpu.vector_load %arg14[%get3A_559, %get3A_560] {strides = array<i32>} : memref<80x64xf32, #tpu.memory_space<vmem>>, vector<16xf32>,
        %mul3A_562 = vector.broadcast %squeeze3A_532 : f32 to vector<16xf32>
        %mul3A_563 = arith.mulf %get3A_561, %mul3A_562 : vector<16xf32>
        %add3A_564 = arith.constant 8 : i32
        %add3A_565 = arith.addi %mul3A_77, %add3A_564 : i32
        %swap3A_566 = arith.index_cast %add3A_565 : i32 to index
        %swap3A_567 = arith.constant 32 : index
        %swap3A_568 = tpu.vector_load %arg15[%swap3A_566, %swap3A_567] {strides = array<i32>} : memref<80x80xf32, #tpu.memory_space<vmem>>, vector<16xf32>,
        tpu.vector_store %arg15[%swap3A_566, %swap3A_567], %mul3A_563 {strides = array<i32>} : memref<80x80xf32, #tpu.memory_space<vmem>>, vector<16xf32>,
        %add3A_569 = arith.constant 8 : i32
        %add3A_570 = arith.addi %mul3A_77, %add3A_569 : i32
        %get3A_571 = arith.index_cast %add3A_570 : i32 to index
        %get3A_572 = arith.constant 48 : index
        %get3A_573 = tpu.vector_load %arg14[%get3A_571, %get3A_572] {strides = array<i32>} : memref<80x64xf32, #tpu.memory_space<vmem>>, vector<16xf32>,
        %mul3A_574 = vector.broadcast %squeeze3A_532 : f32 to vector<16xf32>
        %mul3A_575 = arith.mulf %get3A_573, %mul3A_574 : vector<16xf32>
        %add3A_576 = arith.constant 8 : i32
        %add3A_577 = arith.addi %mul3A_77, %add3A_576 : i32
        %swap3A_578 = arith.index_cast %add3A_577 : i32 to index
        %swap3A_579 = arith.constant 48 : index
        %swap3A_580 = tpu.vector_load %arg15[%swap3A_578, %swap3A_579] {strides = array<i32>} : memref<80x80xf32, #tpu.memory_space<vmem>>, vector<16xf32>,
        tpu.vector_store %arg15[%swap3A_578, %swap3A_579], %mul3A_575 {strides = array<i32>} : memref<80x80xf32, #tpu.memory_space<vmem>>, vector<16xf32>,
        %mul3A_581 = vector.broadcast %squeeze3A_532 : f32 to vector<16xf32>
        %mul3A_582 = arith.mulf %mul3A_581, %convert_element_type3A_30 : vector<16xf32>
        %add3A_583 = arith.constant 8 : i32
        %add3A_584 = arith.addi %mul3A_77, %add3A_583 : i32
        %swap3A_585 = arith.index_cast %add3A_584 : i32 to index
        %swap3A_586 = arith.constant 64 : index
        %swap3A_587 = tpu.vector_load %arg15[%swap3A_585, %swap3A_586] {strides = array<i32>} : memref<80x80xf32, #tpu.memory_space<vmem>>, vector<16xf32>,
        tpu.vector_store %arg15[%swap3A_585, %swap3A_586], %mul3A_582 {strides = array<i32>} : memref<80x80xf32, #tpu.memory_space<vmem>>, vector<16xf32>,
        %slice3A_588 = vector.extract_strided_slice %get3A_75 {offsets = [9], sizes = [1], strides = [1]} : vector<16xf32> to vector<1xf32>
        %squeeze3A_589 = vector.extract %slice3A_588[0] : f32 from vector<1xf32>
        %add3A_590 = arith.constant 9 : i32
        %add3A_591 = arith.addi %mul3A_77, %add3A_590 : i32
        %get3A_592 = arith.index_cast %add3A_591 : i32 to index
        %get3A_593 = arith.constant 0 : index
        %get3A_594 = tpu.vector_load %arg14[%get3A_592, %get3A_593] {strides = array<i32>} : memref<80x64xf32, #tpu.memory_space<vmem>>, vector<16xf32>,
        %mul3A_595 = vector.broadcast %squeeze3A_589 : f32 to vector<16xf32>
        %mul3A_596 = arith.mulf %get3A_594, %mul3A_595 : vector<16xf32>
        %add3A_597 = arith.constant 9 : i32
        %add3A_598 = arith.addi %mul3A_77, %add3A_597 : i32
        %swap3A_599 = arith.index_cast %add3A_598 : i32 to index
        %swap3A_600 = arith.constant 0 : index
        %swap3A_601 = tpu.vector_load %arg15[%swap3A_599, %swap3A_600] {strides = array<i32>} : memref<80x80xf32, #tpu.memory_space<vmem>>, vector<16xf32>,
        tpu.vector_store %arg15[%swap3A_599, %swap3A_600], %mul3A_596 {strides = array<i32>} : memref<80x80xf32, #tpu.memory_space<vmem>>, vector<16xf32>,
        %add3A_602 = arith.constant 9 : i32
        %add3A_603 = arith.addi %mul3A_77, %add3A_602 : i32
        %get3A_604 = arith.index_cast %add3A_603 : i32 to index
        %get3A_605 = arith.constant 16 : index
        %get3A_606 = tpu.vector_load %arg14[%get3A_604, %get3A_605] {strides = array<i32>} : memref<80x64xf32, #tpu.memory_space<vmem>>, vector<16xf32>,
        %mul3A_607 = vector.broadcast %squeeze3A_589 : f32 to vector<16xf32>
        %mul3A_608 = arith.mulf %get3A_606, %mul3A_607 : vector<16xf32>
        %add3A_609 = arith.constant 9 : i32
        %add3A_610 = arith.addi %mul3A_77, %add3A_609 : i32
        %swap3A_611 = arith.index_cast %add3A_610 : i32 to index
        %swap3A_612 = arith.constant 16 : index
        %swap3A_613 = tpu.vector_load %arg15[%swap3A_611, %swap3A_612] {strides = array<i32>} : memref<80x80xf32, #tpu.memory_space<vmem>>, vector<16xf32>,
        tpu.vector_store %arg15[%swap3A_611, %swap3A_612], %mul3A_608 {strides = array<i32>} : memref<80x80xf32, #tpu.memory_space<vmem>>, vector<16xf32>,
        %add3A_614 = arith.constant 9 : i32
        %add3A_615 = arith.addi %mul3A_77, %add3A_614 : i32
        %get3A_616 = arith.index_cast %add3A_615 : i32 to index
        %get3A_617 = arith.constant 32 : index
        %get3A_618 = tpu.vector_load %arg14[%get3A_616, %get3A_617] {strides = array<i32>} : memref<80x64xf32, #tpu.memory_space<vmem>>, vector<16xf32>,
        %mul3A_619 = vector.broadcast %squeeze3A_589 : f32 to vector<16xf32>
        %mul3A_620 = arith.mulf %get3A_618, %mul3A_619 : vector<16xf32>
        %add3A_621 = arith.constant 9 : i32
        %add3A_622 = arith.addi %mul3A_77, %add3A_621 : i32
        %swap3A_623 = arith.index_cast %add3A_622 : i32 to index
        %swap3A_624 = arith.constant 32 : index
        %swap3A_625 = tpu.vector_load %arg15[%swap3A_623, %swap3A_624] {strides = array<i32>} : memref<80x80xf32, #tpu.memory_space<vmem>>, vector<16xf32>,
        tpu.vector_store %arg15[%swap3A_623, %swap3A_624], %mul3A_620 {strides = array<i32>} : memref<80x80xf32, #tpu.memory_space<vmem>>, vector<16xf32>,
        %add3A_626 = arith.constant 9 : i32
        %add3A_627 = arith.addi %mul3A_77, %add3A_626 : i32
        %get3A_628 = arith.index_cast %add3A_627 : i32 to index
        %get3A_629 = arith.constant 48 : index
        %get3A_630 = tpu.vector_load %arg14[%get3A_628, %get3A_629] {strides = array<i32>} : memref<80x64xf32, #tpu.memory_space<vmem>>, vector<16xf32>,
        %mul3A_631 = vector.broadcast %squeeze3A_589 : f32 to vector<16xf32>
        %mul3A_632 = arith.mulf %get3A_630, %mul3A_631 : vector<16xf32>
        %add3A_633 = arith.constant 9 : i32
        %add3A_634 = arith.addi %mul3A_77, %add3A_633 : i32
        %swap3A_635 = arith.index_cast %add3A_634 : i32 to index
        %swap3A_636 = arith.constant 48 : index
        %swap3A_637 = tpu.vector_load %arg15[%swap3A_635, %swap3A_636] {strides = array<i32>} : memref<80x80xf32, #tpu.memory_space<vmem>>, vector<16xf32>,
        tpu.vector_store %arg15[%swap3A_635, %swap3A_636], %mul3A_632 {strides = array<i32>} : memref<80x80xf32, #tpu.memory_space<vmem>>, vector<16xf32>,
        %mul3A_638 = vector.broadcast %squeeze3A_589 : f32 to vector<16xf32>
        %mul3A_639 = arith.mulf %mul3A_638, %convert_element_type3A_30 : vector<16xf32>
        %add3A_640 = arith.constant 9 : i32
        %add3A_641 = arith.addi %mul3A_77, %add3A_640 : i32
        %swap3A_642 = arith.index_cast %add3A_641 : i32 to index
        %swap3A_643 = arith.constant 64 : index
        %swap3A_644 = tpu.vector_load %arg15[%swap3A_642, %swap3A_643] {strides = array<i32>} : memref<80x80xf32, #tpu.memory_space<vmem>>, vector<16xf32>,
        tpu.vector_store %arg15[%swap3A_642, %swap3A_643], %mul3A_639 {strides = array<i32>} : memref<80x80xf32, #tpu.memory_space<vmem>>, vector<16xf32>,
        %slice3A_645 = vector.extract_strided_slice %get3A_75 {offsets = [10], sizes = [1], strides = [1]} : vector<16xf32> to vector<1xf32>
        %squeeze3A_646 = vector.extract %slice3A_645[0] : f32 from vector<1xf32>
        %add3A_647 = arith.constant 10 : i32
        %add3A_648 = arith.addi %mul3A_77, %add3A_647 : i32
        %get3A_649 = arith.index_cast %add3A_648 : i32 to index
        %get3A_650 = arith.constant 0 : index
        %get3A_651 = tpu.vector_load %arg14[%get3A_649, %get3A_650] {strides = array<i32>} : memref<80x64xf32, #tpu.memory_space<vmem>>, vector<16xf32>,
        %mul3A_652 = vector.broadcast %squeeze3A_646 : f32 to vector<16xf32>
        %mul3A_653 = arith.mulf %get3A_651, %mul3A_652 : vector<16xf32>
        %add3A_654 = arith.constant 10 : i32
        %add3A_655 = arith.addi %mul3A_77, %add3A_654 : i32
        %swap3A_656 = arith.index_cast %add3A_655 : i32 to index
        %swap3A_657 = arith.constant 0 : index
        %swap3A_658 = tpu.vector_load %arg15[%swap3A_656, %swap3A_657] {strides = array<i32>} : memref<80x80xf32, #tpu.memory_space<vmem>>, vector<16xf32>,
        tpu.vector_store %arg15[%swap3A_656, %swap3A_657], %mul3A_653 {strides = array<i32>} : memref<80x80xf32, #tpu.memory_space<vmem>>, vector<16xf32>,
        %add3A_659 = arith.constant 10 : i32
        %add3A_660 = arith.addi %mul3A_77, %add3A_659 : i32
        %get3A_661 = arith.index_cast %add3A_660 : i32 to index
        %get3A_662 = arith.constant 16 : index
        %get3A_663 = tpu.vector_load %arg14[%get3A_661, %get3A_662] {strides = array<i32>} : memref<80x64xf32, #tpu.memory_space<vmem>>, vector<16xf32>,
        %mul3A_664 = vector.broadcast %squeeze3A_646 : f32 to vector<16xf32>
        %mul3A_665 = arith.mulf %get3A_663, %mul3A_664 : vector<16xf32>
        %add3A_666 = arith.constant 10 : i32
        %add3A_667 = arith.addi %mul3A_77, %add3A_666 : i32
        %swap3A_668 = arith.index_cast %add3A_667 : i32 to index
        %swap3A_669 = arith.constant 16 : index
        %swap3A_670 = tpu.vector_load %arg15[%swap3A_668, %swap3A_669] {strides = array<i32>} : memref<80x80xf32, #tpu.memory_space<vmem>>, vector<16xf32>,
        tpu.vector_store %arg15[%swap3A_668, %swap3A_669], %mul3A_665 {strides = array<i32>} : memref<80x80xf32, #tpu.memory_space<vmem>>, vector<16xf32>,
        %add3A_671 = arith.constant 10 : i32
        %add3A_672 = arith.addi %mul3A_77, %add3A_671 : i32
        %get3A_673 = arith.index_cast %add3A_672 : i32 to index
        %get3A_674 = arith.constant 32 : index
        %get3A_675 = tpu.vector_load %arg14[%get3A_673, %get3A_674] {strides = array<i32>} : memref<80x64xf32, #tpu.memory_space<vmem>>, vector<16xf32>,
        %mul3A_676 = vector.broadcast %squeeze3A_646 : f32 to vector<16xf32>
        %mul3A_677 = arith.mulf %get3A_675, %mul3A_676 : vector<16xf32>
        %add3A_678 = arith.constant 10 : i32
        %add3A_679 = arith.addi %mul3A_77, %add3A_678 : i32
        %swap3A_680 = arith.index_cast %add3A_679 : i32 to index
        %swap3A_681 = arith.constant 32 : index
        %swap3A_682 = tpu.vector_load %arg15[%swap3A_680, %swap3A_681] {strides = array<i32>} : memref<80x80xf32, #tpu.memory_space<vmem>>, vector<16xf32>,
        tpu.vector_store %arg15[%swap3A_680, %swap3A_681], %mul3A_677 {strides = array<i32>} : memref<80x80xf32, #tpu.memory_space<vmem>>, vector<16xf32>,
        %add3A_683 = arith.constant 10 : i32
        %add3A_684 = arith.addi %mul3A_77, %add3A_683 : i32
        %get3A_685 = arith.index_cast %add3A_684 : i32 to index
        %get3A_686 = arith.constant 48 : index
        %get3A_687 = tpu.vector_load %arg14[%get3A_685, %get3A_686] {strides = array<i32>} : memref<80x64xf32, #tpu.memory_space<vmem>>, vector<16xf32>,
        %mul3A_688 = vector.broadcast %squeeze3A_646 : f32 to vector<16xf32>
        %mul3A_689 = arith.mulf %get3A_687, %mul3A_688 : vector<16xf32>
        %add3A_690 = arith.constant 10 : i32
        %add3A_691 = arith.addi %mul3A_77, %add3A_690 : i32
        %swap3A_692 = arith.index_cast %add3A_691 : i32 to index
        %swap3A_693 = arith.constant 48 : index
        %swap3A_694 = tpu.vector_load %arg15[%swap3A_692, %swap3A_693] {strides = array<i32>} : memref<80x80xf32, #tpu.memory_space<vmem>>, vector<16xf32>,
        tpu.vector_store %arg15[%swap3A_692, %swap3A_693], %mul3A_689 {strides = array<i32>} : memref<80x80xf32, #tpu.memory_space<vmem>>, vector<16xf32>,
        %mul3A_695 = vector.broadcast %squeeze3A_646 : f32 to vector<16xf32>
        %mul3A_696 = arith.mulf %mul3A_695, %convert_element_type3A_30 : vector<16xf32>
        %add3A_697 = arith.constant 10 : i32
        %add3A_698 = arith.addi %mul3A_77, %add3A_697 : i32
        %swap3A_699 = arith.index_cast %add3A_698 : i32 to index
        %swap3A_700 = arith.constant 64 : index
        %swap3A_701 = tpu.vector_load %arg15[%swap3A_699, %swap3A_700] {strides = array<i32>} : memref<80x80xf32, #tpu.memory_space<vmem>>, vector<16xf32>,
        tpu.vector_store %arg15[%swap3A_699, %swap3A_700], %mul3A_696 {strides = array<i32>} : memref<80x80xf32, #tpu.memory_space<vmem>>, vector<16xf32>,
        %slice3A_702 = vector.extract_strided_slice %get3A_75 {offsets = [11], sizes = [1], strides = [1]} : vector<16xf32> to vector<1xf32>
        %squeeze3A_703 = vector.extract %slice3A_702[0] : f32 from vector<1xf32>
        %add3A_704 = arith.constant 11 : i32
        %add3A_705 = arith.addi %mul3A_77, %add3A_704 : i32
        %get3A_706 = arith.index_cast %add3A_705 : i32 to index
        %get3A_707 = arith.constant 0 : index
        %get3A_708 = tpu.vector_load %arg14[%get3A_706, %get3A_707] {strides = array<i32>} : memref<80x64xf32, #tpu.memory_space<vmem>>, vector<16xf32>,
        %mul3A_709 = vector.broadcast %squeeze3A_703 : f32 to vector<16xf32>
        %mul3A_710 = arith.mulf %get3A_708, %mul3A_709 : vector<16xf32>
        %add3A_711 = arith.constant 11 : i32
        %add3A_712 = arith.addi %mul3A_77, %add3A_711 : i32
        %swap3A_713 = arith.index_cast %add3A_712 : i32 to index
        %swap3A_714 = arith.constant 0 : index
        %swap3A_715 = tpu.vector_load %arg15[%swap3A_713, %swap3A_714] {strides = array<i32>} : memref<80x80xf32, #tpu.memory_space<vmem>>, vector<16xf32>,
        tpu.vector_store %arg15[%swap3A_713, %swap3A_714], %mul3A_710 {strides = array<i32>} : memref<80x80xf32, #tpu.memory_space<vmem>>, vector<16xf32>,
        %add3A_716 = arith.constant 11 : i32
        %add3A_717 = arith.addi %mul3A_77, %add3A_716 : i32
        %get3A_718 = arith.index_cast %add3A_717 : i32 to index
        %get3A_719 = arith.constant 16 : index
        %get3A_720 = tpu.vector_load %arg14[%get3A_718, %get3A_719] {strides = array<i32>} : memref<80x64xf32, #tpu.memory_space<vmem>>, vector<16xf32>,
        %mul3A_721 = vector.broadcast %squeeze3A_703 : f32 to vector<16xf32>
        %mul3A_722 = arith.mulf %get3A_720, %mul3A_721 : vector<16xf32>
        %add3A_723 = arith.constant 11 : i32
        %add3A_724 = arith.addi %mul3A_77, %add3A_723 : i32
        %swap3A_725 = arith.index_cast %add3A_724 : i32 to index
        %swap3A_726 = arith.constant 16 : index
        %swap3A_727 = tpu.vector_load %arg15[%swap3A_725, %swap3A_726] {strides = array<i32>} : memref<80x80xf32, #tpu.memory_space<vmem>>, vector<16xf32>,
        tpu.vector_store %arg15[%swap3A_725, %swap3A_726], %mul3A_722 {strides = array<i32>} : memref<80x80xf32, #tpu.memory_space<vmem>>, vector<16xf32>,
        %add3A_728 = arith.constant 11 : i32
        %add3A_729 = arith.addi %mul3A_77, %add3A_728 : i32
        %get3A_730 = arith.index_cast %add3A_729 : i32 to index
        %get3A_731 = arith.constant 32 : index
        %get3A_732 = tpu.vector_load %arg14[%get3A_730, %get3A_731] {strides = array<i32>} : memref<80x64xf32, #tpu.memory_space<vmem>>, vector<16xf32>,
        %mul3A_733 = vector.broadcast %squeeze3A_703 : f32 to vector<16xf32>
        %mul3A_734 = arith.mulf %get3A_732, %mul3A_733 : vector<16xf32>
        %add3A_735 = arith.constant 11 : i32
        %add3A_736 = arith.addi %mul3A_77, %add3A_735 : i32
        %swap3A_737 = arith.index_cast %add3A_736 : i32 to index
        %swap3A_738 = arith.constant 32 : index
        %swap3A_739 = tpu.vector_load %arg15[%swap3A_737, %swap3A_738] {strides = array<i32>} : memref<80x80xf32, #tpu.memory_space<vmem>>, vector<16xf32>,
        tpu.vector_store %arg15[%swap3A_737, %swap3A_738], %mul3A_734 {strides = array<i32>} : memref<80x80xf32, #tpu.memory_space<vmem>>, vector<16xf32>,
        %add3A_740 = arith.constant 11 : i32
        %add3A_741 = arith.addi %mul3A_77, %add3A_740 : i32
        %get3A_742 = arith.index_cast %add3A_741 : i32 to index
        %get3A_743 = arith.constant 48 : index
        %get3A_744 = tpu.vector_load %arg14[%get3A_742, %get3A_743] {strides = array<i32>} : memref<80x64xf32, #tpu.memory_space<vmem>>, vector<16xf32>,
        %mul3A_745 = vector.broadcast %squeeze3A_703 : f32 to vector<16xf32>
        %mul3A_746 = arith.mulf %get3A_744, %mul3A_745 : vector<16xf32>
        %add3A_747 = arith.constant 11 : i32
        %add3A_748 = arith.addi %mul3A_77, %add3A_747 : i32
        %swap3A_749 = arith.index_cast %add3A_748 : i32 to index
        %swap3A_750 = arith.constant 48 : index
        %swap3A_751 = tpu.vector_load %arg15[%swap3A_749, %swap3A_750] {strides = array<i32>} : memref<80x80xf32, #tpu.memory_space<vmem>>, vector<16xf32>,
        tpu.vector_store %arg15[%swap3A_749, %swap3A_750], %mul3A_746 {strides = array<i32>} : memref<80x80xf32, #tpu.memory_space<vmem>>, vector<16xf32>,
        %mul3A_752 = vector.broadcast %squeeze3A_703 : f32 to vector<16xf32>
        %mul3A_753 = arith.mulf %mul3A_752, %convert_element_type3A_30 : vector<16xf32>
        %add3A_754 = arith.constant 11 : i32
        %add3A_755 = arith.addi %mul3A_77, %add3A_754 : i32
        %swap3A_756 = arith.index_cast %add3A_755 : i32 to index
        %swap3A_757 = arith.constant 64 : index
        %swap3A_758 = tpu.vector_load %arg15[%swap3A_756, %swap3A_757] {strides = array<i32>} : memref<80x80xf32, #tpu.memory_space<vmem>>, vector<16xf32>,
        tpu.vector_store %arg15[%swap3A_756, %swap3A_757], %mul3A_753 {strides = array<i32>} : memref<80x80xf32, #tpu.memory_space<vmem>>, vector<16xf32>,
        %slice3A_759 = vector.extract_strided_slice %get3A_75 {offsets = [12], sizes = [1], strides = [1]} : vector<16xf32> to vector<1xf32>
        %squeeze3A_760 = vector.extract %slice3A_759[0] : f32 from vector<1xf32>
        %add3A_761 = arith.constant 12 : i32
        %add3A_762 = arith.addi %mul3A_77, %add3A_761 : i32
        %get3A_763 = arith.index_cast %add3A_762 : i32 to index
        %get3A_764 = arith.constant 0 : index
        %get3A_765 = tpu.vector_load %arg14[%get3A_763, %get3A_764] {strides = array<i32>} : memref<80x64xf32, #tpu.memory_space<vmem>>, vector<16xf32>,
        %mul3A_766 = vector.broadcast %squeeze3A_760 : f32 to vector<16xf32>
        %mul3A_767 = arith.mulf %get3A_765, %mul3A_766 : vector<16xf32>
        %add3A_768 = arith.constant 12 : i32
        %add3A_769 = arith.addi %mul3A_77, %add3A_768 : i32
        %swap3A_770 = arith.index_cast %add3A_769 : i32 to index
        %swap3A_771 = arith.constant 0 : index
        %swap3A_772 = tpu.vector_load %arg15[%swap3A_770, %swap3A_771] {strides = array<i32>} : memref<80x80xf32, #tpu.memory_space<vmem>>, vector<16xf32>,
        tpu.vector_store %arg15[%swap3A_770, %swap3A_771], %mul3A_767 {strides = array<i32>} : memref<80x80xf32, #tpu.memory_space<vmem>>, vector<16xf32>,
        %add3A_773 = arith.constant 12 : i32
        %add3A_774 = arith.addi %mul3A_77, %add3A_773 : i32
        %get3A_775 = arith.index_cast %add3A_774 : i32 to index
        %get3A_776 = arith.constant 16 : index
        %get3A_777 = tpu.vector_load %arg14[%get3A_775, %get3A_776] {strides = array<i32>} : memref<80x64xf32, #tpu.memory_space<vmem>>, vector<16xf32>,
        %mul3A_778 = vector.broadcast %squeeze3A_760 : f32 to vector<16xf32>
        %mul3A_779 = arith.mulf %get3A_777, %mul3A_778 : vector<16xf32>
        %add3A_780 = arith.constant 12 : i32
        %add3A_781 = arith.addi %mul3A_77, %add3A_780 : i32
        %swap3A_782 = arith.index_cast %add3A_781 : i32 to index
        %swap3A_783 = arith.constant 16 : index
        %swap3A_784 = tpu.vector_load %arg15[%swap3A_782, %swap3A_783] {strides = array<i32>} : memref<80x80xf32, #tpu.memory_space<vmem>>, vector<16xf32>,
        tpu.vector_store %arg15[%swap3A_782, %swap3A_783], %mul3A_779 {strides = array<i32>} : memref<80x80xf32, #tpu.memory_space<vmem>>, vector<16xf32>,
        %add3A_785 = arith.constant 12 : i32
        %add3A_786 = arith.addi %mul3A_77, %add3A_785 : i32
        %get3A_787 = arith.index_cast %add3A_786 : i32 to index
        %get3A_788 = arith.constant 32 : index
        %get3A_789 = tpu.vector_load %arg14[%get3A_787, %get3A_788] {strides = array<i32>} : memref<80x64xf32, #tpu.memory_space<vmem>>, vector<16xf32>,
        %mul3A_790 = vector.broadcast %squeeze3A_760 : f32 to vector<16xf32>
        %mul3A_791 = arith.mulf %get3A_789, %mul3A_790 : vector<16xf32>
        %add3A_792 = arith.constant 12 : i32
        %add3A_793 = arith.addi %mul3A_77, %add3A_792 : i32
        %swap3A_794 = arith.index_cast %add3A_793 : i32 to index
        %swap3A_795 = arith.constant 32 : index
        %swap3A_796 = tpu.vector_load %arg15[%swap3A_794, %swap3A_795] {strides = array<i32>} : memref<80x80xf32, #tpu.memory_space<vmem>>, vector<16xf32>,
        tpu.vector_store %arg15[%swap3A_794, %swap3A_795], %mul3A_791 {strides = array<i32>} : memref<80x80xf32, #tpu.memory_space<vmem>>, vector<16xf32>,
        %add3A_797 = arith.constant 12 : i32
        %add3A_798 = arith.addi %mul3A_77, %add3A_797 : i32
        %get3A_799 = arith.index_cast %add3A_798 : i32 to index
        %get3A_800 = arith.constant 48 : index
        %get3A_801 = tpu.vector_load %arg14[%get3A_799, %get3A_800] {strides = array<i32>} : memref<80x64xf32, #tpu.memory_space<vmem>>, vector<16xf32>,
        %mul3A_802 = vector.broadcast %squeeze3A_760 : f32 to vector<16xf32>
        %mul3A_803 = arith.mulf %get3A_801, %mul3A_802 : vector<16xf32>
        %add3A_804 = arith.constant 12 : i32
        %add3A_805 = arith.addi %mul3A_77, %add3A_804 : i32
        %swap3A_806 = arith.index_cast %add3A_805 : i32 to index
        %swap3A_807 = arith.constant 48 : index
        %swap3A_808 = tpu.vector_load %arg15[%swap3A_806, %swap3A_807] {strides = array<i32>} : memref<80x80xf32, #tpu.memory_space<vmem>>, vector<16xf32>,
        tpu.vector_store %arg15[%swap3A_806, %swap3A_807], %mul3A_803 {strides = array<i32>} : memref<80x80xf32, #tpu.memory_space<vmem>>, vector<16xf32>,
        %mul3A_809 = vector.broadcast %squeeze3A_760 : f32 to vector<16xf32>
        %mul3A_810 = arith.mulf %mul3A_809, %convert_element_type3A_30 : vector<16xf32>
        %add3A_811 = arith.constant 12 : i32
        %add3A_812 = arith.addi %mul3A_77, %add3A_811 : i32
        %swap3A_813 = arith.index_cast %add3A_812 : i32 to index
        %swap3A_814 = arith.constant 64 : index
        %swap3A_815 = tpu.vector_load %arg15[%swap3A_813, %swap3A_814] {strides = array<i32>} : memref<80x80xf32, #tpu.memory_space<vmem>>, vector<16xf32>,
        tpu.vector_store %arg15[%swap3A_813, %swap3A_814], %mul3A_810 {strides = array<i32>} : memref<80x80xf32, #tpu.memory_space<vmem>>, vector<16xf32>,
        %slice3A_816 = vector.extract_strided_slice %get3A_75 {offsets = [13], sizes = [1], strides = [1]} : vector<16xf32> to vector<1xf32>
        %squeeze3A_817 = vector.extract %slice3A_816[0] : f32 from vector<1xf32>
        %add3A_818 = arith.constant 13 : i32
        %add3A_819 = arith.addi %mul3A_77, %add3A_818 : i32
        %get3A_820 = arith.index_cast %add3A_819 : i32 to index
        %get3A_821 = arith.constant 0 : index
        %get3A_822 = tpu.vector_load %arg14[%get3A_820, %get3A_821] {strides = array<i32>} : memref<80x64xf32, #tpu.memory_space<vmem>>, vector<16xf32>,
        %mul3A_823 = vector.broadcast %squeeze3A_817 : f32 to vector<16xf32>
        %mul3A_824 = arith.mulf %get3A_822, %mul3A_823 : vector<16xf32>
        %add3A_825 = arith.constant 13 : i32
        %add3A_826 = arith.addi %mul3A_77, %add3A_825 : i32
        %swap3A_827 = arith.index_cast %add3A_826 : i32 to index
        %swap3A_828 = arith.constant 0 : index
        %swap3A_829 = tpu.vector_load %arg15[%swap3A_827, %swap3A_828] {strides = array<i32>} : memref<80x80xf32, #tpu.memory_space<vmem>>, vector<16xf32>,
        tpu.vector_store %arg15[%swap3A_827, %swap3A_828], %mul3A_824 {strides = array<i32>} : memref<80x80xf32, #tpu.memory_space<vmem>>, vector<16xf32>,
        %add3A_830 = arith.constant 13 : i32
        %add3A_831 = arith.addi %mul3A_77, %add3A_830 : i32
        %get3A_832 = arith.index_cast %add3A_831 : i32 to index
        %get3A_833 = arith.constant 16 : index
        %get3A_834 = tpu.vector_load %arg14[%get3A_832, %get3A_833] {strides = array<i32>} : memref<80x64xf32, #tpu.memory_space<vmem>>, vector<16xf32>,
        %mul3A_835 = vector.broadcast %squeeze3A_817 : f32 to vector<16xf32>
        %mul3A_836 = arith.mulf %get3A_834, %mul3A_835 : vector<16xf32>
        %add3A_837 = arith.constant 13 : i32
        %add3A_838 = arith.addi %mul3A_77, %add3A_837 : i32
        %swap3A_839 = arith.index_cast %add3A_838 : i32 to index
        %swap3A_840 = arith.constant 16 : index
        %swap3A_841 = tpu.vector_load %arg15[%swap3A_839, %swap3A_840] {strides = array<i32>} : memref<80x80xf32, #tpu.memory_space<vmem>>, vector<16xf32>,
        tpu.vector_store %arg15[%swap3A_839, %swap3A_840], %mul3A_836 {strides = array<i32>} : memref<80x80xf32, #tpu.memory_space<vmem>>, vector<16xf32>,
        %add3A_842 = arith.constant 13 : i32
        %add3A_843 = arith.addi %mul3A_77, %add3A_842 : i32
        %get3A_844 = arith.index_cast %add3A_843 : i32 to index
        %get3A_845 = arith.constant 32 : index
        %get3A_846 = tpu.vector_load %arg14[%get3A_844, %get3A_845] {strides = array<i32>} : memref<80x64xf32, #tpu.memory_space<vmem>>, vector<16xf32>,
        %mul3A_847 = vector.broadcast %squeeze3A_817 : f32 to vector<16xf32>
        %mul3A_848 = arith.mulf %get3A_846, %mul3A_847 : vector<16xf32>
        %add3A_849 = arith.constant 13 : i32
        %add3A_850 = arith.addi %mul3A_77, %add3A_849 : i32
        %swap3A_851 = arith.index_cast %add3A_850 : i32 to index
        %swap3A_852 = arith.constant 32 : index
        %swap3A_853 = tpu.vector_load %arg15[%swap3A_851, %swap3A_852] {strides = array<i32>} : memref<80x80xf32, #tpu.memory_space<vmem>>, vector<16xf32>,
        tpu.vector_store %arg15[%swap3A_851, %swap3A_852], %mul3A_848 {strides = array<i32>} : memref<80x80xf32, #tpu.memory_space<vmem>>, vector<16xf32>,
        %add3A_854 = arith.constant 13 : i32
        %add3A_855 = arith.addi %mul3A_77, %add3A_854 : i32
        %get3A_856 = arith.index_cast %add3A_855 : i32 to index
        %get3A_857 = arith.constant 48 : index
        %get3A_858 = tpu.vector_load %arg14[%get3A_856, %get3A_857] {strides = array<i32>} : memref<80x64xf32, #tpu.memory_space<vmem>>, vector<16xf32>,
        %mul3A_859 = vector.broadcast %squeeze3A_817 : f32 to vector<16xf32>
        %mul3A_860 = arith.mulf %get3A_858, %mul3A_859 : vector<16xf32>
        %add3A_861 = arith.constant 13 : i32
        %add3A_862 = arith.addi %mul3A_77, %add3A_861 : i32
        %swap3A_863 = arith.index_cast %add3A_862 : i32 to index
        %swap3A_864 = arith.constant 48 : index
        %swap3A_865 = tpu.vector_load %arg15[%swap3A_863, %swap3A_864] {strides = array<i32>} : memref<80x80xf32, #tpu.memory_space<vmem>>, vector<16xf32>,
        tpu.vector_store %arg15[%swap3A_863, %swap3A_864], %mul3A_860 {strides = array<i32>} : memref<80x80xf32, #tpu.memory_space<vmem>>, vector<16xf32>,
        %mul3A_866 = vector.broadcast %squeeze3A_817 : f32 to vector<16xf32>
        %mul3A_867 = arith.mulf %mul3A_866, %convert_element_type3A_30 : vector<16xf32>
        %add3A_868 = arith.constant 13 : i32
        %add3A_869 = arith.addi %mul3A_77, %add3A_868 : i32
        %swap3A_870 = arith.index_cast %add3A_869 : i32 to index
        %swap3A_871 = arith.constant 64 : index
        %swap3A_872 = tpu.vector_load %arg15[%swap3A_870, %swap3A_871] {strides = array<i32>} : memref<80x80xf32, #tpu.memory_space<vmem>>, vector<16xf32>,
        tpu.vector_store %arg15[%swap3A_870, %swap3A_871], %mul3A_867 {strides = array<i32>} : memref<80x80xf32, #tpu.memory_space<vmem>>, vector<16xf32>,
        %slice3A_873 = vector.extract_strided_slice %get3A_75 {offsets = [14], sizes = [1], strides = [1]} : vector<16xf32> to vector<1xf32>
        %squeeze3A_874 = vector.extract %slice3A_873[0] : f32 from vector<1xf32>
        %add3A_875 = arith.constant 14 : i32
        %add3A_876 = arith.addi %mul3A_77, %add3A_875 : i32
        %get3A_877 = arith.index_cast %add3A_876 : i32 to index
        %get3A_878 = arith.constant 0 : index
        %get3A_879 = tpu.vector_load %arg14[%get3A_877, %get3A_878] {strides = array<i32>} : memref<80x64xf32, #tpu.memory_space<vmem>>, vector<16xf32>,
        %mul3A_880 = vector.broadcast %squeeze3A_874 : f32 to vector<16xf32>
        %mul3A_881 = arith.mulf %get3A_879, %mul3A_880 : vector<16xf32>
        %add3A_882 = arith.constant 14 : i32
        %add3A_883 = arith.addi %mul3A_77, %add3A_882 : i32
        %swap3A_884 = arith.index_cast %add3A_883 : i32 to index
        %swap3A_885 = arith.constant 0 : index
        %swap3A_886 = tpu.vector_load %arg15[%swap3A_884, %swap3A_885] {strides = array<i32>} : memref<80x80xf32, #tpu.memory_space<vmem>>, vector<16xf32>,
        tpu.vector_store %arg15[%swap3A_884, %swap3A_885], %mul3A_881 {strides = array<i32>} : memref<80x80xf32, #tpu.memory_space<vmem>>, vector<16xf32>,
        %add3A_887 = arith.constant 14 : i32
        %add3A_888 = arith.addi %mul3A_77, %add3A_887 : i32
        %get3A_889 = arith.index_cast %add3A_888 : i32 to index
        %get3A_890 = arith.constant 16 : index
        %get3A_891 = tpu.vector_load %arg14[%get3A_889, %get3A_890] {strides = array<i32>} : memref<80x64xf32, #tpu.memory_space<vmem>>, vector<16xf32>,
        %mul3A_892 = vector.broadcast %squeeze3A_874 : f32 to vector<16xf32>
        %mul3A_893 = arith.mulf %get3A_891, %mul3A_892 : vector<16xf32>
        %add3A_894 = arith.constant 14 : i32
        %add3A_895 = arith.addi %mul3A_77, %add3A_894 : i32
        %swap3A_896 = arith.index_cast %add3A_895 : i32 to index
        %swap3A_897 = arith.constant 16 : index
        %swap3A_898 = tpu.vector_load %arg15[%swap3A_896, %swap3A_897] {strides = array<i32>} : memref<80x80xf32, #tpu.memory_space<vmem>>, vector<16xf32>,
        tpu.vector_store %arg15[%swap3A_896, %swap3A_897], %mul3A_893 {strides = array<i32>} : memref<80x80xf32, #tpu.memory_space<vmem>>, vector<16xf32>,
        %add3A_899 = arith.constant 14 : i32
        %add3A_900 = arith.addi %mul3A_77, %add3A_899 : i32
        %get3A_901 = arith.index_cast %add3A_900 : i32 to index
        %get3A_902 = arith.constant 32 : index
        %get3A_903 = tpu.vector_load %arg14[%get3A_901, %get3A_902] {strides = array<i32>} : memref<80x64xf32, #tpu.memory_space<vmem>>, vector<16xf32>,
        %mul3A_904 = vector.broadcast %squeeze3A_874 : f32 to vector<16xf32>
        %mul3A_905 = arith.mulf %get3A_903, %mul3A_904 : vector<16xf32>
        %add3A_906 = arith.constant 14 : i32
        %add3A_907 = arith.addi %mul3A_77, %add3A_906 : i32
        %swap3A_908 = arith.index_cast %add3A_907 : i32 to index
        %swap3A_909 = arith.constant 32 : index
        %swap3A_910 = tpu.vector_load %arg15[%swap3A_908, %swap3A_909] {strides = array<i32>} : memref<80x80xf32, #tpu.memory_space<vmem>>, vector<16xf32>,
        tpu.vector_store %arg15[%swap3A_908, %swap3A_909], %mul3A_905 {strides = array<i32>} : memref<80x80xf32, #tpu.memory_space<vmem>>, vector<16xf32>,
        %add3A_911 = arith.constant 14 : i32
        %add3A_912 = arith.addi %mul3A_77, %add3A_911 : i32
        %get3A_913 = arith.index_cast %add3A_912 : i32 to index
        %get3A_914 = arith.constant 48 : index
        %get3A_915 = tpu.vector_load %arg14[%get3A_913, %get3A_914] {strides = array<i32>} : memref<80x64xf32, #tpu.memory_space<vmem>>, vector<16xf32>,
        %mul3A_916 = vector.broadcast %squeeze3A_874 : f32 to vector<16xf32>
        %mul3A_917 = arith.mulf %get3A_915, %mul3A_916 : vector<16xf32>
        %add3A_918 = arith.constant 14 : i32
        %add3A_919 = arith.addi %mul3A_77, %add3A_918 : i32
        %swap3A_920 = arith.index_cast %add3A_919 : i32 to index
        %swap3A_921 = arith.constant 48 : index
        %swap3A_922 = tpu.vector_load %arg15[%swap3A_920, %swap3A_921] {strides = array<i32>} : memref<80x80xf32, #tpu.memory_space<vmem>>, vector<16xf32>,
        tpu.vector_store %arg15[%swap3A_920, %swap3A_921], %mul3A_917 {strides = array<i32>} : memref<80x80xf32, #tpu.memory_space<vmem>>, vector<16xf32>,
        %mul3A_923 = vector.broadcast %squeeze3A_874 : f32 to vector<16xf32>
        %mul3A_924 = arith.mulf %mul3A_923, %convert_element_type3A_30 : vector<16xf32>
        %add3A_925 = arith.constant 14 : i32
        %add3A_926 = arith.addi %mul3A_77, %add3A_925 : i32
        %swap3A_927 = arith.index_cast %add3A_926 : i32 to index
        %swap3A_928 = arith.constant 64 : index
        %swap3A_929 = tpu.vector_load %arg15[%swap3A_927, %swap3A_928] {strides = array<i32>} : memref<80x80xf32, #tpu.memory_space<vmem>>, vector<16xf32>,
        tpu.vector_store %arg15[%swap3A_927, %swap3A_928], %mul3A_924 {strides = array<i32>} : memref<80x80xf32, #tpu.memory_space<vmem>>, vector<16xf32>,
        %slice3A_930 = vector.extract_strided_slice %get3A_75 {offsets = [15], sizes = [1], strides = [1]} : vector<16xf32> to vector<1xf32>
        %squeeze3A_931 = vector.extract %slice3A_930[0] : f32 from vector<1xf32>
        %add3A_932 = arith.constant 15 : i32
        %add3A_933 = arith.addi %mul3A_77, %add3A_932 : i32
        %get3A_934 = arith.index_cast %add3A_933 : i32 to index
        %get3A_935 = arith.constant 0 : index
        %get3A_936 = tpu.vector_load %arg14[%get3A_934, %get3A_935] {strides = array<i32>} : memref<80x64xf32, #tpu.memory_space<vmem>>, vector<16xf32>,
        %mul3A_937 = vector.broadcast %squeeze3A_931 : f32 to vector<16xf32>
        %mul3A_938 = arith.mulf %get3A_936, %mul3A_937 : vector<16xf32>
        %add3A_939 = arith.constant 15 : i32
        %add3A_940 = arith.addi %mul3A_77, %add3A_939 : i32
        %swap3A_941 = arith.index_cast %add3A_940 : i32 to index
        %swap3A_942 = arith.constant 0 : index
        %swap3A_943 = tpu.vector_load %arg15[%swap3A_941, %swap3A_942] {strides = array<i32>} : memref<80x80xf32, #tpu.memory_space<vmem>>, vector<16xf32>,
        tpu.vector_store %arg15[%swap3A_941, %swap3A_942], %mul3A_938 {strides = array<i32>} : memref<80x80xf32, #tpu.memory_space<vmem>>, vector<16xf32>,
        %add3A_944 = arith.constant 15 : i32
        %add3A_945 = arith.addi %mul3A_77, %add3A_944 : i32
        %get3A_946 = arith.index_cast %add3A_945 : i32 to index
        %get3A_947 = arith.constant 16 : index
        %get3A_948 = tpu.vector_load %arg14[%get3A_946, %get3A_947] {strides = array<i32>} : memref<80x64xf32, #tpu.memory_space<vmem>>, vector<16xf32>,
        %mul3A_949 = vector.broadcast %squeeze3A_931 : f32 to vector<16xf32>
        %mul3A_950 = arith.mulf %get3A_948, %mul3A_949 : vector<16xf32>
        %add3A_951 = arith.constant 15 : i32
        %add3A_952 = arith.addi %mul3A_77, %add3A_951 : i32
        %swap3A_953 = arith.index_cast %add3A_952 : i32 to index
        %swap3A_954 = arith.constant 16 : index
        %swap3A_955 = tpu.vector_load %arg15[%swap3A_953, %swap3A_954] {strides = array<i32>} : memref<80x80xf32, #tpu.memory_space<vmem>>, vector<16xf32>,
        tpu.vector_store %arg15[%swap3A_953, %swap3A_954], %mul3A_950 {strides = array<i32>} : memref<80x80xf32, #tpu.memory_space<vmem>>, vector<16xf32>,
        %add3A_956 = arith.constant 15 : i32
        %add3A_957 = arith.addi %mul3A_77, %add3A_956 : i32
        %get3A_958 = arith.index_cast %add3A_957 : i32 to index
        %get3A_959 = arith.constant 32 : index
        %get3A_960 = tpu.vector_load %arg14[%get3A_958, %get3A_959] {strides = array<i32>} : memref<80x64xf32, #tpu.memory_space<vmem>>, vector<16xf32>,
        %mul3A_961 = vector.broadcast %squeeze3A_931 : f32 to vector<16xf32>
        %mul3A_962 = arith.mulf %get3A_960, %mul3A_961 : vector<16xf32>
        %add3A_963 = arith.constant 15 : i32
        %add3A_964 = arith.addi %mul3A_77, %add3A_963 : i32
        %swap3A_965 = arith.index_cast %add3A_964 : i32 to index
        %swap3A_966 = arith.constant 32 : index
        %swap3A_967 = tpu.vector_load %arg15[%swap3A_965, %swap3A_966] {strides = array<i32>} : memref<80x80xf32, #tpu.memory_space<vmem>>, vector<16xf32>,
        tpu.vector_store %arg15[%swap3A_965, %swap3A_966], %mul3A_962 {strides = array<i32>} : memref<80x80xf32, #tpu.memory_space<vmem>>, vector<16xf32>,
        %add3A_968 = arith.constant 15 : i32
        %add3A_969 = arith.addi %mul3A_77, %add3A_968 : i32
        %get3A_970 = arith.index_cast %add3A_969 : i32 to index
        %get3A_971 = arith.constant 48 : index
        %get3A_972 = tpu.vector_load %arg14[%get3A_970, %get3A_971] {strides = array<i32>} : memref<80x64xf32, #tpu.memory_space<vmem>>, vector<16xf32>,
        %mul3A_973 = vector.broadcast %squeeze3A_931 : f32 to vector<16xf32>
        %mul3A_974 = arith.mulf %get3A_972, %mul3A_973 : vector<16xf32>
        %add3A_975 = arith.constant 15 : i32
        %add3A_976 = arith.addi %mul3A_77, %add3A_975 : i32
        %swap3A_977 = arith.index_cast %add3A_976 : i32 to index
        %swap3A_978 = arith.constant 48 : index
        %swap3A_979 = tpu.vector_load %arg15[%swap3A_977, %swap3A_978] {strides = array<i32>} : memref<80x80xf32, #tpu.memory_space<vmem>>, vector<16xf32>,
        tpu.vector_store %arg15[%swap3A_977, %swap3A_978], %mul3A_974 {strides = array<i32>} : memref<80x80xf32, #tpu.memory_space<vmem>>, vector<16xf32>,
        %mul3A_980 = vector.broadcast %squeeze3A_931 : f32 to vector<16xf32>
        %mul3A_981 = arith.mulf %mul3A_980, %convert_element_type3A_30 : vector<16xf32>
        %add3A_982 = arith.constant 15 : i32
        %add3A_983 = arith.addi %mul3A_77, %add3A_982 : i32
        %swap3A_984 = arith.index_cast %add3A_983 : i32 to index
        %swap3A_985 = arith.constant 64 : index
        %swap3A_986 = tpu.vector_load %arg15[%swap3A_984, %swap3A_985] {strides = array<i32>} : memref<80x80xf32, #tpu.memory_space<vmem>>, vector<16xf32>,
        tpu.vector_store %arg15[%swap3A_984, %swap3A_985], %mul3A_981 {strides = array<i32>} : memref<80x80xf32, #tpu.memory_space<vmem>>, vector<16xf32>,
      }
      %scan3A_62 = arith.constant 5 : i32
      %run_scoped3A = arith.constant 24 : i32
      "tpu.region"() ({
        %run_scoped3A_70 = tpu.sem_alloc : memref<!tpu.dma_semaphore, #tpu.memory_space<semaphore_mem>>
        %dma_start3A_71 = arith.constant 0 : i32
        %dma_start3A_72 = tpu.memref_slice %arg11[%run_scoped3A, %dma_start3A_71] : memref<25x80xi32, #tpu.memory_space<vmem>> -> memref<1x80xi32, #tpu.memory_space<vmem>>
        %dma_start3A_73 = tpu.memref_squeeze %dma_start3A_72 : memref<1x80xi32, #tpu.memory_space<vmem>> -> memref<80xi32, #tpu.memory_space<vmem>>
        %dma_start3A_74 = arith.constant 0 : i32
        %dma_start3A_75 = arith.constant 0 : i32
        %dma_start3A_76 = tpu.memref_slice %arg18[%dma_start3A_74, %dma_start3A_75] : memref<10000x80xf32, #tpu.memory_space<vmem_shared>> -> memref<10000x80xf32, #tpu.memory_space<vmem_shared>>
        tpu.enqueue_indirect_dma source(%arg15 : memref<80x80xf32, #tpu.memory_space<vmem>>) target(%dma_start3A_76 : memref<10000x80xf32, #tpu.memory_space<vmem_shared>>) offsets(%dma_start3A_73 : memref<80xi32, #tpu.memory_space<vmem>>) semaphore(%run_scoped3A_70 : memref<!tpu.dma_semaphore, #tpu.memory_space<semaphore_mem>>) {add = true}
        %dma_wait3A_77 = arith.constant 0 : i32
        %dma_wait3A_78 = tpu.memref_slice %arg11[%run_scoped3A, %dma_wait3A_77] : memref<25x80xi32, #tpu.memory_space<vmem>> -> memref<1x80xi32, #tpu.memory_space<vmem>>
        %dma_wait3A_79 = tpu.memref_squeeze %dma_wait3A_78 : memref<1x80xi32, #tpu.memory_space<vmem>> -> memref<80xi32, #tpu.memory_space<vmem>>
        %dma_wait3A_80 = arith.constant 0 : i32
        %dma_wait3A_81 = arith.constant 0 : i32
        %dma_wait3A_82 = tpu.memref_slice %arg18[%dma_wait3A_80, %dma_wait3A_81] : memref<10000x80xf32, #tpu.memory_space<vmem_shared>> -> memref<10000x80xf32, #tpu.memory_space<vmem_shared>>
        tpu.wait_indirect_dma semaphore(%run_scoped3A_70 : memref<!tpu.dma_semaphore, #tpu.memory_space<semaphore_mem>>) src(%arg15 : memref<80x80xf32, #tpu.memory_space<vmem>>) dst(%dma_wait3A_82 : memref<10000x80xf32, #tpu.memory_space<vmem_shared>>)
        tpu.yield
      }) : () -> ()
      %dma_wait3A_63 = arith.constant 0 : i32
      %dma_wait3A_64 = arith.constant 0 : i32
      %dma_wait3A_65 = tpu.memref_slice %arg11[%dma_wait3A_63, %dma_wait3A_64] : memref<25x80xi32, #tpu.memory_space<vmem>> -> memref<1x80xi32, #tpu.memory_space<vmem>>
      %dma_wait3A_66 = tpu.memref_squeeze %dma_wait3A_65 : memref<1x80xi32, #tpu.memory_space<vmem>> -> memref<80xi32, #tpu.memory_space<vmem>>
      %dma_wait3A_67 = arith.constant 0 : i32
      %dma_wait3A_68 = arith.constant 0 : i32
      %dma_wait3A_69 = tpu.memref_slice %arg18[%dma_wait3A_67, %dma_wait3A_68] : memref<10000x80xf32, #tpu.memory_space<vmem_shared>> -> memref<10000x80xf32, #tpu.memory_space<vmem_shared>>
      tpu.wait_indirect_dma semaphore(%arg20 : memref<!tpu.dma_semaphore, #tpu.memory_space<semaphore_mem>>) src(%arg16 : memref<80x80xf32, #tpu.memory_space<vmem>>) dst(%dma_wait3A_69 : memref<10000x80xf32, #tpu.memory_space<vmem_shared>>)
    }
    %scan3A_7 = arith.constant 5 : i32
    %barrier3A_8 = arith.constant 0 : index
    tpu.barrier barrier_id(%barrier3A_8)
    %lt3A_9 = arith.constant 10 : i32
    %lt3A_10 = arith.cmpi slt, %arg1, %lt3A_9 : i32
    %convert_element_type3A_11 = arith.extui %lt3A_10 : i1 to i32
    %cond3A_12 = arith.constant 0 : i32
    %cond3A_13 = arith.cmpi ne, %convert_element_type3A_11, %cond3A_12 : i32
    scf.if %cond3A_13 {
      %mul3A_14 = arith.constant 1000 : i32
      %mul3A_15 = arith.muli %arg1, %mul3A_14 : i32
      %add3A_16 = arith.constant 0 : i32
      %add3A_17 = arith.addi %mul3A_15, %add3A_16 : i32
      "tpu.region"() ({
        %run_scoped3A = tpu.sem_alloc : memref<!tpu.dma_semaphore, #tpu.memory_space<semaphore_mem>>
        %dma_start3A = arith.constant 0 : i32
        %dma_start3A_66 = tpu.memref_slice %arg18[%add3A_17, %dma_start3A] : memref<10000x80xf32, #tpu.memory_space<vmem_shared>> -> memref<40x80xf32, #tpu.memory_space<vmem_shared>>
        %dma_start3A_67 = arith.constant 0 : i32
        %dma_start3A_68 = tpu.memref_slice %arg18[%add3A_17, %dma_start3A_67] : memref<10000x80xf32, #tpu.memory_space<vmem_shared>> -> memref<40x80xf32, #tpu.memory_space<vmem_shared>>
        tpu.enqueue_dma source(%dma_start3A_68 : memref<40x80xf32, #tpu.memory_space<vmem_shared>>) target(%arg17 : memref<40x80xf32, #tpu.memory_space<vmem>>) target_semaphore(%run_scoped3A : memref<!tpu.dma_semaphore, #tpu.memory_space<semaphore_mem>>)
        %dma_wait3A = arith.constant 0 : i32
        %dma_wait3A_69 = tpu.memref_slice %arg18[%add3A_17, %dma_wait3A] : memref<10000x80xf32, #tpu.memory_space<vmem_shared>> -> memref<40x80xf32, #tpu.memory_space<vmem_shared>>
        %dma_wait3A_70 = arith.constant 0 : i32
        %dma_wait3A_71 = tpu.memref_slice %arg18[%add3A_17, %dma_wait3A_70] : memref<10000x80xf32, #tpu.memory_space<vmem_shared>> -> memref<40x80xf32, #tpu.memory_space<vmem_shared>>
        tpu.wait_dma2 semaphore(%run_scoped3A : memref<!tpu.dma_semaphore, #tpu.memory_space<semaphore_mem>>) src(%dma_wait3A_71 : memref<40x80xf32, #tpu.memory_space<vmem_shared>>) dst(%arg17 : memref<40x80xf32, #tpu.memory_space<vmem>>)
        tpu.yield
      }) : () -> ()
      "tpu.region"() ({
        %run_scoped3A = tpu.sem_alloc : memref<!tpu.dma_semaphore, #tpu.memory_space<semaphore_mem>>
        %dma_start3A = arith.constant 0 : i32
        %dma_start3A_66 = tpu.memref_slice %arg7[%arg0, %add3A_17, %dma_start3A] : memref<2x10000x80xf32, #tpu.memory_space<hbm>> -> memref<1x40x80xf32, #tpu.memory_space<hbm>>
        %dma_start3A_67 = tpu.memref_squeeze %dma_start3A_66 : memref<1x40x80xf32, #tpu.memory_space<hbm>> -> memref<40x80xf32, #tpu.memory_space<hbm>>
        %dma_start3A_68 = arith.constant 0 : i32
        %dma_start3A_69 = tpu.memref_slice %arg7[%arg0, %add3A_17, %dma_start3A_68] : memref<2x10000x80xf32, #tpu.memory_space<hbm>> -> memref<1x40x80xf32, #tpu.memory_space<hbm>>
        %dma_start3A_70 = tpu.memref_squeeze %dma_start3A_69 : memref<1x40x80xf32, #tpu.memory_space<hbm>> -> memref<40x80xf32, #tpu.memory_space<hbm>>
        tpu.enqueue_dma source(%arg17 : memref<40x80xf32, #tpu.memory_space<vmem>>) target(%dma_start3A_70 : memref<40x80xf32, #tpu.memory_space<hbm>>) target_semaphore(%run_scoped3A : memref<!tpu.dma_semaphore, #tpu.memory_space<semaphore_mem>>)
        %dma_wait3A = arith.constant 0 : i32
        %dma_wait3A_71 = tpu.memref_slice %arg7[%arg0, %add3A_17, %dma_wait3A] : memref<2x10000x80xf32, #tpu.memory_space<hbm>> -> memref<1x40x80xf32, #tpu.memory_space<hbm>>
        %dma_wait3A_72 = tpu.memref_squeeze %dma_wait3A_71 : memref<1x40x80xf32, #tpu.memory_space<hbm>> -> memref<40x80xf32, #tpu.memory_space<hbm>>
        %dma_wait3A_73 = arith.constant 0 : i32
        %dma_wait3A_74 = tpu.memref_slice %arg7[%arg0, %add3A_17, %dma_wait3A_73] : memref<2x10000x80xf32, #tpu.memory_space<hbm>> -> memref<1x40x80xf32, #tpu.memory_space<hbm>>
        %dma_wait3A_75 = tpu.memref_squeeze %dma_wait3A_74 : memref<1x40x80xf32, #tpu.memory_space<hbm>> -> memref<40x80xf32, #tpu.memory_space<hbm>>
        tpu.wait_dma2 semaphore(%run_scoped3A : memref<!tpu.dma_semaphore, #tpu.memory_space<semaphore_mem>>) src(%arg17 : memref<40x80xf32, #tpu.memory_space<vmem>>) dst(%dma_wait3A_75 : memref<40x80xf32, #tpu.memory_space<hbm>>)
        tpu.yield
      }) : () -> ()
      %add3A_18 = arith.constant 40 : i32
      %add3A_19 = arith.addi %mul3A_15, %add3A_18 : i32
      "tpu.region"() ({
        %run_scoped3A = tpu.sem_alloc : memref<!tpu.dma_semaphore, #tpu.memory_space<semaphore_mem>>
        %dma_start3A = arith.constant 0 : i32
        %dma_start3A_66 = tpu.memref_slice %arg18[%add3A_19, %dma_start3A] : memref<10000x80xf32, #tpu.memory_space<vmem_shared>> -> memref<40x80xf32, #tpu.memory_space<vmem_shared>>
        %dma_start3A_67 = arith.constant 0 : i32
        %dma_start3A_68 = tpu.memref_slice %arg18[%add3A_19, %dma_start3A_67] : memref<10000x80xf32, #tpu.memory_space<vmem_shared>> -> memref<40x80xf32, #tpu.memory_space<vmem_shared>>
        tpu.enqueue_dma source(%dma_start3A_68 : memref<40x80xf32, #tpu.memory_space<vmem_shared>>) target(%arg17 : memref<40x80xf32, #tpu.memory_space<vmem>>) target_semaphore(%run_scoped3A : memref<!tpu.dma_semaphore, #tpu.memory_space<semaphore_mem>>)
        %dma_wait3A = arith.constant 0 : i32
        %dma_wait3A_69 = tpu.memref_slice %arg18[%add3A_19, %dma_wait3A] : memref<10000x80xf32, #tpu.memory_space<vmem_shared>> -> memref<40x80xf32, #tpu.memory_space<vmem_shared>>
        %dma_wait3A_70 = arith.constant 0 : i32
        %dma_wait3A_71 = tpu.memref_slice %arg18[%add3A_19, %dma_wait3A_70] : memref<10000x80xf32, #tpu.memory_space<vmem_shared>> -> memref<40x80xf32, #tpu.memory_space<vmem_shared>>
        tpu.wait_dma2 semaphore(%run_scoped3A : memref<!tpu.dma_semaphore, #tpu.memory_space<semaphore_mem>>) src(%dma_wait3A_71 : memref<40x80xf32, #tpu.memory_space<vmem_shared>>) dst(%arg17 : memref<40x80xf32, #tpu.memory_space<vmem>>)
        tpu.yield
      }) : () -> ()
      "tpu.region"() ({
        %run_scoped3A = tpu.sem_alloc : memref<!tpu.dma_semaphore, #tpu.memory_space<semaphore_mem>>
        %dma_start3A = arith.constant 0 : i32
        %dma_start3A_66 = tpu.memref_slice %arg7[%arg0, %add3A_19, %dma_start3A] : memref<2x10000x80xf32, #tpu.memory_space<hbm>> -> memref<1x40x80xf32, #tpu.memory_space<hbm>>
        %dma_start3A_67 = tpu.memref_squeeze %dma_start3A_66 : memref<1x40x80xf32, #tpu.memory_space<hbm>> -> memref<40x80xf32, #tpu.memory_space<hbm>>
        %dma_start3A_68 = arith.constant 0 : i32
        %dma_start3A_69 = tpu.memref_slice %arg7[%arg0, %add3A_19, %dma_start3A_68] : memref<2x10000x80xf32, #tpu.memory_space<hbm>> -> memref<1x40x80xf32, #tpu.memory_space<hbm>>
        %dma_start3A_70 = tpu.memref_squeeze %dma_start3A_69 : memref<1x40x80xf32, #tpu.memory_space<hbm>> -> memref<40x80xf32, #tpu.memory_space<hbm>>
        tpu.enqueue_dma source(%arg17 : memref<40x80xf32, #tpu.memory_space<vmem>>) target(%dma_start3A_70 : memref<40x80xf32, #tpu.memory_space<hbm>>) target_semaphore(%run_scoped3A : memref<!tpu.dma_semaphore, #tpu.memory_space<semaphore_mem>>)
        %dma_wait3A = arith.constant 0 : i32
        %dma_wait3A_71 = tpu.memref_slice %arg7[%arg0, %add3A_19, %dma_wait3A] : memref<2x10000x80xf32, #tpu.memory_space<hbm>> -> memref<1x40x80xf32, #tpu.memory_space<hbm>>
        %dma_wait3A_72 = tpu.memref_squeeze %dma_wait3A_71 : memref<1x40x80xf32, #tpu.memory_space<hbm>> -> memref<40x80xf32, #tpu.memory_space<hbm>>
        %dma_wait3A_73 = arith.constant 0 : i32
        %dma_wait3A_74 = tpu.memref_slice %arg7[%arg0, %add3A_19, %dma_wait3A_73] : memref<2x10000x80xf32, #tpu.memory_space<hbm>> -> memref<1x40x80xf32, #tpu.memory_space<hbm>>
        %dma_wait3A_75 = tpu.memref_squeeze %dma_wait3A_74 : memref<1x40x80xf32, #tpu.memory_space<hbm>> -> memref<40x80xf32, #tpu.memory_space<hbm>>
        tpu.wait_dma2 semaphore(%run_scoped3A : memref<!tpu.dma_semaphore, #tpu.memory_space<semaphore_mem>>) src(%arg17 : memref<40x80xf32, #tpu.memory_space<vmem>>) dst(%dma_wait3A_75 : memref<40x80xf32, #tpu.memory_space<hbm>>)
        tpu.yield
      }) : () -> ()
      %add3A_20 = arith.constant 80 : i32
      %add3A_21 = arith.addi %mul3A_15, %add3A_20 : i32
      "tpu.region"() ({
        %run_scoped3A = tpu.sem_alloc : memref<!tpu.dma_semaphore, #tpu.memory_space<semaphore_mem>>
        %dma_start3A = arith.constant 0 : i32
        %dma_start3A_66 = tpu.memref_slice %arg18[%add3A_21, %dma_start3A] : memref<10000x80xf32, #tpu.memory_space<vmem_shared>> -> memref<40x80xf32, #tpu.memory_space<vmem_shared>>
        %dma_start3A_67 = arith.constant 0 : i32
        %dma_start3A_68 = tpu.memref_slice %arg18[%add3A_21, %dma_start3A_67] : memref<10000x80xf32, #tpu.memory_space<vmem_shared>> -> memref<40x80xf32, #tpu.memory_space<vmem_shared>>
        tpu.enqueue_dma source(%dma_start3A_68 : memref<40x80xf32, #tpu.memory_space<vmem_shared>>) target(%arg17 : memref<40x80xf32, #tpu.memory_space<vmem>>) target_semaphore(%run_scoped3A : memref<!tpu.dma_semaphore, #tpu.memory_space<semaphore_mem>>)
        %dma_wait3A = arith.constant 0 : i32
        %dma_wait3A_69 = tpu.memref_slice %arg18[%add3A_21, %dma_wait3A] : memref<10000x80xf32, #tpu.memory_space<vmem_shared>> -> memref<40x80xf32, #tpu.memory_space<vmem_shared>>
        %dma_wait3A_70 = arith.constant 0 : i32
        %dma_wait3A_71 = tpu.memref_slice %arg18[%add3A_21, %dma_wait3A_70] : memref<10000x80xf32, #tpu.memory_space<vmem_shared>> -> memref<40x80xf32, #tpu.memory_space<vmem_shared>>
        tpu.wait_dma2 semaphore(%run_scoped3A : memref<!tpu.dma_semaphore, #tpu.memory_space<semaphore_mem>>) src(%dma_wait3A_71 : memref<40x80xf32, #tpu.memory_space<vmem_shared>>) dst(%arg17 : memref<40x80xf32, #tpu.memory_space<vmem>>)
        tpu.yield
      }) : () -> ()
      "tpu.region"() ({
        %run_scoped3A = tpu.sem_alloc : memref<!tpu.dma_semaphore, #tpu.memory_space<semaphore_mem>>
        %dma_start3A = arith.constant 0 : i32
        %dma_start3A_66 = tpu.memref_slice %arg7[%arg0, %add3A_21, %dma_start3A] : memref<2x10000x80xf32, #tpu.memory_space<hbm>> -> memref<1x40x80xf32, #tpu.memory_space<hbm>>
        %dma_start3A_67 = tpu.memref_squeeze %dma_start3A_66 : memref<1x40x80xf32, #tpu.memory_space<hbm>> -> memref<40x80xf32, #tpu.memory_space<hbm>>
        %dma_start3A_68 = arith.constant 0 : i32
        %dma_start3A_69 = tpu.memref_slice %arg7[%arg0, %add3A_21, %dma_start3A_68] : memref<2x10000x80xf32, #tpu.memory_space<hbm>> -> memref<1x40x80xf32, #tpu.memory_space<hbm>>
        %dma_start3A_70 = tpu.memref_squeeze %dma_start3A_69 : memref<1x40x80xf32, #tpu.memory_space<hbm>> -> memref<40x80xf32, #tpu.memory_space<hbm>>
        tpu.enqueue_dma source(%arg17 : memref<40x80xf32, #tpu.memory_space<vmem>>) target(%dma_start3A_70 : memref<40x80xf32, #tpu.memory_space<hbm>>) target_semaphore(%run_scoped3A : memref<!tpu.dma_semaphore, #tpu.memory_space<semaphore_mem>>)
        %dma_wait3A = arith.constant 0 : i32
        %dma_wait3A_71 = tpu.memref_slice %arg7[%arg0, %add3A_21, %dma_wait3A] : memref<2x10000x80xf32, #tpu.memory_space<hbm>> -> memref<1x40x80xf32, #tpu.memory_space<hbm>>
        %dma_wait3A_72 = tpu.memref_squeeze %dma_wait3A_71 : memref<1x40x80xf32, #tpu.memory_space<hbm>> -> memref<40x80xf32, #tpu.memory_space<hbm>>
        %dma_wait3A_73 = arith.constant 0 : i32
        %dma_wait3A_74 = tpu.memref_slice %arg7[%arg0, %add3A_21, %dma_wait3A_73] : memref<2x10000x80xf32, #tpu.memory_space<hbm>> -> memref<1x40x80xf32, #tpu.memory_space<hbm>>
        %dma_wait3A_75 = tpu.memref_squeeze %dma_wait3A_74 : memref<1x40x80xf32, #tpu.memory_space<hbm>> -> memref<40x80xf32, #tpu.memory_space<hbm>>
        tpu.wait_dma2 semaphore(%run_scoped3A : memref<!tpu.dma_semaphore, #tpu.memory_space<semaphore_mem>>) src(%arg17 : memref<40x80xf32, #tpu.memory_space<vmem>>) dst(%dma_wait3A_75 : memref<40x80xf32, #tpu.memory_space<hbm>>)
        tpu.yield
      }) : () -> ()
      %add3A_22 = arith.constant 120 : i32
      %add3A_23 = arith.addi %mul3A_15, %add3A_22 : i32
      "tpu.region"() ({
        %run_scoped3A = tpu.sem_alloc : memref<!tpu.dma_semaphore, #tpu.memory_space<semaphore_mem>>
        %dma_start3A = arith.constant 0 : i32
        %dma_start3A_66 = tpu.memref_slice %arg18[%add3A_23, %dma_start3A] : memref<10000x80xf32, #tpu.memory_space<vmem_shared>> -> memref<40x80xf32, #tpu.memory_space<vmem_shared>>
        %dma_start3A_67 = arith.constant 0 : i32
        %dma_start3A_68 = tpu.memref_slice %arg18[%add3A_23, %dma_start3A_67] : memref<10000x80xf32, #tpu.memory_space<vmem_shared>> -> memref<40x80xf32, #tpu.memory_space<vmem_shared>>
        tpu.enqueue_dma source(%dma_start3A_68 : memref<40x80xf32, #tpu.memory_space<vmem_shared>>) target(%arg17 : memref<40x80xf32, #tpu.memory_space<vmem>>) target_semaphore(%run_scoped3A : memref<!tpu.dma_semaphore, #tpu.memory_space<semaphore_mem>>)
        %dma_wait3A = arith.constant 0 : i32
        %dma_wait3A_69 = tpu.memref_slice %arg18[%add3A_23, %dma_wait3A] : memref<10000x80xf32, #tpu.memory_space<vmem_shared>> -> memref<40x80xf32, #tpu.memory_space<vmem_shared>>
        %dma_wait3A_70 = arith.constant 0 : i32
        %dma_wait3A_71 = tpu.memref_slice %arg18[%add3A_23, %dma_wait3A_70] : memref<10000x80xf32, #tpu.memory_space<vmem_shared>> -> memref<40x80xf32, #tpu.memory_space<vmem_shared>>
        tpu.wait_dma2 semaphore(%run_scoped3A : memref<!tpu.dma_semaphore, #tpu.memory_space<semaphore_mem>>) src(%dma_wait3A_71 : memref<40x80xf32, #tpu.memory_space<vmem_shared>>) dst(%arg17 : memref<40x80xf32, #tpu.memory_space<vmem>>)
        tpu.yield
      }) : () -> ()
      "tpu.region"() ({
        %run_scoped3A = tpu.sem_alloc : memref<!tpu.dma_semaphore, #tpu.memory_space<semaphore_mem>>
        %dma_start3A = arith.constant 0 : i32
        %dma_start3A_66 = tpu.memref_slice %arg7[%arg0, %add3A_23, %dma_start3A] : memref<2x10000x80xf32, #tpu.memory_space<hbm>> -> memref<1x40x80xf32, #tpu.memory_space<hbm>>
        %dma_start3A_67 = tpu.memref_squeeze %dma_start3A_66 : memref<1x40x80xf32, #tpu.memory_space<hbm>> -> memref<40x80xf32, #tpu.memory_space<hbm>>
        %dma_start3A_68 = arith.constant 0 : i32
        %dma_start3A_69 = tpu.memref_slice %arg7[%arg0, %add3A_23, %dma_start3A_68] : memref<2x10000x80xf32, #tpu.memory_space<hbm>> -> memref<1x40x80xf32, #tpu.memory_space<hbm>>
        %dma_start3A_70 = tpu.memref_squeeze %dma_start3A_69 : memref<1x40x80xf32, #tpu.memory_space<hbm>> -> memref<40x80xf32, #tpu.memory_space<hbm>>
        tpu.enqueue_dma source(%arg17 : memref<40x80xf32, #tpu.memory_space<vmem>>) target(%dma_start3A_70 : memref<40x80xf32, #tpu.memory_space<hbm>>) target_semaphore(%run_scoped3A : memref<!tpu.dma_semaphore, #tpu.memory_space<semaphore_mem>>)
        %dma_wait3A = arith.constant 0 : i32
        %dma_wait3A_71 = tpu.memref_slice %arg7[%arg0, %add3A_23, %dma_wait3A] : memref<2x10000x80xf32, #tpu.memory_space<hbm>> -> memref<1x40x80xf32, #tpu.memory_space<hbm>>
        %dma_wait3A_72 = tpu.memref_squeeze %dma_wait3A_71 : memref<1x40x80xf32, #tpu.memory_space<hbm>> -> memref<40x80xf32, #tpu.memory_space<hbm>>
        %dma_wait3A_73 = arith.constant 0 : i32
        %dma_wait3A_74 = tpu.memref_slice %arg7[%arg0, %add3A_23, %dma_wait3A_73] : memref<2x10000x80xf32, #tpu.memory_space<hbm>> -> memref<1x40x80xf32, #tpu.memory_space<hbm>>
        %dma_wait3A_75 = tpu.memref_squeeze %dma_wait3A_74 : memref<1x40x80xf32, #tpu.memory_space<hbm>> -> memref<40x80xf32, #tpu.memory_space<hbm>>
        tpu.wait_dma2 semaphore(%run_scoped3A : memref<!tpu.dma_semaphore, #tpu.memory_space<semaphore_mem>>) src(%arg17 : memref<40x80xf32, #tpu.memory_space<vmem>>) dst(%dma_wait3A_75 : memref<40x80xf32, #tpu.memory_space<hbm>>)
        tpu.yield
      }) : () -> ()
      %add3A_24 = arith.constant 160 : i32
      %add3A_25 = arith.addi %mul3A_15, %add3A_24 : i32
      "tpu.region"() ({
        %run_scoped3A = tpu.sem_alloc : memref<!tpu.dma_semaphore, #tpu.memory_space<semaphore_mem>>
        %dma_start3A = arith.constant 0 : i32
        %dma_start3A_66 = tpu.memref_slice %arg18[%add3A_25, %dma_start3A] : memref<10000x80xf32, #tpu.memory_space<vmem_shared>> -> memref<40x80xf32, #tpu.memory_space<vmem_shared>>
        %dma_start3A_67 = arith.constant 0 : i32
        %dma_start3A_68 = tpu.memref_slice %arg18[%add3A_25, %dma_start3A_67] : memref<10000x80xf32, #tpu.memory_space<vmem_shared>> -> memref<40x80xf32, #tpu.memory_space<vmem_shared>>
        tpu.enqueue_dma source(%dma_start3A_68 : memref<40x80xf32, #tpu.memory_space<vmem_shared>>) target(%arg17 : memref<40x80xf32, #tpu.memory_space<vmem>>) target_semaphore(%run_scoped3A : memref<!tpu.dma_semaphore, #tpu.memory_space<semaphore_mem>>)
        %dma_wait3A = arith.constant 0 : i32
        %dma_wait3A_69 = tpu.memref_slice %arg18[%add3A_25, %dma_wait3A] : memref<10000x80xf32, #tpu.memory_space<vmem_shared>> -> memref<40x80xf32, #tpu.memory_space<vmem_shared>>
        %dma_wait3A_70 = arith.constant 0 : i32
        %dma_wait3A_71 = tpu.memref_slice %arg18[%add3A_25, %dma_wait3A_70] : memref<10000x80xf32, #tpu.memory_space<vmem_shared>> -> memref<40x80xf32, #tpu.memory_space<vmem_shared>>
        tpu.wait_dma2 semaphore(%run_scoped3A : memref<!tpu.dma_semaphore, #tpu.memory_space<semaphore_mem>>) src(%dma_wait3A_71 : memref<40x80xf32, #tpu.memory_space<vmem_shared>>) dst(%arg17 : memref<40x80xf32, #tpu.memory_space<vmem>>)
        tpu.yield
      }) : () -> ()
      "tpu.region"() ({
        %run_scoped3A = tpu.sem_alloc : memref<!tpu.dma_semaphore, #tpu.memory_space<semaphore_mem>>
        %dma_start3A = arith.constant 0 : i32
        %dma_start3A_66 = tpu.memref_slice %arg7[%arg0, %add3A_25, %dma_start3A] : memref<2x10000x80xf32, #tpu.memory_space<hbm>> -> memref<1x40x80xf32, #tpu.memory_space<hbm>>
        %dma_start3A_67 = tpu.memref_squeeze %dma_start3A_66 : memref<1x40x80xf32, #tpu.memory_space<hbm>> -> memref<40x80xf32, #tpu.memory_space<hbm>>
        %dma_start3A_68 = arith.constant 0 : i32
        %dma_start3A_69 = tpu.memref_slice %arg7[%arg0, %add3A_25, %dma_start3A_68] : memref<2x10000x80xf32, #tpu.memory_space<hbm>> -> memref<1x40x80xf32, #tpu.memory_space<hbm>>
        %dma_start3A_70 = tpu.memref_squeeze %dma_start3A_69 : memref<1x40x80xf32, #tpu.memory_space<hbm>> -> memref<40x80xf32, #tpu.memory_space<hbm>>
        tpu.enqueue_dma source(%arg17 : memref<40x80xf32, #tpu.memory_space<vmem>>) target(%dma_start3A_70 : memref<40x80xf32, #tpu.memory_space<hbm>>) target_semaphore(%run_scoped3A : memref<!tpu.dma_semaphore, #tpu.memory_space<semaphore_mem>>)
        %dma_wait3A = arith.constant 0 : i32
        %dma_wait3A_71 = tpu.memref_slice %arg7[%arg0, %add3A_25, %dma_wait3A] : memref<2x10000x80xf32, #tpu.memory_space<hbm>> -> memref<1x40x80xf32, #tpu.memory_space<hbm>>
        %dma_wait3A_72 = tpu.memref_squeeze %dma_wait3A_71 : memref<1x40x80xf32, #tpu.memory_space<hbm>> -> memref<40x80xf32, #tpu.memory_space<hbm>>
        %dma_wait3A_73 = arith.constant 0 : i32
        %dma_wait3A_74 = tpu.memref_slice %arg7[%arg0, %add3A_25, %dma_wait3A_73] : memref<2x10000x80xf32, #tpu.memory_space<hbm>> -> memref<1x40x80xf32, #tpu.memory_space<hbm>>
        %dma_wait3A_75 = tpu.memref_squeeze %dma_wait3A_74 : memref<1x40x80xf32, #tpu.memory_space<hbm>> -> memref<40x80xf32, #tpu.memory_space<hbm>>
        tpu.wait_dma2 semaphore(%run_scoped3A : memref<!tpu.dma_semaphore, #tpu.memory_space<semaphore_mem>>) src(%arg17 : memref<40x80xf32, #tpu.memory_space<vmem>>) dst(%dma_wait3A_75 : memref<40x80xf32, #tpu.memory_space<hbm>>)
        tpu.yield
      }) : () -> ()
      %add3A_26 = arith.constant 200 : i32
      %add3A_27 = arith.addi %mul3A_15, %add3A_26 : i32
      "tpu.region"() ({
        %run_scoped3A = tpu.sem_alloc : memref<!tpu.dma_semaphore, #tpu.memory_space<semaphore_mem>>
        %dma_start3A = arith.constant 0 : i32
        %dma_start3A_66 = tpu.memref_slice %arg18[%add3A_27, %dma_start3A] : memref<10000x80xf32, #tpu.memory_space<vmem_shared>> -> memref<40x80xf32, #tpu.memory_space<vmem_shared>>
        %dma_start3A_67 = arith.constant 0 : i32
        %dma_start3A_68 = tpu.memref_slice %arg18[%add3A_27, %dma_start3A_67] : memref<10000x80xf32, #tpu.memory_space<vmem_shared>> -> memref<40x80xf32, #tpu.memory_space<vmem_shared>>
        tpu.enqueue_dma source(%dma_start3A_68 : memref<40x80xf32, #tpu.memory_space<vmem_shared>>) target(%arg17 : memref<40x80xf32, #tpu.memory_space<vmem>>) target_semaphore(%run_scoped3A : memref<!tpu.dma_semaphore, #tpu.memory_space<semaphore_mem>>)
        %dma_wait3A = arith.constant 0 : i32
        %dma_wait3A_69 = tpu.memref_slice %arg18[%add3A_27, %dma_wait3A] : memref<10000x80xf32, #tpu.memory_space<vmem_shared>> -> memref<40x80xf32, #tpu.memory_space<vmem_shared>>
        %dma_wait3A_70 = arith.constant 0 : i32
        %dma_wait3A_71 = tpu.memref_slice %arg18[%add3A_27, %dma_wait3A_70] : memref<10000x80xf32, #tpu.memory_space<vmem_shared>> -> memref<40x80xf32, #tpu.memory_space<vmem_shared>>
        tpu.wait_dma2 semaphore(%run_scoped3A : memref<!tpu.dma_semaphore, #tpu.memory_space<semaphore_mem>>) src(%dma_wait3A_71 : memref<40x80xf32, #tpu.memory_space<vmem_shared>>) dst(%arg17 : memref<40x80xf32, #tpu.memory_space<vmem>>)
        tpu.yield
      }) : () -> ()
      "tpu.region"() ({
        %run_scoped3A = tpu.sem_alloc : memref<!tpu.dma_semaphore, #tpu.memory_space<semaphore_mem>>
        %dma_start3A = arith.constant 0 : i32
        %dma_start3A_66 = tpu.memref_slice %arg7[%arg0, %add3A_27, %dma_start3A] : memref<2x10000x80xf32, #tpu.memory_space<hbm>> -> memref<1x40x80xf32, #tpu.memory_space<hbm>>
        %dma_start3A_67 = tpu.memref_squeeze %dma_start3A_66 : memref<1x40x80xf32, #tpu.memory_space<hbm>> -> memref<40x80xf32, #tpu.memory_space<hbm>>
        %dma_start3A_68 = arith.constant 0 : i32
        %dma_start3A_69 = tpu.memref_slice %arg7[%arg0, %add3A_27, %dma_start3A_68] : memref<2x10000x80xf32, #tpu.memory_space<hbm>> -> memref<1x40x80xf32, #tpu.memory_space<hbm>>
        %dma_start3A_70 = tpu.memref_squeeze %dma_start3A_69 : memref<1x40x80xf32, #tpu.memory_space<hbm>> -> memref<40x80xf32, #tpu.memory_space<hbm>>
        tpu.enqueue_dma source(%arg17 : memref<40x80xf32, #tpu.memory_space<vmem>>) target(%dma_start3A_70 : memref<40x80xf32, #tpu.memory_space<hbm>>) target_semaphore(%run_scoped3A : memref<!tpu.dma_semaphore, #tpu.memory_space<semaphore_mem>>)
        %dma_wait3A = arith.constant 0 : i32
        %dma_wait3A_71 = tpu.memref_slice %arg7[%arg0, %add3A_27, %dma_wait3A] : memref<2x10000x80xf32, #tpu.memory_space<hbm>> -> memref<1x40x80xf32, #tpu.memory_space<hbm>>
        %dma_wait3A_72 = tpu.memref_squeeze %dma_wait3A_71 : memref<1x40x80xf32, #tpu.memory_space<hbm>> -> memref<40x80xf32, #tpu.memory_space<hbm>>
        %dma_wait3A_73 = arith.constant 0 : i32
        %dma_wait3A_74 = tpu.memref_slice %arg7[%arg0, %add3A_27, %dma_wait3A_73] : memref<2x10000x80xf32, #tpu.memory_space<hbm>> -> memref<1x40x80xf32, #tpu.memory_space<hbm>>
        %dma_wait3A_75 = tpu.memref_squeeze %dma_wait3A_74 : memref<1x40x80xf32, #tpu.memory_space<hbm>> -> memref<40x80xf32, #tpu.memory_space<hbm>>
        tpu.wait_dma2 semaphore(%run_scoped3A : memref<!tpu.dma_semaphore, #tpu.memory_space<semaphore_mem>>) src(%arg17 : memref<40x80xf32, #tpu.memory_space<vmem>>) dst(%dma_wait3A_75 : memref<40x80xf32, #tpu.memory_space<hbm>>)
        tpu.yield
      }) : () -> ()
      %add3A_28 = arith.constant 240 : i32
      %add3A_29 = arith.addi %mul3A_15, %add3A_28 : i32
      "tpu.region"() ({
        %run_scoped3A = tpu.sem_alloc : memref<!tpu.dma_semaphore, #tpu.memory_space<semaphore_mem>>
        %dma_start3A = arith.constant 0 : i32
        %dma_start3A_66 = tpu.memref_slice %arg18[%add3A_29, %dma_start3A] : memref<10000x80xf32, #tpu.memory_space<vmem_shared>> -> memref<40x80xf32, #tpu.memory_space<vmem_shared>>
        %dma_start3A_67 = arith.constant 0 : i32
        %dma_start3A_68 = tpu.memref_slice %arg18[%add3A_29, %dma_start3A_67] : memref<10000x80xf32, #tpu.memory_space<vmem_shared>> -> memref<40x80xf32, #tpu.memory_space<vmem_shared>>
        tpu.enqueue_dma source(%dma_start3A_68 : memref<40x80xf32, #tpu.memory_space<vmem_shared>>) target(%arg17 : memref<40x80xf32, #tpu.memory_space<vmem>>) target_semaphore(%run_scoped3A : memref<!tpu.dma_semaphore, #tpu.memory_space<semaphore_mem>>)
        %dma_wait3A = arith.constant 0 : i32
        %dma_wait3A_69 = tpu.memref_slice %arg18[%add3A_29, %dma_wait3A] : memref<10000x80xf32, #tpu.memory_space<vmem_shared>> -> memref<40x80xf32, #tpu.memory_space<vmem_shared>>
        %dma_wait3A_70 = arith.constant 0 : i32
        %dma_wait3A_71 = tpu.memref_slice %arg18[%add3A_29, %dma_wait3A_70] : memref<10000x80xf32, #tpu.memory_space<vmem_shared>> -> memref<40x80xf32, #tpu.memory_space<vmem_shared>>
        tpu.wait_dma2 semaphore(%run_scoped3A : memref<!tpu.dma_semaphore, #tpu.memory_space<semaphore_mem>>) src(%dma_wait3A_71 : memref<40x80xf32, #tpu.memory_space<vmem_shared>>) dst(%arg17 : memref<40x80xf32, #tpu.memory_space<vmem>>)
        tpu.yield
      }) : () -> ()
      "tpu.region"() ({
        %run_scoped3A = tpu.sem_alloc : memref<!tpu.dma_semaphore, #tpu.memory_space<semaphore_mem>>
        %dma_start3A = arith.constant 0 : i32
        %dma_start3A_66 = tpu.memref_slice %arg7[%arg0, %add3A_29, %dma_start3A] : memref<2x10000x80xf32, #tpu.memory_space<hbm>> -> memref<1x40x80xf32, #tpu.memory_space<hbm>>
        %dma_start3A_67 = tpu.memref_squeeze %dma_start3A_66 : memref<1x40x80xf32, #tpu.memory_space<hbm>> -> memref<40x80xf32, #tpu.memory_space<hbm>>
        %dma_start3A_68 = arith.constant 0 : i32
        %dma_start3A_69 = tpu.memref_slice %arg7[%arg0, %add3A_29, %dma_start3A_68] : memref<2x10000x80xf32, #tpu.memory_space<hbm>> -> memref<1x40x80xf32, #tpu.memory_space<hbm>>
        %dma_start3A_70 = tpu.memref_squeeze %dma_start3A_69 : memref<1x40x80xf32, #tpu.memory_space<hbm>> -> memref<40x80xf32, #tpu.memory_space<hbm>>
        tpu.enqueue_dma source(%arg17 : memref<40x80xf32, #tpu.memory_space<vmem>>) target(%dma_start3A_70 : memref<40x80xf32, #tpu.memory_space<hbm>>) target_semaphore(%run_scoped3A : memref<!tpu.dma_semaphore, #tpu.memory_space<semaphore_mem>>)
        %dma_wait3A = arith.constant 0 : i32
        %dma_wait3A_71 = tpu.memref_slice %arg7[%arg0, %add3A_29, %dma_wait3A] : memref<2x10000x80xf32, #tpu.memory_space<hbm>> -> memref<1x40x80xf32, #tpu.memory_space<hbm>>
        %dma_wait3A_72 = tpu.memref_squeeze %dma_wait3A_71 : memref<1x40x80xf32, #tpu.memory_space<hbm>> -> memref<40x80xf32, #tpu.memory_space<hbm>>
        %dma_wait3A_73 = arith.constant 0 : i32
        %dma_wait3A_74 = tpu.memref_slice %arg7[%arg0, %add3A_29, %dma_wait3A_73] : memref<2x10000x80xf32, #tpu.memory_space<hbm>> -> memref<1x40x80xf32, #tpu.memory_space<hbm>>
        %dma_wait3A_75 = tpu.memref_squeeze %dma_wait3A_74 : memref<1x40x80xf32, #tpu.memory_space<hbm>> -> memref<40x80xf32, #tpu.memory_space<hbm>>
        tpu.wait_dma2 semaphore(%run_scoped3A : memref<!tpu.dma_semaphore, #tpu.memory_space<semaphore_mem>>) src(%arg17 : memref<40x80xf32, #tpu.memory_space<vmem>>) dst(%dma_wait3A_75 : memref<40x80xf32, #tpu.memory_space<hbm>>)
        tpu.yield
      }) : () -> ()
      %add3A_30 = arith.constant 280 : i32
      %add3A_31 = arith.addi %mul3A_15, %add3A_30 : i32
      "tpu.region"() ({
        %run_scoped3A = tpu.sem_alloc : memref<!tpu.dma_semaphore, #tpu.memory_space<semaphore_mem>>
        %dma_start3A = arith.constant 0 : i32
        %dma_start3A_66 = tpu.memref_slice %arg18[%add3A_31, %dma_start3A] : memref<10000x80xf32, #tpu.memory_space<vmem_shared>> -> memref<40x80xf32, #tpu.memory_space<vmem_shared>>
        %dma_start3A_67 = arith.constant 0 : i32
        %dma_start3A_68 = tpu.memref_slice %arg18[%add3A_31, %dma_start3A_67] : memref<10000x80xf32, #tpu.memory_space<vmem_shared>> -> memref<40x80xf32, #tpu.memory_space<vmem_shared>>
        tpu.enqueue_dma source(%dma_start3A_68 : memref<40x80xf32, #tpu.memory_space<vmem_shared>>) target(%arg17 : memref<40x80xf32, #tpu.memory_space<vmem>>) target_semaphore(%run_scoped3A : memref<!tpu.dma_semaphore, #tpu.memory_space<semaphore_mem>>)
        %dma_wait3A = arith.constant 0 : i32
        %dma_wait3A_69 = tpu.memref_slice %arg18[%add3A_31, %dma_wait3A] : memref<10000x80xf32, #tpu.memory_space<vmem_shared>> -> memref<40x80xf32, #tpu.memory_space<vmem_shared>>
        %dma_wait3A_70 = arith.constant 0 : i32
        %dma_wait3A_71 = tpu.memref_slice %arg18[%add3A_31, %dma_wait3A_70] : memref<10000x80xf32, #tpu.memory_space<vmem_shared>> -> memref<40x80xf32, #tpu.memory_space<vmem_shared>>
        tpu.wait_dma2 semaphore(%run_scoped3A : memref<!tpu.dma_semaphore, #tpu.memory_space<semaphore_mem>>) src(%dma_wait3A_71 : memref<40x80xf32, #tpu.memory_space<vmem_shared>>) dst(%arg17 : memref<40x80xf32, #tpu.memory_space<vmem>>)
        tpu.yield
      }) : () -> ()
      "tpu.region"() ({
        %run_scoped3A = tpu.sem_alloc : memref<!tpu.dma_semaphore, #tpu.memory_space<semaphore_mem>>
        %dma_start3A = arith.constant 0 : i32
        %dma_start3A_66 = tpu.memref_slice %arg7[%arg0, %add3A_31, %dma_start3A] : memref<2x10000x80xf32, #tpu.memory_space<hbm>> -> memref<1x40x80xf32, #tpu.memory_space<hbm>>
        %dma_start3A_67 = tpu.memref_squeeze %dma_start3A_66 : memref<1x40x80xf32, #tpu.memory_space<hbm>> -> memref<40x80xf32, #tpu.memory_space<hbm>>
        %dma_start3A_68 = arith.constant 0 : i32
        %dma_start3A_69 = tpu.memref_slice %arg7[%arg0, %add3A_31, %dma_start3A_68] : memref<2x10000x80xf32, #tpu.memory_space<hbm>> -> memref<1x40x80xf32, #tpu.memory_space<hbm>>
        %dma_start3A_70 = tpu.memref_squeeze %dma_start3A_69 : memref<1x40x80xf32, #tpu.memory_space<hbm>> -> memref<40x80xf32, #tpu.memory_space<hbm>>
        tpu.enqueue_dma source(%arg17 : memref<40x80xf32, #tpu.memory_space<vmem>>) target(%dma_start3A_70 : memref<40x80xf32, #tpu.memory_space<hbm>>) target_semaphore(%run_scoped3A : memref<!tpu.dma_semaphore, #tpu.memory_space<semaphore_mem>>)
        %dma_wait3A = arith.constant 0 : i32
        %dma_wait3A_71 = tpu.memref_slice %arg7[%arg0, %add3A_31, %dma_wait3A] : memref<2x10000x80xf32, #tpu.memory_space<hbm>> -> memref<1x40x80xf32, #tpu.memory_space<hbm>>
        %dma_wait3A_72 = tpu.memref_squeeze %dma_wait3A_71 : memref<1x40x80xf32, #tpu.memory_space<hbm>> -> memref<40x80xf32, #tpu.memory_space<hbm>>
        %dma_wait3A_73 = arith.constant 0 : i32
        %dma_wait3A_74 = tpu.memref_slice %arg7[%arg0, %add3A_31, %dma_wait3A_73] : memref<2x10000x80xf32, #tpu.memory_space<hbm>> -> memref<1x40x80xf32, #tpu.memory_space<hbm>>
        %dma_wait3A_75 = tpu.memref_squeeze %dma_wait3A_74 : memref<1x40x80xf32, #tpu.memory_space<hbm>> -> memref<40x80xf32, #tpu.memory_space<hbm>>
        tpu.wait_dma2 semaphore(%run_scoped3A : memref<!tpu.dma_semaphore, #tpu.memory_space<semaphore_mem>>) src(%arg17 : memref<40x80xf32, #tpu.memory_space<vmem>>) dst(%dma_wait3A_75 : memref<40x80xf32, #tpu.memory_space<hbm>>)
        tpu.yield
      }) : () -> ()
      %add3A_32 = arith.constant 320 : i32
      %add3A_33 = arith.addi %mul3A_15, %add3A_32 : i32
      "tpu.region"() ({
        %run_scoped3A = tpu.sem_alloc : memref<!tpu.dma_semaphore, #tpu.memory_space<semaphore_mem>>
        %dma_start3A = arith.constant 0 : i32
        %dma_start3A_66 = tpu.memref_slice %arg18[%add3A_33, %dma_start3A] : memref<10000x80xf32, #tpu.memory_space<vmem_shared>> -> memref<40x80xf32, #tpu.memory_space<vmem_shared>>
        %dma_start3A_67 = arith.constant 0 : i32
        %dma_start3A_68 = tpu.memref_slice %arg18[%add3A_33, %dma_start3A_67] : memref<10000x80xf32, #tpu.memory_space<vmem_shared>> -> memref<40x80xf32, #tpu.memory_space<vmem_shared>>
        tpu.enqueue_dma source(%dma_start3A_68 : memref<40x80xf32, #tpu.memory_space<vmem_shared>>) target(%arg17 : memref<40x80xf32, #tpu.memory_space<vmem>>) target_semaphore(%run_scoped3A : memref<!tpu.dma_semaphore, #tpu.memory_space<semaphore_mem>>)
        %dma_wait3A = arith.constant 0 : i32
        %dma_wait3A_69 = tpu.memref_slice %arg18[%add3A_33, %dma_wait3A] : memref<10000x80xf32, #tpu.memory_space<vmem_shared>> -> memref<40x80xf32, #tpu.memory_space<vmem_shared>>
        %dma_wait3A_70 = arith.constant 0 : i32
        %dma_wait3A_71 = tpu.memref_slice %arg18[%add3A_33, %dma_wait3A_70] : memref<10000x80xf32, #tpu.memory_space<vmem_shared>> -> memref<40x80xf32, #tpu.memory_space<vmem_shared>>
        tpu.wait_dma2 semaphore(%run_scoped3A : memref<!tpu.dma_semaphore, #tpu.memory_space<semaphore_mem>>) src(%dma_wait3A_71 : memref<40x80xf32, #tpu.memory_space<vmem_shared>>) dst(%arg17 : memref<40x80xf32, #tpu.memory_space<vmem>>)
        tpu.yield
      }) : () -> ()
      "tpu.region"() ({
        %run_scoped3A = tpu.sem_alloc : memref<!tpu.dma_semaphore, #tpu.memory_space<semaphore_mem>>
        %dma_start3A = arith.constant 0 : i32
        %dma_start3A_66 = tpu.memref_slice %arg7[%arg0, %add3A_33, %dma_start3A] : memref<2x10000x80xf32, #tpu.memory_space<hbm>> -> memref<1x40x80xf32, #tpu.memory_space<hbm>>
        %dma_start3A_67 = tpu.memref_squeeze %dma_start3A_66 : memref<1x40x80xf32, #tpu.memory_space<hbm>> -> memref<40x80xf32, #tpu.memory_space<hbm>>
        %dma_start3A_68 = arith.constant 0 : i32
        %dma_start3A_69 = tpu.memref_slice %arg7[%arg0, %add3A_33, %dma_start3A_68] : memref<2x10000x80xf32, #tpu.memory_space<hbm>> -> memref<1x40x80xf32, #tpu.memory_space<hbm>>
        %dma_start3A_70 = tpu.memref_squeeze %dma_start3A_69 : memref<1x40x80xf32, #tpu.memory_space<hbm>> -> memref<40x80xf32, #tpu.memory_space<hbm>>
        tpu.enqueue_dma source(%arg17 : memref<40x80xf32, #tpu.memory_space<vmem>>) target(%dma_start3A_70 : memref<40x80xf32, #tpu.memory_space<hbm>>) target_semaphore(%run_scoped3A : memref<!tpu.dma_semaphore, #tpu.memory_space<semaphore_mem>>)
        %dma_wait3A = arith.constant 0 : i32
        %dma_wait3A_71 = tpu.memref_slice %arg7[%arg0, %add3A_33, %dma_wait3A] : memref<2x10000x80xf32, #tpu.memory_space<hbm>> -> memref<1x40x80xf32, #tpu.memory_space<hbm>>
        %dma_wait3A_72 = tpu.memref_squeeze %dma_wait3A_71 : memref<1x40x80xf32, #tpu.memory_space<hbm>> -> memref<40x80xf32, #tpu.memory_space<hbm>>
        %dma_wait3A_73 = arith.constant 0 : i32
        %dma_wait3A_74 = tpu.memref_slice %arg7[%arg0, %add3A_33, %dma_wait3A_73] : memref<2x10000x80xf32, #tpu.memory_space<hbm>> -> memref<1x40x80xf32, #tpu.memory_space<hbm>>
        %dma_wait3A_75 = tpu.memref_squeeze %dma_wait3A_74 : memref<1x40x80xf32, #tpu.memory_space<hbm>> -> memref<40x80xf32, #tpu.memory_space<hbm>>
        tpu.wait_dma2 semaphore(%run_scoped3A : memref<!tpu.dma_semaphore, #tpu.memory_space<semaphore_mem>>) src(%arg17 : memref<40x80xf32, #tpu.memory_space<vmem>>) dst(%dma_wait3A_75 : memref<40x80xf32, #tpu.memory_space<hbm>>)
        tpu.yield
      }) : () -> ()
      %add3A_34 = arith.constant 360 : i32
      %add3A_35 = arith.addi %mul3A_15, %add3A_34 : i32
      "tpu.region"() ({
        %run_scoped3A = tpu.sem_alloc : memref<!tpu.dma_semaphore, #tpu.memory_space<semaphore_mem>>
        %dma_start3A = arith.constant 0 : i32
        %dma_start3A_66 = tpu.memref_slice %arg18[%add3A_35, %dma_start3A] : memref<10000x80xf32, #tpu.memory_space<vmem_shared>> -> memref<40x80xf32, #tpu.memory_space<vmem_shared>>
        %dma_start3A_67 = arith.constant 0 : i32
        %dma_start3A_68 = tpu.memref_slice %arg18[%add3A_35, %dma_start3A_67] : memref<10000x80xf32, #tpu.memory_space<vmem_shared>> -> memref<40x80xf32, #tpu.memory_space<vmem_shared>>
        tpu.enqueue_dma source(%dma_start3A_68 : memref<40x80xf32, #tpu.memory_space<vmem_shared>>) target(%arg17 : memref<40x80xf32, #tpu.memory_space<vmem>>) target_semaphore(%run_scoped3A : memref<!tpu.dma_semaphore, #tpu.memory_space<semaphore_mem>>)
        %dma_wait3A = arith.constant 0 : i32
        %dma_wait3A_69 = tpu.memref_slice %arg18[%add3A_35, %dma_wait3A] : memref<10000x80xf32, #tpu.memory_space<vmem_shared>> -> memref<40x80xf32, #tpu.memory_space<vmem_shared>>
        %dma_wait3A_70 = arith.constant 0 : i32
        %dma_wait3A_71 = tpu.memref_slice %arg18[%add3A_35, %dma_wait3A_70] : memref<10000x80xf32, #tpu.memory_space<vmem_shared>> -> memref<40x80xf32, #tpu.memory_space<vmem_shared>>
        tpu.wait_dma2 semaphore(%run_scoped3A : memref<!tpu.dma_semaphore, #tpu.memory_space<semaphore_mem>>) src(%dma_wait3A_71 : memref<40x80xf32, #tpu.memory_space<vmem_shared>>) dst(%arg17 : memref<40x80xf32, #tpu.memory_space<vmem>>)
        tpu.yield
      }) : () -> ()
      "tpu.region"() ({
        %run_scoped3A = tpu.sem_alloc : memref<!tpu.dma_semaphore, #tpu.memory_space<semaphore_mem>>
        %dma_start3A = arith.constant 0 : i32
        %dma_start3A_66 = tpu.memref_slice %arg7[%arg0, %add3A_35, %dma_start3A] : memref<2x10000x80xf32, #tpu.memory_space<hbm>> -> memref<1x40x80xf32, #tpu.memory_space<hbm>>
        %dma_start3A_67 = tpu.memref_squeeze %dma_start3A_66 : memref<1x40x80xf32, #tpu.memory_space<hbm>> -> memref<40x80xf32, #tpu.memory_space<hbm>>
        %dma_start3A_68 = arith.constant 0 : i32
        %dma_start3A_69 = tpu.memref_slice %arg7[%arg0, %add3A_35, %dma_start3A_68] : memref<2x10000x80xf32, #tpu.memory_space<hbm>> -> memref<1x40x80xf32, #tpu.memory_space<hbm>>
        %dma_start3A_70 = tpu.memref_squeeze %dma_start3A_69 : memref<1x40x80xf32, #tpu.memory_space<hbm>> -> memref<40x80xf32, #tpu.memory_space<hbm>>
        tpu.enqueue_dma source(%arg17 : memref<40x80xf32, #tpu.memory_space<vmem>>) target(%dma_start3A_70 : memref<40x80xf32, #tpu.memory_space<hbm>>) target_semaphore(%run_scoped3A : memref<!tpu.dma_semaphore, #tpu.memory_space<semaphore_mem>>)
        %dma_wait3A = arith.constant 0 : i32
        %dma_wait3A_71 = tpu.memref_slice %arg7[%arg0, %add3A_35, %dma_wait3A] : memref<2x10000x80xf32, #tpu.memory_space<hbm>> -> memref<1x40x80xf32, #tpu.memory_space<hbm>>
        %dma_wait3A_72 = tpu.memref_squeeze %dma_wait3A_71 : memref<1x40x80xf32, #tpu.memory_space<hbm>> -> memref<40x80xf32, #tpu.memory_space<hbm>>
        %dma_wait3A_73 = arith.constant 0 : i32
        %dma_wait3A_74 = tpu.memref_slice %arg7[%arg0, %add3A_35, %dma_wait3A_73] : memref<2x10000x80xf32, #tpu.memory_space<hbm>> -> memref<1x40x80xf32, #tpu.memory_space<hbm>>
        %dma_wait3A_75 = tpu.memref_squeeze %dma_wait3A_74 : memref<1x40x80xf32, #tpu.memory_space<hbm>> -> memref<40x80xf32, #tpu.memory_space<hbm>>
        tpu.wait_dma2 semaphore(%run_scoped3A : memref<!tpu.dma_semaphore, #tpu.memory_space<semaphore_mem>>) src(%arg17 : memref<40x80xf32, #tpu.memory_space<vmem>>) dst(%dma_wait3A_75 : memref<40x80xf32, #tpu.memory_space<hbm>>)
        tpu.yield
      }) : () -> ()
      %add3A_36 = arith.constant 400 : i32
      %add3A_37 = arith.addi %mul3A_15, %add3A_36 : i32
      "tpu.region"() ({
        %run_scoped3A = tpu.sem_alloc : memref<!tpu.dma_semaphore, #tpu.memory_space<semaphore_mem>>
        %dma_start3A = arith.constant 0 : i32
        %dma_start3A_66 = tpu.memref_slice %arg18[%add3A_37, %dma_start3A] : memref<10000x80xf32, #tpu.memory_space<vmem_shared>> -> memref<40x80xf32, #tpu.memory_space<vmem_shared>>
        %dma_start3A_67 = arith.constant 0 : i32
        %dma_start3A_68 = tpu.memref_slice %arg18[%add3A_37, %dma_start3A_67] : memref<10000x80xf32, #tpu.memory_space<vmem_shared>> -> memref<40x80xf32, #tpu.memory_space<vmem_shared>>
        tpu.enqueue_dma source(%dma_start3A_68 : memref<40x80xf32, #tpu.memory_space<vmem_shared>>) target(%arg17 : memref<40x80xf32, #tpu.memory_space<vmem>>) target_semaphore(%run_scoped3A : memref<!tpu.dma_semaphore, #tpu.memory_space<semaphore_mem>>)
        %dma_wait3A = arith.constant 0 : i32
        %dma_wait3A_69 = tpu.memref_slice %arg18[%add3A_37, %dma_wait3A] : memref<10000x80xf32, #tpu.memory_space<vmem_shared>> -> memref<40x80xf32, #tpu.memory_space<vmem_shared>>
        %dma_wait3A_70 = arith.constant 0 : i32
        %dma_wait3A_71 = tpu.memref_slice %arg18[%add3A_37, %dma_wait3A_70] : memref<10000x80xf32, #tpu.memory_space<vmem_shared>> -> memref<40x80xf32, #tpu.memory_space<vmem_shared>>
        tpu.wait_dma2 semaphore(%run_scoped3A : memref<!tpu.dma_semaphore, #tpu.memory_space<semaphore_mem>>) src(%dma_wait3A_71 : memref<40x80xf32, #tpu.memory_space<vmem_shared>>) dst(%arg17 : memref<40x80xf32, #tpu.memory_space<vmem>>)
        tpu.yield
      }) : () -> ()
      "tpu.region"() ({
        %run_scoped3A = tpu.sem_alloc : memref<!tpu.dma_semaphore, #tpu.memory_space<semaphore_mem>>
        %dma_start3A = arith.constant 0 : i32
        %dma_start3A_66 = tpu.memref_slice %arg7[%arg0, %add3A_37, %dma_start3A] : memref<2x10000x80xf32, #tpu.memory_space<hbm>> -> memref<1x40x80xf32, #tpu.memory_space<hbm>>
        %dma_start3A_67 = tpu.memref_squeeze %dma_start3A_66 : memref<1x40x80xf32, #tpu.memory_space<hbm>> -> memref<40x80xf32, #tpu.memory_space<hbm>>
        %dma_start3A_68 = arith.constant 0 : i32
        %dma_start3A_69 = tpu.memref_slice %arg7[%arg0, %add3A_37, %dma_start3A_68] : memref<2x10000x80xf32, #tpu.memory_space<hbm>> -> memref<1x40x80xf32, #tpu.memory_space<hbm>>
        %dma_start3A_70 = tpu.memref_squeeze %dma_start3A_69 : memref<1x40x80xf32, #tpu.memory_space<hbm>> -> memref<40x80xf32, #tpu.memory_space<hbm>>
        tpu.enqueue_dma source(%arg17 : memref<40x80xf32, #tpu.memory_space<vmem>>) target(%dma_start3A_70 : memref<40x80xf32, #tpu.memory_space<hbm>>) target_semaphore(%run_scoped3A : memref<!tpu.dma_semaphore, #tpu.memory_space<semaphore_mem>>)
        %dma_wait3A = arith.constant 0 : i32
        %dma_wait3A_71 = tpu.memref_slice %arg7[%arg0, %add3A_37, %dma_wait3A] : memref<2x10000x80xf32, #tpu.memory_space<hbm>> -> memref<1x40x80xf32, #tpu.memory_space<hbm>>
        %dma_wait3A_72 = tpu.memref_squeeze %dma_wait3A_71 : memref<1x40x80xf32, #tpu.memory_space<hbm>> -> memref<40x80xf32, #tpu.memory_space<hbm>>
        %dma_wait3A_73 = arith.constant 0 : i32
        %dma_wait3A_74 = tpu.memref_slice %arg7[%arg0, %add3A_37, %dma_wait3A_73] : memref<2x10000x80xf32, #tpu.memory_space<hbm>> -> memref<1x40x80xf32, #tpu.memory_space<hbm>>
        %dma_wait3A_75 = tpu.memref_squeeze %dma_wait3A_74 : memref<1x40x80xf32, #tpu.memory_space<hbm>> -> memref<40x80xf32, #tpu.memory_space<hbm>>
        tpu.wait_dma2 semaphore(%run_scoped3A : memref<!tpu.dma_semaphore, #tpu.memory_space<semaphore_mem>>) src(%arg17 : memref<40x80xf32, #tpu.memory_space<vmem>>) dst(%dma_wait3A_75 : memref<40x80xf32, #tpu.memory_space<hbm>>)
        tpu.yield
      }) : () -> ()
      %add3A_38 = arith.constant 440 : i32
      %add3A_39 = arith.addi %mul3A_15, %add3A_38 : i32
      "tpu.region"() ({
        %run_scoped3A = tpu.sem_alloc : memref<!tpu.dma_semaphore, #tpu.memory_space<semaphore_mem>>
        %dma_start3A = arith.constant 0 : i32
        %dma_start3A_66 = tpu.memref_slice %arg18[%add3A_39, %dma_start3A] : memref<10000x80xf32, #tpu.memory_space<vmem_shared>> -> memref<40x80xf32, #tpu.memory_space<vmem_shared>>
        %dma_start3A_67 = arith.constant 0 : i32
        %dma_start3A_68 = tpu.memref_slice %arg18[%add3A_39, %dma_start3A_67] : memref<10000x80xf32, #tpu.memory_space<vmem_shared>> -> memref<40x80xf32, #tpu.memory_space<vmem_shared>>
        tpu.enqueue_dma source(%dma_start3A_68 : memref<40x80xf32, #tpu.memory_space<vmem_shared>>) target(%arg17 : memref<40x80xf32, #tpu.memory_space<vmem>>) target_semaphore(%run_scoped3A : memref<!tpu.dma_semaphore, #tpu.memory_space<semaphore_mem>>)
        %dma_wait3A = arith.constant 0 : i32
        %dma_wait3A_69 = tpu.memref_slice %arg18[%add3A_39, %dma_wait3A] : memref<10000x80xf32, #tpu.memory_space<vmem_shared>> -> memref<40x80xf32, #tpu.memory_space<vmem_shared>>
        %dma_wait3A_70 = arith.constant 0 : i32
        %dma_wait3A_71 = tpu.memref_slice %arg18[%add3A_39, %dma_wait3A_70] : memref<10000x80xf32, #tpu.memory_space<vmem_shared>> -> memref<40x80xf32, #tpu.memory_space<vmem_shared>>
        tpu.wait_dma2 semaphore(%run_scoped3A : memref<!tpu.dma_semaphore, #tpu.memory_space<semaphore_mem>>) src(%dma_wait3A_71 : memref<40x80xf32, #tpu.memory_space<vmem_shared>>) dst(%arg17 : memref<40x80xf32, #tpu.memory_space<vmem>>)
        tpu.yield
      }) : () -> ()
      "tpu.region"() ({
        %run_scoped3A = tpu.sem_alloc : memref<!tpu.dma_semaphore, #tpu.memory_space<semaphore_mem>>
        %dma_start3A = arith.constant 0 : i32
        %dma_start3A_66 = tpu.memref_slice %arg7[%arg0, %add3A_39, %dma_start3A] : memref<2x10000x80xf32, #tpu.memory_space<hbm>> -> memref<1x40x80xf32, #tpu.memory_space<hbm>>
        %dma_start3A_67 = tpu.memref_squeeze %dma_start3A_66 : memref<1x40x80xf32, #tpu.memory_space<hbm>> -> memref<40x80xf32, #tpu.memory_space<hbm>>
        %dma_start3A_68 = arith.constant 0 : i32
        %dma_start3A_69 = tpu.memref_slice %arg7[%arg0, %add3A_39, %dma_start3A_68] : memref<2x10000x80xf32, #tpu.memory_space<hbm>> -> memref<1x40x80xf32, #tpu.memory_space<hbm>>
        %dma_start3A_70 = tpu.memref_squeeze %dma_start3A_69 : memref<1x40x80xf32, #tpu.memory_space<hbm>> -> memref<40x80xf32, #tpu.memory_space<hbm>>
        tpu.enqueue_dma source(%arg17 : memref<40x80xf32, #tpu.memory_space<vmem>>) target(%dma_start3A_70 : memref<40x80xf32, #tpu.memory_space<hbm>>) target_semaphore(%run_scoped3A : memref<!tpu.dma_semaphore, #tpu.memory_space<semaphore_mem>>)
        %dma_wait3A = arith.constant 0 : i32
        %dma_wait3A_71 = tpu.memref_slice %arg7[%arg0, %add3A_39, %dma_wait3A] : memref<2x10000x80xf32, #tpu.memory_space<hbm>> -> memref<1x40x80xf32, #tpu.memory_space<hbm>>
        %dma_wait3A_72 = tpu.memref_squeeze %dma_wait3A_71 : memref<1x40x80xf32, #tpu.memory_space<hbm>> -> memref<40x80xf32, #tpu.memory_space<hbm>>
        %dma_wait3A_73 = arith.constant 0 : i32
        %dma_wait3A_74 = tpu.memref_slice %arg7[%arg0, %add3A_39, %dma_wait3A_73] : memref<2x10000x80xf32, #tpu.memory_space<hbm>> -> memref<1x40x80xf32, #tpu.memory_space<hbm>>
        %dma_wait3A_75 = tpu.memref_squeeze %dma_wait3A_74 : memref<1x40x80xf32, #tpu.memory_space<hbm>> -> memref<40x80xf32, #tpu.memory_space<hbm>>
        tpu.wait_dma2 semaphore(%run_scoped3A : memref<!tpu.dma_semaphore, #tpu.memory_space<semaphore_mem>>) src(%arg17 : memref<40x80xf32, #tpu.memory_space<vmem>>) dst(%dma_wait3A_75 : memref<40x80xf32, #tpu.memory_space<hbm>>)
        tpu.yield
      }) : () -> ()
      %add3A_40 = arith.constant 480 : i32
      %add3A_41 = arith.addi %mul3A_15, %add3A_40 : i32
      "tpu.region"() ({
        %run_scoped3A = tpu.sem_alloc : memref<!tpu.dma_semaphore, #tpu.memory_space<semaphore_mem>>
        %dma_start3A = arith.constant 0 : i32
        %dma_start3A_66 = tpu.memref_slice %arg18[%add3A_41, %dma_start3A] : memref<10000x80xf32, #tpu.memory_space<vmem_shared>> -> memref<40x80xf32, #tpu.memory_space<vmem_shared>>
        %dma_start3A_67 = arith.constant 0 : i32
        %dma_start3A_68 = tpu.memref_slice %arg18[%add3A_41, %dma_start3A_67] : memref<10000x80xf32, #tpu.memory_space<vmem_shared>> -> memref<40x80xf32, #tpu.memory_space<vmem_shared>>
        tpu.enqueue_dma source(%dma_start3A_68 : memref<40x80xf32, #tpu.memory_space<vmem_shared>>) target(%arg17 : memref<40x80xf32, #tpu.memory_space<vmem>>) target_semaphore(%run_scoped3A : memref<!tpu.dma_semaphore, #tpu.memory_space<semaphore_mem>>)
        %dma_wait3A = arith.constant 0 : i32
        %dma_wait3A_69 = tpu.memref_slice %arg18[%add3A_41, %dma_wait3A] : memref<10000x80xf32, #tpu.memory_space<vmem_shared>> -> memref<40x80xf32, #tpu.memory_space<vmem_shared>>
        %dma_wait3A_70 = arith.constant 0 : i32
        %dma_wait3A_71 = tpu.memref_slice %arg18[%add3A_41, %dma_wait3A_70] : memref<10000x80xf32, #tpu.memory_space<vmem_shared>> -> memref<40x80xf32, #tpu.memory_space<vmem_shared>>
        tpu.wait_dma2 semaphore(%run_scoped3A : memref<!tpu.dma_semaphore, #tpu.memory_space<semaphore_mem>>) src(%dma_wait3A_71 : memref<40x80xf32, #tpu.memory_space<vmem_shared>>) dst(%arg17 : memref<40x80xf32, #tpu.memory_space<vmem>>)
        tpu.yield
      }) : () -> ()
      "tpu.region"() ({
        %run_scoped3A = tpu.sem_alloc : memref<!tpu.dma_semaphore, #tpu.memory_space<semaphore_mem>>
        %dma_start3A = arith.constant 0 : i32
        %dma_start3A_66 = tpu.memref_slice %arg7[%arg0, %add3A_41, %dma_start3A] : memref<2x10000x80xf32, #tpu.memory_space<hbm>> -> memref<1x40x80xf32, #tpu.memory_space<hbm>>
        %dma_start3A_67 = tpu.memref_squeeze %dma_start3A_66 : memref<1x40x80xf32, #tpu.memory_space<hbm>> -> memref<40x80xf32, #tpu.memory_space<hbm>>
        %dma_start3A_68 = arith.constant 0 : i32
        %dma_start3A_69 = tpu.memref_slice %arg7[%arg0, %add3A_41, %dma_start3A_68] : memref<2x10000x80xf32, #tpu.memory_space<hbm>> -> memref<1x40x80xf32, #tpu.memory_space<hbm>>
        %dma_start3A_70 = tpu.memref_squeeze %dma_start3A_69 : memref<1x40x80xf32, #tpu.memory_space<hbm>> -> memref<40x80xf32, #tpu.memory_space<hbm>>
        tpu.enqueue_dma source(%arg17 : memref<40x80xf32, #tpu.memory_space<vmem>>) target(%dma_start3A_70 : memref<40x80xf32, #tpu.memory_space<hbm>>) target_semaphore(%run_scoped3A : memref<!tpu.dma_semaphore, #tpu.memory_space<semaphore_mem>>)
        %dma_wait3A = arith.constant 0 : i32
        %dma_wait3A_71 = tpu.memref_slice %arg7[%arg0, %add3A_41, %dma_wait3A] : memref<2x10000x80xf32, #tpu.memory_space<hbm>> -> memref<1x40x80xf32, #tpu.memory_space<hbm>>
        %dma_wait3A_72 = tpu.memref_squeeze %dma_wait3A_71 : memref<1x40x80xf32, #tpu.memory_space<hbm>> -> memref<40x80xf32, #tpu.memory_space<hbm>>
        %dma_wait3A_73 = arith.constant 0 : i32
        %dma_wait3A_74 = tpu.memref_slice %arg7[%arg0, %add3A_41, %dma_wait3A_73] : memref<2x10000x80xf32, #tpu.memory_space<hbm>> -> memref<1x40x80xf32, #tpu.memory_space<hbm>>
        %dma_wait3A_75 = tpu.memref_squeeze %dma_wait3A_74 : memref<1x40x80xf32, #tpu.memory_space<hbm>> -> memref<40x80xf32, #tpu.memory_space<hbm>>
        tpu.wait_dma2 semaphore(%run_scoped3A : memref<!tpu.dma_semaphore, #tpu.memory_space<semaphore_mem>>) src(%arg17 : memref<40x80xf32, #tpu.memory_space<vmem>>) dst(%dma_wait3A_75 : memref<40x80xf32, #tpu.memory_space<hbm>>)
        tpu.yield
      }) : () -> ()
      %add3A_42 = arith.constant 520 : i32
      %add3A_43 = arith.addi %mul3A_15, %add3A_42 : i32
      "tpu.region"() ({
        %run_scoped3A = tpu.sem_alloc : memref<!tpu.dma_semaphore, #tpu.memory_space<semaphore_mem>>
        %dma_start3A = arith.constant 0 : i32
        %dma_start3A_66 = tpu.memref_slice %arg18[%add3A_43, %dma_start3A] : memref<10000x80xf32, #tpu.memory_space<vmem_shared>> -> memref<40x80xf32, #tpu.memory_space<vmem_shared>>
        %dma_start3A_67 = arith.constant 0 : i32
        %dma_start3A_68 = tpu.memref_slice %arg18[%add3A_43, %dma_start3A_67] : memref<10000x80xf32, #tpu.memory_space<vmem_shared>> -> memref<40x80xf32, #tpu.memory_space<vmem_shared>>
        tpu.enqueue_dma source(%dma_start3A_68 : memref<40x80xf32, #tpu.memory_space<vmem_shared>>) target(%arg17 : memref<40x80xf32, #tpu.memory_space<vmem>>) target_semaphore(%run_scoped3A : memref<!tpu.dma_semaphore, #tpu.memory_space<semaphore_mem>>)
        %dma_wait3A = arith.constant 0 : i32
        %dma_wait3A_69 = tpu.memref_slice %arg18[%add3A_43, %dma_wait3A] : memref<10000x80xf32, #tpu.memory_space<vmem_shared>> -> memref<40x80xf32, #tpu.memory_space<vmem_shared>>
        %dma_wait3A_70 = arith.constant 0 : i32
        %dma_wait3A_71 = tpu.memref_slice %arg18[%add3A_43, %dma_wait3A_70] : memref<10000x80xf32, #tpu.memory_space<vmem_shared>> -> memref<40x80xf32, #tpu.memory_space<vmem_shared>>
        tpu.wait_dma2 semaphore(%run_scoped3A : memref<!tpu.dma_semaphore, #tpu.memory_space<semaphore_mem>>) src(%dma_wait3A_71 : memref<40x80xf32, #tpu.memory_space<vmem_shared>>) dst(%arg17 : memref<40x80xf32, #tpu.memory_space<vmem>>)
        tpu.yield
      }) : () -> ()
      "tpu.region"() ({
        %run_scoped3A = tpu.sem_alloc : memref<!tpu.dma_semaphore, #tpu.memory_space<semaphore_mem>>
        %dma_start3A = arith.constant 0 : i32
        %dma_start3A_66 = tpu.memref_slice %arg7[%arg0, %add3A_43, %dma_start3A] : memref<2x10000x80xf32, #tpu.memory_space<hbm>> -> memref<1x40x80xf32, #tpu.memory_space<hbm>>
        %dma_start3A_67 = tpu.memref_squeeze %dma_start3A_66 : memref<1x40x80xf32, #tpu.memory_space<hbm>> -> memref<40x80xf32, #tpu.memory_space<hbm>>
        %dma_start3A_68 = arith.constant 0 : i32
        %dma_start3A_69 = tpu.memref_slice %arg7[%arg0, %add3A_43, %dma_start3A_68] : memref<2x10000x80xf32, #tpu.memory_space<hbm>> -> memref<1x40x80xf32, #tpu.memory_space<hbm>>
        %dma_start3A_70 = tpu.memref_squeeze %dma_start3A_69 : memref<1x40x80xf32, #tpu.memory_space<hbm>> -> memref<40x80xf32, #tpu.memory_space<hbm>>
        tpu.enqueue_dma source(%arg17 : memref<40x80xf32, #tpu.memory_space<vmem>>) target(%dma_start3A_70 : memref<40x80xf32, #tpu.memory_space<hbm>>) target_semaphore(%run_scoped3A : memref<!tpu.dma_semaphore, #tpu.memory_space<semaphore_mem>>)
        %dma_wait3A = arith.constant 0 : i32
        %dma_wait3A_71 = tpu.memref_slice %arg7[%arg0, %add3A_43, %dma_wait3A] : memref<2x10000x80xf32, #tpu.memory_space<hbm>> -> memref<1x40x80xf32, #tpu.memory_space<hbm>>
        %dma_wait3A_72 = tpu.memref_squeeze %dma_wait3A_71 : memref<1x40x80xf32, #tpu.memory_space<hbm>> -> memref<40x80xf32, #tpu.memory_space<hbm>>
        %dma_wait3A_73 = arith.constant 0 : i32
        %dma_wait3A_74 = tpu.memref_slice %arg7[%arg0, %add3A_43, %dma_wait3A_73] : memref<2x10000x80xf32, #tpu.memory_space<hbm>> -> memref<1x40x80xf32, #tpu.memory_space<hbm>>
        %dma_wait3A_75 = tpu.memref_squeeze %dma_wait3A_74 : memref<1x40x80xf32, #tpu.memory_space<hbm>> -> memref<40x80xf32, #tpu.memory_space<hbm>>
        tpu.wait_dma2 semaphore(%run_scoped3A : memref<!tpu.dma_semaphore, #tpu.memory_space<semaphore_mem>>) src(%arg17 : memref<40x80xf32, #tpu.memory_space<vmem>>) dst(%dma_wait3A_75 : memref<40x80xf32, #tpu.memory_space<hbm>>)
        tpu.yield
      }) : () -> ()
      %add3A_44 = arith.constant 560 : i32
      %add3A_45 = arith.addi %mul3A_15, %add3A_44 : i32
      "tpu.region"() ({
        %run_scoped3A = tpu.sem_alloc : memref<!tpu.dma_semaphore, #tpu.memory_space<semaphore_mem>>
        %dma_start3A = arith.constant 0 : i32
        %dma_start3A_66 = tpu.memref_slice %arg18[%add3A_45, %dma_start3A] : memref<10000x80xf32, #tpu.memory_space<vmem_shared>> -> memref<40x80xf32, #tpu.memory_space<vmem_shared>>
        %dma_start3A_67 = arith.constant 0 : i32
        %dma_start3A_68 = tpu.memref_slice %arg18[%add3A_45, %dma_start3A_67] : memref<10000x80xf32, #tpu.memory_space<vmem_shared>> -> memref<40x80xf32, #tpu.memory_space<vmem_shared>>
        tpu.enqueue_dma source(%dma_start3A_68 : memref<40x80xf32, #tpu.memory_space<vmem_shared>>) target(%arg17 : memref<40x80xf32, #tpu.memory_space<vmem>>) target_semaphore(%run_scoped3A : memref<!tpu.dma_semaphore, #tpu.memory_space<semaphore_mem>>)
        %dma_wait3A = arith.constant 0 : i32
        %dma_wait3A_69 = tpu.memref_slice %arg18[%add3A_45, %dma_wait3A] : memref<10000x80xf32, #tpu.memory_space<vmem_shared>> -> memref<40x80xf32, #tpu.memory_space<vmem_shared>>
        %dma_wait3A_70 = arith.constant 0 : i32
        %dma_wait3A_71 = tpu.memref_slice %arg18[%add3A_45, %dma_wait3A_70] : memref<10000x80xf32, #tpu.memory_space<vmem_shared>> -> memref<40x80xf32, #tpu.memory_space<vmem_shared>>
        tpu.wait_dma2 semaphore(%run_scoped3A : memref<!tpu.dma_semaphore, #tpu.memory_space<semaphore_mem>>) src(%dma_wait3A_71 : memref<40x80xf32, #tpu.memory_space<vmem_shared>>) dst(%arg17 : memref<40x80xf32, #tpu.memory_space<vmem>>)
        tpu.yield
      }) : () -> ()
      "tpu.region"() ({
        %run_scoped3A = tpu.sem_alloc : memref<!tpu.dma_semaphore, #tpu.memory_space<semaphore_mem>>
        %dma_start3A = arith.constant 0 : i32
        %dma_start3A_66 = tpu.memref_slice %arg7[%arg0, %add3A_45, %dma_start3A] : memref<2x10000x80xf32, #tpu.memory_space<hbm>> -> memref<1x40x80xf32, #tpu.memory_space<hbm>>
        %dma_start3A_67 = tpu.memref_squeeze %dma_start3A_66 : memref<1x40x80xf32, #tpu.memory_space<hbm>> -> memref<40x80xf32, #tpu.memory_space<hbm>>
        %dma_start3A_68 = arith.constant 0 : i32
        %dma_start3A_69 = tpu.memref_slice %arg7[%arg0, %add3A_45, %dma_start3A_68] : memref<2x10000x80xf32, #tpu.memory_space<hbm>> -> memref<1x40x80xf32, #tpu.memory_space<hbm>>
        %dma_start3A_70 = tpu.memref_squeeze %dma_start3A_69 : memref<1x40x80xf32, #tpu.memory_space<hbm>> -> memref<40x80xf32, #tpu.memory_space<hbm>>
        tpu.enqueue_dma source(%arg17 : memref<40x80xf32, #tpu.memory_space<vmem>>) target(%dma_start3A_70 : memref<40x80xf32, #tpu.memory_space<hbm>>) target_semaphore(%run_scoped3A : memref<!tpu.dma_semaphore, #tpu.memory_space<semaphore_mem>>)
        %dma_wait3A = arith.constant 0 : i32
        %dma_wait3A_71 = tpu.memref_slice %arg7[%arg0, %add3A_45, %dma_wait3A] : memref<2x10000x80xf32, #tpu.memory_space<hbm>> -> memref<1x40x80xf32, #tpu.memory_space<hbm>>
        %dma_wait3A_72 = tpu.memref_squeeze %dma_wait3A_71 : memref<1x40x80xf32, #tpu.memory_space<hbm>> -> memref<40x80xf32, #tpu.memory_space<hbm>>
        %dma_wait3A_73 = arith.constant 0 : i32
        %dma_wait3A_74 = tpu.memref_slice %arg7[%arg0, %add3A_45, %dma_wait3A_73] : memref<2x10000x80xf32, #tpu.memory_space<hbm>> -> memref<1x40x80xf32, #tpu.memory_space<hbm>>
        %dma_wait3A_75 = tpu.memref_squeeze %dma_wait3A_74 : memref<1x40x80xf32, #tpu.memory_space<hbm>> -> memref<40x80xf32, #tpu.memory_space<hbm>>
        tpu.wait_dma2 semaphore(%run_scoped3A : memref<!tpu.dma_semaphore, #tpu.memory_space<semaphore_mem>>) src(%arg17 : memref<40x80xf32, #tpu.memory_space<vmem>>) dst(%dma_wait3A_75 : memref<40x80xf32, #tpu.memory_space<hbm>>)
        tpu.yield
      }) : () -> ()
      %add3A_46 = arith.constant 600 : i32
      %add3A_47 = arith.addi %mul3A_15, %add3A_46 : i32
      "tpu.region"() ({
        %run_scoped3A = tpu.sem_alloc : memref<!tpu.dma_semaphore, #tpu.memory_space<semaphore_mem>>
        %dma_start3A = arith.constant 0 : i32
        %dma_start3A_66 = tpu.memref_slice %arg18[%add3A_47, %dma_start3A] : memref<10000x80xf32, #tpu.memory_space<vmem_shared>> -> memref<40x80xf32, #tpu.memory_space<vmem_shared>>
        %dma_start3A_67 = arith.constant 0 : i32
        %dma_start3A_68 = tpu.memref_slice %arg18[%add3A_47, %dma_start3A_67] : memref<10000x80xf32, #tpu.memory_space<vmem_shared>> -> memref<40x80xf32, #tpu.memory_space<vmem_shared>>
        tpu.enqueue_dma source(%dma_start3A_68 : memref<40x80xf32, #tpu.memory_space<vmem_shared>>) target(%arg17 : memref<40x80xf32, #tpu.memory_space<vmem>>) target_semaphore(%run_scoped3A : memref<!tpu.dma_semaphore, #tpu.memory_space<semaphore_mem>>)
        %dma_wait3A = arith.constant 0 : i32
        %dma_wait3A_69 = tpu.memref_slice %arg18[%add3A_47, %dma_wait3A] : memref<10000x80xf32, #tpu.memory_space<vmem_shared>> -> memref<40x80xf32, #tpu.memory_space<vmem_shared>>
        %dma_wait3A_70 = arith.constant 0 : i32
        %dma_wait3A_71 = tpu.memref_slice %arg18[%add3A_47, %dma_wait3A_70] : memref<10000x80xf32, #tpu.memory_space<vmem_shared>> -> memref<40x80xf32, #tpu.memory_space<vmem_shared>>
        tpu.wait_dma2 semaphore(%run_scoped3A : memref<!tpu.dma_semaphore, #tpu.memory_space<semaphore_mem>>) src(%dma_wait3A_71 : memref<40x80xf32, #tpu.memory_space<vmem_shared>>) dst(%arg17 : memref<40x80xf32, #tpu.memory_space<vmem>>)
        tpu.yield
      }) : () -> ()
      "tpu.region"() ({
        %run_scoped3A = tpu.sem_alloc : memref<!tpu.dma_semaphore, #tpu.memory_space<semaphore_mem>>
        %dma_start3A = arith.constant 0 : i32
        %dma_start3A_66 = tpu.memref_slice %arg7[%arg0, %add3A_47, %dma_start3A] : memref<2x10000x80xf32, #tpu.memory_space<hbm>> -> memref<1x40x80xf32, #tpu.memory_space<hbm>>
        %dma_start3A_67 = tpu.memref_squeeze %dma_start3A_66 : memref<1x40x80xf32, #tpu.memory_space<hbm>> -> memref<40x80xf32, #tpu.memory_space<hbm>>
        %dma_start3A_68 = arith.constant 0 : i32
        %dma_start3A_69 = tpu.memref_slice %arg7[%arg0, %add3A_47, %dma_start3A_68] : memref<2x10000x80xf32, #tpu.memory_space<hbm>> -> memref<1x40x80xf32, #tpu.memory_space<hbm>>
        %dma_start3A_70 = tpu.memref_squeeze %dma_start3A_69 : memref<1x40x80xf32, #tpu.memory_space<hbm>> -> memref<40x80xf32, #tpu.memory_space<hbm>>
        tpu.enqueue_dma source(%arg17 : memref<40x80xf32, #tpu.memory_space<vmem>>) target(%dma_start3A_70 : memref<40x80xf32, #tpu.memory_space<hbm>>) target_semaphore(%run_scoped3A : memref<!tpu.dma_semaphore, #tpu.memory_space<semaphore_mem>>)
        %dma_wait3A = arith.constant 0 : i32
        %dma_wait3A_71 = tpu.memref_slice %arg7[%arg0, %add3A_47, %dma_wait3A] : memref<2x10000x80xf32, #tpu.memory_space<hbm>> -> memref<1x40x80xf32, #tpu.memory_space<hbm>>
        %dma_wait3A_72 = tpu.memref_squeeze %dma_wait3A_71 : memref<1x40x80xf32, #tpu.memory_space<hbm>> -> memref<40x80xf32, #tpu.memory_space<hbm>>
        %dma_wait3A_73 = arith.constant 0 : i32
        %dma_wait3A_74 = tpu.memref_slice %arg7[%arg0, %add3A_47, %dma_wait3A_73] : memref<2x10000x80xf32, #tpu.memory_space<hbm>> -> memref<1x40x80xf32, #tpu.memory_space<hbm>>
        %dma_wait3A_75 = tpu.memref_squeeze %dma_wait3A_74 : memref<1x40x80xf32, #tpu.memory_space<hbm>> -> memref<40x80xf32, #tpu.memory_space<hbm>>
        tpu.wait_dma2 semaphore(%run_scoped3A : memref<!tpu.dma_semaphore, #tpu.memory_space<semaphore_mem>>) src(%arg17 : memref<40x80xf32, #tpu.memory_space<vmem>>) dst(%dma_wait3A_75 : memref<40x80xf32, #tpu.memory_space<hbm>>)
        tpu.yield
      }) : () -> ()
      %add3A_48 = arith.constant 640 : i32
      %add3A_49 = arith.addi %mul3A_15, %add3A_48 : i32
      "tpu.region"() ({
        %run_scoped3A = tpu.sem_alloc : memref<!tpu.dma_semaphore, #tpu.memory_space<semaphore_mem>>
        %dma_start3A = arith.constant 0 : i32
        %dma_start3A_66 = tpu.memref_slice %arg18[%add3A_49, %dma_start3A] : memref<10000x80xf32, #tpu.memory_space<vmem_shared>> -> memref<40x80xf32, #tpu.memory_space<vmem_shared>>
        %dma_start3A_67 = arith.constant 0 : i32
        %dma_start3A_68 = tpu.memref_slice %arg18[%add3A_49, %dma_start3A_67] : memref<10000x80xf32, #tpu.memory_space<vmem_shared>> -> memref<40x80xf32, #tpu.memory_space<vmem_shared>>
        tpu.enqueue_dma source(%dma_start3A_68 : memref<40x80xf32, #tpu.memory_space<vmem_shared>>) target(%arg17 : memref<40x80xf32, #tpu.memory_space<vmem>>) target_semaphore(%run_scoped3A : memref<!tpu.dma_semaphore, #tpu.memory_space<semaphore_mem>>)
        %dma_wait3A = arith.constant 0 : i32
        %dma_wait3A_69 = tpu.memref_slice %arg18[%add3A_49, %dma_wait3A] : memref<10000x80xf32, #tpu.memory_space<vmem_shared>> -> memref<40x80xf32, #tpu.memory_space<vmem_shared>>
        %dma_wait3A_70 = arith.constant 0 : i32
        %dma_wait3A_71 = tpu.memref_slice %arg18[%add3A_49, %dma_wait3A_70] : memref<10000x80xf32, #tpu.memory_space<vmem_shared>> -> memref<40x80xf32, #tpu.memory_space<vmem_shared>>
        tpu.wait_dma2 semaphore(%run_scoped3A : memref<!tpu.dma_semaphore, #tpu.memory_space<semaphore_mem>>) src(%dma_wait3A_71 : memref<40x80xf32, #tpu.memory_space<vmem_shared>>) dst(%arg17 : memref<40x80xf32, #tpu.memory_space<vmem>>)
        tpu.yield
      }) : () -> ()
      "tpu.region"() ({
        %run_scoped3A = tpu.sem_alloc : memref<!tpu.dma_semaphore, #tpu.memory_space<semaphore_mem>>
        %dma_start3A = arith.constant 0 : i32
        %dma_start3A_66 = tpu.memref_slice %arg7[%arg0, %add3A_49, %dma_start3A] : memref<2x10000x80xf32, #tpu.memory_space<hbm>> -> memref<1x40x80xf32, #tpu.memory_space<hbm>>
        %dma_start3A_67 = tpu.memref_squeeze %dma_start3A_66 : memref<1x40x80xf32, #tpu.memory_space<hbm>> -> memref<40x80xf32, #tpu.memory_space<hbm>>
        %dma_start3A_68 = arith.constant 0 : i32
        %dma_start3A_69 = tpu.memref_slice %arg7[%arg0, %add3A_49, %dma_start3A_68] : memref<2x10000x80xf32, #tpu.memory_space<hbm>> -> memref<1x40x80xf32, #tpu.memory_space<hbm>>
        %dma_start3A_70 = tpu.memref_squeeze %dma_start3A_69 : memref<1x40x80xf32, #tpu.memory_space<hbm>> -> memref<40x80xf32, #tpu.memory_space<hbm>>
        tpu.enqueue_dma source(%arg17 : memref<40x80xf32, #tpu.memory_space<vmem>>) target(%dma_start3A_70 : memref<40x80xf32, #tpu.memory_space<hbm>>) target_semaphore(%run_scoped3A : memref<!tpu.dma_semaphore, #tpu.memory_space<semaphore_mem>>)
        %dma_wait3A = arith.constant 0 : i32
        %dma_wait3A_71 = tpu.memref_slice %arg7[%arg0, %add3A_49, %dma_wait3A] : memref<2x10000x80xf32, #tpu.memory_space<hbm>> -> memref<1x40x80xf32, #tpu.memory_space<hbm>>
        %dma_wait3A_72 = tpu.memref_squeeze %dma_wait3A_71 : memref<1x40x80xf32, #tpu.memory_space<hbm>> -> memref<40x80xf32, #tpu.memory_space<hbm>>
        %dma_wait3A_73 = arith.constant 0 : i32
        %dma_wait3A_74 = tpu.memref_slice %arg7[%arg0, %add3A_49, %dma_wait3A_73] : memref<2x10000x80xf32, #tpu.memory_space<hbm>> -> memref<1x40x80xf32, #tpu.memory_space<hbm>>
        %dma_wait3A_75 = tpu.memref_squeeze %dma_wait3A_74 : memref<1x40x80xf32, #tpu.memory_space<hbm>> -> memref<40x80xf32, #tpu.memory_space<hbm>>
        tpu.wait_dma2 semaphore(%run_scoped3A : memref<!tpu.dma_semaphore, #tpu.memory_space<semaphore_mem>>) src(%arg17 : memref<40x80xf32, #tpu.memory_space<vmem>>) dst(%dma_wait3A_75 : memref<40x80xf32, #tpu.memory_space<hbm>>)
        tpu.yield
      }) : () -> ()
      %add3A_50 = arith.constant 680 : i32
      %add3A_51 = arith.addi %mul3A_15, %add3A_50 : i32
      "tpu.region"() ({
        %run_scoped3A = tpu.sem_alloc : memref<!tpu.dma_semaphore, #tpu.memory_space<semaphore_mem>>
        %dma_start3A = arith.constant 0 : i32
        %dma_start3A_66 = tpu.memref_slice %arg18[%add3A_51, %dma_start3A] : memref<10000x80xf32, #tpu.memory_space<vmem_shared>> -> memref<40x80xf32, #tpu.memory_space<vmem_shared>>
        %dma_start3A_67 = arith.constant 0 : i32
        %dma_start3A_68 = tpu.memref_slice %arg18[%add3A_51, %dma_start3A_67] : memref<10000x80xf32, #tpu.memory_space<vmem_shared>> -> memref<40x80xf32, #tpu.memory_space<vmem_shared>>
        tpu.enqueue_dma source(%dma_start3A_68 : memref<40x80xf32, #tpu.memory_space<vmem_shared>>) target(%arg17 : memref<40x80xf32, #tpu.memory_space<vmem>>) target_semaphore(%run_scoped3A : memref<!tpu.dma_semaphore, #tpu.memory_space<semaphore_mem>>)
        %dma_wait3A = arith.constant 0 : i32
        %dma_wait3A_69 = tpu.memref_slice %arg18[%add3A_51, %dma_wait3A] : memref<10000x80xf32, #tpu.memory_space<vmem_shared>> -> memref<40x80xf32, #tpu.memory_space<vmem_shared>>
        %dma_wait3A_70 = arith.constant 0 : i32
        %dma_wait3A_71 = tpu.memref_slice %arg18[%add3A_51, %dma_wait3A_70] : memref<10000x80xf32, #tpu.memory_space<vmem_shared>> -> memref<40x80xf32, #tpu.memory_space<vmem_shared>>
        tpu.wait_dma2 semaphore(%run_scoped3A : memref<!tpu.dma_semaphore, #tpu.memory_space<semaphore_mem>>) src(%dma_wait3A_71 : memref<40x80xf32, #tpu.memory_space<vmem_shared>>) dst(%arg17 : memref<40x80xf32, #tpu.memory_space<vmem>>)
        tpu.yield
      }) : () -> ()
      "tpu.region"() ({
        %run_scoped3A = tpu.sem_alloc : memref<!tpu.dma_semaphore, #tpu.memory_space<semaphore_mem>>
        %dma_start3A = arith.constant 0 : i32
        %dma_start3A_66 = tpu.memref_slice %arg7[%arg0, %add3A_51, %dma_start3A] : memref<2x10000x80xf32, #tpu.memory_space<hbm>> -> memref<1x40x80xf32, #tpu.memory_space<hbm>>
        %dma_start3A_67 = tpu.memref_squeeze %dma_start3A_66 : memref<1x40x80xf32, #tpu.memory_space<hbm>> -> memref<40x80xf32, #tpu.memory_space<hbm>>
        %dma_start3A_68 = arith.constant 0 : i32
        %dma_start3A_69 = tpu.memref_slice %arg7[%arg0, %add3A_51, %dma_start3A_68] : memref<2x10000x80xf32, #tpu.memory_space<hbm>> -> memref<1x40x80xf32, #tpu.memory_space<hbm>>
        %dma_start3A_70 = tpu.memref_squeeze %dma_start3A_69 : memref<1x40x80xf32, #tpu.memory_space<hbm>> -> memref<40x80xf32, #tpu.memory_space<hbm>>
        tpu.enqueue_dma source(%arg17 : memref<40x80xf32, #tpu.memory_space<vmem>>) target(%dma_start3A_70 : memref<40x80xf32, #tpu.memory_space<hbm>>) target_semaphore(%run_scoped3A : memref<!tpu.dma_semaphore, #tpu.memory_space<semaphore_mem>>)
        %dma_wait3A = arith.constant 0 : i32
        %dma_wait3A_71 = tpu.memref_slice %arg7[%arg0, %add3A_51, %dma_wait3A] : memref<2x10000x80xf32, #tpu.memory_space<hbm>> -> memref<1x40x80xf32, #tpu.memory_space<hbm>>
        %dma_wait3A_72 = tpu.memref_squeeze %dma_wait3A_71 : memref<1x40x80xf32, #tpu.memory_space<hbm>> -> memref<40x80xf32, #tpu.memory_space<hbm>>
        %dma_wait3A_73 = arith.constant 0 : i32
        %dma_wait3A_74 = tpu.memref_slice %arg7[%arg0, %add3A_51, %dma_wait3A_73] : memref<2x10000x80xf32, #tpu.memory_space<hbm>> -> memref<1x40x80xf32, #tpu.memory_space<hbm>>
        %dma_wait3A_75 = tpu.memref_squeeze %dma_wait3A_74 : memref<1x40x80xf32, #tpu.memory_space<hbm>> -> memref<40x80xf32, #tpu.memory_space<hbm>>
        tpu.wait_dma2 semaphore(%run_scoped3A : memref<!tpu.dma_semaphore, #tpu.memory_space<semaphore_mem>>) src(%arg17 : memref<40x80xf32, #tpu.memory_space<vmem>>) dst(%dma_wait3A_75 : memref<40x80xf32, #tpu.memory_space<hbm>>)
        tpu.yield
      }) : () -> ()
      %add3A_52 = arith.constant 720 : i32
      %add3A_53 = arith.addi %mul3A_15, %add3A_52 : i32
      "tpu.region"() ({
        %run_scoped3A = tpu.sem_alloc : memref<!tpu.dma_semaphore, #tpu.memory_space<semaphore_mem>>
        %dma_start3A = arith.constant 0 : i32
        %dma_start3A_66 = tpu.memref_slice %arg18[%add3A_53, %dma_start3A] : memref<10000x80xf32, #tpu.memory_space<vmem_shared>> -> memref<40x80xf32, #tpu.memory_space<vmem_shared>>
        %dma_start3A_67 = arith.constant 0 : i32
        %dma_start3A_68 = tpu.memref_slice %arg18[%add3A_53, %dma_start3A_67] : memref<10000x80xf32, #tpu.memory_space<vmem_shared>> -> memref<40x80xf32, #tpu.memory_space<vmem_shared>>
        tpu.enqueue_dma source(%dma_start3A_68 : memref<40x80xf32, #tpu.memory_space<vmem_shared>>) target(%arg17 : memref<40x80xf32, #tpu.memory_space<vmem>>) target_semaphore(%run_scoped3A : memref<!tpu.dma_semaphore, #tpu.memory_space<semaphore_mem>>)
        %dma_wait3A = arith.constant 0 : i32
        %dma_wait3A_69 = tpu.memref_slice %arg18[%add3A_53, %dma_wait3A] : memref<10000x80xf32, #tpu.memory_space<vmem_shared>> -> memref<40x80xf32, #tpu.memory_space<vmem_shared>>
        %dma_wait3A_70 = arith.constant 0 : i32
        %dma_wait3A_71 = tpu.memref_slice %arg18[%add3A_53, %dma_wait3A_70] : memref<10000x80xf32, #tpu.memory_space<vmem_shared>> -> memref<40x80xf32, #tpu.memory_space<vmem_shared>>
        tpu.wait_dma2 semaphore(%run_scoped3A : memref<!tpu.dma_semaphore, #tpu.memory_space<semaphore_mem>>) src(%dma_wait3A_71 : memref<40x80xf32, #tpu.memory_space<vmem_shared>>) dst(%arg17 : memref<40x80xf32, #tpu.memory_space<vmem>>)
        tpu.yield
      }) : () -> ()
      "tpu.region"() ({
        %run_scoped3A = tpu.sem_alloc : memref<!tpu.dma_semaphore, #tpu.memory_space<semaphore_mem>>
        %dma_start3A = arith.constant 0 : i32
        %dma_start3A_66 = tpu.memref_slice %arg7[%arg0, %add3A_53, %dma_start3A] : memref<2x10000x80xf32, #tpu.memory_space<hbm>> -> memref<1x40x80xf32, #tpu.memory_space<hbm>>
        %dma_start3A_67 = tpu.memref_squeeze %dma_start3A_66 : memref<1x40x80xf32, #tpu.memory_space<hbm>> -> memref<40x80xf32, #tpu.memory_space<hbm>>
        %dma_start3A_68 = arith.constant 0 : i32
        %dma_start3A_69 = tpu.memref_slice %arg7[%arg0, %add3A_53, %dma_start3A_68] : memref<2x10000x80xf32, #tpu.memory_space<hbm>> -> memref<1x40x80xf32, #tpu.memory_space<hbm>>
        %dma_start3A_70 = tpu.memref_squeeze %dma_start3A_69 : memref<1x40x80xf32, #tpu.memory_space<hbm>> -> memref<40x80xf32, #tpu.memory_space<hbm>>
        tpu.enqueue_dma source(%arg17 : memref<40x80xf32, #tpu.memory_space<vmem>>) target(%dma_start3A_70 : memref<40x80xf32, #tpu.memory_space<hbm>>) target_semaphore(%run_scoped3A : memref<!tpu.dma_semaphore, #tpu.memory_space<semaphore_mem>>)
        %dma_wait3A = arith.constant 0 : i32
        %dma_wait3A_71 = tpu.memref_slice %arg7[%arg0, %add3A_53, %dma_wait3A] : memref<2x10000x80xf32, #tpu.memory_space<hbm>> -> memref<1x40x80xf32, #tpu.memory_space<hbm>>
        %dma_wait3A_72 = tpu.memref_squeeze %dma_wait3A_71 : memref<1x40x80xf32, #tpu.memory_space<hbm>> -> memref<40x80xf32, #tpu.memory_space<hbm>>
        %dma_wait3A_73 = arith.constant 0 : i32
        %dma_wait3A_74 = tpu.memref_slice %arg7[%arg0, %add3A_53, %dma_wait3A_73] : memref<2x10000x80xf32, #tpu.memory_space<hbm>> -> memref<1x40x80xf32, #tpu.memory_space<hbm>>
        %dma_wait3A_75 = tpu.memref_squeeze %dma_wait3A_74 : memref<1x40x80xf32, #tpu.memory_space<hbm>> -> memref<40x80xf32, #tpu.memory_space<hbm>>
        tpu.wait_dma2 semaphore(%run_scoped3A : memref<!tpu.dma_semaphore, #tpu.memory_space<semaphore_mem>>) src(%arg17 : memref<40x80xf32, #tpu.memory_space<vmem>>) dst(%dma_wait3A_75 : memref<40x80xf32, #tpu.memory_space<hbm>>)
        tpu.yield
      }) : () -> ()
      %add3A_54 = arith.constant 760 : i32
      %add3A_55 = arith.addi %mul3A_15, %add3A_54 : i32
      "tpu.region"() ({
        %run_scoped3A = tpu.sem_alloc : memref<!tpu.dma_semaphore, #tpu.memory_space<semaphore_mem>>
        %dma_start3A = arith.constant 0 : i32
        %dma_start3A_66 = tpu.memref_slice %arg18[%add3A_55, %dma_start3A] : memref<10000x80xf32, #tpu.memory_space<vmem_shared>> -> memref<40x80xf32, #tpu.memory_space<vmem_shared>>
        %dma_start3A_67 = arith.constant 0 : i32
        %dma_start3A_68 = tpu.memref_slice %arg18[%add3A_55, %dma_start3A_67] : memref<10000x80xf32, #tpu.memory_space<vmem_shared>> -> memref<40x80xf32, #tpu.memory_space<vmem_shared>>
        tpu.enqueue_dma source(%dma_start3A_68 : memref<40x80xf32, #tpu.memory_space<vmem_shared>>) target(%arg17 : memref<40x80xf32, #tpu.memory_space<vmem>>) target_semaphore(%run_scoped3A : memref<!tpu.dma_semaphore, #tpu.memory_space<semaphore_mem>>)
        %dma_wait3A = arith.constant 0 : i32
        %dma_wait3A_69 = tpu.memref_slice %arg18[%add3A_55, %dma_wait3A] : memref<10000x80xf32, #tpu.memory_space<vmem_shared>> -> memref<40x80xf32, #tpu.memory_space<vmem_shared>>
        %dma_wait3A_70 = arith.constant 0 : i32
        %dma_wait3A_71 = tpu.memref_slice %arg18[%add3A_55, %dma_wait3A_70] : memref<10000x80xf32, #tpu.memory_space<vmem_shared>> -> memref<40x80xf32, #tpu.memory_space<vmem_shared>>
        tpu.wait_dma2 semaphore(%run_scoped3A : memref<!tpu.dma_semaphore, #tpu.memory_space<semaphore_mem>>) src(%dma_wait3A_71 : memref<40x80xf32, #tpu.memory_space<vmem_shared>>) dst(%arg17 : memref<40x80xf32, #tpu.memory_space<vmem>>)
        tpu.yield
      }) : () -> ()
      "tpu.region"() ({
        %run_scoped3A = tpu.sem_alloc : memref<!tpu.dma_semaphore, #tpu.memory_space<semaphore_mem>>
        %dma_start3A = arith.constant 0 : i32
        %dma_start3A_66 = tpu.memref_slice %arg7[%arg0, %add3A_55, %dma_start3A] : memref<2x10000x80xf32, #tpu.memory_space<hbm>> -> memref<1x40x80xf32, #tpu.memory_space<hbm>>
        %dma_start3A_67 = tpu.memref_squeeze %dma_start3A_66 : memref<1x40x80xf32, #tpu.memory_space<hbm>> -> memref<40x80xf32, #tpu.memory_space<hbm>>
        %dma_start3A_68 = arith.constant 0 : i32
        %dma_start3A_69 = tpu.memref_slice %arg7[%arg0, %add3A_55, %dma_start3A_68] : memref<2x10000x80xf32, #tpu.memory_space<hbm>> -> memref<1x40x80xf32, #tpu.memory_space<hbm>>
        %dma_start3A_70 = tpu.memref_squeeze %dma_start3A_69 : memref<1x40x80xf32, #tpu.memory_space<hbm>> -> memref<40x80xf32, #tpu.memory_space<hbm>>
        tpu.enqueue_dma source(%arg17 : memref<40x80xf32, #tpu.memory_space<vmem>>) target(%dma_start3A_70 : memref<40x80xf32, #tpu.memory_space<hbm>>) target_semaphore(%run_scoped3A : memref<!tpu.dma_semaphore, #tpu.memory_space<semaphore_mem>>)
        %dma_wait3A = arith.constant 0 : i32
        %dma_wait3A_71 = tpu.memref_slice %arg7[%arg0, %add3A_55, %dma_wait3A] : memref<2x10000x80xf32, #tpu.memory_space<hbm>> -> memref<1x40x80xf32, #tpu.memory_space<hbm>>
        %dma_wait3A_72 = tpu.memref_squeeze %dma_wait3A_71 : memref<1x40x80xf32, #tpu.memory_space<hbm>> -> memref<40x80xf32, #tpu.memory_space<hbm>>
        %dma_wait3A_73 = arith.constant 0 : i32
        %dma_wait3A_74 = tpu.memref_slice %arg7[%arg0, %add3A_55, %dma_wait3A_73] : memref<2x10000x80xf32, #tpu.memory_space<hbm>> -> memref<1x40x80xf32, #tpu.memory_space<hbm>>
        %dma_wait3A_75 = tpu.memref_squeeze %dma_wait3A_74 : memref<1x40x80xf32, #tpu.memory_space<hbm>> -> memref<40x80xf32, #tpu.memory_space<hbm>>
        tpu.wait_dma2 semaphore(%run_scoped3A : memref<!tpu.dma_semaphore, #tpu.memory_space<semaphore_mem>>) src(%arg17 : memref<40x80xf32, #tpu.memory_space<vmem>>) dst(%dma_wait3A_75 : memref<40x80xf32, #tpu.memory_space<hbm>>)
        tpu.yield
      }) : () -> ()
      %add3A_56 = arith.constant 800 : i32
      %add3A_57 = arith.addi %mul3A_15, %add3A_56 : i32
      "tpu.region"() ({
        %run_scoped3A = tpu.sem_alloc : memref<!tpu.dma_semaphore, #tpu.memory_space<semaphore_mem>>
        %dma_start3A = arith.constant 0 : i32
        %dma_start3A_66 = tpu.memref_slice %arg18[%add3A_57, %dma_start3A] : memref<10000x80xf32, #tpu.memory_space<vmem_shared>> -> memref<40x80xf32, #tpu.memory_space<vmem_shared>>
        %dma_start3A_67 = arith.constant 0 : i32
        %dma_start3A_68 = tpu.memref_slice %arg18[%add3A_57, %dma_start3A_67] : memref<10000x80xf32, #tpu.memory_space<vmem_shared>> -> memref<40x80xf32, #tpu.memory_space<vmem_shared>>
        tpu.enqueue_dma source(%dma_start3A_68 : memref<40x80xf32, #tpu.memory_space<vmem_shared>>) target(%arg17 : memref<40x80xf32, #tpu.memory_space<vmem>>) target_semaphore(%run_scoped3A : memref<!tpu.dma_semaphore, #tpu.memory_space<semaphore_mem>>)
        %dma_wait3A = arith.constant 0 : i32
        %dma_wait3A_69 = tpu.memref_slice %arg18[%add3A_57, %dma_wait3A] : memref<10000x80xf32, #tpu.memory_space<vmem_shared>> -> memref<40x80xf32, #tpu.memory_space<vmem_shared>>
        %dma_wait3A_70 = arith.constant 0 : i32
        %dma_wait3A_71 = tpu.memref_slice %arg18[%add3A_57, %dma_wait3A_70] : memref<10000x80xf32, #tpu.memory_space<vmem_shared>> -> memref<40x80xf32, #tpu.memory_space<vmem_shared>>
        tpu.wait_dma2 semaphore(%run_scoped3A : memref<!tpu.dma_semaphore, #tpu.memory_space<semaphore_mem>>) src(%dma_wait3A_71 : memref<40x80xf32, #tpu.memory_space<vmem_shared>>) dst(%arg17 : memref<40x80xf32, #tpu.memory_space<vmem>>)
        tpu.yield
      }) : () -> ()
      "tpu.region"() ({
        %run_scoped3A = tpu.sem_alloc : memref<!tpu.dma_semaphore, #tpu.memory_space<semaphore_mem>>
        %dma_start3A = arith.constant 0 : i32
        %dma_start3A_66 = tpu.memref_slice %arg7[%arg0, %add3A_57, %dma_start3A] : memref<2x10000x80xf32, #tpu.memory_space<hbm>> -> memref<1x40x80xf32, #tpu.memory_space<hbm>>
        %dma_start3A_67 = tpu.memref_squeeze %dma_start3A_66 : memref<1x40x80xf32, #tpu.memory_space<hbm>> -> memref<40x80xf32, #tpu.memory_space<hbm>>
        %dma_start3A_68 = arith.constant 0 : i32
        %dma_start3A_69 = tpu.memref_slice %arg7[%arg0, %add3A_57, %dma_start3A_68] : memref<2x10000x80xf32, #tpu.memory_space<hbm>> -> memref<1x40x80xf32, #tpu.memory_space<hbm>>
        %dma_start3A_70 = tpu.memref_squeeze %dma_start3A_69 : memref<1x40x80xf32, #tpu.memory_space<hbm>> -> memref<40x80xf32, #tpu.memory_space<hbm>>
        tpu.enqueue_dma source(%arg17 : memref<40x80xf32, #tpu.memory_space<vmem>>) target(%dma_start3A_70 : memref<40x80xf32, #tpu.memory_space<hbm>>) target_semaphore(%run_scoped3A : memref<!tpu.dma_semaphore, #tpu.memory_space<semaphore_mem>>)
        %dma_wait3A = arith.constant 0 : i32
        %dma_wait3A_71 = tpu.memref_slice %arg7[%arg0, %add3A_57, %dma_wait3A] : memref<2x10000x80xf32, #tpu.memory_space<hbm>> -> memref<1x40x80xf32, #tpu.memory_space<hbm>>
        %dma_wait3A_72 = tpu.memref_squeeze %dma_wait3A_71 : memref<1x40x80xf32, #tpu.memory_space<hbm>> -> memref<40x80xf32, #tpu.memory_space<hbm>>
        %dma_wait3A_73 = arith.constant 0 : i32
        %dma_wait3A_74 = tpu.memref_slice %arg7[%arg0, %add3A_57, %dma_wait3A_73] : memref<2x10000x80xf32, #tpu.memory_space<hbm>> -> memref<1x40x80xf32, #tpu.memory_space<hbm>>
        %dma_wait3A_75 = tpu.memref_squeeze %dma_wait3A_74 : memref<1x40x80xf32, #tpu.memory_space<hbm>> -> memref<40x80xf32, #tpu.memory_space<hbm>>
        tpu.wait_dma2 semaphore(%run_scoped3A : memref<!tpu.dma_semaphore, #tpu.memory_space<semaphore_mem>>) src(%arg17 : memref<40x80xf32, #tpu.memory_space<vmem>>) dst(%dma_wait3A_75 : memref<40x80xf32, #tpu.memory_space<hbm>>)
        tpu.yield
      }) : () -> ()
      %add3A_58 = arith.constant 840 : i32
      %add3A_59 = arith.addi %mul3A_15, %add3A_58 : i32
      "tpu.region"() ({
        %run_scoped3A = tpu.sem_alloc : memref<!tpu.dma_semaphore, #tpu.memory_space<semaphore_mem>>
        %dma_start3A = arith.constant 0 : i32
        %dma_start3A_66 = tpu.memref_slice %arg18[%add3A_59, %dma_start3A] : memref<10000x80xf32, #tpu.memory_space<vmem_shared>> -> memref<40x80xf32, #tpu.memory_space<vmem_shared>>
        %dma_start3A_67 = arith.constant 0 : i32
        %dma_start3A_68 = tpu.memref_slice %arg18[%add3A_59, %dma_start3A_67] : memref<10000x80xf32, #tpu.memory_space<vmem_shared>> -> memref<40x80xf32, #tpu.memory_space<vmem_shared>>
        tpu.enqueue_dma source(%dma_start3A_68 : memref<40x80xf32, #tpu.memory_space<vmem_shared>>) target(%arg17 : memref<40x80xf32, #tpu.memory_space<vmem>>) target_semaphore(%run_scoped3A : memref<!tpu.dma_semaphore, #tpu.memory_space<semaphore_mem>>)
        %dma_wait3A = arith.constant 0 : i32
        %dma_wait3A_69 = tpu.memref_slice %arg18[%add3A_59, %dma_wait3A] : memref<10000x80xf32, #tpu.memory_space<vmem_shared>> -> memref<40x80xf32, #tpu.memory_space<vmem_shared>>
        %dma_wait3A_70 = arith.constant 0 : i32
        %dma_wait3A_71 = tpu.memref_slice %arg18[%add3A_59, %dma_wait3A_70] : memref<10000x80xf32, #tpu.memory_space<vmem_shared>> -> memref<40x80xf32, #tpu.memory_space<vmem_shared>>
        tpu.wait_dma2 semaphore(%run_scoped3A : memref<!tpu.dma_semaphore, #tpu.memory_space<semaphore_mem>>) src(%dma_wait3A_71 : memref<40x80xf32, #tpu.memory_space<vmem_shared>>) dst(%arg17 : memref<40x80xf32, #tpu.memory_space<vmem>>)
        tpu.yield
      }) : () -> ()
      "tpu.region"() ({
        %run_scoped3A = tpu.sem_alloc : memref<!tpu.dma_semaphore, #tpu.memory_space<semaphore_mem>>
        %dma_start3A = arith.constant 0 : i32
        %dma_start3A_66 = tpu.memref_slice %arg7[%arg0, %add3A_59, %dma_start3A] : memref<2x10000x80xf32, #tpu.memory_space<hbm>> -> memref<1x40x80xf32, #tpu.memory_space<hbm>>
        %dma_start3A_67 = tpu.memref_squeeze %dma_start3A_66 : memref<1x40x80xf32, #tpu.memory_space<hbm>> -> memref<40x80xf32, #tpu.memory_space<hbm>>
        %dma_start3A_68 = arith.constant 0 : i32
        %dma_start3A_69 = tpu.memref_slice %arg7[%arg0, %add3A_59, %dma_start3A_68] : memref<2x10000x80xf32, #tpu.memory_space<hbm>> -> memref<1x40x80xf32, #tpu.memory_space<hbm>>
        %dma_start3A_70 = tpu.memref_squeeze %dma_start3A_69 : memref<1x40x80xf32, #tpu.memory_space<hbm>> -> memref<40x80xf32, #tpu.memory_space<hbm>>
        tpu.enqueue_dma source(%arg17 : memref<40x80xf32, #tpu.memory_space<vmem>>) target(%dma_start3A_70 : memref<40x80xf32, #tpu.memory_space<hbm>>) target_semaphore(%run_scoped3A : memref<!tpu.dma_semaphore, #tpu.memory_space<semaphore_mem>>)
        %dma_wait3A = arith.constant 0 : i32
        %dma_wait3A_71 = tpu.memref_slice %arg7[%arg0, %add3A_59, %dma_wait3A] : memref<2x10000x80xf32, #tpu.memory_space<hbm>> -> memref<1x40x80xf32, #tpu.memory_space<hbm>>
        %dma_wait3A_72 = tpu.memref_squeeze %dma_wait3A_71 : memref<1x40x80xf32, #tpu.memory_space<hbm>> -> memref<40x80xf32, #tpu.memory_space<hbm>>
        %dma_wait3A_73 = arith.constant 0 : i32
        %dma_wait3A_74 = tpu.memref_slice %arg7[%arg0, %add3A_59, %dma_wait3A_73] : memref<2x10000x80xf32, #tpu.memory_space<hbm>> -> memref<1x40x80xf32, #tpu.memory_space<hbm>>
        %dma_wait3A_75 = tpu.memref_squeeze %dma_wait3A_74 : memref<1x40x80xf32, #tpu.memory_space<hbm>> -> memref<40x80xf32, #tpu.memory_space<hbm>>
        tpu.wait_dma2 semaphore(%run_scoped3A : memref<!tpu.dma_semaphore, #tpu.memory_space<semaphore_mem>>) src(%arg17 : memref<40x80xf32, #tpu.memory_space<vmem>>) dst(%dma_wait3A_75 : memref<40x80xf32, #tpu.memory_space<hbm>>)
        tpu.yield
      }) : () -> ()
      %add3A_60 = arith.constant 880 : i32
      %add3A_61 = arith.addi %mul3A_15, %add3A_60 : i32
      "tpu.region"() ({
        %run_scoped3A = tpu.sem_alloc : memref<!tpu.dma_semaphore, #tpu.memory_space<semaphore_mem>>
        %dma_start3A = arith.constant 0 : i32
        %dma_start3A_66 = tpu.memref_slice %arg18[%add3A_61, %dma_start3A] : memref<10000x80xf32, #tpu.memory_space<vmem_shared>> -> memref<40x80xf32, #tpu.memory_space<vmem_shared>>
        %dma_start3A_67 = arith.constant 0 : i32
        %dma_start3A_68 = tpu.memref_slice %arg18[%add3A_61, %dma_start3A_67] : memref<10000x80xf32, #tpu.memory_space<vmem_shared>> -> memref<40x80xf32, #tpu.memory_space<vmem_shared>>
        tpu.enqueue_dma source(%dma_start3A_68 : memref<40x80xf32, #tpu.memory_space<vmem_shared>>) target(%arg17 : memref<40x80xf32, #tpu.memory_space<vmem>>) target_semaphore(%run_scoped3A : memref<!tpu.dma_semaphore, #tpu.memory_space<semaphore_mem>>)
        %dma_wait3A = arith.constant 0 : i32
        %dma_wait3A_69 = tpu.memref_slice %arg18[%add3A_61, %dma_wait3A] : memref<10000x80xf32, #tpu.memory_space<vmem_shared>> -> memref<40x80xf32, #tpu.memory_space<vmem_shared>>
        %dma_wait3A_70 = arith.constant 0 : i32
        %dma_wait3A_71 = tpu.memref_slice %arg18[%add3A_61, %dma_wait3A_70] : memref<10000x80xf32, #tpu.memory_space<vmem_shared>> -> memref<40x80xf32, #tpu.memory_space<vmem_shared>>
        tpu.wait_dma2 semaphore(%run_scoped3A : memref<!tpu.dma_semaphore, #tpu.memory_space<semaphore_mem>>) src(%dma_wait3A_71 : memref<40x80xf32, #tpu.memory_space<vmem_shared>>) dst(%arg17 : memref<40x80xf32, #tpu.memory_space<vmem>>)
        tpu.yield
      }) : () -> ()
      "tpu.region"() ({
        %run_scoped3A = tpu.sem_alloc : memref<!tpu.dma_semaphore, #tpu.memory_space<semaphore_mem>>
        %dma_start3A = arith.constant 0 : i32
        %dma_start3A_66 = tpu.memref_slice %arg7[%arg0, %add3A_61, %dma_start3A] : memref<2x10000x80xf32, #tpu.memory_space<hbm>> -> memref<1x40x80xf32, #tpu.memory_space<hbm>>
        %dma_start3A_67 = tpu.memref_squeeze %dma_start3A_66 : memref<1x40x80xf32, #tpu.memory_space<hbm>> -> memref<40x80xf32, #tpu.memory_space<hbm>>
        %dma_start3A_68 = arith.constant 0 : i32
        %dma_start3A_69 = tpu.memref_slice %arg7[%arg0, %add3A_61, %dma_start3A_68] : memref<2x10000x80xf32, #tpu.memory_space<hbm>> -> memref<1x40x80xf32, #tpu.memory_space<hbm>>
        %dma_start3A_70 = tpu.memref_squeeze %dma_start3A_69 : memref<1x40x80xf32, #tpu.memory_space<hbm>> -> memref<40x80xf32, #tpu.memory_space<hbm>>
        tpu.enqueue_dma source(%arg17 : memref<40x80xf32, #tpu.memory_space<vmem>>) target(%dma_start3A_70 : memref<40x80xf32, #tpu.memory_space<hbm>>) target_semaphore(%run_scoped3A : memref<!tpu.dma_semaphore, #tpu.memory_space<semaphore_mem>>)
        %dma_wait3A = arith.constant 0 : i32
        %dma_wait3A_71 = tpu.memref_slice %arg7[%arg0, %add3A_61, %dma_wait3A] : memref<2x10000x80xf32, #tpu.memory_space<hbm>> -> memref<1x40x80xf32, #tpu.memory_space<hbm>>
        %dma_wait3A_72 = tpu.memref_squeeze %dma_wait3A_71 : memref<1x40x80xf32, #tpu.memory_space<hbm>> -> memref<40x80xf32, #tpu.memory_space<hbm>>
        %dma_wait3A_73 = arith.constant 0 : i32
        %dma_wait3A_74 = tpu.memref_slice %arg7[%arg0, %add3A_61, %dma_wait3A_73] : memref<2x10000x80xf32, #tpu.memory_space<hbm>> -> memref<1x40x80xf32, #tpu.memory_space<hbm>>
        %dma_wait3A_75 = tpu.memref_squeeze %dma_wait3A_74 : memref<1x40x80xf32, #tpu.memory_space<hbm>> -> memref<40x80xf32, #tpu.memory_space<hbm>>
        tpu.wait_dma2 semaphore(%run_scoped3A : memref<!tpu.dma_semaphore, #tpu.memory_space<semaphore_mem>>) src(%arg17 : memref<40x80xf32, #tpu.memory_space<vmem>>) dst(%dma_wait3A_75 : memref<40x80xf32, #tpu.memory_space<hbm>>)
        tpu.yield
      }) : () -> ()
      %add3A_62 = arith.constant 920 : i32
      %add3A_63 = arith.addi %mul3A_15, %add3A_62 : i32
      "tpu.region"() ({
        %run_scoped3A = tpu.sem_alloc : memref<!tpu.dma_semaphore, #tpu.memory_space<semaphore_mem>>
        %dma_start3A = arith.constant 0 : i32
        %dma_start3A_66 = tpu.memref_slice %arg18[%add3A_63, %dma_start3A] : memref<10000x80xf32, #tpu.memory_space<vmem_shared>> -> memref<40x80xf32, #tpu.memory_space<vmem_shared>>
        %dma_start3A_67 = arith.constant 0 : i32
        %dma_start3A_68 = tpu.memref_slice %arg18[%add3A_63, %dma_start3A_67] : memref<10000x80xf32, #tpu.memory_space<vmem_shared>> -> memref<40x80xf32, #tpu.memory_space<vmem_shared>>
        tpu.enqueue_dma source(%dma_start3A_68 : memref<40x80xf32, #tpu.memory_space<vmem_shared>>) target(%arg17 : memref<40x80xf32, #tpu.memory_space<vmem>>) target_semaphore(%run_scoped3A : memref<!tpu.dma_semaphore, #tpu.memory_space<semaphore_mem>>)
        %dma_wait3A = arith.constant 0 : i32
        %dma_wait3A_69 = tpu.memref_slice %arg18[%add3A_63, %dma_wait3A] : memref<10000x80xf32, #tpu.memory_space<vmem_shared>> -> memref<40x80xf32, #tpu.memory_space<vmem_shared>>
        %dma_wait3A_70 = arith.constant 0 : i32
        %dma_wait3A_71 = tpu.memref_slice %arg18[%add3A_63, %dma_wait3A_70] : memref<10000x80xf32, #tpu.memory_space<vmem_shared>> -> memref<40x80xf32, #tpu.memory_space<vmem_shared>>
        tpu.wait_dma2 semaphore(%run_scoped3A : memref<!tpu.dma_semaphore, #tpu.memory_space<semaphore_mem>>) src(%dma_wait3A_71 : memref<40x80xf32, #tpu.memory_space<vmem_shared>>) dst(%arg17 : memref<40x80xf32, #tpu.memory_space<vmem>>)
        tpu.yield
      }) : () -> ()
      "tpu.region"() ({
        %run_scoped3A = tpu.sem_alloc : memref<!tpu.dma_semaphore, #tpu.memory_space<semaphore_mem>>
        %dma_start3A = arith.constant 0 : i32
        %dma_start3A_66 = tpu.memref_slice %arg7[%arg0, %add3A_63, %dma_start3A] : memref<2x10000x80xf32, #tpu.memory_space<hbm>> -> memref<1x40x80xf32, #tpu.memory_space<hbm>>
        %dma_start3A_67 = tpu.memref_squeeze %dma_start3A_66 : memref<1x40x80xf32, #tpu.memory_space<hbm>> -> memref<40x80xf32, #tpu.memory_space<hbm>>
        %dma_start3A_68 = arith.constant 0 : i32
        %dma_start3A_69 = tpu.memref_slice %arg7[%arg0, %add3A_63, %dma_start3A_68] : memref<2x10000x80xf32, #tpu.memory_space<hbm>> -> memref<1x40x80xf32, #tpu.memory_space<hbm>>
        %dma_start3A_70 = tpu.memref_squeeze %dma_start3A_69 : memref<1x40x80xf32, #tpu.memory_space<hbm>> -> memref<40x80xf32, #tpu.memory_space<hbm>>
        tpu.enqueue_dma source(%arg17 : memref<40x80xf32, #tpu.memory_space<vmem>>) target(%dma_start3A_70 : memref<40x80xf32, #tpu.memory_space<hbm>>) target_semaphore(%run_scoped3A : memref<!tpu.dma_semaphore, #tpu.memory_space<semaphore_mem>>)
        %dma_wait3A = arith.constant 0 : i32
        %dma_wait3A_71 = tpu.memref_slice %arg7[%arg0, %add3A_63, %dma_wait3A] : memref<2x10000x80xf32, #tpu.memory_space<hbm>> -> memref<1x40x80xf32, #tpu.memory_space<hbm>>
        %dma_wait3A_72 = tpu.memref_squeeze %dma_wait3A_71 : memref<1x40x80xf32, #tpu.memory_space<hbm>> -> memref<40x80xf32, #tpu.memory_space<hbm>>
        %dma_wait3A_73 = arith.constant 0 : i32
        %dma_wait3A_74 = tpu.memref_slice %arg7[%arg0, %add3A_63, %dma_wait3A_73] : memref<2x10000x80xf32, #tpu.memory_space<hbm>> -> memref<1x40x80xf32, #tpu.memory_space<hbm>>
        %dma_wait3A_75 = tpu.memref_squeeze %dma_wait3A_74 : memref<1x40x80xf32, #tpu.memory_space<hbm>> -> memref<40x80xf32, #tpu.memory_space<hbm>>
        tpu.wait_dma2 semaphore(%run_scoped3A : memref<!tpu.dma_semaphore, #tpu.memory_space<semaphore_mem>>) src(%arg17 : memref<40x80xf32, #tpu.memory_space<vmem>>) dst(%dma_wait3A_75 : memref<40x80xf32, #tpu.memory_space<hbm>>)
        tpu.yield
      }) : () -> ()
      %add3A_64 = arith.constant 960 : i32
      %add3A_65 = arith.addi %mul3A_15, %add3A_64 : i32
      "tpu.region"() ({
        %run_scoped3A = tpu.sem_alloc : memref<!tpu.dma_semaphore, #tpu.memory_space<semaphore_mem>>
        %dma_start3A = arith.constant 0 : i32
        %dma_start3A_66 = tpu.memref_slice %arg18[%add3A_65, %dma_start3A] : memref<10000x80xf32, #tpu.memory_space<vmem_shared>> -> memref<40x80xf32, #tpu.memory_space<vmem_shared>>
        %dma_start3A_67 = arith.constant 0 : i32
        %dma_start3A_68 = tpu.memref_slice %arg18[%add3A_65, %dma_start3A_67] : memref<10000x80xf32, #tpu.memory_space<vmem_shared>> -> memref<40x80xf32, #tpu.memory_space<vmem_shared>>
        tpu.enqueue_dma source(%dma_start3A_68 : memref<40x80xf32, #tpu.memory_space<vmem_shared>>) target(%arg17 : memref<40x80xf32, #tpu.memory_space<vmem>>) target_semaphore(%run_scoped3A : memref<!tpu.dma_semaphore, #tpu.memory_space<semaphore_mem>>)
        %dma_wait3A = arith.constant 0 : i32
        %dma_wait3A_69 = tpu.memref_slice %arg18[%add3A_65, %dma_wait3A] : memref<10000x80xf32, #tpu.memory_space<vmem_shared>> -> memref<40x80xf32, #tpu.memory_space<vmem_shared>>
        %dma_wait3A_70 = arith.constant 0 : i32
        %dma_wait3A_71 = tpu.memref_slice %arg18[%add3A_65, %dma_wait3A_70] : memref<10000x80xf32, #tpu.memory_space<vmem_shared>> -> memref<40x80xf32, #tpu.memory_space<vmem_shared>>
        tpu.wait_dma2 semaphore(%run_scoped3A : memref<!tpu.dma_semaphore, #tpu.memory_space<semaphore_mem>>) src(%dma_wait3A_71 : memref<40x80xf32, #tpu.memory_space<vmem_shared>>) dst(%arg17 : memref<40x80xf32, #tpu.memory_space<vmem>>)
        tpu.yield
      }) : () -> ()
      "tpu.region"() ({
        %run_scoped3A = tpu.sem_alloc : memref<!tpu.dma_semaphore, #tpu.memory_space<semaphore_mem>>
        %dma_start3A = arith.constant 0 : i32
        %dma_start3A_66 = tpu.memref_slice %arg7[%arg0, %add3A_65, %dma_start3A] : memref<2x10000x80xf32, #tpu.memory_space<hbm>> -> memref<1x40x80xf32, #tpu.memory_space<hbm>>
        %dma_start3A_67 = tpu.memref_squeeze %dma_start3A_66 : memref<1x40x80xf32, #tpu.memory_space<hbm>> -> memref<40x80xf32, #tpu.memory_space<hbm>>
        %dma_start3A_68 = arith.constant 0 : i32
        %dma_start3A_69 = tpu.memref_slice %arg7[%arg0, %add3A_65, %dma_start3A_68] : memref<2x10000x80xf32, #tpu.memory_space<hbm>> -> memref<1x40x80xf32, #tpu.memory_space<hbm>>
        %dma_start3A_70 = tpu.memref_squeeze %dma_start3A_69 : memref<1x40x80xf32, #tpu.memory_space<hbm>> -> memref<40x80xf32, #tpu.memory_space<hbm>>
        tpu.enqueue_dma source(%arg17 : memref<40x80xf32, #tpu.memory_space<vmem>>) target(%dma_start3A_70 : memref<40x80xf32, #tpu.memory_space<hbm>>) target_semaphore(%run_scoped3A : memref<!tpu.dma_semaphore, #tpu.memory_space<semaphore_mem>>)
        %dma_wait3A = arith.constant 0 : i32
        %dma_wait3A_71 = tpu.memref_slice %arg7[%arg0, %add3A_65, %dma_wait3A] : memref<2x10000x80xf32, #tpu.memory_space<hbm>> -> memref<1x40x80xf32, #tpu.memory_space<hbm>>
        %dma_wait3A_72 = tpu.memref_squeeze %dma_wait3A_71 : memref<1x40x80xf32, #tpu.memory_space<hbm>> -> memref<40x80xf32, #tpu.memory_space<hbm>>
        %dma_wait3A_73 = arith.constant 0 : i32
        %dma_wait3A_74 = tpu.memref_slice %arg7[%arg0, %add3A_65, %dma_wait3A_73] : memref<2x10000x80xf32, #tpu.memory_space<hbm>> -> memref<1x40x80xf32, #tpu.memory_space<hbm>>
        %dma_wait3A_75 = tpu.memref_squeeze %dma_wait3A_74 : memref<1x40x80xf32, #tpu.memory_space<hbm>> -> memref<40x80xf32, #tpu.memory_space<hbm>>
        tpu.wait_dma2 semaphore(%run_scoped3A : memref<!tpu.dma_semaphore, #tpu.memory_space<semaphore_mem>>) src(%arg17 : memref<40x80xf32, #tpu.memory_space<vmem>>) dst(%dma_wait3A_75 : memref<40x80xf32, #tpu.memory_space<hbm>>)
        tpu.yield
      }) : () -> ()
    } else {
    }
    return
  }
}

module attributes {stable_mosaic.version = 14 : i64} {
  func.func @_dense_body(%arg0: i32, %arg1: memref<1000x128xf32, #tpu.memory_space<vmem>>, %arg2: memref<128x64xf32, #tpu.memory_space<vmem>>, %arg3: memref<1x64xf32, #tpu.memory_space<vmem>>, %arg4: memref<1x64xf32, #tpu.memory_space<vmem>>, %arg5: memref<1000x64xf32, #tpu.memory_space<vmem>>, %arg6: memref<1x1x1000xf32, #tpu.memory_space<vmem>>, %arg7: memref<1x1x1000xf32, #tpu.memory_space<vmem>>) attributes {dimension_semantics = [#tpu.dimension_semantics<arbitrary>], iteration_bounds = array<i64: 10>, scalar_prefetch = 0 : i64, scratch_operands = 0 : i64, tpu.core_type = #tpu.core_type<tc>, window_params = [{transform_indices = @transform_0, window_bounds = array<i64: 1000, 128>}, {pipeline_mode = #tpu.pipeline_mode<synchronous>, transform_indices = @transform_1, window_bounds = array<i64: 128, 64>}, {pipeline_mode = #tpu.pipeline_mode<synchronous>, transform_indices = @transform_2, window_bounds = array<i64: 1, 64>}, {pipeline_mode = #tpu.pipeline_mode<synchronous>, transform_indices = @transform_3, window_bounds = array<i64: 1, 64>}, {transform_indices = @transform_4, window_bounds = array<i64: 1000, 64>}, {transform_indices = @transform_5, window_bounds = array<i64: 1, 1, 1000>}, {transform_indices = @transform_6, window_bounds = array<i64: 1, 1, 1000>}]} {
    %get3A = arith.constant 0 : index
    %get3A_0 = arith.constant 0 : index
    %get3A_1 = vector.load %arg1[%get3A, %get3A_0] : memref<1000x128xf32, #tpu.memory_space<vmem>>, vector<1000x128xf32>
    %get3A_2 = arith.constant 0 : index
    %get3A_3 = arith.constant 0 : index
    %get3A_4 = vector.load %arg2[%get3A_2, %get3A_3] : memref<128x64xf32, #tpu.memory_space<vmem>>, vector<128x64xf32>
    %dot_general3A = arith.constant dense<0.000000e+00> : vector<1000x64xf32>
    %dot_general3A_5 = tpu.matmul %get3A_1, %get3A_4, %dot_general3A {dimension_numbers = #tpu.dot_dimension_numbers<[1], [0], [0], [1], [0, 0, 1, 1], [], []>, transpose_lhs_hint = false} : vector<1000x128xf32>, vector<128x64xf32>, vector<1000x64xf32> -> vector<1000x64xf32>
    %swap3A = arith.constant 0 : index
    %swap3A_6 = arith.constant 0 : index
    %swap3A_7 = vector.load %arg5[%swap3A, %swap3A_6] : memref<1000x64xf32, #tpu.memory_space<vmem>>, vector<1000x64xf32>
    tpu.vector_store %arg5[%swap3A, %swap3A_6], %dot_general3A_5 {strides = array<i32>} : memref<1000x64xf32, #tpu.memory_space<vmem>>, vector<1000x64xf32>,
    %get3A_8 = arith.constant 0 : index
    %get3A_9 = arith.constant 0 : index
    %get3A_10 = vector.load %arg3[%get3A_8, %get3A_9] : memref<1x64xf32, #tpu.memory_space<vmem>>, vector<1x64xf32>
    %mul3A = vector.broadcast %get3A_10 : vector<1x64xf32> to vector<1000x64xf32>
    %mul3A_11 = arith.mulf %dot_general3A_5, %mul3A : vector<1000x64xf32>
    %reduce_sum3A = arith.constant dense<0.000000e+00> : vector<1000xf32>
    %reduce_sum3A_12 = vector.multi_reduction <add>, %mul3A_11, %reduce_sum3A [1] : vector<1000x64xf32> to vector<1000xf32>
    %reshape3A = vector.shape_cast %reduce_sum3A_12 : vector<1000xf32> to vector<1x1x1000xf32>
    %swap3A_13 = arith.constant 0 : index
    %swap3A_14 = arith.constant 0 : index
    %swap3A_15 = arith.constant 0 : index
    %swap3A_16 = vector.load %arg6[%swap3A_13, %swap3A_14, %swap3A_15] : memref<1x1x1000xf32, #tpu.memory_space<vmem>>, vector<1x1x1000xf32>
    tpu.vector_store %arg6[%swap3A_13, %swap3A_14, %swap3A_15], %reshape3A {strides = array<i32>} : memref<1x1x1000xf32, #tpu.memory_space<vmem>>, vector<1x1x1000xf32>,
    %get3A_17 = arith.constant 0 : index
    %get3A_18 = arith.constant 0 : index
    %get3A_19 = vector.load %arg4[%get3A_17, %get3A_18] : memref<1x64xf32, #tpu.memory_space<vmem>>, vector<1x64xf32>
    %mul3A_20 = vector.broadcast %get3A_19 : vector<1x64xf32> to vector<1000x64xf32>
    %mul3A_21 = arith.mulf %dot_general3A_5, %mul3A_20 : vector<1000x64xf32>
    %reduce_sum3A_22 = arith.constant dense<0.000000e+00> : vector<1000xf32>
    %reduce_sum3A_23 = vector.multi_reduction <add>, %mul3A_21, %reduce_sum3A_22 [1] : vector<1000x64xf32> to vector<1000xf32>
    %reshape3A_24 = vector.shape_cast %reduce_sum3A_23 : vector<1000xf32> to vector<1x1x1000xf32>
    %swap3A_25 = arith.constant 0 : index
    %swap3A_26 = arith.constant 0 : index
    %swap3A_27 = arith.constant 0 : index
    %swap3A_28 = vector.load %arg7[%swap3A_25, %swap3A_26, %swap3A_27] : memref<1x1x1000xf32, #tpu.memory_space<vmem>>, vector<1x1x1000xf32>
    tpu.vector_store %arg7[%swap3A_25, %swap3A_26, %swap3A_27], %reshape3A_24 {strides = array<i32>} : memref<1x1x1000xf32, #tpu.memory_space<vmem>>, vector<1x1x1000xf32>,
    return
  }
  func.func @transform_0(%arg0: i32) -> (i32, i32) {
    %c0_i32 = arith.constant 0 : i32
    %c0_i32_0 = arith.constant 0 : i32
    return %arg0, %c0_i32 : i32, i32
  }
  func.func @transform_1(%arg0: i32) -> (i32, i32) {
    %c0_i32 = arith.constant 0 : i32
    %c0_i32_0 = arith.constant 0 : i32
    %c0_i32_1 = arith.constant 0 : i32
    return %c0_i32, %c0_i32_0 : i32, i32
  }
  func.func @transform_2(%arg0: i32) -> (i32, i32) {
    %c0_i32 = arith.constant 0 : i32
    %c0_i32_0 = arith.constant 0 : i32
    %c0_i32_1 = arith.constant 0 : i32
    return %c0_i32, %c0_i32_0 : i32, i32
  }
  func.func @transform_3(%arg0: i32) -> (i32, i32) {
    %c0_i32 = arith.constant 0 : i32
    %c0_i32_0 = arith.constant 0 : i32
    %c0_i32_1 = arith.constant 0 : i32
    return %c0_i32, %c0_i32_0 : i32, i32
  }
  func.func @transform_4(%arg0: i32) -> (i32, i32) {
    %c0_i32 = arith.constant 0 : i32
    %c0_i32_0 = arith.constant 0 : i32
    return %arg0, %c0_i32 : i32, i32
  }
  func.func @transform_5(%arg0: i32) -> (i32, i32, i32) {
    %c0_i32 = arith.constant 0 : i32
    %c0_i32_0 = arith.constant 0 : i32
    %c0_i32_1 = arith.constant 0 : i32
    return %arg0, %c0_i32, %c0_i32_0 : i32, i32, i32
  }
  func.func @transform_6(%arg0: i32) -> (i32, i32, i32) {
    %c0_i32 = arith.constant 0 : i32
    %c0_i32_0 = arith.constant 0 : i32
    %c0_i32_1 = arith.constant 0 : i32
    return %arg0, %c0_i32, %c0_i32_0 : i32, i32, i32
  }
}

module attributes {stable_mosaic.version = 14 : i64} {
  func.func @_combine_body(%arg0: i32, %arg1: memref<2x1000x80xf32, #tpu.memory_space<vmem>>, %arg2: memref<1x64xf32, #tpu.memory_space<vmem>>, %arg3: memref<1000x64xf32, #tpu.memory_space<vmem>>) attributes {dimension_semantics = [#tpu.dimension_semantics<arbitrary>], iteration_bounds = array<i64: 10>, scalar_prefetch = 0 : i64, scratch_operands = 0 : i64, tpu.core_type = #tpu.core_type<tc>, window_params = [{transform_indices = @transform_0, window_bounds = array<i64: 2, 1000, 80>}, {pipeline_mode = #tpu.pipeline_mode<synchronous>, transform_indices = @transform_1, window_bounds = array<i64: 1, 64>}, {transform_indices = @transform_2, window_bounds = array<i64: 1000, 64>}]} {
    %get3A = arith.constant 0 : index
    %get3A_0 = arith.constant 0 : index
    %get3A_1 = arith.constant 0 : index
    %get3A_2 = vector.load %arg1[%get3A, %get3A_0, %get3A_1] : memref<2x1000x80xf32, #tpu.memory_space<vmem>>, vector<2x1000x80xf32>
    %slice3A = vector.extract_strided_slice %get3A_2 {offsets = [0, 0, 0], sizes = [1, 1000, 64], strides = [1, 1, 1]} : vector<2x1000x80xf32> to vector<1x1000x64xf32>
    %squeeze3A = vector.shape_cast %slice3A : vector<1x1000x64xf32> to vector<1000x64xf32>
    %slice3A_3 = vector.extract_strided_slice %get3A_2 {offsets = [1, 0, 0], sizes = [1, 1000, 64], strides = [1, 1, 1]} : vector<2x1000x80xf32> to vector<1x1000x64xf32>
    %squeeze3A_4 = vector.shape_cast %slice3A_3 : vector<1x1000x64xf32> to vector<1000x64xf32>
    %add3A = arith.addf %squeeze3A, %squeeze3A_4 : vector<1000x64xf32>
    %slice3A_5 = vector.extract_strided_slice %get3A_2 {offsets = [0, 0, 64], sizes = [1, 1000, 1], strides = [1, 1, 1]} : vector<2x1000x80xf32> to vector<1x1000x1xf32>
    %squeeze3A_6 = vector.shape_cast %slice3A_5 : vector<1x1000x1xf32> to vector<1000x1xf32>
    %slice3A_7 = vector.extract_strided_slice %get3A_2 {offsets = [1, 0, 64], sizes = [1, 1000, 1], strides = [1, 1, 1]} : vector<2x1000x80xf32> to vector<1x1000x1xf32>
    %squeeze3A_8 = vector.shape_cast %slice3A_7 : vector<1x1000x1xf32> to vector<1000x1xf32>
    %add3A_9 = arith.addf %squeeze3A_6, %squeeze3A_8 : vector<1000x1xf32>
    %add3A_10 = arith.constant 1.000000e-16 : f32
    %add3A_11 = vector.broadcast %add3A_10 : f32 to vector<1000x1xf32>
    %add3A_12 = arith.addf %add3A_9, %add3A_11 : vector<1000x1xf32>
    %div3A = vector.broadcast %add3A_12 : vector<1000x1xf32> to vector<1000x64xf32>
    %div3A_13 = arith.divf %add3A, %div3A : vector<1000x64xf32>
    %get3A_14 = arith.constant 0 : index
    %get3A_15 = arith.constant 0 : index
    %get3A_16 = vector.load %arg2[%get3A_14, %get3A_15] : memref<1x64xf32, #tpu.memory_space<vmem>>, vector<1x64xf32>
    %add3A_17 = vector.broadcast %get3A_16 : vector<1x64xf32> to vector<1000x64xf32>
    %add3A_18 = arith.addf %div3A_13, %add3A_17 : vector<1000x64xf32>
    %swap3A = arith.constant 0 : index
    %swap3A_19 = arith.constant 0 : index
    %swap3A_20 = vector.load %arg3[%swap3A, %swap3A_19] : memref<1000x64xf32, #tpu.memory_space<vmem>>, vector<1000x64xf32>
    tpu.vector_store %arg3[%swap3A, %swap3A_19], %add3A_18 {strides = array<i32>} : memref<1000x64xf32, #tpu.memory_space<vmem>>, vector<1000x64xf32>,
    return
  }
  func.func @transform_0(%arg0: i32) -> (i32, i32, i32) {
    %c0_i32 = arith.constant 0 : i32
    %c0_i32_0 = arith.constant 0 : i32
    %c0_i32_1 = arith.constant 0 : i32
    return %c0_i32, %arg0, %c0_i32_0 : i32, i32, i32
  }
  func.func @transform_1(%arg0: i32) -> (i32, i32) {
    %c0_i32 = arith.constant 0 : i32
    %c0_i32_0 = arith.constant 0 : i32
    %c0_i32_1 = arith.constant 0 : i32
    return %c0_i32, %c0_i32_0 : i32, i32
  }
  func.func @transform_2(%arg0: i32) -> (i32, i32) {
    %c0_i32 = arith.constant 0 : i32
    %c0_i32_0 = arith.constant 0 : i32
    return %arg0, %c0_i32 : i32, i32
  }
}

</mosaic_0001>

<sc_bundles>
// kernel: kernel.5.cloned.1.call-start
scs
__scs_entry_jumppad:
0x0: {  	(pc) =	sbr.rel $0x88, $3  }
0x1: {  	(tag) =	ssettag $0x0;
	lr =	simm.s32 $0x1  }
0x2: {  	[smem:$0x3F9B] =	sst lr;
	_ =	strace $0xD0000000  }
0x3: {  	_ = 	snop  }
0x4: {  	_ = 	snop  }
0x5: {  	_ = 	snop  }
0x6: {  	_ = 	snop  }
0x7: {  	_ = 	snop  }
__scs_overlays_trampoline_lowered:
0x8: {  	[smem:$0x3FAA] =	sst s0  }
0x9: {  	[smem:$0x3FAB] =	sst s1  }
0xa: {  	[smem:$0x3FAC] =	sst s2  }
0xb: {  	[smem:$0x3FAD] =	sst s3  }
0xc: {  	[smem:$0x3FAE] =	sst s4  }
0xd: {  	[smem:$0x3FAF] =	sst s5  }
0xe: {  	[smem:$0x3FB0] =	sst s6  }
0xf: {  	[smem:$0x3FB1] =	sst s7  }
0x10: {  	[smem:$0x3FB2] =	sst s8  }
0x11: {  	[smem:$0x3FB3] =	sst s9;
	s0 =	simm.s32 @!p0 $0x0  }
0x12: {  	s1 =	sld [smem:$0x3F99];
	s0 =	simm.s32 @p0 $0x1  }
0x13: {  	[smem:$0x3FB4] =	sst s0;
	s0 =	simm.s32 @!p1 $0x0  }
0x14: {  	s2 =	sld [smem:$0x3F98];
	s0 =	simm.s32 @p1 $0x1  }
0x15: {  	[smem:$0x3FB5] =	sst s0;
	s0 =	simm.s32 @!p2 $0x0  }
0x16: {  	s3 =	sld [smem:$0x3FDB];
	s0 =	simm.s32 @p2 $0x1  }
0x17: {  	s4 =	simm.s32 $0x1BF5;
	[smem:$0x3FB7] =	sst s0  }
0x18: {  	s0 =	sld [smem:$0x3F9A];
	_ =	swait.ge [sflag:s4], $0x0  }
0x19: {  	s7 =	sld [smem:$0x3F9B]  }
0x1a: {  	s8 =	sadd.s32 $0xFFFFE003, lr  }
0x1b: {  	s9 =	sadd.s32 $0xFFFFFEF7, lr;
	s5 =	simm.s32 $0xFFFFFFFF;
	p2 =	slt.u32 s8, $0xFFFFF086  }
0x1c: {  	p1 =	slt.u32 s9, $0xF7A;
	s5 =	simm.s32 @!p2 $0x0  }
0x1d: {  	s5 =	simm.s32 @p1 $0x1;
	p0 =	seq.s32 s7, s2  }
0x1e: {  	s7 =	smul.u32 @!p0 $0xF7A, s2;
	p2 =	seq.s32 @!p0 s5, $0x0  }
0x1f: {  	s9 =	smul.u32 $0xF7A, s1;
	s8 =	simm.s32 @!p0 $0x1BF5;
	p2 =	por !p2, p0  }
0x20: {  	[sflag:s8] =	ssyncset.s32 @!p0 $0xFFFFF086;
	s6 =	sadd.s32 @!p0 s3, s7;
	s7 =	simm.s32 @!p0 $0x108  }
0x21: {  	s3 =	sadd.s32 s3, s9;
	s6 =	sadd.s32 @!p0 $0x88, s6;
	s7 =	simm.s32 @p2 $0x1082  }
0x22: {  	[simem:s7], [sflag:s8] =	dma.local @!p0 [hbm:s6], $0xF7A  }
0x23: {  	s9 =	sor.u32 $0xD0000000, s2;
	s6 =	simm.s32 $0x108;
	_ =	swait.ge @!p0 [sflag:s8], $0x0  }
0x24: {  	s3 =	sadd.s32 $0x88, s3;
	s6 =	simm.s32 @!p1 $0x1082;
	[sflag:s4] =	ssyncset.s32 $0xFFFFF086  }
0x25: {  	[simem:s6], [sflag:s4] =	dma.local [hbm:s3], $0xF7A  }
0x26: {  	[smem:$0x3F9B] =	sst s1;
	(tag) =	ssettag s2;
	_ =	strace s9  }
0x27: {  	s1 =	sld [smem:$0x3FAB]  }
0x28: {  	s2 =	sld [smem:$0x3FAC]  }
0x29: {  	s4 =	sld [smem:$0x3FAE]  }
0x2a: {  	p0 =	seq.s32 s5, $0x0;
	s5 =	sld [smem:$0x3FAF]  }
0x2b: {  	s6 =	sld [smem:$0x3FB0]  }
0x2c: {  	s7 =	sld [smem:$0x3FB1]  }
0x2d: {  	s3 =	simm.s32 $0x108;
	s8 =	sld [smem:$0x3FB2]  }
0x2e: {  	s3 =	simm.s32 @!p0 $0x1082;
	s9 =	sld [smem:$0x3FB3]  }
0x2f: {  	lr =	sadd.s32 s0, s3;
	s0 =	sld [smem:$0x3FAA]  }
0x30: {  	s3 =	sld [smem:$0x3FAD]  }
0x31: {  	[smem:$0x3FB6] =	sst s10  }
0x32: {  	s10 =	sld [smem:$0x3FB4];
	_ =	sdelay $0x3  }
0x33: {  	p0 =	seq.s32 s10, $0x1;
	s10 =	sld [smem:$0x3FB6];
	_ =	sdelay $0x3  }
0x34: {  	[smem:$0x3FB6] =	sst s10  }
0x35: {  	s10 =	sld [smem:$0x3FB5];
	_ =	sdelay $0x3  }
0x36: {  	p1 =	seq.s32 s10, $0x1;
	s10 =	sld [smem:$0x3FB6];
	_ =	sdelay $0x3  }
0x37: {  	[smem:$0x3FB6] =	sst s10  }
0x38: {  	s10 =	sld [smem:$0x3FB7]  }
0x39: {  	_ = 	snop;
	(pc) =	sbr.ind lr, $3  }
0x3a: {  	_ = 	snop  }
0x3b: {  	_ = 	snop  }
0x3c: {  	p2 =	seq.s32 s10, $0x1;
	s10 =	sld [smem:$0x3FB6]  }
0x3d: {  	_ =	shalt  }
0x3e: {  	_ =	shalt  }
0x3f: {  	_ =	shalt  }
0x40: {  	_ =	shalt  }
0x41: {  	_ =	shalt  }
0x42: {  	_ =	shalt  }
0x43: {  	_ =	shalt  }
0x44: {  	_ =	shalt  }
0x45: {  	_ =	shalt  }
0x46: {  	_ =	shalt  }
0x47: {  	_ =	shalt  }
0x48: {  	_ =	shalt  }
0x49: {  	_ =	shalt  }
0x4a: {  	_ =	shalt  }
0x4b: {  	_ =	shalt  }
0x4c: {  	_ =	shalt  }
0x4d: {  	_ =	shalt  }
0x4e: {  	_ =	shalt  }
0x4f: {  	_ =	shalt  }
0x50: {  	_ =	shalt  }
0x51: {  	_ =	shalt  }
0x52: {  	_ =	shalt  }
0x53: {  	_ =	shalt  }
0x54: {  	_ =	shalt  }
0x55: {  	_ =	shalt  }
0x56: {  	_ =	shalt  }
0x57: {  	_ =	shalt  }
0x58: {  	_ =	shalt  }
0x59: {  	_ =	shalt  }
0x5a: {  	_ =	shalt  }
0x5b: {  	_ =	shalt  }
0x5c: {  	_ =	shalt  }
0x5d: {  	_ =	shalt  }
0x5e: {  	_ =	shalt  }
0x5f: {  	_ =	shalt  }
0x60: {  	_ =	shalt  }
0x61: {  	_ =	shalt  }
0x62: {  	_ =	shalt  }
0x63: {  	_ =	shalt  }
0x64: {  	_ =	shalt  }
0x65: {  	_ =	shalt  }
0x66: {  	_ =	shalt  }
0x67: {  	_ =	shalt  }
0x68: {  	_ =	shalt  }
0x69: {  	_ =	shalt  }
0x6a: {  	_ =	shalt  }
0x6b: {  	_ =	shalt  }
0x6c: {  	_ =	shalt  }
0x6d: {  	_ =	shalt  }
0x6e: {  	_ =	shalt  }
0x6f: {  	_ =	shalt  }
0x70: {  	_ =	shalt  }
0x71: {  	_ =	shalt  }
0x72: {  	_ =	shalt  }
0x73: {  	_ =	shalt  }
0x74: {  	_ =	shalt  }
0x75: {  	_ =	shalt  }
0x76: {  	_ =	shalt  }
0x77: {  	_ =	shalt  }
0x78: {  	_ =	shalt  }
0x79: {  	_ =	shalt  }
0x7a: {  	_ =	shalt  }
0x7b: {  	_ =	shalt  }
0x7c: {  	_ =	shalt  }
0x7d: {  	_ =	shalt  }
0x7e: {  	_ =	shalt  }
0x7f: {  	_ =	shalt  }
0x80: {  	_ =	shalt  }
0x81: {  	_ =	shalt  }
0x82: {  	_ =	shalt  }
0x83: {  	_ =	shalt  }
0x84: {  	_ =	shalt  }
0x85: {  	_ =	shalt  }
0x86: {  	_ =	shalt  }
0x87: {  	_ =	shalt  }
.Lfunc_end0:
.L_simem_size_0:
called_computation_lowered:
.L_overlay_start_0:
0x88: {  	s2 =	sld [smem:$0x3FD9]  }
0x89: {  	s3 =	sld [smem:$0x3FFE];
	_ =	sdelay $0x1  }
0x8a: {  	s1 =	srdreg.scid  }
0x8b: {  	s0 =	sand.u32 $0x1, s1  }
0x8c: {  	s17 =	sshll.u32 s0, $0xA;
	s2 =	sadd.s32 s3, s2  }
0x8d: {  	s2 =	sadd.s32 s2, s17  }
0x8e: {  	[smem:$0x3FC2] =	sst s2  }
0x8f: {  	_ = 	snop  }
0x90: {  	s2 =	sld [smem:$0x3FD0];
	(tm) =	ssettm $0x1  }
0x91: {  	s18 =	sld [smem:$0x3FFB];
	_ =	sdelay $0x3  }
0x92: {  	_ =	strace s18  }
0x93: {  	s3 =	sld [smem:$0x3FFC];
	_ =	sdelay $0x3  }
0x94: {  	_ =	strace s3  }
0x95: {  	s3 =	sld [smem:$0x3FFD];
	_ =	sdelay $0x3  }
0x96: {  	_ =	strace s3  }
0x97: {  	_ =	strace $0x8FFFFFFF  }
0x98: {  	s19 =	sld [smem:$0x3FDB];
	_ =	sdelay $0x1  }
0x99: {  	s4 =	simm.s32 $_scs_section_size  }
0x9a: {  	s5 =	simm.s32 $_size__tile_overlayer_lowered;
	s6 =	simm.s32 $_tile_overlayer_lowered  }
0x9b: {  	s22 =	simm.s32 $0x1BFF;
	s21 =	sshll.u32 s6, $0x1;
	s3 =	sadd.s32 s4, s19  }
0x9c: {  	s7 =	simm.s32 $0x0;
	s20 =	sshll.u32 s5, $0x1;
	s5 =	sadd.s32 s21, s3  }
0x9d: {  	[timem:s7], [sflag:s22] =	dma.local [hbm:s5], s20  }
0x9e: {  	_ =	swait.ge [sflag:s22], s20  }
0x9f: {  	s4 =	ssub.s32 $0x0, s20;
	[sflag:s22] =	ssyncset.done $0x0  }
0xa0: {  	[sflag:s22] =	ssyncadd.s32 s4;
	_ =	sdelay $0x1  }
0xa1: {  	s23 =	simm.s32 $0x1B8B  }
0xa2: {  	_ =	swait.ge [sflag:s23], $0x1  }
0xa3: {  	[sflag:s23] =	ssyncset.done $0x0  }
0xa4: {  	s25 =	simm.s32 $0x1B8E;
	s24 =	sld [smem:$0x3FFE];
	[sflag:s23] =	ssyncadd.s32 $0xFFFFFFFF  }
0xa5: {  	s26 =	simm.s32 $execute0_lowered;
	[smem:$0x3FD2] =	sst s25  }
0xa6: {  	s5 =	sshll.u32 s26, $0x1;
	_ =	strace $0x80000046;
	[dreg:$0x1] =	wrdreg $0xFFFFFFFF  }
0xa7: {  	s28 =	simm.s32 $_size_execute0_lowered;
	s3 =	sadd.s32 s3, s5;
	[dreg:$0x0] =	wrdreg $0x0  }
0xa8: {  	s5 =	sshll.u32 s28, $0x1;
	[dreg:$0x2] =	wrdreg s3  }
0xa9: {  	[dreg:$0x3] =	wrdreg s5  }
0xaa: {  	[dreg:$0x4] =	wrdreg $0xC0  }
0xab: {  	_ =	task [dreg:s7], $0x5FFFF  }
0xac: {  	[dreg:$0x1] =	wrdreg $0xFFFFFFFF  }
0xad: {  	[dreg:$0x0] =	wrdreg $0x60  }
0xae: {  	[dreg:$0x2] =	wrdreg s2  }
0xaf: {  	[dreg:$0x3] =	wrdreg s24  }
0xb0: {  	[dreg:$0x4] =	wrdreg $0xCC100  }
0xb1: {  	[dreg:$0x5] =	wrdreg $0x9  }
0xb2: {  	_ =	task.clear_ibuf [dreg:s7], $0x6FFFF;
	_ =	strace $0x90000046  }
0xb3: {  	s29 =	simm.s32 $0x9;
	_ =	strace $0x80000048  }
0xb4: {  	_ =	swait.ge [sflag:s29], $0x1  }
0xb5: {  	[sflag:s29] =	ssyncadd.s32 $0xFFFFFFFF  }
0xb6: {  	_ =	strace $0x90000048  }
0xb7: {  	_ =	sfence  }
0xb8: {  	s30 =	sld [smem:$0x0];
	_ =	sdelay $0x2  }
0xb9: {  	s31 =	sshll.u32 s1, $0xD;
	s1 =	sshrl.u32 s1, $0x2  }
0xba: {  	s3 =	sand.u32 $0x4000, s31;
	s1 =	sadd.s32 s1, s30  }
0xbb: {  	s0 =	sor.u32 s3, s0;
	s1 =	sshll.u32 s1, $0x11  }
0xbc: {  	s0 =	sor.u32 s1, s0  }
0xbd: {  	s0 =	sadd.s32 $0x8F2B, s0  }
0xbe: {  	[sflag:s0] =	ssyncadd.remote.s32 $0x1  }
0xbf: {  	_ =	sfence.sel $0xFFFF  }
0xc0: {  	[dreg:$0x0] =	wrdreg $0xFFFFFFFF;
	(pc) =	sbr.abs _section_cstart, $3  }
0xc1: {  	[dreg:$0x1] =	wrdreg $0xFFFFFFFF  }
0xc2: {  	_ =	task.clear_ibuf [dreg:s7], $0x2FFFF;
	_ =	strace $0x9FFFFFFF  }
0xc3: {  	(tm) =	ssettm $0x7FFFFFFF  }
tec
execute0_lowered:
.L_overlay_start_1:
0x0: {  	(tag) =	ssettag $0x1  }
0x1: {  	s0 =	srdreg.scid  }
0x2: {  	s1 =	stileid.u32;
	s31 =	rddreg [dreg:$0x2]  }
0x3: {  	s2 =	simm.s32 $0x0;
	s4 =	smul.u32 $0x13880, s1;
	s1 =	rddreg [dreg:$0x1]  }
0x4: {  	s0 =	sand.u32 $0x1, s0;
	[smem:$0x7FF] =	sst s2  }
0x5: {  	[smem:$0x7C7] =	sst s0;
	s3 =	ssub.s32 $0x2, s0  }
0x6: {  	s9 =	smul.u32 $0xC3500, s0;
	s8 =	sadd.s32 $0x14800, s1;
	s5 =	sshrl.u32 s3, $0x1  }
0x7: {  	s12 =	sadd.s32 $0xC80, s4;
	s14 =	sadd.s32 $0x1900, s4;
	s15 =	sadd.s32 $0x2580, s4  }
0x8: {  	s6 =	sadd.s32 s4, s9;
	s0 =	ssub.s32 s3, s5;
	[smem:$0x7C8] =	sst s12  }
0x9: {  	s7 =	sadd.s32 s9, s12;
	[smem:$0x7C9] =	sst s14;
	s11 =	sadd.s32 s9, s14  }
0xa: {  	[smem:$0x7CB] =	sst s15;
	s18 =	sadd.s32 s9, s15;
	s6 =	sshrl.u32 s6, $0x3  }
0xb: {  	[smem:$0x7E2] =	sst s0;
	s10 =	sshrl.u32 s7, $0x3;
	s13 =	sadd.s32 s8, s6  }
0xc: {  	s17 =	sshrl.u32 s11, $0x3;
	s16 =	sadd.s32 s8, s10;
	[dreg:$0x4] =	wrdreg s13  }
0xd: {  	s11 =	sshrl.u32 s18, $0x3;
	s19 =	sadd.s32 s8, s17;
	[dreg:$0x5] =	wrdreg s16  }
0xe: {  	s10 =	sadd.s32 $0x3200, s4;
	s20 =	sadd.s32 s8, s11;
	[dreg:$0x6] =	wrdreg s19  }
0xf: {  	s11 =	sadd.s32 $0x3E80, s4;
	[dreg:$0x7] =	wrdreg s20;
	s12 =	sadd.s32 s9, s10  }
0x10: {  	s14 =	sadd.s32 s9, s11;
	s13 =	sshrl.u32 s12, $0x3;
	s12 =	sadd.s32 $0x4B00, s4  }
0x11: {  	s22 =	sshrl.u32 s14, $0x3;
	s21 =	sadd.s32 s8, s13;
	s23 =	sadd.s32 s9, s12  }
0x12: {  	s24 =	sadd.s32 s8, s22;
	s13 =	sadd.s32 $0x5780, s4;
	[dreg:$0x8] =	wrdreg s21  }
0x13: {  	[dreg:$0x9] =	wrdreg s24;
	s14 =	sshrl.u32 s23, $0x3;
	s15 =	sadd.s32 s9, s13  }
0x14: {  	s25 =	sadd.s32 s8, s14;
	s14 =	sadd.s32 $0x6400, s4;
	s16 =	sshrl.u32 s15, $0x3  }
0x15: {  	s15 =	sadd.s32 $0x7080, s4;
	[dreg:$0xa] =	wrdreg s25;
	s17 =	sadd.s32 s9, s14  }
0x16: {  	s26 =	sadd.s32 s8, s16;
	s29 =	sadd.s32 s9, s15;
	s16 =	sadd.s32 $0x7D00, s4  }
0x17: {  	[dreg:$0xb] =	wrdreg s26;
	s28 =	sshrl.u32 s17, $0x3;
	s17 =	sshrl.u32 s29, $0x3  }
0x18: {  	s18 =	sadd.s32 s9, s16;
	s30 =	sadd.s32 s8, s28;
	s3 =	sadd.s32 s8, s17  }
0x19: {  	s17 =	sadd.s32 $0x8980, s4;
	s19 =	sshrl.u32 s18, $0x3;
	s18 =	sadd.s32 $0x9600, s4  }
0x1a: {  	[dreg:$0xc] =	wrdreg s30;
	s20 =	sadd.s32 s9, s17;
	s7 =	sadd.s32 s9, s18  }
0x1b: {  	[dreg:$0xd] =	wrdreg s3;
	s6 =	sshrl.u32 s20, $0x3;
	s20 =	sshrl.u32 s7, $0x3  }
0x1c: {  	s5 =	sadd.s32 s8, s19;
	s19 =	sadd.s32 s8, s6;
	s21 =	sadd.s32 s8, s20  }
0x1d: {  	s20 =	sadd.s32 $0xAF00, s4;
	[dreg:$0xf] =	wrdreg s19;
	s19 =	sadd.s32 $0xA280, s4  }
0x1e: {  	[dreg:$0x10] =	wrdreg s21;
	s23 =	sadd.s32 s9, s20;
	s21 =	sadd.s32 s9, s19  }
0x1f: {  	[dreg:$0xe] =	wrdreg s5;
	s24 =	sshrl.u32 s23, $0x3;
	s22 =	sshrl.u32 s21, $0x3  }
0x20: {  	s21 =	sadd.s32 $0xBB80, s4;
	s26 =	sadd.s32 s8, s24;
	s24 =	sadd.s32 $0xD480, s4  }
0x21: {  	s22 =	sadd.s32 s8, s22;
	s25 =	sadd.s32 s9, s21;
	[dreg:$0x12] =	wrdreg s26  }
0x22: {  	[dreg:$0x11] =	wrdreg s22;
	s23 =	sshrl.u32 s25, $0x3;
	s22 =	sadd.s32 $0xC800, s4  }
0x23: {  	s25 =	sadd.s32 s9, s24;
	s28 =	sadd.s32 s8, s23;
	s29 =	sadd.s32 s9, s22  }
0x24: {  	s3 =	sshrl.u32 s25, $0x3;
	s25 =	sadd.s32 $0xED80, s4;
	[dreg:$0x13] =	wrdreg s28  }
0x25: {  	s23 =	sshrl.u32 s29, $0x3;
	s29 =	sadd.s32 $0xE100, s4;
	s6 =	sadd.s32 s8, s3  }
0x26: {  	s30 =	sadd.s32 s8, s23;
	s5 =	sadd.s32 s9, s29;
	[dreg:$0x15] =	wrdreg s6  }
0x27: {  	s26 =	sadd.s32 s9, s25;
	[dreg:$0x14] =	wrdreg s30;
	s7 =	sshrl.u32 s5, $0x3  }
0x28: {  	s30 =	sadd.s32 $0xFA00, s4;
	s23 =	sadd.s32 s8, s7;
	s7 =	sadd.s32 $0x10680, s4  }
0x29: {  	[dreg:$0x16] =	wrdreg s23;
	s23 =	sshrl.u32 s26, $0x3;
	s26 =	sadd.s32 s9, s30  }
0x2a: {  	s3 =	sadd.s32 s9, s7;
	s28 =	sadd.s32 s8, s23;
	s0 =	sshrl.u32 s26, $0x3  }
0x2b: {  	s6 =	sshrl.u32 s3, $0x3;
	[dreg:$0x17] =	wrdreg s28;
	s5 =	sadd.s32 s8, s0  }
0x2c: {  	s28 =	sadd.s32 $0x11300, s4;
	s26 =	sadd.s32 s8, s6;
	[dreg:$0x18] =	wrdreg s5  }
0x2d: {  	s6 =	sadd.s32 $0x11F80, s4;
	[dreg:$0x19] =	wrdreg s26;
	s3 =	sadd.s32 s9, s28  }
0x2e: {  	s26 =	sadd.s32 s9, s6;
	s23 =	sshrl.u32 s3, $0x3;
	s3 =	sadd.s32 $0x12C00, s4  }
0x2f: {  	s5 =	sadd.s32 s8, s23;
	s23 =	sshrl.u32 s26, $0x3;
	s26 =	rddreg [dreg:$0x0]  }
0x30: {  	s9 =	sadd.s32 s9, s3;
	[dreg:$0x1a] =	wrdreg s5;
	s23 =	sadd.s32 s8, s23  }
0x31: {  	s9 =	sshrl.u32 s9, $0x3;
	[dreg:$0x1b] =	wrdreg s23  }
0x32: {  	s8 =	sadd.s32 s8, s9;
	s23 =	sld [smem:$0x7C7]  }
0x33: {  	s4 =	sadd.s32 s4, s31;
	[dreg:$0x1c] =	wrdreg s8  }
0x34: {  	s10 =	sadd.s32 s10, s31;
	_ =	strace $0x80000047;
	[dreg:$0x1e] =	wrdreg s4  }
0x35: {  	s11 =	sadd.s32 s11, s31;
	[smem:$0x7CD] =	sst s10  }
0x36: {  	s12 =	sadd.s32 s12, s31;
	[smem:$0x7CE] =	sst s11  }
0x37: {  	s3 =	sadd.s32 s3, s31;
	[smem:$0x7CF] =	sst s12  }
0x38: {  	[smem:$0x7E1] =	sst s3  }
0x39: {  	s10 =	sadd.s32 s15, s31;
	s8 =	sshll.u32 s23, $0x4;
	s23 =	sld [smem:$0x7C9]  }
0x3a: {  	s11 =	sadd.s32 s16, s31;
	[smem:$0x7D2] =	sst s10  }
0x3b: {  	s12 =	sadd.s32 s17, s31;
	[smem:$0x7D3] =	sst s11  }
0x3c: {  	s15 =	sadd.s32 s20, s31;
	[smem:$0x7D4] =	sst s12  }
0x3d: {  	s16 =	sadd.s32 s21, s31;
	[smem:$0x7D7] =	sst s15  }
0x3e: {  	s17 =	sadd.s32 s22, s31;
	[smem:$0x7D8] =	sst s16  }
0x3f: {  	s5 =	stileid.u32;
	s20 =	sadd.s32 s25, s31;
	[smem:$0x7D9] =	sst s17  }
0x40: {  	s0 =	smul.u32 $0x4E200, s5;
	s21 =	sadd.s32 s30, s31;
	[smem:$0x7DC] =	sst s20  }
0x41: {  	s22 =	sadd.s32 s7, s31;
	[smem:$0x7DD] =	sst s21  }
0x42: {  	s0 =	sshrl.u32 s0, $0x2;
	[smem:$0x7DE] =	sst s22  }
0x43: {  	s9 =	sadd.s32 s0, s31;
	s25 =	sld [smem:$0x7E2]  }
0x44: {  	s8 =	sor.u32 s5, s8;
	[dreg:$0x1d] =	wrdreg s9  }
0x45: {  	s30 =	sadd.s32 $0xC80, s9;
	s0 =	smul.u32 $0x5, s8;
	s8 =	sld [smem:$0x7C8]  }
0x46: {  	s7 =	sadd.s32 $0x3200, s9;
	[smem:$0x7E6] =	sst s30  }
0x47: {  	s10 =	sadd.s32 $0x4B00, s9;
	[smem:$0x7E9] =	sst s7  }
0x48: {  	s11 =	sadd.s32 $0x5780, s9;
	[smem:$0x7EB] =	sst s10  }
0x49: {  	s12 =	sadd.s32 $0x6400, s9;
	[smem:$0x7EC] =	sst s11  }
0x4a: {  	s15 =	sadd.s32 $0x8980, s9;
	[smem:$0x7ED] =	sst s12  }
0x4b: {  	s16 =	sadd.s32 $0x9600, s9;
	[smem:$0x7F0] =	sst s15  }
0x4c: {  	s17 =	sadd.s32 $0xA280, s9;
	[smem:$0x7F1] =	sst s16  }
0x4d: {  	s20 =	sadd.s32 $0xC800, s9;
	[smem:$0x7F2] =	sst s17  }
0x4e: {  	s21 =	sadd.s32 $0xD480, s9;
	[smem:$0x7F5] =	sst s20  }
0x4f: {  	s5 =	stileid.u32;
	s22 =	sadd.s32 $0xE100, s9;
	[smem:$0x7F6] =	sst s21  }
0x50: {  	p0 =	sgt.u32 s5, $0x9;
	s5 =	sadd.s32 $0x2580, s9;
	[smem:$0x7F7] =	sst s22  }
0x51: {  	s30 =	sadd.s32 $0x12C00, s9;
	[smem:$0x7E8] =	sst s5  }
0x52: {  	s3 =	smax.u32 s25, $0x1;
	[smem:$0x7FD] =	sst s30  }
0x53: {  	s25 =	sadd.s32 $0x10680, s9;
	[smem:$0x7E3] =	sst s3  }
0x54: {  	[smem:$0x7FA] =	sst s25  }
0x55: {  	s4 =	sadd.s32 s8, s31;
	s8 =	sld [smem:$0x7CB]  }
0x56: {  	[dreg:$0x1f] =	wrdreg s4;
	s4 =	sadd.s32 s23, s31  }
0x57: {  	s23 =	sadd.s32 s13, s31;
	[smem:$0x7CA] =	sst s4  }
0x58: {  	s13 =	sadd.s32 s18, s31;
	[smem:$0x7D0] =	sst s23  }
0x59: {  	s18 =	sadd.s32 s24, s31;
	[smem:$0x7D5] =	sst s13  }
0x5a: {  	s24 =	sadd.s32 s6, s31;
	[smem:$0x7DA] =	sst s18  }
0x5b: {  	s23 =	sadd.s32 s28, s31;
	[smem:$0x7E0] =	sst s24  }
0x5c: {  	s28 =	sadd.s32 $0x13C00, s1;
	[smem:$0x7DF] =	sst s23  }
0x5d: {  	s10 =	simm.s32 $0x3;
	s13 =	sadd.s32 $0x7080, s9;
	[smem:$0x7E4] =	sst s28  }
0x5e: {  	s11 =	simm.s32 $0x2710;
	s18 =	sadd.s32 $0xAF00, s9;
	[smem:$0x7EE] =	sst s13  }
0x5f: {  	s12 =	simm.s32 $0xBF90;
	s24 =	sadd.s32 $0xFA00, s9;
	[smem:$0x7F3] =	sst s18  }
0x60: {  	s15 =	simm.s32 $0x50;
	s4 =	sadd.s32 s8, s31;
	[smem:$0x7F9] =	sst s24  }
0x61: {  	s16 =	simm.s32 $0x7990;
	s8 =	sadd.s32 s14, s31;
	[smem:$0x7CC] =	sst s4  }
0x62: {  	s17 =	simm.s32 $0x1;
	s14 =	sadd.s32 s19, s31;
	[smem:$0x7D1] =	sst s8  }
0x63: {  	s20 =	simm.s32 $0xA690;
	s19 =	sadd.s32 s29, s31;
	[smem:$0x7D6] =	sst s14  }
0x64: {  	s21 =	simm.s32 $0x2;
	s29 =	sadd.s32 $0x14200, s1;
	[smem:$0x7DB] =	sst s19  }
0x65: {  	s22 =	simm.s32 $0x5D70;
	s23 =	sadd.s32 $0xED80, s9;
	[smem:$0x7E5] =	sst s29  }
0x66: {  	s6 =	sadd.s32 $0x9E00, s1;
	s28 =	sadd.s32 $0x11300, s9;
	[smem:$0x7F8] =	sst s23  }
0x67: {  	s13 =	simm.s32 $0x4E20;
	s4 =	sadd.s32 $0x1900, s9;
	[smem:$0x7FB] =	sst s28  }
.Ltmp0:
0x68: {  	s8 =	sadd.s32 $0x3E80, s9;
	[smem:$0x7E7] =	sst s4;
	(pc) =	sbr.rel .LBB2_1-.Ltmp0, $4  }
0x69: {  	s18 =	simm.s32 $0x6590;
	s14 =	sadd.s32 $0x7D00, s9;
	[smem:$0x7EA] =	sst s8  }
0x6a: {  	s24 =	simm.s32 $0x0;
	s19 =	sadd.s32 $0xBB80, s9;
	[smem:$0x7EF] =	sst s14  }
0x6b: {  	v0 =	vimm.f32 $0.0e+00;
	vm0 =	vcmask $0x300;
	s29 =	sadd.s32 $0x11F80, s9;
	s23 =	simm.s32 $0x0;
	[smem:$0x7F4] =	sst s19  }
0x6c: {  	v1 =	vsel vm0, $0x3F800000, v0;
	[smem:$0x7FC] =	sst s29;
	s14 =	simm.s32 $0x55F0;
	s19 =	simm.s32 $0x8D90  }
.LBB2_19:
0x6d: {  	s3 =	sld [smem:$0x7E3];
	_ =	sdelay $0x1  }
0x6e: {  	s23 =	sadd.s32 $0x1, s23  }
0x6f: {  	p1 =	sne.s32 s23, s3  }
.Ltmp1:
0x70: {  	_ = 	snop;
	(pc) =	sbr.rel @!p1 .LBB2_20-.Ltmp1, $1  }
0x71: {  	_ =	sdelay $0x3  }
.LBB2_1:
0x72: {  	s3 =	sld [smem:$0x7E4];
	_ =	sdelay $0x2  }
0x73: {  	[tilespmem:s2], [sflag:$0x3] =	stream.linear.gather [hbm4b:s3+s2], $0x2710, $0x38;
	[tilespmem:$0x18F60] =	vst v63  }
0x74: {  	_ =	swait.ge [sflag:s10], $0x2710  }
0x75: {  	s30 =	sld [smem:$0x7E5]  }
0x76: {  	[sflag:s10] =	ssyncset.done $0x0  }
.Ltmp2:
0x77: {  	[sflag:s10] =	ssyncadd.s32 $0xFFFFD8F0;
	(pc) =	sbr.rel @p0 .LBB2_5-.Ltmp2, $4  }
0x78: {  	[tilespmem:s11], [sflag:$0x3] =	stream.linear.gather [hbm4b:s30+s2], $0x2710, $0x38;
	[tilespmem:$0x18F60] =	vst v63  }
0x79: {  	_ =	swait.ge [sflag:s10], $0x2710  }
0x7a: {  	[sflag:s10] =	ssyncset.done $0x0  }
0x7b: {  	[sflag:s10] =	ssyncadd.s32 $0xFFFFD8F0  }
0x7c: {  	s4 =	simm.s32 $0x140;
	s3 =	simm.s32 $0x0  }
.LBB2_3:
0x7d: {  	p1 =	sne.s32 s4, $0x30C0;
	[tilespmem:s3+$0xBFD0] =	vst v0;
	s5 =	smov.u32 s4;
	s4 =	sadd.s32 $0x140, s4  }
.Ltmp3:
0x7e: {  	[tilespmem:s3+$0xBFC0] =	vst v0;
	(pc) =	sbr.rel @p1 .LBB2_3-.Ltmp3, $4  }
0x7f: {  	[tilespmem:s3+$0xBFB0] =	vst v0  }
0x80: {  	[tilespmem:s3+$0xBF90] =	vst v0  }
0x81: {  	[tilespmem:s3+$0xBFA0] =	vst v0  }
0x82: {  	s3 =	sshra.s32 s5, $0x2  }
0x83: {  	[tilespmem:s3+$0xBFD0] =	vst v0  }
0x84: {  	[tilespmem:s3+$0xBFC0] =	vst v0  }
0x85: {  	[tilespmem:s3+$0xBFB0] =	vst v0  }
0x86: {  	[tilespmem:s3+$0xBF90] =	vst v0  }
0x87: {  	[tilespmem:s3+$0xBFA0] =	vst v0;
	s7 =	rddreg [dreg:$0x1d]  }
0x88: {  	[spmem:s7] =	stream.linear.scatter [tilespmem:s12], [sflag:$0x3], $0xC80, $0x38;
	[tilespmem:$0x18F60] =	vst v63  }
0x89: {  	_ =	swait.ge [sflag:s10], $0xC80  }
0x8a: {  	s8 =	sld [smem:$0x7E6]  }
0x8b: {  	[sflag:s10] =	ssyncset.done $0x0  }
0x8c: {  	[sflag:s10] =	ssyncadd.s32 $0xFFFFF380  }
0x8d: {  	[spmem:s8] =	stream.linear.scatter [tilespmem:s12], [sflag:$0x3], $0xC80, $0x38;
	[tilespmem:$0x18F60] =	vst v63  }
0x8e: {  	_ =	swait.ge [sflag:s10], $0xC80  }
0x8f: {  	s9 =	sld [smem:$0x7E7]  }
0x90: {  	[sflag:s10] =	ssyncset.done $0x0  }
0x91: {  	[sflag:s10] =	ssyncadd.s32 $0xFFFFF380  }
0x92: {  	[spmem:s9] =	stream.linear.scatter [tilespmem:s12], [sflag:$0x3], $0xC80, $0x38;
	[tilespmem:$0x18F60] =	vst v63  }
0x93: {  	_ =	swait.ge [sflag:s10], $0xC80  }
0x94: {  	s25 =	sld [smem:$0x7E8]  }
0x95: {  	[sflag:s10] =	ssyncset.done $0x0  }
0x96: {  	[sflag:s10] =	ssyncadd.s32 $0xFFFFF380  }
0x97: {  	[spmem:s25] =	stream.linear.scatter [tilespmem:s12], [sflag:$0x3], $0xC80, $0x38;
	[tilespmem:$0x18F60] =	vst v63  }
0x98: {  	_ =	swait.ge [sflag:s10], $0xC80  }
0x99: {  	s28 =	sld [smem:$0x7E9]  }
0x9a: {  	[sflag:s10] =	ssyncset.done $0x0  }
0x9b: {  	[sflag:s10] =	ssyncadd.s32 $0xFFFFF380  }
0x9c: {  	[spmem:s28] =	stream.linear.scatter [tilespmem:s12], [sflag:$0x3], $0xC80, $0x38;
	[tilespmem:$0x18F60] =	vst v63  }
0x9d: {  	_ =	swait.ge [sflag:s10], $0xC80  }
0x9e: {  	s29 =	sld [smem:$0x7EA]  }
0x9f: {  	[sflag:s10] =	ssyncset.done $0x0  }
0xa0: {  	[sflag:s10] =	ssyncadd.s32 $0xFFFFF380  }
0xa1: {  	[spmem:s29] =	stream.linear.scatter [tilespmem:s12], [sflag:$0x3], $0xC80, $0x38;
	[tilespmem:$0x18F60] =	vst v63  }
0xa2: {  	_ =	swait.ge [sflag:s10], $0xC80  }
0xa3: {  	s30 =	sld [smem:$0x7EB]  }
0xa4: {  	[sflag:s10] =	ssyncset.done $0x0  }
0xa5: {  	[sflag:s10] =	ssyncadd.s32 $0xFFFFF380  }
0xa6: {  	[spmem:s30] =	stream.linear.scatter [tilespmem:s12], [sflag:$0x3], $0xC80, $0x38;
	[tilespmem:$0x18F60] =	vst v63  }
0xa7: {  	_ =	swait.ge [sflag:s10], $0xC80  }
0xa8: {  	s4 =	sld [smem:$0x7EC]  }
0xa9: {  	[sflag:s10] =	ssyncset.done $0x0  }
0xaa: {  	[sflag:s10] =	ssyncadd.s32 $0xFFFFF380  }
0xab: {  	[spmem:s4] =	stream.linear.scatter [tilespmem:s12], [sflag:$0x3], $0xC80, $0x38;
	[tilespmem:$0x18F60] =	vst v63  }
0xac: {  	_ =	swait.ge [sflag:s10], $0xC80  }
0xad: {  	s5 =	sld [smem:$0x7ED]  }
0xae: {  	[sflag:s10] =	ssyncset.done $0x0  }
0xaf: {  	[sflag:s10] =	ssyncadd.s32 $0xFFFFF380  }
0xb0: {  	[spmem:s5] =	stream.linear.scatter [tilespmem:s12], [sflag:$0x3], $0xC80, $0x38;
	[tilespmem:$0x18F60] =	vst v63  }
0xb1: {  	_ =	swait.ge [sflag:s10], $0xC80  }
0xb2: {  	s7 =	sld [smem:$0x7EE]  }
0xb3: {  	[sflag:s10] =	ssyncset.done $0x0  }
0xb4: {  	[sflag:s10] =	ssyncadd.s32 $0xFFFFF380  }
0xb5: {  	[spmem:s7] =	stream.linear.scatter [tilespmem:s12], [sflag:$0x3], $0xC80, $0x38;
	[tilespmem:$0x18F60] =	vst v63  }
0xb6: {  	_ =	swait.ge [sflag:s10], $0xC80  }
0xb7: {  	s8 =	sld [smem:$0x7EF]  }
0xb8: {  	[sflag:s10] =	ssyncset.done $0x0  }
0xb9: {  	[sflag:s10] =	ssyncadd.s32 $0xFFFFF380  }
0xba: {  	[spmem:s8] =	stream.linear.scatter [tilespmem:s12], [sflag:$0x3], $0xC80, $0x38;
	[tilespmem:$0x18F60] =	vst v63  }
0xbb: {  	_ =	swait.ge [sflag:s10], $0xC80  }
0xbc: {  	s9 =	sld [smem:$0x7F0]  }
0xbd: {  	[sflag:s10] =	ssyncset.done $0x0  }
0xbe: {  	[sflag:s10] =	ssyncadd.s32 $0xFFFFF380  }
0xbf: {  	[spmem:s9] =	stream.linear.scatter [tilespmem:s12], [sflag:$0x3], $0xC80, $0x38;
	[tilespmem:$0x18F60] =	vst v63  }
0xc0: {  	_ =	swait.ge [sflag:s10], $0xC80  }
0xc1: {  	s25 =	sld [smem:$0x7F1]  }
0xc2: {  	[sflag:s10] =	ssyncset.done $0x0  }
0xc3: {  	[sflag:s10] =	ssyncadd.s32 $0xFFFFF380  }
0xc4: {  	[spmem:s25] =	stream.linear.scatter [tilespmem:s12], [sflag:$0x3], $0xC80, $0x38;
	[tilespmem:$0x18F60] =	vst v63  }
0xc5: {  	_ =	swait.ge [sflag:s10], $0xC80  }
0xc6: {  	s28 =	sld [smem:$0x7F2]  }
0xc7: {  	[sflag:s10] =	ssyncset.done $0x0  }
0xc8: {  	[sflag:s10] =	ssyncadd.s32 $0xFFFFF380  }
0xc9: {  	[spmem:s28] =	stream.linear.scatter [tilespmem:s12], [sflag:$0x3], $0xC80, $0x38;
	[tilespmem:$0x18F60] =	vst v63  }
0xca: {  	_ =	swait.ge [sflag:s10], $0xC80  }
0xcb: {  	s29 =	sld [smem:$0x7F3]  }
0xcc: {  	[sflag:s10] =	ssyncset.done $0x0  }
0xcd: {  	[sflag:s10] =	ssyncadd.s32 $0xFFFFF380  }
0xce: {  	[spmem:s29] =	stream.linear.scatter [tilespmem:s12], [sflag:$0x3], $0xC80, $0x38;
	[tilespmem:$0x18F60] =	vst v63  }
0xcf: {  	_ =	swait.ge [sflag:s10], $0xC80  }
0xd0: {  	s30 =	sld [smem:$0x7F4]  }
0xd1: {  	[sflag:s10] =	ssyncset.done $0x0  }
0xd2: {  	[sflag:s10] =	ssyncadd.s32 $0xFFFFF380  }
0xd3: {  	[spmem:s30] =	stream.linear.scatter [tilespmem:s12], [sflag:$0x3], $0xC80, $0x38;
	[tilespmem:$0x18F60] =	vst v63  }
0xd4: {  	_ =	swait.ge [sflag:s10], $0xC80  }
0xd5: {  	s4 =	sld [smem:$0x7F5]  }
0xd6: {  	[sflag:s10] =	ssyncset.done $0x0  }
0xd7: {  	[sflag:s10] =	ssyncadd.s32 $0xFFFFF380  }
0xd8: {  	[spmem:s4] =	stream.linear.scatter [tilespmem:s12], [sflag:$0x3], $0xC80, $0x38;
	[tilespmem:$0x18F60] =	vst v63  }
0xd9: {  	_ =	swait.ge [sflag:s10], $0xC80  }
0xda: {  	s5 =	sld [smem:$0x7F6]  }
0xdb: {  	[sflag:s10] =	ssyncset.done $0x0  }
0xdc: {  	[sflag:s10] =	ssyncadd.s32 $0xFFFFF380  }
0xdd: {  	[spmem:s5] =	stream.linear.scatter [tilespmem:s12], [sflag:$0x3], $0xC80, $0x38;
	[tilespmem:$0x18F60] =	vst v63  }
0xde: {  	_ =	swait.ge [sflag:s10], $0xC80  }
0xdf: {  	s7 =	sld [smem:$0x7F7]  }
0xe0: {  	[sflag:s10] =	ssyncset.done $0x0  }
0xe1: {  	[sflag:s10] =	ssyncadd.s32 $0xFFFFF380  }
0xe2: {  	[spmem:s7] =	stream.linear.scatter [tilespmem:s12], [sflag:$0x3], $0xC80, $0x38;
	[tilespmem:$0x18F60] =	vst v63  }
0xe3: {  	_ =	swait.ge [sflag:s10], $0xC80  }
0xe4: {  	s8 =	sld [smem:$0x7F8]  }
0xe5: {  	[sflag:s10] =	ssyncset.done $0x0  }
0xe6: {  	[sflag:s10] =	ssyncadd.s32 $0xFFFFF380  }
0xe7: {  	[spmem:s8] =	stream.linear.scatter [tilespmem:s12], [sflag:$0x3], $0xC80, $0x38;
	[tilespmem:$0x18F60] =	vst v63  }
0xe8: {  	_ =	swait.ge [sflag:s10], $0xC80  }
0xe9: {  	s9 =	sld [smem:$0x7F9]  }
0xea: {  	[sflag:s10] =	ssyncset.done $0x0  }
0xeb: {  	[sflag:s10] =	ssyncadd.s32 $0xFFFFF380  }
0xec: {  	[spmem:s9] =	stream.linear.scatter [tilespmem:s12], [sflag:$0x3], $0xC80, $0x38;
	[tilespmem:$0x18F60] =	vst v63  }
0xed: {  	_ =	swait.ge [sflag:s10], $0xC80  }
0xee: {  	s25 =	sld [smem:$0x7FA]  }
0xef: {  	[sflag:s10] =	ssyncset.done $0x0  }
0xf0: {  	[sflag:s10] =	ssyncadd.s32 $0xFFFFF380  }
0xf1: {  	[spmem:s25] =	stream.linear.scatter [tilespmem:s12], [sflag:$0x3], $0xC80, $0x38;
	[tilespmem:$0x18F60] =	vst v63  }
0xf2: {  	_ =	swait.ge [sflag:s10], $0xC80  }
0xf3: {  	s28 =	sld [smem:$0x7FB]  }
0xf4: {  	[sflag:s10] =	ssyncset.done $0x0  }
0xf5: {  	[sflag:s10] =	ssyncadd.s32 $0xFFFFF380  }
0xf6: {  	[spmem:s28] =	stream.linear.scatter [tilespmem:s12], [sflag:$0x3], $0xC80, $0x38;
	[tilespmem:$0x18F60] =	vst v63  }
0xf7: {  	_ =	swait.ge [sflag:s10], $0xC80  }
0xf8: {  	s29 =	sld [smem:$0x7FC]  }
0xf9: {  	[sflag:s10] =	ssyncset.done $0x0  }
0xfa: {  	[sflag:s10] =	ssyncadd.s32 $0xFFFFF380  }
0xfb: {  	[spmem:s29] =	stream.linear.scatter [tilespmem:s12], [sflag:$0x3], $0xC80, $0x38;
	[tilespmem:$0x18F60] =	vst v63  }
0xfc: {  	_ =	swait.ge [sflag:s10], $0xC80  }
0xfd: {  	s30 =	sld [smem:$0x7FD]  }
0xfe: {  	[sflag:s10] =	ssyncset.done $0x0  }
0xff: {  	[sflag:s10] =	ssyncadd.s32 $0xFFFFF380  }
0x100: {  	[spmem:s30] =	stream.linear.scatter [tilespmem:s12], [sflag:$0x3], $0xC80, $0x38;
	[tilespmem:$0x18F60] =	vst v63  }
0x101: {  	_ =	swait.ge [sflag:s10], $0xC80  }
0x102: {  	[sflag:s10] =	ssyncset.done $0x0  }
0x103: {  	[sflag:s10] =	ssyncadd.s32 $0xFFFFF380  }
.LBB2_5:
0x104: {  	[bflag:$0x0] =	sbarrier.arrive $0xFFFF;
	s25 =	simm.s32 $0x0  }
.LBB2_6:
0x105: {  	s3 =	sadd.s32 s0, s25  }
0x106: {  	s3 =	smul.u32 $0xFA, s3;
	_ =	sdelay $0x1  }
0x107: {  	s4 =	sadd.s32 s6, s3  }
0x108: {  	[tilespmem:s13], [sflag:$0x3] =	stream.linear.gather [hbm4b:s4+s24], $0x7D0, $0x38;
	[tilespmem:$0x18F60] =	vst v63  }
0x109: {  	_ =	swait.ge [sflag:s10], $0x7D0  }
0x10a: {  	[sflag:s10] =	ssyncset.done $0x0  }
0x10b: {  	s3 =	sadd.s32 s1, s3;
	[sflag:s10] =	ssyncadd.s32 $0xFFFFF830  }
0x10c: {  	[tilespmem:s14], [sflag:$0x3] =	stream.linear.gather [hbm4b:s3+s24], $0x7D0, $0x38;
	[tilespmem:$0x18F60] =	vst v63  }
0x10d: {  	_ =	swait.ge [sflag:s10], $0x7D0  }
0x10e: {  	[sflag:s10] =	ssyncset.done $0x0  }
0x10f: {  	s7 =	simm.s32 $0x0;
	[sflag:s10] =	ssyncadd.s32 $0xFFFFF830  }
0x110: {  	v2 =	vld [tilespmem:s7+$0x4E20]  }
0x111: {  	v3 =	vld [tilespmem:s7+$0x55F0];
	_ =	sdelay $0x6  }
0x112: {  	v2 =	vld.idx.msk [tilespmem:v2+s2+$0x0], $0xffff  }
0x113: {  	v3 =	vld.idx.msk [tilespmem:v3+s11+$0x0], $0xffff;
	_ =	sdelay $0x4  }
0x114: {  	v2 =	vadd.f32 v3, v2;
	_ =	sdelay $0x1  }
0x115: {  	v3 =	vmul.f32 $2.000000030e-01, v2  }
0x116: {  	vm0 =	vge.f32 v2, $0.0e+00  }
0x117: {  	v2 =	vsel vm0, v2, v3  }
0x118: {  	v2 =	vmul.f32 $1.442695020e+00, v2;
	_ =	sdelay $0x1  }
0x119: {  	(erf) = vpow2.f32 v2;
	_ =	sdelay $0x2  }
0x11a: {  	v2 =	vld [tilespmem:s7+$0x4E30]  }
0x11b: {  	v3 =	vld [tilespmem:s7+$0x5600];
	_ =	sdelay $0x4  }
0x11c: {  	v4 =	vpop (erf)  }
0x11d: {  	[tilespmem:s7+$0x5DC0] =	vst v4  }
0x11e: {  	v2 =	vld.idx.msk [tilespmem:v2+s2+$0x0], $0xffff  }
0x11f: {  	v3 =	vld.idx.msk [tilespmem:v3+s11+$0x0], $0xffff;
	_ =	sdelay $0x4  }
0x120: {  	v2 =	vadd.f32 v3, v2;
	_ =	sdelay $0x1  }
0x121: {  	v3 =	vmul.f32 $2.000000030e-01, v2  }
0x122: {  	vm12 =	vge.f32 v2, $0.0e+00  }
0x123: {  	v2 =	vsel vm12, v2, v3  }
0x124: {  	v2 =	vmul.f32 $1.442695020e+00, v2;
	_ =	sdelay $0x1  }
0x125: {  	(erf) = vpow2.f32 v2;
	_ =	sdelay $0x2  }
0x126: {  	v2 =	vld [tilespmem:s7+$0x4E40]  }
0x127: {  	v3 =	vld [tilespmem:s7+$0x5610];
	_ =	sdelay $0x4  }
0x128: {  	v4 =	vpop (erf)  }
0x129: {  	[tilespmem:s7+$0x5DD0] =	vst v4  }
0x12a: {  	v2 =	vld.idx.msk [tilespmem:v2+s2+$0x0], $0xffff  }
0x12b: {  	v3 =	vld.idx.msk [tilespmem:v3+s11+$0x0], $0xffff;
	_ =	sdelay $0x4  }
0x12c: {  	v2 =	vadd.f32 v3, v2;
	_ =	sdelay $0x1  }
0x12d: {  	v3 =	vmul.f32 $2.000000030e-01, v2  }
0x12e: {  	vm13 =	vge.f32 v2, $0.0e+00  }
0x12f: {  	v2 =	vsel vm13, v2, v3  }
0x130: {  	v2 =	vmul.f32 $1.442695020e+00, v2;
	_ =	sdelay $0x1  }
0x131: {  	(erf) = vpow2.f32 v2;
	_ =	sdelay $0x2  }
0x132: {  	v2 =	vld [tilespmem:s7+$0x4E50]  }
0x133: {  	v3 =	vld [tilespmem:s7+$0x5620];
	_ =	sdelay $0x4  }
0x134: {  	v4 =	vpop (erf)  }
0x135: {  	[tilespmem:s7+$0x5DE0] =	vst v4  }
0x136: {  	v2 =	vld.idx.msk [tilespmem:v2+s2+$0x0], $0xffff  }
0x137: {  	v3 =	vld.idx.msk [tilespmem:v3+s11+$0x0], $0xffff;
	_ =	sdelay $0x4  }
0x138: {  	v2 =	vadd.f32 v3, v2;
	_ =	sdelay $0x1  }
0x139: {  	v3 =	vmul.f32 $2.000000030e-01, v2  }
0x13a: {  	vm14 =	vge.f32 v2, $0.0e+00  }
0x13b: {  	v2 =	vsel vm14, v2, v3  }
0x13c: {  	v2 =	vmul.f32 $1.442695020e+00, v2;
	_ =	sdelay $0x1  }
0x13d: {  	(erf) = vpow2.f32 v2;
	_ =	sdelay $0x2  }
0x13e: {  	v2 =	vld [tilespmem:s7+$0x4E60]  }
0x13f: {  	v3 =	vld [tilespmem:s7+$0x5630];
	_ =	sdelay $0x4  }
0x140: {  	v4 =	vpop (erf)  }
0x141: {  	[tilespmem:s7+$0x5DF0] =	vst v4  }
0x142: {  	v2 =	vld.idx.msk [tilespmem:v2+s2+$0x0], $0xffff  }
0x143: {  	v3 =	vld.idx.msk [tilespmem:v3+s11+$0x0], $0xffff;
	_ =	sdelay $0x4  }
0x144: {  	v2 =	vadd.f32 v3, v2;
	_ =	sdelay $0x1  }
0x145: {  	v3 =	vmul.f32 $2.000000030e-01, v2  }
0x146: {  	vm15 =	vge.f32 v2, $0.0e+00  }
0x147: {  	v2 =	vsel vm15, v2, v3  }
0x148: {  	v3 =	vmul.f32 $1.442695020e+00, v2;
	_ =	sdelay $0x1  }
0x149: {  	(erf) = vpow2.f32 v3;
	_ =	sdelay $0x1  }
0x14a: {  	s5 =	simm.s32 $0x50  }
0x14b: {  	v2 =	vld [tilespmem:s5+$0x4E20]  }
0x14c: {  	s3 =	simm.s32 $0x280;
	v3 =	vld [tilespmem:s5+$0x55F0]  }
.LBB2_7:
0x14d: {  	p1 =	sne.s32 s3, $0x1E00;
	s4 =	smov.u32 s3;
	s3 =	sadd.s32 $0x140, s3  }
0x14e: {  	_ =	sdelay $0x2  }
0x14f: {  	v4 =	vpop (erf)  }
0x150: {  	[tilespmem:s7+$0x5E00] =	vst v4;
	s7 =	smov.u32 s5  }
0x151: {  	v2 =	vld.idx.msk [tilespmem:v2+s2+$0x0], $0xffff  }
0x152: {  	v3 =	vld.idx.msk [tilespmem:v3+s11+$0x0], $0xffff;
	_ =	sdelay $0x5  }
0x153: {  	v2 =	vadd.f32 v3, v2;
	_ =	sdelay $0x1  }
0x154: {  	vm0 =	vge.f32 v2, $0.0e+00;
	v3 =	vmul.f32 $2.000000030e-01, v2;
	_ =	sdelay $0x1  }
0x155: {  	v2 =	vsel vm0, v2, v3  }
0x156: {  	v2 =	vmul.f32 $1.442695020e+00, v2;
	_ =	sdelay $0x1  }
0x157: {  	(erf) = vpow2.f32 v2;
	_ =	sdelay $0x1  }
0x158: {  	v2 =	vld [tilespmem:s7+$0x5600]  }
0x159: {  	v3 =	vld [tilespmem:s7+$0x4E30];
	_ =	sdelay $0x5  }
0x15a: {  	v4 =	vpop (erf)  }
0x15b: {  	[tilespmem:s7+$0x5DC0] =	vst v4  }
0x15c: {  	v3 =	vld.idx.msk [tilespmem:v3+s2+$0x0], $0xffff  }
0x15d: {  	v2 =	vld.idx.msk [tilespmem:v2+s11+$0x0], $0xffff;
	_ =	sdelay $0x5  }
0x15e: {  	v2 =	vadd.f32 v2, v3;
	_ =	sdelay $0x1  }
0x15f: {  	vm0 =	vge.f32 v2, $0.0e+00;
	v3 =	vmul.f32 $2.000000030e-01, v2;
	_ =	sdelay $0x1  }
0x160: {  	v2 =	vsel vm0, v2, v3  }
0x161: {  	v2 =	vmul.f32 $1.442695020e+00, v2;
	_ =	sdelay $0x1  }
0x162: {  	(erf) = vpow2.f32 v2;
	_ =	sdelay $0x1  }
0x163: {  	v2 =	vld [tilespmem:s7+$0x5610]  }
0x164: {  	v3 =	vld [tilespmem:s7+$0x4E40];
	_ =	sdelay $0x5  }
0x165: {  	v4 =	vpop (erf)  }
0x166: {  	[tilespmem:s7+$0x5DD0] =	vst v4  }
0x167: {  	v3 =	vld.idx.msk [tilespmem:v3+s2+$0x0], $0xffff  }
0x168: {  	v2 =	vld.idx.msk [tilespmem:v2+s11+$0x0], $0xffff;
	_ =	sdelay $0x5  }
0x169: {  	v2 =	vadd.f32 v2, v3;
	_ =	sdelay $0x1  }
0x16a: {  	vm0 =	vge.f32 v2, $0.0e+00;
	v3 =	vmul.f32 $2.000000030e-01, v2;
	_ =	sdelay $0x1  }
0x16b: {  	v2 =	vsel vm0, v2, v3  }
0x16c: {  	v2 =	vmul.f32 $1.442695020e+00, v2;
	_ =	sdelay $0x1  }
0x16d: {  	(erf) = vpow2.f32 v2;
	_ =	sdelay $0x1  }
0x16e: {  	v2 =	vld [tilespmem:s7+$0x5620]  }
0x16f: {  	v3 =	vld [tilespmem:s7+$0x4E50];
	_ =	sdelay $0x5  }
0x170: {  	v4 =	vpop (erf)  }
0x171: {  	[tilespmem:s7+$0x5DE0] =	vst v4  }
0x172: {  	v3 =	vld.idx.msk [tilespmem:v3+s2+$0x0], $0xffff  }
0x173: {  	v2 =	vld.idx.msk [tilespmem:v2+s11+$0x0], $0xffff;
	_ =	sdelay $0x5  }
0x174: {  	v2 =	vadd.f32 v2, v3;
	_ =	sdelay $0x1  }
0x175: {  	vm0 =	vge.f32 v2, $0.0e+00;
	v3 =	vmul.f32 $2.000000030e-01, v2;
	_ =	sdelay $0x1  }
0x176: {  	v2 =	vsel vm0, v2, v3  }
0x177: {  	v2 =	vmul.f32 $1.442695020e+00, v2;
	_ =	sdelay $0x1  }
0x178: {  	(erf) = vpow2.f32 v2;
	_ =	sdelay $0x1  }
0x179: {  	v2 =	vld [tilespmem:s7+$0x5630]  }
0x17a: {  	v3 =	vld [tilespmem:s7+$0x4E60];
	_ =	sdelay $0x5  }
0x17b: {  	v4 =	vpop (erf)  }
0x17c: {  	[tilespmem:s7+$0x5DF0] =	vst v4  }
0x17d: {  	v3 =	vld.idx.msk [tilespmem:v3+s2+$0x0], $0xffff  }
0x17e: {  	v2 =	vld.idx.msk [tilespmem:v2+s11+$0x0], $0xffff;
	_ =	sdelay $0x5  }
0x17f: {  	v2 =	vadd.f32 v2, v3;
	_ =	sdelay $0x1  }
0x180: {  	vm0 =	vge.f32 v2, $0.0e+00;
	v3 =	vmul.f32 $2.000000030e-01, v2;
	_ =	sdelay $0x1  }
0x181: {  	v2 =	vsel vm0, v2, v3  }
0x182: {  	v2 =	vmul.f32 $1.442695020e+00, v2;
	_ =	sdelay $0x1  }
.Ltmp4:
0x183: {  	(erf) = vpow2.f32 v2;
	(pc) =	sbr.rel @p1 .LBB2_7-.Ltmp4, $4  }
0x184: {  	_ = 	snop  }
0x185: {  	s5 =	sshra.s32 s4, $0x2  }
0x186: {  	v2 =	vld [tilespmem:s5+$0x4E20]  }
0x187: {  	v3 =	vld [tilespmem:s5+$0x55F0]  }
0x188: {  	_ =	sdelay $0x4  }
0x189: {  	v4 =	vpop (erf)  }
0x18a: {  	[tilespmem:s7+$0x5E00] =	vst v4  }
0x18b: {  	v2 =	vld.idx.msk [tilespmem:v2+s2+$0x0], $0xffff  }
0x18c: {  	v3 =	vld.idx.msk [tilespmem:v3+s11+$0x0], $0xffff;
	_ =	sdelay $0x4  }
0x18d: {  	v2 =	vadd.f32 v3, v2;
	_ =	sdelay $0x1  }
0x18e: {  	v3 =	vmul.f32 $2.000000030e-01, v2  }
0x18f: {  	vm0 =	vge.f32 v2, $0.0e+00  }
0x190: {  	v2 =	vsel vm0, v2, v3  }
0x191: {  	v2 =	vmul.f32 $1.442695020e+00, v2;
	_ =	sdelay $0x1  }
0x192: {  	(erf) = vpow2.f32 v2;
	_ =	sdelay $0x2  }
0x193: {  	v2 =	vld [tilespmem:s5+$0x4E30]  }
0x194: {  	v3 =	vld [tilespmem:s5+$0x5600];
	_ =	sdelay $0x4  }
0x195: {  	v60 =	vpop (erf)  }
0x196: {  	[tilespmem:s5+$0x5DC0] =	vst v60  }
0x197: {  	v2 =	vld.idx.msk [tilespmem:v2+s2+$0x0], $0xffff  }
0x198: {  	v3 =	vld.idx.msk [tilespmem:v3+s11+$0x0], $0xffff;
	_ =	sdelay $0x4  }
0x199: {  	v2 =	vadd.f32 v3, v2;
	_ =	sdelay $0x1  }
0x19a: {  	v3 =	vmul.f32 $2.000000030e-01, v2  }
0x19b: {  	vm12 =	vge.f32 v2, $0.0e+00  }
0x19c: {  	v2 =	vsel vm12, v2, v3  }
0x19d: {  	v2 =	vmul.f32 $1.442695020e+00, v2;
	_ =	sdelay $0x1  }
0x19e: {  	(erf) = vpow2.f32 v2;
	_ =	sdelay $0x2  }
0x19f: {  	v2 =	vld [tilespmem:s5+$0x4E40]  }
0x1a0: {  	v3 =	vld [tilespmem:s5+$0x5610];
	_ =	sdelay $0x4  }
0x1a1: {  	v61 =	vpop (erf)  }
0x1a2: {  	[tilespmem:s5+$0x5DD0] =	vst v61  }
0x1a3: {  	v2 =	vld.idx.msk [tilespmem:v2+s2+$0x0], $0xffff  }
0x1a4: {  	v3 =	vld.idx.msk [tilespmem:v3+s11+$0x0], $0xffff;
	_ =	sdelay $0x4  }
0x1a5: {  	v2 =	vadd.f32 v3, v2;
	_ =	sdelay $0x1  }
0x1a6: {  	v3 =	vmul.f32 $2.000000030e-01, v2  }
0x1a7: {  	vm13 =	vge.f32 v2, $0.0e+00  }
0x1a8: {  	v2 =	vsel vm13, v2, v3  }
0x1a9: {  	v2 =	vmul.f32 $1.442695020e+00, v2;
	_ =	sdelay $0x1  }
0x1aa: {  	(erf) = vpow2.f32 v2;
	_ =	sdelay $0x2  }
0x1ab: {  	v2 =	vld [tilespmem:s5+$0x4E50]  }
0x1ac: {  	v3 =	vld [tilespmem:s5+$0x5620];
	_ =	sdelay $0x4  }
0x1ad: {  	v62 =	vpop (erf)  }
0x1ae: {  	[tilespmem:s5+$0x5DE0] =	vst v62  }
0x1af: {  	v2 =	vld.idx.msk [tilespmem:v2+s2+$0x0], $0xffff  }
0x1b0: {  	v3 =	vld.idx.msk [tilespmem:v3+s11+$0x0], $0xffff;
	_ =	sdelay $0x4  }
0x1b1: {  	v2 =	vadd.f32 v3, v2;
	_ =	sdelay $0x1  }
0x1b2: {  	v3 =	vmul.f32 $2.000000030e-01, v2  }
0x1b3: {  	vm14 =	vge.f32 v2, $0.0e+00  }
0x1b4: {  	v2 =	vsel vm14, v2, v3  }
0x1b5: {  	v2 =	vmul.f32 $1.442695020e+00, v2;
	_ =	sdelay $0x1  }
0x1b6: {  	(erf) = vpow2.f32 v2;
	_ =	sdelay $0x2  }
0x1b7: {  	v2 =	vld [tilespmem:s5+$0x4E60]  }
0x1b8: {  	v3 =	vld [tilespmem:s5+$0x5630];
	_ =	sdelay $0x4  }
0x1b9: {  	v63 =	vpop (erf)  }
0x1ba: {  	[tilespmem:s5+$0x5DF0] =	vst v63  }
0x1bb: {  	v2 =	vld.idx.msk [tilespmem:v2+s2+$0x0], $0xffff  }
0x1bc: {  	v3 =	vld.idx.msk [tilespmem:v3+s11+$0x0], $0xffff;
	_ =	sdelay $0x4  }
0x1bd: {  	v2 =	vadd.f32 v3, v2;
	_ =	sdelay $0x1  }
0x1be: {  	v3 =	vmul.f32 $2.000000030e-01, v2  }
0x1bf: {  	vm15 =	vge.f32 v2, $0.0e+00  }
0x1c0: {  	v2 =	vsel vm15, v2, v3  }
0x1c1: {  	v2 =	vmul.f32 $1.442695020e+00, v2;
	_ =	sdelay $0x1  }
0x1c2: {  	(erf) = vpow2.f32 v2;
	_ =	sdelay $0x8  }
0x1c3: {  	v2 =	vpop (erf)  }
0x1c4: {  	s29 =	simm.s32 $0x0;
	s30 =	simm.s32 $0x5DC0;
	s7 =	simm.s32 $0x5E10;
	[tilespmem:s5+$0x5E00] =	vst v2  }
0x1c5: {  	[tilespmem:s16], [sflag:$0x1] =	stream.indirect.gather [hbm4b:s26+s15], $0x40, s13, s15, $0xb8;
	[tilespmem:$0x18F60] =	vst v63  }
.LBB2_9:
0x1c6: {  	_ =	swait.ge [sflag:s17], $0x1400;
	s3 =	smul.u32 $0xA0, s29  }
0x1c7: {  	[sflag:s17] =	ssyncset.done $0x0  }
0x1c8: {  	p1 =	seq.s32 s29, $0x0;
	[sflag:s17] =	ssyncadd.s32 $0xFFFFEC00;
	s4 =	sadd.s32 $0x4E70, s3  }
0x1c9: {  	[tilespmem:s18], [sflag:$0x1] =	stream.indirect.gather [hbm4b:s26+s15], $0x40, s4, s15, $0xb8;
	[tilespmem:$0x18F60] =	vst v63  }
0x1ca: {  	v2 =	vmov s30;
	s4 =	simm.s32 @!p1 $0x2  }
0x1cb: {  	s9 =	smul.u32 $0x280, s29;
	_ =	swait.ge @!p1 [sflag:s4], $0x1900  }
0x1cc: {  	s5 =	simm.s32 $0x0;
	s8 =	sadd.s32 $0x50, s3;
	[sflag:s4] =	ssyncset.done @!p1 $0x0  }
0x1cd: {  	s3 =	simm.s32 $0x7B90;
	[sflag:s4] =	ssyncadd.s32 @!p1 $0xFFFFE700;
	s4 =	simm.s32 $0x9010  }
.LBB2_10:
0x1ce: {  	s28 =	sshra.s32 s5, $0x2  }
0x1cf: {  	v3 =	vld.idx.msk [tilespmem:v2+s28+$0x0 ss:$0x1], $0xffff;
	_ =	sdelay $0x1  }
0x1d0: {  	v4 =	vld [tilespmem:s3+$0xFFFFFE00];
	_ =	sdelay $0x2  }
0x1d1: {  	v5 =	vbroadcast v3, $0x0;
	_ =	sdelay $0x1  }
0x1d2: {  	v4 =	vmul.f32 v5, v4;
	_ =	sdelay $0x1  }
0x1d3: {  	[tilespmem:s4+$0xFFFFFD80] =	vst v4  }
0x1d4: {  	v4 =	vld [tilespmem:s3+$0xFFFFFE10];
	_ =	sdelay $0x4  }
0x1d5: {  	v4 =	vmul.f32 v4, v5;
	_ =	sdelay $0x1  }
0x1d6: {  	[tilespmem:s4+$0xFFFFFD90] =	vst v4  }
0x1d7: {  	v4 =	vld [tilespmem:s3+$0xFFFFFE20];
	_ =	sdelay $0x4  }
0x1d8: {  	v4 =	vmul.f32 v4, v5;
	_ =	sdelay $0x1  }
0x1d9: {  	[tilespmem:s4+$0xFFFFFDA0] =	vst v4  }
0x1da: {  	v4 =	vld [tilespmem:s3+$0xFFFFFE30];
	_ =	sdelay $0x4  }
0x1db: {  	v4 =	vmul.f32 v4, v5  }
0x1dc: {  	v5 =	vmul.f32 v1, v5  }
0x1dd: {  	[tilespmem:s4+$0xFFFFFDB0] =	vst v4  }
0x1de: {  	[tilespmem:s4+$0xFFFFFDC0] =	vst v5  }
0x1df: {  	v4 =	vld [tilespmem:s3+$0xFFFFFE40];
	_ =	sdelay $0x2  }
0x1e0: {  	v50 =	vbroadcast v3, $0x1;
	_ =	sdelay $0x1  }
0x1e1: {  	v4 =	vmul.f32 v4, v50;
	_ =	sdelay $0x1  }
0x1e2: {  	[tilespmem:s4+$0xFFFFFDD0] =	vst v4  }
0x1e3: {  	v4 =	vld [tilespmem:s3+$0xFFFFFE50];
	_ =	sdelay $0x4  }
0x1e4: {  	v4 =	vmul.f32 v4, v50;
	_ =	sdelay $0x1  }
0x1e5: {  	[tilespmem:s4+$0xFFFFFDE0] =	vst v4  }
0x1e6: {  	v4 =	vld [tilespmem:s3+$0xFFFFFE60];
	_ =	sdelay $0x4  }
0x1e7: {  	v4 =	vmul.f32 v4, v50;
	_ =	sdelay $0x1  }
0x1e8: {  	[tilespmem:s4+$0xFFFFFDF0] =	vst v4  }
0x1e9: {  	v4 =	vld [tilespmem:s3+$0xFFFFFE70];
	_ =	sdelay $0x3  }
0x1ea: {  	v5 =	vmul.f32 v1, v50  }
0x1eb: {  	v4 =	vmul.f32 v4, v50  }
0x1ec: {  	[tilespmem:s4+$0xFFFFFE10] =	vst v5  }
0x1ed: {  	[tilespmem:s4+$0xFFFFFE00] =	vst v4  }
0x1ee: {  	v4 =	vld [tilespmem:s3+$0xFFFFFE80];
	_ =	sdelay $0x2  }
0x1ef: {  	v51 =	vbroadcast v3, $0x2;
	_ =	sdelay $0x1  }
0x1f0: {  	v4 =	vmul.f32 v4, v51;
	_ =	sdelay $0x1  }
0x1f1: {  	[tilespmem:s4+$0xFFFFFE20] =	vst v4  }
0x1f2: {  	v4 =	vld [tilespmem:s3+$0xFFFFFE90];
	_ =	sdelay $0x4  }
0x1f3: {  	v4 =	vmul.f32 v4, v51;
	_ =	sdelay $0x1  }
0x1f4: {  	[tilespmem:s4+$0xFFFFFE30] =	vst v4  }
0x1f5: {  	v4 =	vld [tilespmem:s3+$0xFFFFFEA0];
	_ =	sdelay $0x4  }
0x1f6: {  	v4 =	vmul.f32 v4, v51;
	_ =	sdelay $0x1  }
0x1f7: {  	[tilespmem:s4+$0xFFFFFE40] =	vst v4  }
0x1f8: {  	v4 =	vld [tilespmem:s3+$0xFFFFFEB0];
	_ =	sdelay $0x3  }
0x1f9: {  	v5 =	vmul.f32 v1, v51  }
0x1fa: {  	v4 =	vmul.f32 v4, v51  }
0x1fb: {  	[tilespmem:s4+$0xFFFFFE60] =	vst v5  }
0x1fc: {  	[tilespmem:s4+$0xFFFFFE50] =	vst v4  }
0x1fd: {  	v4 =	vld [tilespmem:s3+$0xFFFFFEC0];
	_ =	sdelay $0x2  }
0x1fe: {  	v52 =	vbroadcast v3, $0x3;
	_ =	sdelay $0x1  }
0x1ff: {  	v4 =	vmul.f32 v4, v52;
	_ =	sdelay $0x1  }
0x200: {  	[tilespmem:s4+$0xFFFFFE70] =	vst v4  }
0x201: {  	v4 =	vld [tilespmem:s3+$0xFFFFFED0];
	_ =	sdelay $0x4  }
0x202: {  	v4 =	vmul.f32 v4, v52;
	_ =	sdelay $0x1  }
0x203: {  	[tilespmem:s4+$0xFFFFFE80] =	vst v4  }
0x204: {  	v4 =	vld [tilespmem:s3+$0xFFFFFEE0];
	_ =	sdelay $0x4  }
0x205: {  	v4 =	vmul.f32 v4, v52;
	_ =	sdelay $0x1  }
0x206: {  	[tilespmem:s4+$0xFFFFFE90] =	vst v4  }
0x207: {  	v4 =	vld [tilespmem:s3+$0xFFFFFEF0];
	_ =	sdelay $0x3  }
0x208: {  	v5 =	vmul.f32 v1, v52  }
0x209: {  	v4 =	vmul.f32 v4, v52  }
0x20a: {  	[tilespmem:s4+$0xFFFFFEB0] =	vst v5  }
0x20b: {  	[tilespmem:s4+$0xFFFFFEA0] =	vst v4  }
0x20c: {  	v4 =	vld [tilespmem:s3+$0xFFFFFF00];
	_ =	sdelay $0x2  }
0x20d: {  	v53 =	vbroadcast v3, $0x4;
	_ =	sdelay $0x1  }
0x20e: {  	v4 =	vmul.f32 v4, v53;
	_ =	sdelay $0x1  }
0x20f: {  	[tilespmem:s4+$0xFFFFFEC0] =	vst v4  }
0x210: {  	v4 =	vld [tilespmem:s3+$0xFFFFFF10];
	_ =	sdelay $0x4  }
0x211: {  	v4 =	vmul.f32 v4, v53;
	_ =	sdelay $0x1  }
0x212: {  	[tilespmem:s4+$0xFFFFFED0] =	vst v4  }
0x213: {  	v4 =	vld [tilespmem:s3+$0xFFFFFF20];
	_ =	sdelay $0x4  }
0x214: {  	v4 =	vmul.f32 v4, v53;
	_ =	sdelay $0x1  }
0x215: {  	[tilespmem:s4+$0xFFFFFEE0] =	vst v4  }
0x216: {  	v4 =	vld [tilespmem:s3+$0xFFFFFF30];
	_ =	sdelay $0x3  }
0x217: {  	v5 =	vmul.f32 v1, v53  }
0x218: {  	v4 =	vmul.f32 v4, v53  }
0x219: {  	[tilespmem:s4+$0xFFFFFF00] =	vst v5  }
0x21a: {  	[tilespmem:s4+$0xFFFFFEF0] =	vst v4  }
0x21b: {  	v4 =	vld [tilespmem:s3+$0xFFFFFF40];
	_ =	sdelay $0x2  }
0x21c: {  	v54 =	vbroadcast v3, $0x5;
	_ =	sdelay $0x1  }
0x21d: {  	v4 =	vmul.f32 v4, v54;
	_ =	sdelay $0x1  }
0x21e: {  	[tilespmem:s4+$0xFFFFFF10] =	vst v4  }
0x21f: {  	v4 =	vld [tilespmem:s3+$0xFFFFFF50];
	_ =	sdelay $0x4  }
0x220: {  	v4 =	vmul.f32 v4, v54;
	_ =	sdelay $0x1  }
0x221: {  	[tilespmem:s4+$0xFFFFFF20] =	vst v4  }
0x222: {  	v4 =	vld [tilespmem:s3+$0xFFFFFF60];
	_ =	sdelay $0x4  }
0x223: {  	v4 =	vmul.f32 v4, v54;
	_ =	sdelay $0x1  }
0x224: {  	[tilespmem:s4+$0xFFFFFF30] =	vst v4  }
0x225: {  	v4 =	vld [tilespmem:s3+$0xFFFFFF70];
	_ =	sdelay $0x3  }
0x226: {  	v5 =	vmul.f32 v1, v54  }
0x227: {  	v4 =	vmul.f32 v4, v54  }
0x228: {  	[tilespmem:s4+$0xFFFFFF50] =	vst v5  }
0x229: {  	[tilespmem:s4+$0xFFFFFF40] =	vst v4  }
0x22a: {  	v4 =	vld [tilespmem:s3+$0xFFFFFF80];
	_ =	sdelay $0x2  }
0x22b: {  	v55 =	vbroadcast v3, $0x6;
	_ =	sdelay $0x1  }
0x22c: {  	v4 =	vmul.f32 v4, v55;
	_ =	sdelay $0x1  }
0x22d: {  	[tilespmem:s4+$0xFFFFFF60] =	vst v4  }
0x22e: {  	v4 =	vld [tilespmem:s3+$0xFFFFFF90];
	_ =	sdelay $0x4  }
0x22f: {  	v4 =	vmul.f32 v4, v55;
	_ =	sdelay $0x1  }
0x230: {  	[tilespmem:s4+$0xFFFFFF70] =	vst v4  }
0x231: {  	v4 =	vld [tilespmem:s3+$0xFFFFFFA0];
	_ =	sdelay $0x4  }
0x232: {  	v4 =	vmul.f32 v4, v55;
	_ =	sdelay $0x1  }
0x233: {  	[tilespmem:s4+$0xFFFFFF80] =	vst v4  }
0x234: {  	v4 =	vld [tilespmem:s3+$0xFFFFFFB0];
	_ =	sdelay $0x3  }
0x235: {  	v5 =	vmul.f32 v1, v55  }
0x236: {  	v4 =	vmul.f32 v4, v55  }
0x237: {  	[tilespmem:s4+$0xFFFFFFA0] =	vst v5  }
0x238: {  	[tilespmem:s4+$0xFFFFFF90] =	vst v4  }
0x239: {  	v4 =	vld [tilespmem:s3+$0xFFFFFFC0];
	_ =	sdelay $0x2  }
0x23a: {  	v56 =	vbroadcast v3, $0x7;
	_ =	sdelay $0x1  }
0x23b: {  	v4 =	vmul.f32 v4, v56;
	_ =	sdelay $0x1  }
0x23c: {  	[tilespmem:s4+$0xFFFFFFB0] =	vst v4  }
0x23d: {  	v4 =	vld [tilespmem:s3+$0xFFFFFFD0];
	_ =	sdelay $0x4  }
0x23e: {  	v4 =	vmul.f32 v4, v56;
	_ =	sdelay $0x1  }
0x23f: {  	[tilespmem:s4+$0xFFFFFFC0] =	vst v4  }
0x240: {  	v4 =	vld [tilespmem:s3+$0xFFFFFFE0];
	_ =	sdelay $0x4  }
0x241: {  	v4 =	vmul.f32 v4, v56;
	_ =	sdelay $0x1  }
0x242: {  	[tilespmem:s4+$0xFFFFFFD0] =	vst v4  }
0x243: {  	v4 =	vld [tilespmem:s3+$0xFFFFFFF0];
	_ =	sdelay $0x3  }
0x244: {  	v5 =	vmul.f32 v1, v56  }
0x245: {  	v4 =	vmul.f32 v4, v56  }
0x246: {  	[tilespmem:s4+$0xFFFFFFF0] =	vst v5  }
0x247: {  	[tilespmem:s4+$0xFFFFFFE0] =	vst v4  }
0x248: {  	v4 =	vld [tilespmem:s3+$0x0];
	_ =	sdelay $0x2  }
0x249: {  	v57 =	vbroadcast v3, $0x8;
	_ =	sdelay $0x1  }
0x24a: {  	v4 =	vmul.f32 v4, v57;
	_ =	sdelay $0x1  }
0x24b: {  	[tilespmem:s4+$0x0] =	vst v4  }
0x24c: {  	v4 =	vld [tilespmem:s3+$0x10];
	_ =	sdelay $0x4  }
0x24d: {  	v4 =	vmul.f32 v4, v57;
	_ =	sdelay $0x1  }
0x24e: {  	[tilespmem:s4+$0x10] =	vst v4  }
0x24f: {  	v4 =	vld [tilespmem:s3+$0x20];
	_ =	sdelay $0x4  }
0x250: {  	v4 =	vmul.f32 v4, v57;
	_ =	sdelay $0x1  }
0x251: {  	[tilespmem:s4+$0x20] =	vst v4  }
0x252: {  	v4 =	vld [tilespmem:s3+$0x30];
	_ =	sdelay $0x3  }
0x253: {  	v5 =	vmul.f32 v1, v57  }
0x254: {  	v4 =	vmul.f32 v4, v57  }
0x255: {  	[tilespmem:s4+$0x40] =	vst v5  }
0x256: {  	[tilespmem:s4+$0x30] =	vst v4  }
0x257: {  	v4 =	vld [tilespmem:s3+$0x40];
	_ =	sdelay $0x2  }
0x258: {  	v58 =	vbroadcast v3, $0x9;
	_ =	sdelay $0x1  }
0x259: {  	v4 =	vmul.f32 v4, v58;
	_ =	sdelay $0x1  }
0x25a: {  	[tilespmem:s4+$0x50] =	vst v4  }
0x25b: {  	v4 =	vld [tilespmem:s3+$0x50];
	_ =	sdelay $0x4  }
0x25c: {  	v4 =	vmul.f32 v4, v58;
	_ =	sdelay $0x1  }
0x25d: {  	[tilespmem:s4+$0x60] =	vst v4  }
0x25e: {  	v4 =	vld [tilespmem:s3+$0x60];
	_ =	sdelay $0x4  }
0x25f: {  	v4 =	vmul.f32 v4, v58;
	_ =	sdelay $0x1  }
0x260: {  	[tilespmem:s4+$0x70] =	vst v4  }
0x261: {  	v4 =	vld [tilespmem:s3+$0x70];
	_ =	sdelay $0x3  }
0x262: {  	v5 =	vmul.f32 v1, v58  }
0x263: {  	v4 =	vmul.f32 v4, v58  }
0x264: {  	[tilespmem:s4+$0x90] =	vst v5  }
0x265: {  	[tilespmem:s4+$0x80] =	vst v4  }
0x266: {  	v4 =	vld [tilespmem:s3+$0x80];
	_ =	sdelay $0x2  }
0x267: {  	v59 =	vbroadcast v3, $0xA;
	_ =	sdelay $0x1  }
0x268: {  	v4 =	vmul.f32 v4, v59;
	_ =	sdelay $0x1  }
0x269: {  	[tilespmem:s4+$0xA0] =	vst v4  }
0x26a: {  	v4 =	vld [tilespmem:s3+$0x90];
	_ =	sdelay $0x4  }
0x26b: {  	v4 =	vmul.f32 v4, v59;
	_ =	sdelay $0x1  }
0x26c: {  	[tilespmem:s4+$0xB0] =	vst v4  }
0x26d: {  	v4 =	vld [tilespmem:s3+$0xA0];
	_ =	sdelay $0x4  }
0x26e: {  	v4 =	vmul.f32 v4, v59;
	_ =	sdelay $0x1  }
0x26f: {  	[tilespmem:s4+$0xC0] =	vst v4  }
0x270: {  	v4 =	vld [tilespmem:s3+$0xB0];
	_ =	sdelay $0x3  }
0x271: {  	v5 =	vmul.f32 v1, v59  }
0x272: {  	v4 =	vmul.f32 v4, v59  }
0x273: {  	[tilespmem:s4+$0xE0] =	vst v5  }
0x274: {  	[tilespmem:s4+$0xD0] =	vst v4  }
0x275: {  	v4 =	vld [tilespmem:s3+$0xC0];
	_ =	sdelay $0x2  }
0x276: {  	v60 =	vbroadcast v3, $0xB;
	_ =	sdelay $0x1  }
0x277: {  	v4 =	vmul.f32 v4, v60;
	_ =	sdelay $0x1  }
0x278: {  	[tilespmem:s4+$0xF0] =	vst v4  }
0x279: {  	v4 =	vld [tilespmem:s3+$0xD0];
	_ =	sdelay $0x4  }
0x27a: {  	v4 =	vmul.f32 v4, v60;
	_ =	sdelay $0x1  }
0x27b: {  	[tilespmem:s4+$0x100] =	vst v4  }
0x27c: {  	v4 =	vld [tilespmem:s3+$0xE0];
	_ =	sdelay $0x4  }
0x27d: {  	v4 =	vmul.f32 v4, v60;
	_ =	sdelay $0x1  }
0x27e: {  	[tilespmem:s4+$0x110] =	vst v4  }
0x27f: {  	v4 =	vld [tilespmem:s3+$0xF0];
	_ =	sdelay $0x3  }
0x280: {  	v5 =	vmul.f32 v1, v60  }
0x281: {  	v4 =	vmul.f32 v4, v60  }
0x282: {  	[tilespmem:s4+$0x130] =	vst v5  }
0x283: {  	[tilespmem:s4+$0x120] =	vst v4  }
0x284: {  	v4 =	vld [tilespmem:s3+$0x100];
	_ =	sdelay $0x2  }
0x285: {  	v61 =	vbroadcast v3, $0xC;
	_ =	sdelay $0x1  }
0x286: {  	v4 =	vmul.f32 v4, v61;
	_ =	sdelay $0x1  }
0x287: {  	[tilespmem:s4+$0x140] =	vst v4  }
0x288: {  	v4 =	vld [tilespmem:s3+$0x110];
	_ =	sdelay $0x4  }
0x289: {  	v4 =	vmul.f32 v4, v61;
	_ =	sdelay $0x1  }
0x28a: {  	[tilespmem:s4+$0x150] =	vst v4  }
0x28b: {  	v4 =	vld [tilespmem:s3+$0x120];
	_ =	sdelay $0x4  }
0x28c: {  	v4 =	vmul.f32 v4, v61;
	_ =	sdelay $0x1  }
0x28d: {  	[tilespmem:s4+$0x160] =	vst v4  }
0x28e: {  	v4 =	vld [tilespmem:s3+$0x130];
	_ =	sdelay $0x3  }
0x28f: {  	v5 =	vmul.f32 v1, v61  }
0x290: {  	v4 =	vmul.f32 v4, v61  }
0x291: {  	[tilespmem:s4+$0x180] =	vst v5  }
0x292: {  	[tilespmem:s4+$0x170] =	vst v4  }
0x293: {  	v4 =	vld [tilespmem:s3+$0x140];
	_ =	sdelay $0x2  }
0x294: {  	v62 =	vbroadcast v3, $0xD;
	_ =	sdelay $0x1  }
0x295: {  	v4 =	vmul.f32 v4, v62;
	_ =	sdelay $0x1  }
0x296: {  	[tilespmem:s4+$0x190] =	vst v4  }
0x297: {  	v4 =	vld [tilespmem:s3+$0x150];
	_ =	sdelay $0x4  }
0x298: {  	v4 =	vmul.f32 v4, v62;
	_ =	sdelay $0x1  }
0x299: {  	[tilespmem:s4+$0x1A0] =	vst v4  }
0x29a: {  	v4 =	vld [tilespmem:s3+$0x160];
	_ =	sdelay $0x4  }
0x29b: {  	v4 =	vmul.f32 v4, v62;
	_ =	sdelay $0x1  }
0x29c: {  	[tilespmem:s4+$0x1B0] =	vst v4  }
0x29d: {  	v4 =	vld [tilespmem:s3+$0x170];
	_ =	sdelay $0x3  }
0x29e: {  	v5 =	vmul.f32 v1, v62  }
0x29f: {  	v4 =	vmul.f32 v4, v62  }
0x2a0: {  	[tilespmem:s4+$0x1D0] =	vst v5  }
0x2a1: {  	[tilespmem:s4+$0x1C0] =	vst v4  }
0x2a2: {  	v4 =	vld [tilespmem:s3+$0x180];
	_ =	sdelay $0x2  }
0x2a3: {  	v63 =	vbroadcast v3, $0xE;
	_ =	sdelay $0x1  }
0x2a4: {  	v4 =	vmul.f32 v4, v63;
	_ =	sdelay $0x1  }
0x2a5: {  	[tilespmem:s4+$0x1E0] =	vst v4  }
0x2a6: {  	v4 =	vld [tilespmem:s3+$0x190];
	_ =	sdelay $0x4  }
0x2a7: {  	v4 =	vmul.f32 v4, v63;
	_ =	sdelay $0x1  }
0x2a8: {  	[tilespmem:s4+$0x1F0] =	vst v4  }
0x2a9: {  	v4 =	vld [tilespmem:s3+$0x1A0];
	_ =	sdelay $0x4  }
0x2aa: {  	v4 =	vmul.f32 v4, v63;
	_ =	sdelay $0x1  }
0x2ab: {  	[tilespmem:s4+$0x200] =	vst v4  }
0x2ac: {  	v4 =	vld [tilespmem:s3+$0x1B0];
	_ =	sdelay $0x3  }
0x2ad: {  	v5 =	vmul.f32 v1, v63  }
0x2ae: {  	v4 =	vmul.f32 v4, v63  }
0x2af: {  	[tilespmem:s4+$0x220] =	vst v5  }
0x2b0: {  	[tilespmem:s4+$0x210] =	vst v4  }
0x2b1: {  	v4 =	vld [tilespmem:s3+$0x1C0];
	_ =	sdelay $0x2  }
0x2b2: {  	v3 =	vbroadcast v3, $0xF;
	_ =	sdelay $0x1  }
0x2b3: {  	v4 =	vmul.f32 v4, v3;
	_ =	sdelay $0x1  }
0x2b4: {  	[tilespmem:s4+$0x230] =	vst v4  }
0x2b5: {  	v4 =	vld [tilespmem:s3+$0x1D0];
	_ =	sdelay $0x4  }
0x2b6: {  	v4 =	vmul.f32 v4, v3;
	_ =	sdelay $0x1  }
0x2b7: {  	[tilespmem:s4+$0x240] =	vst v4  }
0x2b8: {  	v4 =	vld [tilespmem:s3+$0x1E0];
	_ =	sdelay $0x4  }
0x2b9: {  	v4 =	vmul.f32 v4, v3;
	_ =	sdelay $0x1  }
0x2ba: {  	[tilespmem:s4+$0x250] =	vst v4  }
0x2bb: {  	v4 =	vld [tilespmem:s3+$0x1F0];
	_ =	sdelay $0x2  }
0x2bc: {  	p2 =	sne.s32 s5, $0x100  }
.Ltmp5:
0x2bd: {  	_ = 	snop;
	(pc) =	sbr.rel @p2 .LBB2_10-.Ltmp5, $4  }
0x2be: {  	v4 =	vmul.f32 v4, v3  }
0x2bf: {  	v3 =	vmul.f32 v1, v3  }
0x2c0: {  	[tilespmem:s4+$0x260] =	vst v4  }
0x2c1: {  	s5 =	sadd.s32 $0x40, s5;
	s3 =	sadd.s32 $0x400, s3;
	[tilespmem:s4+$0x270] =	vst v3;
	s4 =	sadd.s32 $0x500, s4  }
0x2c2: {  	s3 =	sshra.s32 s9, $0x2  }
0x2c3: {  	s4 =	sadd.s32 $0x55F0, s3  }
0x2c4: {  	[spmem:s31] =	stream.indirect.scatter.add.f32 [tilespmem:s19], [sflag:$0x2], $0x50, s4, s15, $0xb8;
	[tilespmem:$0x18F60] =	vst v63  }
0x2c5: {  	_ =	swait.ge [sflag:s17], $0x1400  }
0x2c6: {  	[sflag:s17] =	ssyncset.done $0x0  }
0x2c7: {  	s3 =	sadd.s32 $0x4EC0, s3;
	[sflag:s17] =	ssyncadd.s32 $0xFFFFEC00  }
0x2c8: {  	[tilespmem:s16], [sflag:$0x1] =	stream.indirect.gather [hbm4b:s26+s15], $0x40, s3, s15, $0xb8;
	[tilespmem:$0x18F60] =	vst v63  }
0x2c9: {  	v2 =	vmov s7;
	s3 =	simm.s32 @!p1 $0x2  }
0x2ca: {  	_ =	swait.ge @!p1 [sflag:s3], $0x1900  }
0x2cb: {  	s9 =	simm.s32 $0xA910;
	[sflag:s3] =	ssyncset.done @!p1 $0x0  }
0x2cc: {  	s4 =	simm.s32 $0x6790;
	[sflag:s3] =	ssyncadd.s32 @!p1 $0xFFFFE700;
	s3 =	simm.s32 $0x0  }
.LBB2_12:
0x2cd: {  	s5 =	sshra.s32 s3, $0x2  }
0x2ce: {  	v3 =	vld.idx.msk [tilespmem:v2+s5+$0x0 ss:$0x1], $0xffff;
	_ =	sdelay $0x1  }
0x2cf: {  	v4 =	vld [tilespmem:s4+$0xFFFFFE00];
	_ =	sdelay $0x2  }
0x2d0: {  	v5 =	vbroadcast v3, $0x0;
	_ =	sdelay $0x1  }
0x2d1: {  	v4 =	vmul.f32 v5, v4;
	_ =	sdelay $0x1  }
0x2d2: {  	[tilespmem:s9+$0xFFFFFD80] =	vst v4  }
0x2d3: {  	v4 =	vld [tilespmem:s4+$0xFFFFFE10];
	_ =	sdelay $0x4  }
0x2d4: {  	v4 =	vmul.f32 v4, v5;
	_ =	sdelay $0x1  }
0x2d5: {  	[tilespmem:s9+$0xFFFFFD90] =	vst v4  }
0x2d6: {  	v4 =	vld [tilespmem:s4+$0xFFFFFE20];
	_ =	sdelay $0x4  }
0x2d7: {  	v4 =	vmul.f32 v4, v5;
	_ =	sdelay $0x1  }
0x2d8: {  	[tilespmem:s9+$0xFFFFFDA0] =	vst v4  }
0x2d9: {  	v4 =	vld [tilespmem:s4+$0xFFFFFE30];
	_ =	sdelay $0x4  }
0x2da: {  	v4 =	vmul.f32 v4, v5  }
0x2db: {  	v5 =	vmul.f32 v1, v5  }
0x2dc: {  	[tilespmem:s9+$0xFFFFFDB0] =	vst v4  }
0x2dd: {  	[tilespmem:s9+$0xFFFFFDC0] =	vst v5  }
0x2de: {  	v4 =	vld [tilespmem:s4+$0xFFFFFE40];
	_ =	sdelay $0x2  }
0x2df: {  	v50 =	vbroadcast v3, $0x1;
	_ =	sdelay $0x1  }
0x2e0: {  	v4 =	vmul.f32 v4, v50;
	_ =	sdelay $0x1  }
0x2e1: {  	[tilespmem:s9+$0xFFFFFDD0] =	vst v4  }
0x2e2: {  	v4 =	vld [tilespmem:s4+$0xFFFFFE50];
	_ =	sdelay $0x4  }
0x2e3: {  	v4 =	vmul.f32 v4, v50;
	_ =	sdelay $0x1  }
0x2e4: {  	[tilespmem:s9+$0xFFFFFDE0] =	vst v4  }
0x2e5: {  	v4 =	vld [tilespmem:s4+$0xFFFFFE60];
	_ =	sdelay $0x4  }
0x2e6: {  	v4 =	vmul.f32 v4, v50;
	_ =	sdelay $0x1  }
0x2e7: {  	[tilespmem:s9+$0xFFFFFDF0] =	vst v4  }
0x2e8: {  	v4 =	vld [tilespmem:s4+$0xFFFFFE70];
	_ =	sdelay $0x3  }
0x2e9: {  	v5 =	vmul.f32 v1, v50  }
0x2ea: {  	v4 =	vmul.f32 v4, v50  }
0x2eb: {  	[tilespmem:s9+$0xFFFFFE10] =	vst v5  }
0x2ec: {  	[tilespmem:s9+$0xFFFFFE00] =	vst v4  }
0x2ed: {  	v4 =	vld [tilespmem:s4+$0xFFFFFE80];
	_ =	sdelay $0x2  }
0x2ee: {  	v51 =	vbroadcast v3, $0x2;
	_ =	sdelay $0x1  }
0x2ef: {  	v4 =	vmul.f32 v4, v51;
	_ =	sdelay $0x1  }
0x2f0: {  	[tilespmem:s9+$0xFFFFFE20] =	vst v4  }
0x2f1: {  	v4 =	vld [tilespmem:s4+$0xFFFFFE90];
	_ =	sdelay $0x4  }
0x2f2: {  	v4 =	vmul.f32 v4, v51;
	_ =	sdelay $0x1  }
0x2f3: {  	[tilespmem:s9+$0xFFFFFE30] =	vst v4  }
0x2f4: {  	v4 =	vld [tilespmem:s4+$0xFFFFFEA0];
	_ =	sdelay $0x4  }
0x2f5: {  	v4 =	vmul.f32 v4, v51;
	_ =	sdelay $0x1  }
0x2f6: {  	[tilespmem:s9+$0xFFFFFE40] =	vst v4  }
0x2f7: {  	v4 =	vld [tilespmem:s4+$0xFFFFFEB0];
	_ =	sdelay $0x3  }
0x2f8: {  	v5 =	vmul.f32 v1, v51  }
0x2f9: {  	v4 =	vmul.f32 v4, v51  }
0x2fa: {  	[tilespmem:s9+$0xFFFFFE60] =	vst v5  }
0x2fb: {  	[tilespmem:s9+$0xFFFFFE50] =	vst v4  }
0x2fc: {  	v4 =	vld [tilespmem:s4+$0xFFFFFEC0];
	_ =	sdelay $0x2  }
0x2fd: {  	v52 =	vbroadcast v3, $0x3;
	_ =	sdelay $0x1  }
0x2fe: {  	v4 =	vmul.f32 v4, v52;
	_ =	sdelay $0x1  }
0x2ff: {  	[tilespmem:s9+$0xFFFFFE70] =	vst v4  }
0x300: {  	v4 =	vld [tilespmem:s4+$0xFFFFFED0];
	_ =	sdelay $0x4  }
0x301: {  	v4 =	vmul.f32 v4, v52;
	_ =	sdelay $0x1  }
0x302: {  	[tilespmem:s9+$0xFFFFFE80] =	vst v4  }
0x303: {  	v4 =	vld [tilespmem:s4+$0xFFFFFEE0];
	_ =	sdelay $0x4  }
0x304: {  	v4 =	vmul.f32 v4, v52;
	_ =	sdelay $0x1  }
0x305: {  	[tilespmem:s9+$0xFFFFFE90] =	vst v4  }
0x306: {  	v4 =	vld [tilespmem:s4+$0xFFFFFEF0];
	_ =	sdelay $0x3  }
0x307: {  	v5 =	vmul.f32 v1, v52  }
0x308: {  	v4 =	vmul.f32 v4, v52  }
0x309: {  	[tilespmem:s9+$0xFFFFFEB0] =	vst v5  }
0x30a: {  	[tilespmem:s9+$0xFFFFFEA0] =	vst v4  }
0x30b: {  	v4 =	vld [tilespmem:s4+$0xFFFFFF00];
	_ =	sdelay $0x2  }
0x30c: {  	v53 =	vbroadcast v3, $0x4;
	_ =	sdelay $0x1  }
0x30d: {  	v4 =	vmul.f32 v4, v53;
	_ =	sdelay $0x1  }
0x30e: {  	[tilespmem:s9+$0xFFFFFEC0] =	vst v4  }
0x30f: {  	v4 =	vld [tilespmem:s4+$0xFFFFFF10];
	_ =	sdelay $0x4  }
0x310: {  	v4 =	vmul.f32 v4, v53;
	_ =	sdelay $0x1  }
0x311: {  	[tilespmem:s9+$0xFFFFFED0] =	vst v4  }
0x312: {  	v4 =	vld [tilespmem:s4+$0xFFFFFF20];
	_ =	sdelay $0x4  }
0x313: {  	v4 =	vmul.f32 v4, v53;
	_ =	sdelay $0x1  }
0x314: {  	[tilespmem:s9+$0xFFFFFEE0] =	vst v4  }
0x315: {  	v4 =	vld [tilespmem:s4+$0xFFFFFF30];
	_ =	sdelay $0x3  }
0x316: {  	v5 =	vmul.f32 v1, v53  }
0x317: {  	v4 =	vmul.f32 v4, v53  }
0x318: {  	[tilespmem:s9+$0xFFFFFF00] =	vst v5  }
0x319: {  	[tilespmem:s9+$0xFFFFFEF0] =	vst v4  }
0x31a: {  	v4 =	vld [tilespmem:s4+$0xFFFFFF40];
	_ =	sdelay $0x2  }
0x31b: {  	v54 =	vbroadcast v3, $0x5;
	_ =	sdelay $0x1  }
0x31c: {  	v4 =	vmul.f32 v4, v54;
	_ =	sdelay $0x1  }
0x31d: {  	[tilespmem:s9+$0xFFFFFF10] =	vst v4  }
0x31e: {  	v4 =	vld [tilespmem:s4+$0xFFFFFF50];
	_ =	sdelay $0x4  }
0x31f: {  	v4 =	vmul.f32 v4, v54;
	_ =	sdelay $0x1  }
0x320: {  	[tilespmem:s9+$0xFFFFFF20] =	vst v4  }
0x321: {  	v4 =	vld [tilespmem:s4+$0xFFFFFF60];
	_ =	sdelay $0x4  }
0x322: {  	v4 =	vmul.f32 v4, v54;
	_ =	sdelay $0x1  }
0x323: {  	[tilespmem:s9+$0xFFFFFF30] =	vst v4  }
0x324: {  	v4 =	vld [tilespmem:s4+$0xFFFFFF70];
	_ =	sdelay $0x3  }
0x325: {  	v5 =	vmul.f32 v1, v54  }
0x326: {  	v4 =	vmul.f32 v4, v54  }
0x327: {  	[tilespmem:s9+$0xFFFFFF50] =	vst v5  }
0x328: {  	[tilespmem:s9+$0xFFFFFF40] =	vst v4  }
0x329: {  	v4 =	vld [tilespmem:s4+$0xFFFFFF80];
	_ =	sdelay $0x2  }
0x32a: {  	v55 =	vbroadcast v3, $0x6;
	_ =	sdelay $0x1  }
0x32b: {  	v4 =	vmul.f32 v4, v55;
	_ =	sdelay $0x1  }
0x32c: {  	[tilespmem:s9+$0xFFFFFF60] =	vst v4  }
0x32d: {  	v4 =	vld [tilespmem:s4+$0xFFFFFF90];
	_ =	sdelay $0x4  }
0x32e: {  	v4 =	vmul.f32 v4, v55;
	_ =	sdelay $0x1  }
0x32f: {  	[tilespmem:s9+$0xFFFFFF70] =	vst v4  }
0x330: {  	v4 =	vld [tilespmem:s4+$0xFFFFFFA0];
	_ =	sdelay $0x4  }
0x331: {  	v4 =	vmul.f32 v4, v55;
	_ =	sdelay $0x1  }
0x332: {  	[tilespmem:s9+$0xFFFFFF80] =	vst v4  }
0x333: {  	v4 =	vld [tilespmem:s4+$0xFFFFFFB0];
	_ =	sdelay $0x3  }
0x334: {  	v5 =	vmul.f32 v1, v55  }
0x335: {  	v4 =	vmul.f32 v4, v55  }
0x336: {  	[tilespmem:s9+$0xFFFFFFA0] =	vst v5  }
0x337: {  	[tilespmem:s9+$0xFFFFFF90] =	vst v4  }
0x338: {  	v4 =	vld [tilespmem:s4+$0xFFFFFFC0];
	_ =	sdelay $0x2  }
0x339: {  	v56 =	vbroadcast v3, $0x7;
	_ =	sdelay $0x1  }
0x33a: {  	v4 =	vmul.f32 v4, v56;
	_ =	sdelay $0x1  }
0x33b: {  	[tilespmem:s9+$0xFFFFFFB0] =	vst v4  }
0x33c: {  	v4 =	vld [tilespmem:s4+$0xFFFFFFD0];
	_ =	sdelay $0x4  }
0x33d: {  	v4 =	vmul.f32 v4, v56;
	_ =	sdelay $0x1  }
0x33e: {  	[tilespmem:s9+$0xFFFFFFC0] =	vst v4  }
0x33f: {  	v4 =	vld [tilespmem:s4+$0xFFFFFFE0];
	_ =	sdelay $0x4  }
0x340: {  	v4 =	vmul.f32 v4, v56;
	_ =	sdelay $0x1  }
0x341: {  	[tilespmem:s9+$0xFFFFFFD0] =	vst v4  }
0x342: {  	v4 =	vld [tilespmem:s4+$0xFFFFFFF0];
	_ =	sdelay $0x3  }
0x343: {  	v5 =	vmul.f32 v1, v56  }
0x344: {  	v4 =	vmul.f32 v4, v56  }
0x345: {  	[tilespmem:s9+$0xFFFFFFF0] =	vst v5  }
0x346: {  	[tilespmem:s9+$0xFFFFFFE0] =	vst v4  }
0x347: {  	v4 =	vld [tilespmem:s4+$0x0];
	_ =	sdelay $0x2  }
0x348: {  	v57 =	vbroadcast v3, $0x8;
	_ =	sdelay $0x1  }
0x349: {  	v4 =	vmul.f32 v4, v57;
	_ =	sdelay $0x1  }
0x34a: {  	[tilespmem:s9+$0x0] =	vst v4  }
0x34b: {  	v4 =	vld [tilespmem:s4+$0x10];
	_ =	sdelay $0x4  }
0x34c: {  	v4 =	vmul.f32 v4, v57;
	_ =	sdelay $0x1  }
0x34d: {  	[tilespmem:s9+$0x10] =	vst v4  }
0x34e: {  	v4 =	vld [tilespmem:s4+$0x20];
	_ =	sdelay $0x4  }
0x34f: {  	v4 =	vmul.f32 v4, v57;
	_ =	sdelay $0x1  }
0x350: {  	[tilespmem:s9+$0x20] =	vst v4  }
0x351: {  	v4 =	vld [tilespmem:s4+$0x30];
	_ =	sdelay $0x3  }
0x352: {  	v5 =	vmul.f32 v1, v57  }
0x353: {  	v4 =	vmul.f32 v4, v57  }
0x354: {  	[tilespmem:s9+$0x40] =	vst v5  }
0x355: {  	[tilespmem:s9+$0x30] =	vst v4  }
0x356: {  	v4 =	vld [tilespmem:s4+$0x40];
	_ =	sdelay $0x2  }
0x357: {  	v58 =	vbroadcast v3, $0x9;
	_ =	sdelay $0x1  }
0x358: {  	v4 =	vmul.f32 v4, v58;
	_ =	sdelay $0x1  }
0x359: {  	[tilespmem:s9+$0x50] =	vst v4  }
0x35a: {  	v4 =	vld [tilespmem:s4+$0x50];
	_ =	sdelay $0x4  }
0x35b: {  	v4 =	vmul.f32 v4, v58;
	_ =	sdelay $0x1  }
0x35c: {  	[tilespmem:s9+$0x60] =	vst v4  }
0x35d: {  	v4 =	vld [tilespmem:s4+$0x60];
	_ =	sdelay $0x4  }
0x35e: {  	v4 =	vmul.f32 v4, v58;
	_ =	sdelay $0x1  }
0x35f: {  	[tilespmem:s9+$0x70] =	vst v4  }
0x360: {  	v4 =	vld [tilespmem:s4+$0x70];
	_ =	sdelay $0x3  }
0x361: {  	v5 =	vmul.f32 v1, v58  }
0x362: {  	v4 =	vmul.f32 v4, v58  }
0x363: {  	[tilespmem:s9+$0x90] =	vst v5  }
0x364: {  	[tilespmem:s9+$0x80] =	vst v4  }
0x365: {  	v4 =	vld [tilespmem:s4+$0x80];
	_ =	sdelay $0x2  }
0x366: {  	v59 =	vbroadcast v3, $0xA;
	_ =	sdelay $0x1  }
0x367: {  	v4 =	vmul.f32 v4, v59;
	_ =	sdelay $0x1  }
0x368: {  	[tilespmem:s9+$0xA0] =	vst v4  }
0x369: {  	v4 =	vld [tilespmem:s4+$0x90];
	_ =	sdelay $0x4  }
0x36a: {  	v4 =	vmul.f32 v4, v59;
	_ =	sdelay $0x1  }
0x36b: {  	[tilespmem:s9+$0xB0] =	vst v4  }
0x36c: {  	v4 =	vld [tilespmem:s4+$0xA0];
	_ =	sdelay $0x4  }
0x36d: {  	v4 =	vmul.f32 v4, v59;
	_ =	sdelay $0x1  }
0x36e: {  	[tilespmem:s9+$0xC0] =	vst v4  }
0x36f: {  	v4 =	vld [tilespmem:s4+$0xB0];
	_ =	sdelay $0x3  }
0x370: {  	v5 =	vmul.f32 v1, v59  }
0x371: {  	v4 =	vmul.f32 v4, v59  }
0x372: {  	[tilespmem:s9+$0xE0] =	vst v5  }
0x373: {  	[tilespmem:s9+$0xD0] =	vst v4  }
0x374: {  	v4 =	vld [tilespmem:s4+$0xC0];
	_ =	sdelay $0x2  }
0x375: {  	v60 =	vbroadcast v3, $0xB;
	_ =	sdelay $0x1  }
0x376: {  	v4 =	vmul.f32 v4, v60;
	_ =	sdelay $0x1  }
0x377: {  	[tilespmem:s9+$0xF0] =	vst v4  }
0x378: {  	v4 =	vld [tilespmem:s4+$0xD0];
	_ =	sdelay $0x4  }
0x379: {  	v4 =	vmul.f32 v4, v60;
	_ =	sdelay $0x1  }
0x37a: {  	[tilespmem:s9+$0x100] =	vst v4  }
0x37b: {  	v4 =	vld [tilespmem:s4+$0xE0];
	_ =	sdelay $0x4  }
0x37c: {  	v4 =	vmul.f32 v4, v60;
	_ =	sdelay $0x1  }
0x37d: {  	[tilespmem:s9+$0x110] =	vst v4  }
0x37e: {  	v4 =	vld [tilespmem:s4+$0xF0];
	_ =	sdelay $0x3  }
0x37f: {  	v5 =	vmul.f32 v1, v60  }
0x380: {  	v4 =	vmul.f32 v4, v60  }
0x381: {  	[tilespmem:s9+$0x130] =	vst v5  }
0x382: {  	[tilespmem:s9+$0x120] =	vst v4  }
0x383: {  	v4 =	vld [tilespmem:s4+$0x100];
	_ =	sdelay $0x2  }
0x384: {  	v61 =	vbroadcast v3, $0xC;
	_ =	sdelay $0x1  }
0x385: {  	v4 =	vmul.f32 v4, v61;
	_ =	sdelay $0x1  }
0x386: {  	[tilespmem:s9+$0x140] =	vst v4  }
0x387: {  	v4 =	vld [tilespmem:s4+$0x110];
	_ =	sdelay $0x4  }
0x388: {  	v4 =	vmul.f32 v4, v61;
	_ =	sdelay $0x1  }
0x389: {  	[tilespmem:s9+$0x150] =	vst v4  }
0x38a: {  	v4 =	vld [tilespmem:s4+$0x120];
	_ =	sdelay $0x4  }
0x38b: {  	v4 =	vmul.f32 v4, v61;
	_ =	sdelay $0x1  }
0x38c: {  	[tilespmem:s9+$0x160] =	vst v4  }
0x38d: {  	v4 =	vld [tilespmem:s4+$0x130];
	_ =	sdelay $0x3  }
0x38e: {  	v5 =	vmul.f32 v1, v61  }
0x38f: {  	v4 =	vmul.f32 v4, v61  }
0x390: {  	[tilespmem:s9+$0x180] =	vst v5  }
0x391: {  	[tilespmem:s9+$0x170] =	vst v4  }
0x392: {  	v4 =	vld [tilespmem:s4+$0x140];
	_ =	sdelay $0x2  }
0x393: {  	v62 =	vbroadcast v3, $0xD;
	_ =	sdelay $0x1  }
0x394: {  	v4 =	vmul.f32 v4, v62;
	_ =	sdelay $0x1  }
0x395: {  	[tilespmem:s9+$0x190] =	vst v4  }
0x396: {  	v4 =	vld [tilespmem:s4+$0x150];
	_ =	sdelay $0x4  }
0x397: {  	v4 =	vmul.f32 v4, v62;
	_ =	sdelay $0x1  }
0x398: {  	[tilespmem:s9+$0x1A0] =	vst v4  }
0x399: {  	v4 =	vld [tilespmem:s4+$0x160];
	_ =	sdelay $0x4  }
0x39a: {  	v4 =	vmul.f32 v4, v62;
	_ =	sdelay $0x1  }
0x39b: {  	[tilespmem:s9+$0x1B0] =	vst v4  }
0x39c: {  	v4 =	vld [tilespmem:s4+$0x170];
	_ =	sdelay $0x3  }
0x39d: {  	v5 =	vmul.f32 v1, v62  }
0x39e: {  	v4 =	vmul.f32 v4, v62  }
0x39f: {  	[tilespmem:s9+$0x1D0] =	vst v5  }
0x3a0: {  	[tilespmem:s9+$0x1C0] =	vst v4  }
0x3a1: {  	v4 =	vld [tilespmem:s4+$0x180];
	_ =	sdelay $0x2  }
0x3a2: {  	v63 =	vbroadcast v3, $0xE;
	_ =	sdelay $0x1  }
0x3a3: {  	v4 =	vmul.f32 v4, v63;
	_ =	sdelay $0x1  }
0x3a4: {  	[tilespmem:s9+$0x1E0] =	vst v4  }
0x3a5: {  	v4 =	vld [tilespmem:s4+$0x190];
	_ =	sdelay $0x4  }
0x3a6: {  	v4 =	vmul.f32 v4, v63;
	_ =	sdelay $0x1  }
0x3a7: {  	[tilespmem:s9+$0x1F0] =	vst v4  }
0x3a8: {  	v4 =	vld [tilespmem:s4+$0x1A0];
	_ =	sdelay $0x4  }
0x3a9: {  	v4 =	vmul.f32 v4, v63;
	_ =	sdelay $0x1  }
0x3aa: {  	[tilespmem:s9+$0x200] =	vst v4  }
0x3ab: {  	v4 =	vld [tilespmem:s4+$0x1B0];
	_ =	sdelay $0x3  }
0x3ac: {  	v5 =	vmul.f32 v1, v63  }
0x3ad: {  	v4 =	vmul.f32 v4, v63  }
0x3ae: {  	[tilespmem:s9+$0x220] =	vst v5  }
0x3af: {  	[tilespmem:s9+$0x210] =	vst v4  }
0x3b0: {  	v4 =	vld [tilespmem:s4+$0x1C0];
	_ =	sdelay $0x2  }
0x3b1: {  	v3 =	vbroadcast v3, $0xF;
	_ =	sdelay $0x1  }
0x3b2: {  	v4 =	vmul.f32 v4, v3;
	_ =	sdelay $0x1  }
0x3b3: {  	[tilespmem:s9+$0x230] =	vst v4  }
0x3b4: {  	v4 =	vld [tilespmem:s4+$0x1D0];
	_ =	sdelay $0x4  }
0x3b5: {  	v4 =	vmul.f32 v4, v3;
	_ =	sdelay $0x1  }
0x3b6: {  	[tilespmem:s9+$0x240] =	vst v4  }
0x3b7: {  	v4 =	vld [tilespmem:s4+$0x1E0];
	_ =	sdelay $0x4  }
0x3b8: {  	v4 =	vmul.f32 v4, v3;
	_ =	sdelay $0x1  }
0x3b9: {  	[tilespmem:s9+$0x250] =	vst v4  }
0x3ba: {  	v4 =	vld [tilespmem:s4+$0x1F0];
	_ =	sdelay $0x2  }
0x3bb: {  	p1 =	sne.s32 s3, $0x100  }
.Ltmp6:
0x3bc: {  	_ = 	snop;
	(pc) =	sbr.rel @p1 .LBB2_12-.Ltmp6, $4  }
0x3bd: {  	v4 =	vmul.f32 v4, v3  }
0x3be: {  	v3 =	vmul.f32 v1, v3  }
0x3bf: {  	[tilespmem:s9+$0x260] =	vst v4  }
0x3c0: {  	s3 =	sadd.s32 $0x40, s3;
	s4 =	sadd.s32 $0x400, s4;
	[tilespmem:s9+$0x270] =	vst v3;
	s9 =	sadd.s32 $0x500, s9  }
0x3c1: {  	s29 =	sadd.s32 $0x1, s29  }
0x3c2: {  	p1 =	sne.s32 s29, $0xC  }
.Ltmp7:
0x3c3: {  	_ = 	snop;
	(pc) =	sbr.rel @p1 .LBB2_9-.Ltmp7, $3  }
0x3c4: {  	_ =	sdelay $0x1  }
0x3c5: {  	s3 =	sadd.s32 $0x55F0, s8;
	s30 =	sadd.s32 $0xA0, s30;
	s7 =	sadd.s32 $0xA0, s7  }
0x3c6: {  	[spmem:s31] =	stream.indirect.scatter.add.f32 [tilespmem:s20], [sflag:$0x2], $0x50, s3, s15, $0xb8;
	[tilespmem:$0x18F60] =	vst v63  }
0x3c7: {  	_ =	swait.ge [sflag:s17], $0x1400  }
0x3c8: {  	[sflag:s17] =	ssyncset.done $0x0  }
0x3c9: {  	[sflag:s17] =	ssyncadd.s32 $0xFFFFEC00  }
0x3ca: {  	_ =	swait.ge [sflag:s21], $0x1900  }
0x3cb: {  	s3 =	simm.s32 $0x0;
	[sflag:s21] =	ssyncset.done $0x0  }
0x3cc: {  	s4 =	simm.s32 $0x7B90;
	s5 =	simm.s32 $0x9010;
	[sflag:s21] =	ssyncadd.s32 $0xFFFFE700  }
.LBB2_15:
0x3cd: {  	s7 =	sshra.s32 s3, $0x2  }
0x3ce: {  	v2 =	vld [tilespmem:s7+$0x6540];
	_ =	sdelay $0x1  }
0x3cf: {  	v3 =	vld [tilespmem:s4+$0xFFFFFE00];
	_ =	sdelay $0x2  }
0x3d0: {  	v4 =	vbroadcast v2, $0x0;
	_ =	sdelay $0x1  }
0x3d1: {  	v3 =	vmul.f32 v4, v3;
	_ =	sdelay $0x1  }
0x3d2: {  	[tilespmem:s5+$0xFFFFFD80] =	vst v3  }
0x3d3: {  	v3 =	vld [tilespmem:s4+$0xFFFFFE10];
	_ =	sdelay $0x4  }
0x3d4: {  	v3 =	vmul.f32 v3, v4;
	_ =	sdelay $0x1  }
0x3d5: {  	[tilespmem:s5+$0xFFFFFD90] =	vst v3  }
0x3d6: {  	v3 =	vld [tilespmem:s4+$0xFFFFFE20];
	_ =	sdelay $0x4  }
0x3d7: {  	v3 =	vmul.f32 v3, v4;
	_ =	sdelay $0x1  }
0x3d8: {  	[tilespmem:s5+$0xFFFFFDA0] =	vst v3  }
0x3d9: {  	v3 =	vld [tilespmem:s4+$0xFFFFFE30];
	_ =	sdelay $0x4  }
0x3da: {  	v3 =	vmul.f32 v3, v4  }
0x3db: {  	v4 =	vmul.f32 v1, v4  }
0x3dc: {  	[tilespmem:s5+$0xFFFFFDB0] =	vst v3  }
0x3dd: {  	[tilespmem:s5+$0xFFFFFDC0] =	vst v4  }
0x3de: {  	v3 =	vld [tilespmem:s4+$0xFFFFFE40];
	_ =	sdelay $0x2  }
0x3df: {  	v50 =	vbroadcast v2, $0x1;
	_ =	sdelay $0x1  }
0x3e0: {  	v3 =	vmul.f32 v3, v50;
	_ =	sdelay $0x1  }
0x3e1: {  	[tilespmem:s5+$0xFFFFFDD0] =	vst v3  }
0x3e2: {  	v3 =	vld [tilespmem:s4+$0xFFFFFE50];
	_ =	sdelay $0x4  }
0x3e3: {  	v3 =	vmul.f32 v3, v50;
	_ =	sdelay $0x1  }
0x3e4: {  	[tilespmem:s5+$0xFFFFFDE0] =	vst v3  }
0x3e5: {  	v3 =	vld [tilespmem:s4+$0xFFFFFE60];
	_ =	sdelay $0x4  }
0x3e6: {  	v3 =	vmul.f32 v3, v50;
	_ =	sdelay $0x1  }
0x3e7: {  	[tilespmem:s5+$0xFFFFFDF0] =	vst v3  }
0x3e8: {  	v3 =	vld [tilespmem:s4+$0xFFFFFE70];
	_ =	sdelay $0x3  }
0x3e9: {  	v4 =	vmul.f32 v1, v50  }
0x3ea: {  	v3 =	vmul.f32 v3, v50  }
0x3eb: {  	[tilespmem:s5+$0xFFFFFE10] =	vst v4  }
0x3ec: {  	[tilespmem:s5+$0xFFFFFE00] =	vst v3  }
0x3ed: {  	v3 =	vld [tilespmem:s4+$0xFFFFFE80];
	_ =	sdelay $0x2  }
0x3ee: {  	v51 =	vbroadcast v2, $0x2;
	_ =	sdelay $0x1  }
0x3ef: {  	v3 =	vmul.f32 v3, v51;
	_ =	sdelay $0x1  }
0x3f0: {  	[tilespmem:s5+$0xFFFFFE20] =	vst v3  }
0x3f1: {  	v3 =	vld [tilespmem:s4+$0xFFFFFE90];
	_ =	sdelay $0x4  }
0x3f2: {  	v3 =	vmul.f32 v3, v51;
	_ =	sdelay $0x1  }
0x3f3: {  	[tilespmem:s5+$0xFFFFFE30] =	vst v3  }
0x3f4: {  	v3 =	vld [tilespmem:s4+$0xFFFFFEA0];
	_ =	sdelay $0x4  }
0x3f5: {  	v3 =	vmul.f32 v3, v51;
	_ =	sdelay $0x1  }
0x3f6: {  	[tilespmem:s5+$0xFFFFFE40] =	vst v3  }
0x3f7: {  	v3 =	vld [tilespmem:s4+$0xFFFFFEB0];
	_ =	sdelay $0x3  }
0x3f8: {  	v4 =	vmul.f32 v1, v51  }
0x3f9: {  	v3 =	vmul.f32 v3, v51  }
0x3fa: {  	[tilespmem:s5+$0xFFFFFE60] =	vst v4  }
0x3fb: {  	[tilespmem:s5+$0xFFFFFE50] =	vst v3  }
0x3fc: {  	v3 =	vld [tilespmem:s4+$0xFFFFFEC0];
	_ =	sdelay $0x2  }
0x3fd: {  	v52 =	vbroadcast v2, $0x3;
	_ =	sdelay $0x1  }
0x3fe: {  	v3 =	vmul.f32 v3, v52;
	_ =	sdelay $0x1  }
0x3ff: {  	[tilespmem:s5+$0xFFFFFE70] =	vst v3  }
0x400: {  	v3 =	vld [tilespmem:s4+$0xFFFFFED0];
	_ =	sdelay $0x4  }
0x401: {  	v3 =	vmul.f32 v3, v52;
	_ =	sdelay $0x1  }
0x402: {  	[tilespmem:s5+$0xFFFFFE80] =	vst v3  }
0x403: {  	v3 =	vld [tilespmem:s4+$0xFFFFFEE0];
	_ =	sdelay $0x4  }
0x404: {  	v3 =	vmul.f32 v3, v52;
	_ =	sdelay $0x1  }
0x405: {  	[tilespmem:s5+$0xFFFFFE90] =	vst v3  }
0x406: {  	v3 =	vld [tilespmem:s4+$0xFFFFFEF0];
	_ =	sdelay $0x3  }
0x407: {  	v4 =	vmul.f32 v1, v52  }
0x408: {  	v3 =	vmul.f32 v3, v52  }
0x409: {  	[tilespmem:s5+$0xFFFFFEB0] =	vst v4  }
0x40a: {  	[tilespmem:s5+$0xFFFFFEA0] =	vst v3  }
0x40b: {  	v3 =	vld [tilespmem:s4+$0xFFFFFF00];
	_ =	sdelay $0x2  }
0x40c: {  	v53 =	vbroadcast v2, $0x4;
	_ =	sdelay $0x1  }
0x40d: {  	v3 =	vmul.f32 v3, v53;
	_ =	sdelay $0x1  }
0x40e: {  	[tilespmem:s5+$0xFFFFFEC0] =	vst v3  }
0x40f: {  	v3 =	vld [tilespmem:s4+$0xFFFFFF10];
	_ =	sdelay $0x4  }
0x410: {  	v3 =	vmul.f32 v3, v53;
	_ =	sdelay $0x1  }
0x411: {  	[tilespmem:s5+$0xFFFFFED0] =	vst v3  }
0x412: {  	v3 =	vld [tilespmem:s4+$0xFFFFFF20];
	_ =	sdelay $0x4  }
0x413: {  	v3 =	vmul.f32 v3, v53;
	_ =	sdelay $0x1  }
0x414: {  	[tilespmem:s5+$0xFFFFFEE0] =	vst v3  }
0x415: {  	v3 =	vld [tilespmem:s4+$0xFFFFFF30];
	_ =	sdelay $0x3  }
0x416: {  	v4 =	vmul.f32 v1, v53  }
0x417: {  	v3 =	vmul.f32 v3, v53  }
0x418: {  	[tilespmem:s5+$0xFFFFFF00] =	vst v4  }
0x419: {  	[tilespmem:s5+$0xFFFFFEF0] =	vst v3  }
0x41a: {  	v3 =	vld [tilespmem:s4+$0xFFFFFF40];
	_ =	sdelay $0x2  }
0x41b: {  	v54 =	vbroadcast v2, $0x5;
	_ =	sdelay $0x1  }
0x41c: {  	v3 =	vmul.f32 v3, v54;
	_ =	sdelay $0x1  }
0x41d: {  	[tilespmem:s5+$0xFFFFFF10] =	vst v3  }
0x41e: {  	v3 =	vld [tilespmem:s4+$0xFFFFFF50];
	_ =	sdelay $0x4  }
0x41f: {  	v3 =	vmul.f32 v3, v54;
	_ =	sdelay $0x1  }
0x420: {  	[tilespmem:s5+$0xFFFFFF20] =	vst v3  }
0x421: {  	v3 =	vld [tilespmem:s4+$0xFFFFFF60];
	_ =	sdelay $0x4  }
0x422: {  	v3 =	vmul.f32 v3, v54;
	_ =	sdelay $0x1  }
0x423: {  	[tilespmem:s5+$0xFFFFFF30] =	vst v3  }
0x424: {  	v3 =	vld [tilespmem:s4+$0xFFFFFF70];
	_ =	sdelay $0x3  }
0x425: {  	v4 =	vmul.f32 v1, v54  }
0x426: {  	v3 =	vmul.f32 v3, v54  }
0x427: {  	[tilespmem:s5+$0xFFFFFF50] =	vst v4  }
0x428: {  	[tilespmem:s5+$0xFFFFFF40] =	vst v3  }
0x429: {  	v3 =	vld [tilespmem:s4+$0xFFFFFF80];
	_ =	sdelay $0x2  }
0x42a: {  	v55 =	vbroadcast v2, $0x6;
	_ =	sdelay $0x1  }
0x42b: {  	v3 =	vmul.f32 v3, v55;
	_ =	sdelay $0x1  }
0x42c: {  	[tilespmem:s5+$0xFFFFFF60] =	vst v3  }
0x42d: {  	v3 =	vld [tilespmem:s4+$0xFFFFFF90];
	_ =	sdelay $0x4  }
0x42e: {  	v3 =	vmul.f32 v3, v55;
	_ =	sdelay $0x1  }
0x42f: {  	[tilespmem:s5+$0xFFFFFF70] =	vst v3  }
0x430: {  	v3 =	vld [tilespmem:s4+$0xFFFFFFA0];
	_ =	sdelay $0x4  }
0x431: {  	v3 =	vmul.f32 v3, v55;
	_ =	sdelay $0x1  }
0x432: {  	[tilespmem:s5+$0xFFFFFF80] =	vst v3  }
0x433: {  	v3 =	vld [tilespmem:s4+$0xFFFFFFB0];
	_ =	sdelay $0x3  }
0x434: {  	v4 =	vmul.f32 v1, v55  }
0x435: {  	v3 =	vmul.f32 v3, v55  }
0x436: {  	[tilespmem:s5+$0xFFFFFFA0] =	vst v4  }
0x437: {  	[tilespmem:s5+$0xFFFFFF90] =	vst v3  }
0x438: {  	v3 =	vld [tilespmem:s4+$0xFFFFFFC0];
	_ =	sdelay $0x2  }
0x439: {  	v56 =	vbroadcast v2, $0x7;
	_ =	sdelay $0x1  }
0x43a: {  	v3 =	vmul.f32 v3, v56;
	_ =	sdelay $0x1  }
0x43b: {  	[tilespmem:s5+$0xFFFFFFB0] =	vst v3  }
0x43c: {  	v3 =	vld [tilespmem:s4+$0xFFFFFFD0];
	_ =	sdelay $0x4  }
0x43d: {  	v3 =	vmul.f32 v3, v56;
	_ =	sdelay $0x1  }
0x43e: {  	[tilespmem:s5+$0xFFFFFFC0] =	vst v3  }
0x43f: {  	v3 =	vld [tilespmem:s4+$0xFFFFFFE0];
	_ =	sdelay $0x4  }
0x440: {  	v3 =	vmul.f32 v3, v56;
	_ =	sdelay $0x1  }
0x441: {  	[tilespmem:s5+$0xFFFFFFD0] =	vst v3  }
0x442: {  	v3 =	vld [tilespmem:s4+$0xFFFFFFF0];
	_ =	sdelay $0x3  }
0x443: {  	v4 =	vmul.f32 v1, v56  }
0x444: {  	v3 =	vmul.f32 v3, v56  }
0x445: {  	[tilespmem:s5+$0xFFFFFFF0] =	vst v4  }
0x446: {  	[tilespmem:s5+$0xFFFFFFE0] =	vst v3  }
0x447: {  	v3 =	vld [tilespmem:s4+$0x0];
	_ =	sdelay $0x2  }
0x448: {  	v57 =	vbroadcast v2, $0x8;
	_ =	sdelay $0x1  }
0x449: {  	v3 =	vmul.f32 v3, v57;
	_ =	sdelay $0x1  }
0x44a: {  	[tilespmem:s5+$0x0] =	vst v3  }
0x44b: {  	v3 =	vld [tilespmem:s4+$0x10];
	_ =	sdelay $0x4  }
0x44c: {  	v3 =	vmul.f32 v3, v57;
	_ =	sdelay $0x1  }
0x44d: {  	[tilespmem:s5+$0x10] =	vst v3  }
0x44e: {  	v3 =	vld [tilespmem:s4+$0x20];
	_ =	sdelay $0x4  }
0x44f: {  	v3 =	vmul.f32 v3, v57;
	_ =	sdelay $0x1  }
0x450: {  	[tilespmem:s5+$0x20] =	vst v3  }
0x451: {  	v3 =	vld [tilespmem:s4+$0x30];
	_ =	sdelay $0x3  }
0x452: {  	v4 =	vmul.f32 v1, v57  }
0x453: {  	v3 =	vmul.f32 v3, v57  }
0x454: {  	[tilespmem:s5+$0x40] =	vst v4  }
0x455: {  	[tilespmem:s5+$0x30] =	vst v3  }
0x456: {  	v3 =	vld [tilespmem:s4+$0x40];
	_ =	sdelay $0x2  }
0x457: {  	v58 =	vbroadcast v2, $0x9;
	_ =	sdelay $0x1  }
0x458: {  	v3 =	vmul.f32 v3, v58;
	_ =	sdelay $0x1  }
0x459: {  	[tilespmem:s5+$0x50] =	vst v3  }
0x45a: {  	v3 =	vld [tilespmem:s4+$0x50];
	_ =	sdelay $0x4  }
0x45b: {  	v3 =	vmul.f32 v3, v58;
	_ =	sdelay $0x1  }
0x45c: {  	[tilespmem:s5+$0x60] =	vst v3  }
0x45d: {  	v3 =	vld [tilespmem:s4+$0x60];
	_ =	sdelay $0x4  }
0x45e: {  	v3 =	vmul.f32 v3, v58;
	_ =	sdelay $0x1  }
0x45f: {  	[tilespmem:s5+$0x70] =	vst v3  }
0x460: {  	v3 =	vld [tilespmem:s4+$0x70];
	_ =	sdelay $0x3  }
0x461: {  	v4 =	vmul.f32 v1, v58  }
0x462: {  	v3 =	vmul.f32 v3, v58  }
0x463: {  	[tilespmem:s5+$0x90] =	vst v4  }
0x464: {  	[tilespmem:s5+$0x80] =	vst v3  }
0x465: {  	v3 =	vld [tilespmem:s4+$0x80];
	_ =	sdelay $0x2  }
0x466: {  	v59 =	vbroadcast v2, $0xA;
	_ =	sdelay $0x1  }
0x467: {  	v3 =	vmul.f32 v3, v59;
	_ =	sdelay $0x1  }
0x468: {  	[tilespmem:s5+$0xA0] =	vst v3  }
0x469: {  	v3 =	vld [tilespmem:s4+$0x90];
	_ =	sdelay $0x4  }
0x46a: {  	v3 =	vmul.f32 v3, v59;
	_ =	sdelay $0x1  }
0x46b: {  	[tilespmem:s5+$0xB0] =	vst v3  }
0x46c: {  	v3 =	vld [tilespmem:s4+$0xA0];
	_ =	sdelay $0x4  }
0x46d: {  	v3 =	vmul.f32 v3, v59;
	_ =	sdelay $0x1  }
0x46e: {  	[tilespmem:s5+$0xC0] =	vst v3  }
0x46f: {  	v3 =	vld [tilespmem:s4+$0xB0];
	_ =	sdelay $0x3  }
0x470: {  	v4 =	vmul.f32 v1, v59  }
0x471: {  	v3 =	vmul.f32 v3, v59  }
0x472: {  	[tilespmem:s5+$0xE0] =	vst v4  }
0x473: {  	[tilespmem:s5+$0xD0] =	vst v3  }
0x474: {  	v3 =	vld [tilespmem:s4+$0xC0];
	_ =	sdelay $0x2  }
0x475: {  	v60 =	vbroadcast v2, $0xB;
	_ =	sdelay $0x1  }
0x476: {  	v3 =	vmul.f32 v3, v60;
	_ =	sdelay $0x1  }
0x477: {  	[tilespmem:s5+$0xF0] =	vst v3  }
0x478: {  	v3 =	vld [tilespmem:s4+$0xD0];
	_ =	sdelay $0x4  }
0x479: {  	v3 =	vmul.f32 v3, v60;
	_ =	sdelay $0x1  }
0x47a: {  	[tilespmem:s5+$0x100] =	vst v3  }
0x47b: {  	v3 =	vld [tilespmem:s4+$0xE0];
	_ =	sdelay $0x4  }
0x47c: {  	v3 =	vmul.f32 v3, v60;
	_ =	sdelay $0x1  }
0x47d: {  	[tilespmem:s5+$0x110] =	vst v3  }
0x47e: {  	v3 =	vld [tilespmem:s4+$0xF0];
	_ =	sdelay $0x3  }
0x47f: {  	v4 =	vmul.f32 v1, v60  }
0x480: {  	v3 =	vmul.f32 v3, v60  }
0x481: {  	[tilespmem:s5+$0x130] =	vst v4  }
0x482: {  	[tilespmem:s5+$0x120] =	vst v3  }
0x483: {  	v3 =	vld [tilespmem:s4+$0x100];
	_ =	sdelay $0x2  }
0x484: {  	v61 =	vbroadcast v2, $0xC;
	_ =	sdelay $0x1  }
0x485: {  	v3 =	vmul.f32 v3, v61;
	_ =	sdelay $0x1  }
0x486: {  	[tilespmem:s5+$0x140] =	vst v3  }
0x487: {  	v3 =	vld [tilespmem:s4+$0x110];
	_ =	sdelay $0x4  }
0x488: {  	v3 =	vmul.f32 v3, v61;
	_ =	sdelay $0x1  }
0x489: {  	[tilespmem:s5+$0x150] =	vst v3  }
0x48a: {  	v3 =	vld [tilespmem:s4+$0x120];
	_ =	sdelay $0x4  }
0x48b: {  	v3 =	vmul.f32 v3, v61;
	_ =	sdelay $0x1  }
0x48c: {  	[tilespmem:s5+$0x160] =	vst v3  }
0x48d: {  	v3 =	vld [tilespmem:s4+$0x130];
	_ =	sdelay $0x3  }
0x48e: {  	v4 =	vmul.f32 v1, v61  }
0x48f: {  	v3 =	vmul.f32 v3, v61  }
0x490: {  	[tilespmem:s5+$0x180] =	vst v4  }
0x491: {  	[tilespmem:s5+$0x170] =	vst v3  }
0x492: {  	v3 =	vld [tilespmem:s4+$0x140];
	_ =	sdelay $0x2  }
0x493: {  	v62 =	vbroadcast v2, $0xD;
	_ =	sdelay $0x1  }
0x494: {  	v3 =	vmul.f32 v3, v62;
	_ =	sdelay $0x1  }
0x495: {  	[tilespmem:s5+$0x190] =	vst v3  }
0x496: {  	v3 =	vld [tilespmem:s4+$0x150];
	_ =	sdelay $0x4  }
0x497: {  	v3 =	vmul.f32 v3, v62;
	_ =	sdelay $0x1  }
0x498: {  	[tilespmem:s5+$0x1A0] =	vst v3  }
0x499: {  	v3 =	vld [tilespmem:s4+$0x160];
	_ =	sdelay $0x4  }
0x49a: {  	v3 =	vmul.f32 v3, v62;
	_ =	sdelay $0x1  }
0x49b: {  	[tilespmem:s5+$0x1B0] =	vst v3  }
0x49c: {  	v3 =	vld [tilespmem:s4+$0x170];
	_ =	sdelay $0x3  }
0x49d: {  	v4 =	vmul.f32 v1, v62  }
0x49e: {  	v3 =	vmul.f32 v3, v62  }
0x49f: {  	[tilespmem:s5+$0x1D0] =	vst v4  }
0x4a0: {  	[tilespmem:s5+$0x1C0] =	vst v3  }
0x4a1: {  	v3 =	vld [tilespmem:s4+$0x180];
	_ =	sdelay $0x2  }
0x4a2: {  	v63 =	vbroadcast v2, $0xE;
	_ =	sdelay $0x1  }
0x4a3: {  	v3 =	vmul.f32 v3, v63;
	_ =	sdelay $0x1  }
0x4a4: {  	[tilespmem:s5+$0x1E0] =	vst v3  }
0x4a5: {  	v3 =	vld [tilespmem:s4+$0x190];
	_ =	sdelay $0x4  }
0x4a6: {  	v3 =	vmul.f32 v3, v63;
	_ =	sdelay $0x1  }
0x4a7: {  	[tilespmem:s5+$0x1F0] =	vst v3  }
0x4a8: {  	v3 =	vld [tilespmem:s4+$0x1A0];
	_ =	sdelay $0x4  }
0x4a9: {  	v3 =	vmul.f32 v3, v63;
	_ =	sdelay $0x1  }
0x4aa: {  	[tilespmem:s5+$0x200] =	vst v3  }
0x4ab: {  	v3 =	vld [tilespmem:s4+$0x1B0];
	_ =	sdelay $0x3  }
0x4ac: {  	v4 =	vmul.f32 v1, v63  }
0x4ad: {  	v3 =	vmul.f32 v3, v63  }
0x4ae: {  	[tilespmem:s5+$0x220] =	vst v4  }
0x4af: {  	[tilespmem:s5+$0x210] =	vst v3  }
0x4b0: {  	v3 =	vld [tilespmem:s4+$0x1C0];
	_ =	sdelay $0x2  }
0x4b1: {  	v2 =	vbroadcast v2, $0xF;
	_ =	sdelay $0x1  }
0x4b2: {  	v3 =	vmul.f32 v3, v2;
	_ =	sdelay $0x1  }
0x4b3: {  	[tilespmem:s5+$0x230] =	vst v3  }
0x4b4: {  	v3 =	vld [tilespmem:s4+$0x1D0];
	_ =	sdelay $0x4  }
0x4b5: {  	v3 =	vmul.f32 v3, v2;
	_ =	sdelay $0x1  }
0x4b6: {  	[tilespmem:s5+$0x240] =	vst v3  }
0x4b7: {  	v3 =	vld [tilespmem:s4+$0x1E0];
	_ =	sdelay $0x4  }
0x4b8: {  	v3 =	vmul.f32 v3, v2;
	_ =	sdelay $0x1  }
0x4b9: {  	[tilespmem:s5+$0x250] =	vst v3  }
0x4ba: {  	v3 =	vld [tilespmem:s4+$0x1F0];
	_ =	sdelay $0x2  }
0x4bb: {  	p1 =	sne.s32 s3, $0x100  }
.Ltmp8:
0x4bc: {  	_ = 	snop;
	(pc) =	sbr.rel @p1 .LBB2_15-.Ltmp8, $4  }
0x4bd: {  	v3 =	vmul.f32 v3, v2  }
0x4be: {  	v2 =	vmul.f32 v1, v2  }
0x4bf: {  	[tilespmem:s5+$0x260] =	vst v3  }
0x4c0: {  	s3 =	sadd.s32 $0x40, s3;
	s4 =	sadd.s32 $0x400, s4;
	[tilespmem:s5+$0x270] =	vst v2;
	s5 =	sadd.s32 $0x500, s5  }
0x4c1: {  	[spmem:s31] =	stream.indirect.scatter.add.f32 [tilespmem:s19], [sflag:$0x3], $0x50, s22, s15, $0xb8;
	[tilespmem:$0x18F60] =	vst v63  }
0x4c2: {  	s25 =	sadd.s32 $0x1, s25  }
0x4c3: {  	_ =	swait.ge [sflag:s10], $0x1900;
	p1 =	sne.s32 s25, $0x5  }
.Ltmp9:
0x4c4: {  	[sflag:s10] =	ssyncset.done $0x0;
	(pc) =	sbr.rel @p1 .LBB2_6-.Ltmp9, $4  }
0x4c5: {  	[sflag:s10] =	ssyncadd.s32 $0xFFFFE700  }
0x4c6: {  	_ =	swait.ge [sflag:s21], $0x1900  }
0x4c7: {  	[sflag:s21] =	ssyncset.done $0x0  }
0x4c8: {  	[sflag:s21] =	ssyncadd.s32 $0xFFFFE700  }
.Ltmp10:
0x4c9: {  	(pc) =	sbr.rel @p0 .LBB2_19-.Ltmp10, $2  }
0x4ca: {  	_ =	sdelay $0x1  }
0x4cb: {  	[bflag:$0x0] =	sbarrier.arrive $0xFFFF;
	_ =	sdelay $0x1  }
0x4cc: {  	s3 =	rddreg [dreg:$0x1e]  }
0x4cd: {  	[tilespmem:s12], [sflag:$0x3] =	stream.linear.gather [spmem:s3], $0xC80, $0x38;
	[tilespmem:$0x18F60] =	vst v63  }
0x4ce: {  	_ =	swait.ge [sflag:s10], $0xC80  }
0x4cf: {  	[sflag:s10] =	ssyncset.done $0x0  }
0x4d0: {  	s25 =	rddreg [dreg:$0x4];
	[sflag:s10] =	ssyncadd.s32 $0xFFFFF380  }
0x4d1: {  	[hbm4b:s25+s2] =	stream.linear.scatter [tilespmem:s12], [sflag:$0x3], $0xC80, $0x38;
	[tilespmem:$0x18F60] =	vst v63  }
0x4d2: {  	_ =	swait.ge [sflag:s10], $0xC80  }
0x4d3: {  	[sflag:s10] =	ssyncset.done $0x0  }
0x4d4: {  	s28 =	rddreg [dreg:$0x1f];
	[sflag:s10] =	ssyncadd.s32 $0xFFFFF380  }
0x4d5: {  	[tilespmem:s12], [sflag:$0x3] =	stream.linear.gather [spmem:s28], $0xC80, $0x38;
	[tilespmem:$0x18F60] =	vst v63  }
0x4d6: {  	_ =	swait.ge [sflag:s10], $0xC80  }
0x4d7: {  	[sflag:s10] =	ssyncset.done $0x0  }
0x4d8: {  	s29 =	rddreg [dreg:$0x5];
	[sflag:s10] =	ssyncadd.s32 $0xFFFFF380  }
0x4d9: {  	[hbm4b:s29+s2] =	stream.linear.scatter [tilespmem:s12], [sflag:$0x3], $0xC80, $0x38;
	[tilespmem:$0x18F60] =	vst v63  }
0x4da: {  	_ =	swait.ge [sflag:s10], $0xC80  }
0x4db: {  	s30 =	sld [smem:$0x7CA]  }
0x4dc: {  	[sflag:s10] =	ssyncset.done $0x0  }
0x4dd: {  	[sflag:s10] =	ssyncadd.s32 $0xFFFFF380  }
0x4de: {  	[tilespmem:s12], [sflag:$0x3] =	stream.linear.gather [spmem:s30], $0xC80, $0x38;
	[tilespmem:$0x18F60] =	vst v63  }
0x4df: {  	_ =	swait.ge [sflag:s10], $0xC80  }
0x4e0: {  	[sflag:s10] =	ssyncset.done $0x0  }
0x4e1: {  	s4 =	rddreg [dreg:$0x6];
	[sflag:s10] =	ssyncadd.s32 $0xFFFFF380  }
0x4e2: {  	[hbm4b:s4+s2] =	stream.linear.scatter [tilespmem:s12], [sflag:$0x3], $0xC80, $0x38;
	[tilespmem:$0x18F60] =	vst v63  }
0x4e3: {  	_ =	swait.ge [sflag:s10], $0xC80  }
0x4e4: {  	s5 =	sld [smem:$0x7CC]  }
0x4e5: {  	[sflag:s10] =	ssyncset.done $0x0  }
0x4e6: {  	[sflag:s10] =	ssyncadd.s32 $0xFFFFF380  }
0x4e7: {  	[tilespmem:s12], [sflag:$0x3] =	stream.linear.gather [spmem:s5], $0xC80, $0x38;
	[tilespmem:$0x18F60] =	vst v63  }
0x4e8: {  	_ =	swait.ge [sflag:s10], $0xC80  }
0x4e9: {  	[sflag:s10] =	ssyncset.done $0x0  }
0x4ea: {  	s7 =	rddreg [dreg:$0x7];
	[sflag:s10] =	ssyncadd.s32 $0xFFFFF380  }
0x4eb: {  	[hbm4b:s7+s2] =	stream.linear.scatter [tilespmem:s12], [sflag:$0x3], $0xC80, $0x38;
	[tilespmem:$0x18F60] =	vst v63  }
0x4ec: {  	_ =	swait.ge [sflag:s10], $0xC80  }
0x4ed: {  	s8 =	sld [smem:$0x7CD]  }
0x4ee: {  	[sflag:s10] =	ssyncset.done $0x0  }
0x4ef: {  	[sflag:s10] =	ssyncadd.s32 $0xFFFFF380  }
0x4f0: {  	[tilespmem:s12], [sflag:$0x3] =	stream.linear.gather [spmem:s8], $0xC80, $0x38;
	[tilespmem:$0x18F60] =	vst v63  }
0x4f1: {  	_ =	swait.ge [sflag:s10], $0xC80  }
0x4f2: {  	[sflag:s10] =	ssyncset.done $0x0  }
0x4f3: {  	s9 =	rddreg [dreg:$0x8];
	[sflag:s10] =	ssyncadd.s32 $0xFFFFF380  }
0x4f4: {  	[hbm4b:s9+s2] =	stream.linear.scatter [tilespmem:s12], [sflag:$0x3], $0xC80, $0x38;
	[tilespmem:$0x18F60] =	vst v63  }
0x4f5: {  	_ =	swait.ge [sflag:s10], $0xC80  }
0x4f6: {  	s25 =	sld [smem:$0x7CE]  }
0x4f7: {  	[sflag:s10] =	ssyncset.done $0x0  }
0x4f8: {  	[sflag:s10] =	ssyncadd.s32 $0xFFFFF380  }
0x4f9: {  	[tilespmem:s12], [sflag:$0x3] =	stream.linear.gather [spmem:s25], $0xC80, $0x38;
	[tilespmem:$0x18F60] =	vst v63  }
0x4fa: {  	_ =	swait.ge [sflag:s10], $0xC80  }
0x4fb: {  	[sflag:s10] =	ssyncset.done $0x0  }
0x4fc: {  	s28 =	rddreg [dreg:$0x9];
	[sflag:s10] =	ssyncadd.s32 $0xFFFFF380  }
0x4fd: {  	[hbm4b:s28+s2] =	stream.linear.scatter [tilespmem:s12], [sflag:$0x3], $0xC80, $0x38;
	[tilespmem:$0x18F60] =	vst v63  }
0x4fe: {  	_ =	swait.ge [sflag:s10], $0xC80  }
0x4ff: {  	s29 =	sld [smem:$0x7CF]  }
0x500: {  	[sflag:s10] =	ssyncset.done $0x0  }
0x501: {  	[sflag:s10] =	ssyncadd.s32 $0xFFFFF380  }
0x502: {  	[tilespmem:s12], [sflag:$0x3] =	stream.linear.gather [spmem:s29], $0xC80, $0x38;
	[tilespmem:$0x18F60] =	vst v63  }
0x503: {  	_ =	swait.ge [sflag:s10], $0xC80  }
0x504: {  	[sflag:s10] =	ssyncset.done $0x0  }
0x505: {  	s30 =	rddreg [dreg:$0xa];
	[sflag:s10] =	ssyncadd.s32 $0xFFFFF380  }
0x506: {  	[hbm4b:s30+s2] =	stream.linear.scatter [tilespmem:s12], [sflag:$0x3], $0xC80, $0x38;
	[tilespmem:$0x18F60] =	vst v63  }
0x507: {  	_ =	swait.ge [sflag:s10], $0xC80  }
0x508: {  	s4 =	sld [smem:$0x7D0]  }
0x509: {  	[sflag:s10] =	ssyncset.done $0x0  }
0x50a: {  	[sflag:s10] =	ssyncadd.s32 $0xFFFFF380  }
0x50b: {  	[tilespmem:s12], [sflag:$0x3] =	stream.linear.gather [spmem:s4], $0xC80, $0x38;
	[tilespmem:$0x18F60] =	vst v63  }
0x50c: {  	_ =	swait.ge [sflag:s10], $0xC80  }
0x50d: {  	[sflag:s10] =	ssyncset.done $0x0  }
0x50e: {  	s5 =	rddreg [dreg:$0xb];
	[sflag:s10] =	ssyncadd.s32 $0xFFFFF380  }
0x50f: {  	[hbm4b:s5+s2] =	stream.linear.scatter [tilespmem:s12], [sflag:$0x3], $0xC80, $0x38;
	[tilespmem:$0x18F60] =	vst v63  }
0x510: {  	_ =	swait.ge [sflag:s10], $0xC80  }
0x511: {  	s7 =	sld [smem:$0x7D1]  }
0x512: {  	[sflag:s10] =	ssyncset.done $0x0  }
0x513: {  	[sflag:s10] =	ssyncadd.s32 $0xFFFFF380  }
0x514: {  	[tilespmem:s12], [sflag:$0x3] =	stream.linear.gather [spmem:s7], $0xC80, $0x38;
	[tilespmem:$0x18F60] =	vst v63  }
0x515: {  	_ =	swait.ge [sflag:s10], $0xC80  }
0x516: {  	[sflag:s10] =	ssyncset.done $0x0  }
0x517: {  	s8 =	rddreg [dreg:$0xc];
	[sflag:s10] =	ssyncadd.s32 $0xFFFFF380  }
0x518: {  	[hbm4b:s8+s2] =	stream.linear.scatter [tilespmem:s12], [sflag:$0x3], $0xC80, $0x38;
	[tilespmem:$0x18F60] =	vst v63  }
0x519: {  	_ =	swait.ge [sflag:s10], $0xC80  }
0x51a: {  	s9 =	sld [smem:$0x7D2]  }
0x51b: {  	[sflag:s10] =	ssyncset.done $0x0  }
0x51c: {  	[sflag:s10] =	ssyncadd.s32 $0xFFFFF380  }
0x51d: {  	[tilespmem:s12], [sflag:$0x3] =	stream.linear.gather [spmem:s9], $0xC80, $0x38;
	[tilespmem:$0x18F60] =	vst v63  }
0x51e: {  	_ =	swait.ge [sflag:s10], $0xC80  }
0x51f: {  	[sflag:s10] =	ssyncset.done $0x0  }
0x520: {  	s25 =	rddreg [dreg:$0xd];
	[sflag:s10] =	ssyncadd.s32 $0xFFFFF380  }
0x521: {  	[hbm4b:s25+s2] =	stream.linear.scatter [tilespmem:s12], [sflag:$0x3], $0xC80, $0x38;
	[tilespmem:$0x18F60] =	vst v63  }
0x522: {  	_ =	swait.ge [sflag:s10], $0xC80  }
0x523: {  	s28 =	sld [smem:$0x7D3]  }
0x524: {  	[sflag:s10] =	ssyncset.done $0x0  }
0x525: {  	[sflag:s10] =	ssyncadd.s32 $0xFFFFF380  }
0x526: {  	[tilespmem:s12], [sflag:$0x3] =	stream.linear.gather [spmem:s28], $0xC80, $0x38;
	[tilespmem:$0x18F60] =	vst v63  }
0x527: {  	_ =	swait.ge [sflag:s10], $0xC80  }
0x528: {  	[sflag:s10] =	ssyncset.done $0x0  }
0x529: {  	s29 =	rddreg [dreg:$0xe];
	[sflag:s10] =	ssyncadd.s32 $0xFFFFF380  }
0x52a: {  	[hbm4b:s29+s2] =	stream.linear.scatter [tilespmem:s12], [sflag:$0x3], $0xC80, $0x38;
	[tilespmem:$0x18F60] =	vst v63  }
0x52b: {  	_ =	swait.ge [sflag:s10], $0xC80  }
0x52c: {  	s30 =	sld [smem:$0x7D4]  }
0x52d: {  	[sflag:s10] =	ssyncset.done $0x0  }
0x52e: {  	[sflag:s10] =	ssyncadd.s32 $0xFFFFF380  }
0x52f: {  	[tilespmem:s12], [sflag:$0x3] =	stream.linear.gather [spmem:s30], $0xC80, $0x38;
	[tilespmem:$0x18F60] =	vst v63  }
0x530: {  	_ =	swait.ge [sflag:s10], $0xC80  }
0x531: {  	[sflag:s10] =	ssyncset.done $0x0  }
0x532: {  	s4 =	rddreg [dreg:$0xf];
	[sflag:s10] =	ssyncadd.s32 $0xFFFFF380  }
0x533: {  	[hbm4b:s4+s2] =	stream.linear.scatter [tilespmem:s12], [sflag:$0x3], $0xC80, $0x38;
	[tilespmem:$0x18F60] =	vst v63  }
0x534: {  	_ =	swait.ge [sflag:s10], $0xC80  }
0x535: {  	s5 =	sld [smem:$0x7D5]  }
0x536: {  	[sflag:s10] =	ssyncset.done $0x0  }
0x537: {  	[sflag:s10] =	ssyncadd.s32 $0xFFFFF380  }
0x538: {  	[tilespmem:s12], [sflag:$0x3] =	stream.linear.gather [spmem:s5], $0xC80, $0x38;
	[tilespmem:$0x18F60] =	vst v63  }
0x539: {  	_ =	swait.ge [sflag:s10], $0xC80  }
0x53a: {  	[sflag:s10] =	ssyncset.done $0x0  }
0x53b: {  	s7 =	rddreg [dreg:$0x10];
	[sflag:s10] =	ssyncadd.s32 $0xFFFFF380  }
0x53c: {  	[hbm4b:s7+s2] =	stream.linear.scatter [tilespmem:s12], [sflag:$0x3], $0xC80, $0x38;
	[tilespmem:$0x18F60] =	vst v63  }
0x53d: {  	_ =	swait.ge [sflag:s10], $0xC80  }
0x53e: {  	s8 =	sld [smem:$0x7D6]  }
0x53f: {  	[sflag:s10] =	ssyncset.done $0x0  }
0x540: {  	[sflag:s10] =	ssyncadd.s32 $0xFFFFF380  }
0x541: {  	[tilespmem:s12], [sflag:$0x3] =	stream.linear.gather [spmem:s8], $0xC80, $0x38;
	[tilespmem:$0x18F60] =	vst v63  }
0x542: {  	_ =	swait.ge [sflag:s10], $0xC80  }
0x543: {  	[sflag:s10] =	ssyncset.done $0x0  }
0x544: {  	s9 =	rddreg [dreg:$0x11];
	[sflag:s10] =	ssyncadd.s32 $0xFFFFF380  }
0x545: {  	[hbm4b:s9+s2] =	stream.linear.scatter [tilespmem:s12], [sflag:$0x3], $0xC80, $0x38;
	[tilespmem:$0x18F60] =	vst v63  }
0x546: {  	_ =	swait.ge [sflag:s10], $0xC80  }
0x547: {  	s25 =	sld [smem:$0x7D7]  }
0x548: {  	[sflag:s10] =	ssyncset.done $0x0  }
0x549: {  	[sflag:s10] =	ssyncadd.s32 $0xFFFFF380  }
0x54a: {  	[tilespmem:s12], [sflag:$0x3] =	stream.linear.gather [spmem:s25], $0xC80, $0x38;
	[tilespmem:$0x18F60] =	vst v63  }
0x54b: {  	_ =	swait.ge [sflag:s10], $0xC80  }
0x54c: {  	[sflag:s10] =	ssyncset.done $0x0  }
0x54d: {  	s28 =	rddreg [dreg:$0x12];
	[sflag:s10] =	ssyncadd.s32 $0xFFFFF380  }
0x54e: {  	[hbm4b:s28+s2] =	stream.linear.scatter [tilespmem:s12], [sflag:$0x3], $0xC80, $0x38;
	[tilespmem:$0x18F60] =	vst v63  }
0x54f: {  	_ =	swait.ge [sflag:s10], $0xC80  }
0x550: {  	s29 =	sld [smem:$0x7D8]  }
0x551: {  	[sflag:s10] =	ssyncset.done $0x0  }
0x552: {  	[sflag:s10] =	ssyncadd.s32 $0xFFFFF380  }
0x553: {  	[tilespmem:s12], [sflag:$0x3] =	stream.linear.gather [spmem:s29], $0xC80, $0x38;
	[tilespmem:$0x18F60] =	vst v63  }
0x554: {  	_ =	swait.ge [sflag:s10], $0xC80  }
0x555: {  	[sflag:s10] =	ssyncset.done $0x0  }
0x556: {  	s30 =	rddreg [dreg:$0x13];
	[sflag:s10] =	ssyncadd.s32 $0xFFFFF380  }
0x557: {  	[hbm4b:s30+s2] =	stream.linear.scatter [tilespmem:s12], [sflag:$0x3], $0xC80, $0x38;
	[tilespmem:$0x18F60] =	vst v63  }
0x558: {  	_ =	swait.ge [sflag:s10], $0xC80  }
0x559: {  	s4 =	sld [smem:$0x7D9]  }
0x55a: {  	[sflag:s10] =	ssyncset.done $0x0  }
0x55b: {  	[sflag:s10] =	ssyncadd.s32 $0xFFFFF380  }
0x55c: {  	[tilespmem:s12], [sflag:$0x3] =	stream.linear.gather [spmem:s4], $0xC80, $0x38;
	[tilespmem:$0x18F60] =	vst v63  }
0x55d: {  	_ =	swait.ge [sflag:s10], $0xC80  }
0x55e: {  	[sflag:s10] =	ssyncset.done $0x0  }
0x55f: {  	s5 =	rddreg [dreg:$0x14];
	[sflag:s10] =	ssyncadd.s32 $0xFFFFF380  }
0x560: {  	[hbm4b:s5+s2] =	stream.linear.scatter [tilespmem:s12], [sflag:$0x3], $0xC80, $0x38;
	[tilespmem:$0x18F60] =	vst v63  }
0x561: {  	_ =	swait.ge [sflag:s10], $0xC80  }
0x562: {  	s7 =	sld [smem:$0x7DA]  }
0x563: {  	[sflag:s10] =	ssyncset.done $0x0  }
0x564: {  	[sflag:s10] =	ssyncadd.s32 $0xFFFFF380  }
0x565: {  	[tilespmem:s12], [sflag:$0x3] =	stream.linear.gather [spmem:s7], $0xC80, $0x38;
	[tilespmem:$0x18F60] =	vst v63  }
0x566: {  	_ =	swait.ge [sflag:s10], $0xC80  }
0x567: {  	[sflag:s10] =	ssyncset.done $0x0  }
0x568: {  	s8 =	rddreg [dreg:$0x15];
	[sflag:s10] =	ssyncadd.s32 $0xFFFFF380  }
0x569: {  	[hbm4b:s8+s2] =	stream.linear.scatter [tilespmem:s12], [sflag:$0x3], $0xC80, $0x38;
	[tilespmem:$0x18F60] =	vst v63  }
0x56a: {  	_ =	swait.ge [sflag:s10], $0xC80  }
0x56b: {  	s9 =	sld [smem:$0x7DB]  }
0x56c: {  	[sflag:s10] =	ssyncset.done $0x0  }
0x56d: {  	[sflag:s10] =	ssyncadd.s32 $0xFFFFF380  }
0x56e: {  	[tilespmem:s12], [sflag:$0x3] =	stream.linear.gather [spmem:s9], $0xC80, $0x38;
	[tilespmem:$0x18F60] =	vst v63  }
0x56f: {  	_ =	swait.ge [sflag:s10], $0xC80  }
0x570: {  	[sflag:s10] =	ssyncset.done $0x0  }
0x571: {  	s25 =	rddreg [dreg:$0x16];
	[sflag:s10] =	ssyncadd.s32 $0xFFFFF380  }
0x572: {  	[hbm4b:s25+s2] =	stream.linear.scatter [tilespmem:s12], [sflag:$0x3], $0xC80, $0x38;
	[tilespmem:$0x18F60] =	vst v63  }
0x573: {  	_ =	swait.ge [sflag:s10], $0xC80  }
0x574: {  	s28 =	sld [smem:$0x7DC]  }
0x575: {  	[sflag:s10] =	ssyncset.done $0x0  }
0x576: {  	[sflag:s10] =	ssyncadd.s32 $0xFFFFF380  }
0x577: {  	[tilespmem:s12], [sflag:$0x3] =	stream.linear.gather [spmem:s28], $0xC80, $0x38;
	[tilespmem:$0x18F60] =	vst v63  }
0x578: {  	_ =	swait.ge [sflag:s10], $0xC80  }
0x579: {  	[sflag:s10] =	ssyncset.done $0x0  }
0x57a: {  	s29 =	rddreg [dreg:$0x17];
	[sflag:s10] =	ssyncadd.s32 $0xFFFFF380  }
0x57b: {  	[hbm4b:s29+s2] =	stream.linear.scatter [tilespmem:s12], [sflag:$0x3], $0xC80, $0x38;
	[tilespmem:$0x18F60] =	vst v63  }
0x57c: {  	_ =	swait.ge [sflag:s10], $0xC80  }
0x57d: {  	s30 =	sld [smem:$0x7DD]  }
0x57e: {  	[sflag:s10] =	ssyncset.done $0x0  }
0x57f: {  	[sflag:s10] =	ssyncadd.s32 $0xFFFFF380  }
0x580: {  	[tilespmem:s12], [sflag:$0x3] =	stream.linear.gather [spmem:s30], $0xC80, $0x38;
	[tilespmem:$0x18F60] =	vst v63  }
0x581: {  	_ =	swait.ge [sflag:s10], $0xC80  }
0x582: {  	[sflag:s10] =	ssyncset.done $0x0  }
0x583: {  	s4 =	rddreg [dreg:$0x18];
	[sflag:s10] =	ssyncadd.s32 $0xFFFFF380  }
0x584: {  	[hbm4b:s4+s2] =	stream.linear.scatter [tilespmem:s12], [sflag:$0x3], $0xC80, $0x38;
	[tilespmem:$0x18F60] =	vst v63  }
0x585: {  	_ =	swait.ge [sflag:s10], $0xC80  }
0x586: {  	s5 =	sld [smem:$0x7DE]  }
0x587: {  	[sflag:s10] =	ssyncset.done $0x0  }
0x588: {  	[sflag:s10] =	ssyncadd.s32 $0xFFFFF380  }
0x589: {  	[tilespmem:s12], [sflag:$0x3] =	stream.linear.gather [spmem:s5], $0xC80, $0x38;
	[tilespmem:$0x18F60] =	vst v63  }
0x58a: {  	_ =	swait.ge [sflag:s10], $0xC80  }
0x58b: {  	[sflag:s10] =	ssyncset.done $0x0  }
0x58c: {  	s7 =	rddreg [dreg:$0x19];
	[sflag:s10] =	ssyncadd.s32 $0xFFFFF380  }
0x58d: {  	[hbm4b:s7+s2] =	stream.linear.scatter [tilespmem:s12], [sflag:$0x3], $0xC80, $0x38;
	[tilespmem:$0x18F60] =	vst v63  }
0x58e: {  	_ =	swait.ge [sflag:s10], $0xC80  }
0x58f: {  	s8 =	sld [smem:$0x7DF]  }
0x590: {  	[sflag:s10] =	ssyncset.done $0x0  }
0x591: {  	[sflag:s10] =	ssyncadd.s32 $0xFFFFF380  }
0x592: {  	[tilespmem:s12], [sflag:$0x3] =	stream.linear.gather [spmem:s8], $0xC80, $0x38;
	[tilespmem:$0x18F60] =	vst v63  }
0x593: {  	_ =	swait.ge [sflag:s10], $0xC80  }
0x594: {  	[sflag:s10] =	ssyncset.done $0x0  }
0x595: {  	s9 =	rddreg [dreg:$0x1a];
	[sflag:s10] =	ssyncadd.s32 $0xFFFFF380  }
0x596: {  	[hbm4b:s9+s2] =	stream.linear.scatter [tilespmem:s12], [sflag:$0x3], $0xC80, $0x38;
	[tilespmem:$0x18F60] =	vst v63  }
0x597: {  	_ =	swait.ge [sflag:s10], $0xC80  }
0x598: {  	s25 =	sld [smem:$0x7E0]  }
0x599: {  	[sflag:s10] =	ssyncset.done $0x0  }
0x59a: {  	[sflag:s10] =	ssyncadd.s32 $0xFFFFF380  }
0x59b: {  	[tilespmem:s12], [sflag:$0x3] =	stream.linear.gather [spmem:s25], $0xC80, $0x38;
	[tilespmem:$0x18F60] =	vst v63  }
0x59c: {  	_ =	swait.ge [sflag:s10], $0xC80  }
0x59d: {  	[sflag:s10] =	ssyncset.done $0x0  }
0x59e: {  	s28 =	rddreg [dreg:$0x1b];
	[sflag:s10] =	ssyncadd.s32 $0xFFFFF380  }
0x59f: {  	[hbm4b:s28+s2] =	stream.linear.scatter [tilespmem:s12], [sflag:$0x3], $0xC80, $0x38;
	[tilespmem:$0x18F60] =	vst v63  }
0x5a0: {  	_ =	swait.ge [sflag:s10], $0xC80  }
0x5a1: {  	s29 =	sld [smem:$0x7E1]  }
0x5a2: {  	[sflag:s10] =	ssyncset.done $0x0  }
0x5a3: {  	[sflag:s10] =	ssyncadd.s32 $0xFFFFF380  }
0x5a4: {  	[tilespmem:s12], [sflag:$0x3] =	stream.linear.gather [spmem:s29], $0xC80, $0x38;
	[tilespmem:$0x18F60] =	vst v63  }
0x5a5: {  	_ =	swait.ge [sflag:s10], $0xC80  }
0x5a6: {  	[sflag:s10] =	ssyncset.done $0x0  }
.Ltmp11:
0x5a7: {  	s30 =	rddreg [dreg:$0x1c];
	[sflag:s10] =	ssyncadd.s32 $0xFFFFF380;
	(pc) =	sbr.rel .LBB2_19-.Ltmp11, $4  }
0x5a8: {  	[hbm4b:s30+s2] =	stream.linear.scatter [tilespmem:s12], [sflag:$0x3], $0xC80, $0x38;
	[tilespmem:$0x18F60] =	vst v63  }
0x5a9: {  	_ =	swait.ge [sflag:s10], $0xC80  }
0x5aa: {  	[sflag:s10] =	ssyncset.done $0x0  }
0x5ab: {  	[sflag:s10] =	ssyncadd.s32 $0xFFFFF380  }
.LBB2_20:
0x5ac: {  	_ =	sfence.sel $0x180000  }
0x5ad: {  	[bflag:$0x0] =	sbarrier.arrive $0xFFFF  }
0x5ae: {  	_ =	strace $0x90000047  }
0x5af: {  	s0 =	stileid.u32;
	[bflag:$0x2] =	sbarrier.arrive $0xFFFF  }
0x5b0: {  	p0 =	sne.s32 s0, $0x0;
	s0 =	rddreg [dreg:$0x3]  }
0x5b1: {  	s0 =	sadd.s32 @!p0 $0x100000, s0  }
0x5b2: {  	[sflag:s0] =	ssyncadd.tile.s32 @!p0 $0x1;
	_ =	shalt  }
.Lfunc_end2:
_tile_overlayer_lowered:
.L_overlay_start_2:
0x5b3: {  	(tag) =	ssettag $0x2  }
0x5b4: {  	s0 =	rddreg [dreg:$0x0];
	s2 =	stileid.u32  }
0x5b5: {  	s1 =	rddreg [dreg:$0x1];
	p0 =	sne.s32 s2, $0x0  }
0x5b6: {  	s3 =	rddreg [dreg:$0x2];
	[bflag:$0x3] =	sbarrier.arrive $0xFFFF;
	s2 =	simm.s32 @!p0 $0x1C03  }
0x5b7: {  	[timem:s3], [sflag:s2] =	dma.local @!p0 [hbm:s0], s1  }
0x5b8: {  	s0 =	simm.s32 @!p0 $0x3  }
0x5b9: {  	_ =	swait.ge @!p0 [sflag:s0], s1  }
0x5ba: {  	s1 =	ssub.s32 @!p0 $0x0, s1;
	[sflag:s0] =	ssyncset.done @!p0 $0x0  }
0x5bb: {  	[sflag:s0] =	ssyncadd.s32 @!p0 s1  }
0x5bc: {  	[bflag:$0x3] =	sbarrier.arrive $0xFFFF  }
0x5bd: {  	_ =	shalt  }

</sc_bundles>
